<compile_context>
chip_gen: v7x
topology: tpu7x:2x2x1
jax: 0.10.2.dev20260603
libtpu: 0.0.44.dev20260713+nightly
codegen_flags: <defaults>
</compile_context>

<pallas_src>
import functools

import numpy as np

import jax
import jax.numpy as jnp
from jax import lax
from jax.experimental import pallas as pl
from jax.experimental.pallas import tpu as pltpu
from jax.experimental.pallas import tpu_sc as plsc

N = 4096
NC = 2
NS = 16
NW = NC * NS
NQ_SC = 4096
NQ_TC = N - NQ_SC
QPW = NQ_SC // NW
LANES = 16
Q32 = QPW // 32
BMQ = 128

BIG = np.float32(1e30)

def _sqrt16(x):
    i = plsc.bitcast(x, jnp.int32)
    i = (i >> 1) + np.int32(0x1FBD1DF5)
    y = plsc.bitcast(i, jnp.float32)
    for _ in range(3):
        y = np.float32(0.5) * (y + x / y)
    return jnp.where(x > 0.0, y, np.float32(0.0))


def _knn_body(pts_t_hbm, out_hbm, pts_v, outv):
    wid = lax.axis_index("s") * NC + lax.axis_index("c")
    base = wid * QPW
    pltpu.sync_copy(pts_t_hbm, pts_v)

    zeros = jnp.zeros((LANES,), jnp.float32)
    fmt = plsc.PackFormat.INTERLEAVED

    qx, qy, qz = [], [], []
    for u in range(Q32):
        lo = pl.ds(base + u * 32, LANES)
        hi = pl.ds(base + u * 32 + LANES, LANES)
        qx.append(plsc.pack(pts_v[0, lo], pts_v[0, hi], format=fmt))
        qy.append(plsc.pack(pts_v[1, lo], pts_v[1, hi], format=fmt))
        qz.append(plsc.pack(pts_v[2, lo], pts_v[2, hi], format=fmt))

    def step(jv, carry):
        m1, m2, m3, m4 = (list(c) for c in carry)
        off = pl.multiple_of(jv * LANES, LANES)
        csl = pl.ds(off, LANES)
        cxv = pts_v[0, csl]
        cyv = pts_v[1, csl]
        czv = pts_v[2, csl]
        for l in range(LANES):
            cxs = jnp.broadcast_to(cxv[l], (LANES,))
            cys = jnp.broadcast_to(cyv[l], (LANES,))
            czs = jnp.broadcast_to(czv[l], (LANES,))
            cxb = plsc.pack(cxs, cxs, format=fmt)
            cyb = plsc.pack(cys, cys, format=fmt)
            czb = plsc.pack(czs, czs, format=fmt)
            for u in range(Q32):
                dx = qx[u] - cxb
                s = dx * dx
                dy = qy[u] - cyb
                s = s + dy * dy
                dz = qz[u] - czb
                s = s + dz * dz
                hi1 = jnp.maximum(m1[u], s)
                m1[u] = jnp.minimum(m1[u], s)
                hi2 = jnp.maximum(m2[u], hi1)
                m2[u] = jnp.minimum(m2[u], hi1)
                hi3 = jnp.maximum(m3[u], hi2)
                m3[u] = jnp.minimum(m3[u], hi2)
                m4[u] = jnp.minimum(m4[u], hi3)
        return m1, m2, m3, m4

    big16 = jnp.full((32,), 1e30, jnp.bfloat16)
    init = tuple([big16 for _ in range(Q32)] for _ in range(4))
    _, m2, m3, m4 = plsc.parallel_loop(
        0, N // LANES, step=1, unroll=2, carry=init)(step)

    third = np.float32(1.0 / 3.0)
    for u in range(Q32):
        h1 = plsc.unpack(m2[u], format=fmt)
        h2 = plsc.unpack(m3[u], format=fmt)
        h3 = plsc.unpack(m4[u], format=fmt)
        for half in range(2):
            mean = (_sqrt16(h1[half]) + _sqrt16(h2[half])
                    + _sqrt16(h3[half])) * third
            sc = jnp.maximum(mean, np.float32(1e-5)) * np.float32(0.001)
            dval = sc * sc
            sl = pl.ds(u * 32 + half * LANES, LANES)
            for k in range(9):
                outv[k, sl] = dval if k in (0, 4, 8) else zeros

    pltpu.sync_copy(outv, out_hbm.at[wid])


def _knn_sc(pts_t):
    mesh = plsc.VectorSubcoreMesh(
        core_axis_name="c", subcore_axis_name="s",
        num_cores=NC, num_subcores=NS)
    fn = functools.partial(
        pl.kernel,
        out_type=jax.ShapeDtypeStruct((NW, 9, QPW), jnp.float32),
        mesh=mesh,
        scratch_types=[
            pltpu.VMEM((3, N), jnp.float32),
            pltpu.VMEM((9, QPW), jnp.float32),
        ],
        compiler_params=pltpu.CompilerParams(needs_layout_passes=False),
    )(_knn_body)
    return fn(pts_t)


def _tc_body(pts_ref, q_ref, out_ref):
    qoff = NQ_SC + pl.program_id(0) * BMQ
    row_iota = lax.broadcasted_iota(jnp.int32, (N, BMQ), 0)
    lane_iota = lax.broadcasted_iota(jnp.int32, (N, BMQ), 1)
    dist = jnp.zeros((N, BMQ), jnp.float32)
    for d in range(3):
        diff = pts_ref[:, d:d + 1] - q_ref[d:d + 1, :]
        dist = dist + diff * diff
    dist = jnp.where(row_iota == lane_iota + qoff, BIG, dist)
    m = []
    for t in range(3):
        mt = jnp.min(dist, axis=0, keepdims=True)
        m.append(mt)
        if t < 2:
            idx = jnp.min(jnp.where(dist == mt, row_iota, N),
                          axis=0, keepdims=True)
            dist = jnp.where(row_iota == idx, BIG, dist)
    third = np.float32(1.0 / 3.0)
    mean = (jnp.sqrt(m[0]) + jnp.sqrt(m[1]) + jnp.sqrt(m[2])) * third
    sc = jnp.maximum(mean, np.float32(1e-5)) * np.float32(0.001)
    dval = sc * sc
    zero = jnp.zeros((1, BMQ), jnp.float32)
    for k in range(9):
        out_ref[:, k, :] = dval if k in (0, 4, 8) else zero


def _knn_tc(points, q_t):
    grid = NQ_TC // BMQ
    return pl.pallas_call(
        _tc_body,
        grid=(grid,),
        in_specs=[
            pl.BlockSpec((N, 3), lambda i: (0, 0)),
            pl.BlockSpec((3, BMQ), lambda i: (0, i)),
        ],
        out_specs=pl.BlockSpec((1, 9, BMQ), lambda i: (i, 0, 0)),
        out_shape=jax.ShapeDtypeStruct((grid, 9, BMQ), jnp.float32),
        compiler_params=pltpu.CompilerParams(has_side_effects=False),
    )(points, q_t)


@jax.jit
def _knn(points, pts_t):
    sc_out = _knn_sc(pts_t)
    sc_cov = jnp.transpose(sc_out, (0, 2, 1)).reshape(NQ_SC, 3, 3)
    if NQ_TC == 0:
        return sc_cov
    tc_out = _knn_tc(points, pts_t[:, NQ_SC:])
    tc_cov = jnp.transpose(tc_out, (0, 2, 1)).reshape(NQ_TC, 3, 3)
    return jnp.concatenate([sc_cov, tc_cov], axis=0)


def kernel(points, colors):
    del colors
    pts_t = points.T
    return _knn(points, pts_t)

# --- scband reference (transcript-rebuilt; emitter-appended) ---
"""Pipeline reference for scband-gaussians-90151363543778 (READ-ONLY COPY).

The authoritative reference and input builder live on the scoring server;
editing this copy changes nothing except your own understanding.
"""

import jax, jax.numpy as jnp
import numpy as np

N = 4096

def inverse_sigmoid(x):
    return jnp.log(x / (1.0 - x))

def build_rotation(q):
    r, x, y, z = q[:, 0], q[:, 1], q[:, 2], q[:, 3]
    row0 = jnp.stack([1.0 - 2.0 * (y * y + z * z), 2.0 * (x * y - r * z), 2.0 * (x * z + r * y)], axis=1)
    row1 = jnp.stack([2.0 * (x * y + r * z), 1.0 - 2.0 * (x * x + z * z), 2.0 * (y * z - r * x)], axis=1)
    row2 = jnp.stack([2.0 * (x * z - r * y), 2.0 * (y * z + r * x), 1.0 - 2.0 * (x * x + y * y)], axis=1)
    return jnp.stack([row0, row1, row2], axis=1)

def setup_inputs(seed: int = 0):
    key = jax.random.key(seed)
    k1, k2 = jax.random.split(key)
    points = jax.random.normal(k1, (N, 3), dtype=jnp.float32)
    colors = jax.random.uniform(k2, (N, 3), dtype=jnp.float32)
    return {"points": points, "colors": colors}

def reference(points, colors):
    n = points.shape[0]
    # __init__ bookkeeping (kept for faithfulness)
    colors_n = colors / 255.0
    scales = jnp.ones((n, 3), dtype=jnp.float32) * 0.001
    quaternions = jnp.zeros((n, 4), dtype=jnp.float32).at[:, 0].set(1.0)
    opacity = inverse_sigmoid(0.9999 * jnp.ones((n, 1), dtype=jnp.float32))
    # initialize_scale: brute-force kNN (k=3) over all pairwise distances
    diffs = points[None, :, :] - points[:, None, :]
    sq = jnp.sum(diffs * diffs, axis=2)
    idx = jnp.arange(n)
    sq = sq.at[idx, idx].set(jnp.inf)  # fill_diagonal_(inf), applied pre-sqrt (equivalent off-diagonal)
    distances = jnp.sqrt(sq)
    neg_vals, _ = jax.lax.top_k(-distances, 3)  # smallest-3 via top_k on negated values
    nearest_distances = -neg_vals
    mean_scale = jnp.maximum(jnp.mean(nearest_distances, axis=1), 1e-05)
    scales = scales * mean_scale[:, None]
    # get_3d_covariance_matrix
    qn = quaternions / jnp.linalg.norm(quaternions, ord=2, axis=1, keepdims=True)
    R = build_rotation(qn)
    S = jnp.zeros((n, 3, 3), dtype=jnp.float32)
    S = S.at[:, 0, 0].set(scales[:, 0])
    S = S.at[:, 1, 1].set(scales[:, 1])
    S = S.at[:, 2, 2].set(scales[:, 2])
    M = R @ S
    covariance_matrices = M @ jnp.swapaxes(M, 1, 2)
    return covariance_matrices

if __name__ == "__main__":
    import jax
    _d = setup_inputs()
    print(jax.jit(kernel)(*tuple(_d.values())))

</pallas_src>

<mosaic_0001>
#map = affine_map<(d0, d1) -> (0, 0)>
#map1 = affine_map<(d0, d1) -> (0, 0, 0)>
module attributes {stable_mosaic.version = 14 : i64} {
  func.func @_knn_body(%arg0: i32, %arg1: i32, %arg2: memref<3x4096xf32, #tpu.memory_space<hbm>>, %arg3: memref<32x9x128xf32, #tpu.memory_space<hbm>>, %arg4: memref<3x4096xf32, #tpu.memory_space<vmem>>, %arg5: memref<9x128xf32, #tpu.memory_space<vmem>>) attributes {dimension_semantics = [#tpu.dimension_semantics<core_parallel>, #tpu.dimension_semantics<subcore_parallel>], iteration_bounds = array<i64: 2, 16>, scalar_prefetch = 0 : i64, scratch_operands = 2 : i64, tpu.core_type = #tpu.core_type<sc_vector_subcore>, window_params = [{transform_indices = #map}, {transform_indices = #map1}]} {
    %mul3A = arith.constant 2 : i32
    %mul3A_0 = arith.muli %arg1, %mul3A : i32
    %add3A = arith.addi %mul3A_0, %arg0 : i32
    %mul3A_1 = arith.constant 128 : i32
    %mul3A_2 = arith.muli %add3A, %mul3A_1 : i32
    "tpu.region"() ({
      %run_scoped3A = tpu.sem_alloc : memref<!tpu.dma_semaphore, #tpu.memory_space<semaphore_mem>>
      tpu.enqueue_dma source(%arg2 : memref<3x4096xf32, #tpu.memory_space<hbm>>) target(%arg4 : memref<3x4096xf32, #tpu.memory_space<vmem>>) target_semaphore(%run_scoped3A : memref<!tpu.dma_semaphore, #tpu.memory_space<semaphore_mem>>)
      tpu.wait_dma2 semaphore(%run_scoped3A : memref<!tpu.dma_semaphore, #tpu.memory_space<semaphore_mem>>) src(%arg2 : memref<3x4096xf32, #tpu.memory_space<hbm>>) dst(%arg4 : memref<3x4096xf32, #tpu.memory_space<vmem>>)
      tpu.yield
    }) : () -> ()
    %broadcast_in_dim3A = arith.constant 0.000000e+00 : f32
    %broadcast_in_dim3A_3 = vector.broadcast %broadcast_in_dim3A : f32 to vector<16xf32>
    %add3A_4 = arith.constant 0 : i32
    %add3A_5 = arith.addi %mul3A_2, %add3A_4 : i32
    %add3A_6 = arith.constant 0 : i32
    %add3A_7 = arith.addi %mul3A_2, %add3A_6 : i32
    %add3A_8 = arith.constant 16 : i32
    %add3A_9 = arith.addi %add3A_7, %add3A_8 : i32
    %get3A = arith.constant 0 : i32
    %get3A_10 = arith.index_cast %get3A : i32 to index
    %get3A_11 = arith.index_cast %add3A_5 : i32 to index
    %get3A_12 = tpu.vector_load %arg4[%get3A_10, %get3A_11] {strides = array<i32>} : memref<3x4096xf32, #tpu.memory_space<vmem>>, vector<16xf32>,
    %get3A_13 = arith.constant 0 : i32
    %get3A_14 = arith.index_cast %get3A_13 : i32 to index
    %get3A_15 = arith.index_cast %add3A_9 : i32 to index
    %get3A_16 = tpu.vector_load %arg4[%get3A_14, %get3A_15] {strides = array<i32>} : memref<3x4096xf32, #tpu.memory_space<vmem>>, vector<16xf32>,
    %pack3A = tpu.pack_subelements %get3A_12, %get3A_16 {pack_format = #tpu.pack_format<interleaved>, positions = array<i32: 0, 1>} : vector<16xf32>, vector<16xf32> -> vector<32xbf16>
    %get3A_17 = arith.constant 1 : i32
    %get3A_18 = arith.index_cast %get3A_17 : i32 to index
    %get3A_19 = arith.index_cast %add3A_5 : i32 to index
    %get3A_20 = tpu.vector_load %arg4[%get3A_18, %get3A_19] {strides = array<i32>} : memref<3x4096xf32, #tpu.memory_space<vmem>>, vector<16xf32>,
    %get3A_21 = arith.constant 1 : i32
    %get3A_22 = arith.index_cast %get3A_21 : i32 to index
    %get3A_23 = arith.index_cast %add3A_9 : i32 to index
    %get3A_24 = tpu.vector_load %arg4[%get3A_22, %get3A_23] {strides = array<i32>} : memref<3x4096xf32, #tpu.memory_space<vmem>>, vector<16xf32>,
    %pack3A_25 = tpu.pack_subelements %get3A_20, %get3A_24 {pack_format = #tpu.pack_format<interleaved>, positions = array<i32: 0, 1>} : vector<16xf32>, vector<16xf32> -> vector<32xbf16>
    %get3A_26 = arith.constant 2 : i32
    %get3A_27 = arith.index_cast %get3A_26 : i32 to index
    %get3A_28 = arith.index_cast %add3A_5 : i32 to index
    %get3A_29 = tpu.vector_load %arg4[%get3A_27, %get3A_28] {strides = array<i32>} : memref<3x4096xf32, #tpu.memory_space<vmem>>, vector<16xf32>,
    %get3A_30 = arith.constant 2 : i32
    %get3A_31 = arith.index_cast %get3A_30 : i32 to index
    %get3A_32 = arith.index_cast %add3A_9 : i32 to index
    %get3A_33 = tpu.vector_load %arg4[%get3A_31, %get3A_32] {strides = array<i32>} : memref<3x4096xf32, #tpu.memory_space<vmem>>, vector<16xf32>,
    %pack3A_34 = tpu.pack_subelements %get3A_29, %get3A_33 {pack_format = #tpu.pack_format<interleaved>, positions = array<i32: 0, 1>} : vector<16xf32>, vector<16xf32> -> vector<32xbf16>
    %add3A_35 = arith.constant 32 : i32
    %add3A_36 = arith.addi %mul3A_2, %add3A_35 : i32
    %add3A_37 = arith.constant 32 : i32
    %add3A_38 = arith.addi %mul3A_2, %add3A_37 : i32
    %add3A_39 = arith.constant 16 : i32
    %add3A_40 = arith.addi %add3A_38, %add3A_39 : i32
    %get3A_41 = arith.constant 0 : i32
    %get3A_42 = arith.index_cast %get3A_41 : i32 to index
    %get3A_43 = arith.index_cast %add3A_36 : i32 to index
    %get3A_44 = tpu.vector_load %arg4[%get3A_42, %get3A_43] {strides = array<i32>} : memref<3x4096xf32, #tpu.memory_space<vmem>>, vector<16xf32>,
    %get3A_45 = arith.constant 0 : i32
    %get3A_46 = arith.index_cast %get3A_45 : i32 to index
    %get3A_47 = arith.index_cast %add3A_40 : i32 to index
    %get3A_48 = tpu.vector_load %arg4[%get3A_46, %get3A_47] {strides = array<i32>} : memref<3x4096xf32, #tpu.memory_space<vmem>>, vector<16xf32>,
    %pack3A_49 = tpu.pack_subelements %get3A_44, %get3A_48 {pack_format = #tpu.pack_format<interleaved>, positions = array<i32: 0, 1>} : vector<16xf32>, vector<16xf32> -> vector<32xbf16>
    %get3A_50 = arith.constant 1 : i32
    %get3A_51 = arith.index_cast %get3A_50 : i32 to index
    %get3A_52 = arith.index_cast %add3A_36 : i32 to index
    %get3A_53 = tpu.vector_load %arg4[%get3A_51, %get3A_52] {strides = array<i32>} : memref<3x4096xf32, #tpu.memory_space<vmem>>, vector<16xf32>,
    %get3A_54 = arith.constant 1 : i32
    %get3A_55 = arith.index_cast %get3A_54 : i32 to index
    %get3A_56 = arith.index_cast %add3A_40 : i32 to index
    %get3A_57 = tpu.vector_load %arg4[%get3A_55, %get3A_56] {strides = array<i32>} : memref<3x4096xf32, #tpu.memory_space<vmem>>, vector<16xf32>,
    %pack3A_58 = tpu.pack_subelements %get3A_53, %get3A_57 {pack_format = #tpu.pack_format<interleaved>, positions = array<i32: 0, 1>} : vector<16xf32>, vector<16xf32> -> vector<32xbf16>
    %get3A_59 = arith.constant 2 : i32
    %get3A_60 = arith.index_cast %get3A_59 : i32 to index
    %get3A_61 = arith.index_cast %add3A_36 : i32 to index
    %get3A_62 = tpu.vector_load %arg4[%get3A_60, %get3A_61] {strides = array<i32>} : memref<3x4096xf32, #tpu.memory_space<vmem>>, vector<16xf32>,
    %get3A_63 = arith.constant 2 : i32
    %get3A_64 = arith.index_cast %get3A_63 : i32 to index
    %get3A_65 = arith.index_cast %add3A_40 : i32 to index
    %get3A_66 = tpu.vector_load %arg4[%get3A_64, %get3A_65] {strides = array<i32>} : memref<3x4096xf32, #tpu.memory_space<vmem>>, vector<16xf32>,
    %pack3A_67 = tpu.pack_subelements %get3A_62, %get3A_66 {pack_format = #tpu.pack_format<interleaved>, positions = array<i32: 0, 1>} : vector<16xf32>, vector<16xf32> -> vector<32xbf16>
    %add3A_68 = arith.constant 64 : i32
    %add3A_69 = arith.addi %mul3A_2, %add3A_68 : i32
    %add3A_70 = arith.constant 64 : i32
    %add3A_71 = arith.addi %mul3A_2, %add3A_70 : i32
    %add3A_72 = arith.constant 16 : i32
    %add3A_73 = arith.addi %add3A_71, %add3A_72 : i32
    %get3A_74 = arith.constant 0 : i32
    %get3A_75 = arith.index_cast %get3A_74 : i32 to index
    %get3A_76 = arith.index_cast %add3A_69 : i32 to index
    %get3A_77 = tpu.vector_load %arg4[%get3A_75, %get3A_76] {strides = array<i32>} : memref<3x4096xf32, #tpu.memory_space<vmem>>, vector<16xf32>,
    %get3A_78 = arith.constant 0 : i32
    %get3A_79 = arith.index_cast %get3A_78 : i32 to index
    %get3A_80 = arith.index_cast %add3A_73 : i32 to index
    %get3A_81 = tpu.vector_load %arg4[%get3A_79, %get3A_80] {strides = array<i32>} : memref<3x4096xf32, #tpu.memory_space<vmem>>, vector<16xf32>,
    %pack3A_82 = tpu.pack_subelements %get3A_77, %get3A_81 {pack_format = #tpu.pack_format<interleaved>, positions = array<i32: 0, 1>} : vector<16xf32>, vector<16xf32> -> vector<32xbf16>
    %get3A_83 = arith.constant 1 : i32
    %get3A_84 = arith.index_cast %get3A_83 : i32 to index
    %get3A_85 = arith.index_cast %add3A_69 : i32 to index
    %get3A_86 = tpu.vector_load %arg4[%get3A_84, %get3A_85] {strides = array<i32>} : memref<3x4096xf32, #tpu.memory_space<vmem>>, vector<16xf32>,
    %get3A_87 = arith.constant 1 : i32
    %get3A_88 = arith.index_cast %get3A_87 : i32 to index
    %get3A_89 = arith.index_cast %add3A_73 : i32 to index
    %get3A_90 = tpu.vector_load %arg4[%get3A_88, %get3A_89] {strides = array<i32>} : memref<3x4096xf32, #tpu.memory_space<vmem>>, vector<16xf32>,
    %pack3A_91 = tpu.pack_subelements %get3A_86, %get3A_90 {pack_format = #tpu.pack_format<interleaved>, positions = array<i32: 0, 1>} : vector<16xf32>, vector<16xf32> -> vector<32xbf16>
    %get3A_92 = arith.constant 2 : i32
    %get3A_93 = arith.index_cast %get3A_92 : i32 to index
    %get3A_94 = arith.index_cast %add3A_69 : i32 to index
    %get3A_95 = tpu.vector_load %arg4[%get3A_93, %get3A_94] {strides = array<i32>} : memref<3x4096xf32, #tpu.memory_space<vmem>>, vector<16xf32>,
    %get3A_96 = arith.constant 2 : i32
    %get3A_97 = arith.index_cast %get3A_96 : i32 to index
    %get3A_98 = arith.index_cast %add3A_73 : i32 to index
    %get3A_99 = tpu.vector_load %arg4[%get3A_97, %get3A_98] {strides = array<i32>} : memref<3x4096xf32, #tpu.memory_space<vmem>>, vector<16xf32>,
    %pack3A_100 = tpu.pack_subelements %get3A_95, %get3A_99 {pack_format = #tpu.pack_format<interleaved>, positions = array<i32: 0, 1>} : vector<16xf32>, vector<16xf32> -> vector<32xbf16>
    %add3A_101 = arith.constant 96 : i32
    %add3A_102 = arith.addi %mul3A_2, %add3A_101 : i32
    %add3A_103 = arith.constant 96 : i32
    %add3A_104 = arith.addi %mul3A_2, %add3A_103 : i32
    %add3A_105 = arith.constant 16 : i32
    %add3A_106 = arith.addi %add3A_104, %add3A_105 : i32
    %get3A_107 = arith.constant 0 : i32
    %get3A_108 = arith.index_cast %get3A_107 : i32 to index
    %get3A_109 = arith.index_cast %add3A_102 : i32 to index
    %get3A_110 = tpu.vector_load %arg4[%get3A_108, %get3A_109] {strides = array<i32>} : memref<3x4096xf32, #tpu.memory_space<vmem>>, vector<16xf32>,
    %get3A_111 = arith.constant 0 : i32
    %get3A_112 = arith.index_cast %get3A_111 : i32 to index
    %get3A_113 = arith.index_cast %add3A_106 : i32 to index
    %get3A_114 = tpu.vector_load %arg4[%get3A_112, %get3A_113] {strides = array<i32>} : memref<3x4096xf32, #tpu.memory_space<vmem>>, vector<16xf32>,
    %pack3A_115 = tpu.pack_subelements %get3A_110, %get3A_114 {pack_format = #tpu.pack_format<interleaved>, positions = array<i32: 0, 1>} : vector<16xf32>, vector<16xf32> -> vector<32xbf16>
    %get3A_116 = arith.constant 1 : i32
    %get3A_117 = arith.index_cast %get3A_116 : i32 to index
    %get3A_118 = arith.index_cast %add3A_102 : i32 to index
    %get3A_119 = tpu.vector_load %arg4[%get3A_117, %get3A_118] {strides = array<i32>} : memref<3x4096xf32, #tpu.memory_space<vmem>>, vector<16xf32>,
    %get3A_120 = arith.constant 1 : i32
    %get3A_121 = arith.index_cast %get3A_120 : i32 to index
    %get3A_122 = arith.index_cast %add3A_106 : i32 to index
    %get3A_123 = tpu.vector_load %arg4[%get3A_121, %get3A_122] {strides = array<i32>} : memref<3x4096xf32, #tpu.memory_space<vmem>>, vector<16xf32>,
    %pack3A_124 = tpu.pack_subelements %get3A_119, %get3A_123 {pack_format = #tpu.pack_format<interleaved>, positions = array<i32: 0, 1>} : vector<16xf32>, vector<16xf32> -> vector<32xbf16>
    %get3A_125 = arith.constant 2 : i32
    %get3A_126 = arith.index_cast %get3A_125 : i32 to index
    %get3A_127 = arith.index_cast %add3A_102 : i32 to index
    %get3A_128 = tpu.vector_load %arg4[%get3A_126, %get3A_127] {strides = array<i32>} : memref<3x4096xf32, #tpu.memory_space<vmem>>, vector<16xf32>,
    %get3A_129 = arith.constant 2 : i32
    %get3A_130 = arith.index_cast %get3A_129 : i32 to index
    %get3A_131 = arith.index_cast %add3A_106 : i32 to index
    %get3A_132 = tpu.vector_load %arg4[%get3A_130, %get3A_131] {strides = array<i32>} : memref<3x4096xf32, #tpu.memory_space<vmem>>, vector<16xf32>,
    %pack3A_133 = tpu.pack_subelements %get3A_128, %get3A_132 {pack_format = #tpu.pack_format<interleaved>, positions = array<i32: 0, 1>} : vector<16xf32>, vector<16xf32> -> vector<32xbf16>
    %broadcast_in_dim3A_134 = arith.constant 1.000260e+30 : bf16
    %broadcast_in_dim3A_135 = vector.broadcast %broadcast_in_dim3A_134 : bf16 to vector<32xbf16>
    %parallel_loop3A = arith.constant 0 : i32
    %parallel_loop3A_136 = arith.constant 256 : i32
    %parallel_loop3A_137 = arith.constant 1 : i32
    %parallel_loop3A_138:16 = scf.for %parallel_loop3A_1234 = %parallel_loop3A to %parallel_loop3A_136 step %parallel_loop3A_137 iter_args(%parallel_loop3A_1235 = %broadcast_in_dim3A_135, %parallel_loop3A_1236 = %broadcast_in_dim3A_135, %parallel_loop3A_1237 = %broadcast_in_dim3A_135, %parallel_loop3A_1238 = %broadcast_in_dim3A_135, %parallel_loop3A_1239 = %broadcast_in_dim3A_135, %parallel_loop3A_1240 = %broadcast_in_dim3A_135, %parallel_loop3A_1241 = %broadcast_in_dim3A_135, %parallel_loop3A_1242 = %broadcast_in_dim3A_135, %parallel_loop3A_1243 = %broadcast_in_dim3A_135, %parallel_loop3A_1244 = %broadcast_in_dim3A_135, %parallel_loop3A_1245 = %broadcast_in_dim3A_135, %parallel_loop3A_1246 = %broadcast_in_dim3A_135, %parallel_loop3A_1247 = %broadcast_in_dim3A_135, %parallel_loop3A_1248 = %broadcast_in_dim3A_135, %parallel_loop3A_1249 = %broadcast_in_dim3A_135, %parallel_loop3A_1250 = %broadcast_in_dim3A_135) -> (vector<32xbf16>, vector<32xbf16>, vector<32xbf16>, vector<32xbf16>, vector<32xbf16>, vector<32xbf16>, vector<32xbf16>, vector<32xbf16>, vector<32xbf16>, vector<32xbf16>, vector<32xbf16>, vector<32xbf16>, vector<32xbf16>, vector<32xbf16>, vector<32xbf16>, vector<32xbf16>)  : i32 {
      %parallel_loop3A_1251 = arith.constant 16 : i32
      %parallel_loop3A_1252 = arith.muli %parallel_loop3A_1234, %parallel_loop3A_1251 : i32
      %parallel_loop3A_1253 = tpu.assume_multiple %parallel_loop3A_1252, 16 : i32
      %parallel_loop3A_1254 = arith.constant 0 : i32
      %parallel_loop3A_1255 = arith.index_cast %parallel_loop3A_1254 : i32 to index
      %parallel_loop3A_1256 = arith.index_cast %parallel_loop3A_1253 : i32 to index
      %parallel_loop3A_1257 = tpu.vector_load %arg4[%parallel_loop3A_1255, %parallel_loop3A_1256] {strides = array<i32>} : memref<3x4096xf32, #tpu.memory_space<vmem>>, vector<16xf32>,
      %parallel_loop3A_1258 = arith.constant 1 : i32
      %parallel_loop3A_1259 = arith.index_cast %parallel_loop3A_1258 : i32 to index
      %parallel_loop3A_1260 = arith.index_cast %parallel_loop3A_1253 : i32 to index
      %parallel_loop3A_1261 = tpu.vector_load %arg4[%parallel_loop3A_1259, %parallel_loop3A_1260] {strides = array<i32>} : memref<3x4096xf32, #tpu.memory_space<vmem>>, vector<16xf32>,
      %parallel_loop3A_1262 = arith.constant 2 : i32
      %parallel_loop3A_1263 = arith.index_cast %parallel_loop3A_1262 : i32 to index
      %parallel_loop3A_1264 = arith.index_cast %parallel_loop3A_1253 : i32 to index
      %parallel_loop3A_1265 = tpu.vector_load %arg4[%parallel_loop3A_1263, %parallel_loop3A_1264] {strides = array<i32>} : memref<3x4096xf32, #tpu.memory_space<vmem>>, vector<16xf32>,
      %parallel_loop3A_1266 = vector.extract_strided_slice %parallel_loop3A_1257 {offsets = [0], sizes = [1], strides = [1]} : vector<16xf32> to vector<1xf32>
      %parallel_loop3A_1267 = vector.extract %parallel_loop3A_1266[0] : f32 from vector<1xf32>
      %parallel_loop3A_1268 = vector.broadcast %parallel_loop3A_1267 : f32 to vector<16xf32>
      %parallel_loop3A_1269 = vector.extract_strided_slice %parallel_loop3A_1261 {offsets = [0], sizes = [1], strides = [1]} : vector<16xf32> to vector<1xf32>
      %parallel_loop3A_1270 = vector.extract %parallel_loop3A_1269[0] : f32 from vector<1xf32>
      %parallel_loop3A_1271 = vector.broadcast %parallel_loop3A_1270 : f32 to vector<16xf32>
      %parallel_loop3A_1272 = vector.extract_strided_slice %parallel_loop3A_1265 {offsets = [0], sizes = [1], strides = [1]} : vector<16xf32> to vector<1xf32>
      %parallel_loop3A_1273 = vector.extract %parallel_loop3A_1272[0] : f32 from vector<1xf32>
      %parallel_loop3A_1274 = vector.broadcast %parallel_loop3A_1273 : f32 to vector<16xf32>
      %parallel_loop3A_1275 = tpu.pack_subelements %parallel_loop3A_1268, %parallel_loop3A_1268 {pack_format = #tpu.pack_format<interleaved>, positions = array<i32: 0, 1>} : vector<16xf32>, vector<16xf32> -> vector<32xbf16>
      %parallel_loop3A_1276 = tpu.pack_subelements %parallel_loop3A_1271, %parallel_loop3A_1271 {pack_format = #tpu.pack_format<interleaved>, positions = array<i32: 0, 1>} : vector<16xf32>, vector<16xf32> -> vector<32xbf16>
      %parallel_loop3A_1277 = tpu.pack_subelements %parallel_loop3A_1274, %parallel_loop3A_1274 {pack_format = #tpu.pack_format<interleaved>, positions = array<i32: 0, 1>} : vector<16xf32>, vector<16xf32> -> vector<32xbf16>
      %parallel_loop3A_1278 = arith.subf %pack3A, %parallel_loop3A_1275 : vector<32xbf16>
      %parallel_loop3A_1279 = arith.mulf %parallel_loop3A_1278, %parallel_loop3A_1278 : vector<32xbf16>
      %parallel_loop3A_1280 = arith.subf %pack3A_25, %parallel_loop3A_1276 : vector<32xbf16>
      %parallel_loop3A_1281 = arith.mulf %parallel_loop3A_1280, %parallel_loop3A_1280 : vector<32xbf16>
      %parallel_loop3A_1282 = arith.addf %parallel_loop3A_1279, %parallel_loop3A_1281 : vector<32xbf16>
      %parallel_loop3A_1283 = arith.subf %pack3A_34, %parallel_loop3A_1277 : vector<32xbf16>
      %parallel_loop3A_1284 = arith.mulf %parallel_loop3A_1283, %parallel_loop3A_1283 : vector<32xbf16>
      %parallel_loop3A_1285 = arith.addf %parallel_loop3A_1282, %parallel_loop3A_1284 : vector<32xbf16>
      %parallel_loop3A_1286 = arith.maximumf %parallel_loop3A_1235, %parallel_loop3A_1285 : vector<32xbf16>
      %parallel_loop3A_1287 = arith.minimumf %parallel_loop3A_1235, %parallel_loop3A_1285 : vector<32xbf16>
      %parallel_loop3A_1288 = arith.maximumf %parallel_loop3A_1239, %parallel_loop3A_1286 : vector<32xbf16>
      %parallel_loop3A_1289 = arith.minimumf %parallel_loop3A_1239, %parallel_loop3A_1286 : vector<32xbf16>
      %parallel_loop3A_1290 = arith.maximumf %parallel_loop3A_1243, %parallel_loop3A_1288 : vector<32xbf16>
      %parallel_loop3A_1291 = arith.minimumf %parallel_loop3A_1243, %parallel_loop3A_1288 : vector<32xbf16>
      %parallel_loop3A_1292 = arith.minimumf %parallel_loop3A_1247, %parallel_loop3A_1290 : vector<32xbf16>
      %parallel_loop3A_1293 = arith.subf %pack3A_49, %parallel_loop3A_1275 : vector<32xbf16>
      %parallel_loop3A_1294 = arith.mulf %parallel_loop3A_1293, %parallel_loop3A_1293 : vector<32xbf16>
      %parallel_loop3A_1295 = arith.subf %pack3A_58, %parallel_loop3A_1276 : vector<32xbf16>
      %parallel_loop3A_1296 = arith.mulf %parallel_loop3A_1295, %parallel_loop3A_1295 : vector<32xbf16>
      %parallel_loop3A_1297 = arith.addf %parallel_loop3A_1294, %parallel_loop3A_1296 : vector<32xbf16>
      %parallel_loop3A_1298 = arith.subf %pack3A_67, %parallel_loop3A_1277 : vector<32xbf16>
      %parallel_loop3A_1299 = arith.mulf %parallel_loop3A_1298, %parallel_loop3A_1298 : vector<32xbf16>
      %parallel_loop3A_1300 = arith.addf %parallel_loop3A_1297, %parallel_loop3A_1299 : vector<32xbf16>
      %parallel_loop3A_1301 = arith.maximumf %parallel_loop3A_1236, %parallel_loop3A_1300 : vector<32xbf16>
      %parallel_loop3A_1302 = arith.minimumf %parallel_loop3A_1236, %parallel_loop3A_1300 : vector<32xbf16>
      %parallel_loop3A_1303 = arith.maximumf %parallel_loop3A_1240, %parallel_loop3A_1301 : vector<32xbf16>
      %parallel_loop3A_1304 = arith.minimumf %parallel_loop3A_1240, %parallel_loop3A_1301 : vector<32xbf16>
      %parallel_loop3A_1305 = arith.maximumf %parallel_loop3A_1244, %parallel_loop3A_1303 : vector<32xbf16>
      %parallel_loop3A_1306 = arith.minimumf %parallel_loop3A_1244, %parallel_loop3A_1303 : vector<32xbf16>
      %parallel_loop3A_1307 = arith.minimumf %parallel_loop3A_1248, %parallel_loop3A_1305 : vector<32xbf16>
      %parallel_loop3A_1308 = arith.subf %pack3A_82, %parallel_loop3A_1275 : vector<32xbf16>
      %parallel_loop3A_1309 = arith.mulf %parallel_loop3A_1308, %parallel_loop3A_1308 : vector<32xbf16>
      %parallel_loop3A_1310 = arith.subf %pack3A_91, %parallel_loop3A_1276 : vector<32xbf16>
      %parallel_loop3A_1311 = arith.mulf %parallel_loop3A_1310, %parallel_loop3A_1310 : vector<32xbf16>
      %parallel_loop3A_1312 = arith.addf %parallel_loop3A_1309, %parallel_loop3A_1311 : vector<32xbf16>
      %parallel_loop3A_1313 = arith.subf %pack3A_100, %parallel_loop3A_1277 : vector<32xbf16>
      %parallel_loop3A_1314 = arith.mulf %parallel_loop3A_1313, %parallel_loop3A_1313 : vector<32xbf16>
      %parallel_loop3A_1315 = arith.addf %parallel_loop3A_1312, %parallel_loop3A_1314 : vector<32xbf16>
      %parallel_loop3A_1316 = arith.maximumf %parallel_loop3A_1237, %parallel_loop3A_1315 : vector<32xbf16>
      %parallel_loop3A_1317 = arith.minimumf %parallel_loop3A_1237, %parallel_loop3A_1315 : vector<32xbf16>
      %parallel_loop3A_1318 = arith.maximumf %parallel_loop3A_1241, %parallel_loop3A_1316 : vector<32xbf16>
      %parallel_loop3A_1319 = arith.minimumf %parallel_loop3A_1241, %parallel_loop3A_1316 : vector<32xbf16>
      %parallel_loop3A_1320 = arith.maximumf %parallel_loop3A_1245, %parallel_loop3A_1318 : vector<32xbf16>
      %parallel_loop3A_1321 = arith.minimumf %parallel_loop3A_1245, %parallel_loop3A_1318 : vector<32xbf16>
      %parallel_loop3A_1322 = arith.minimumf %parallel_loop3A_1249, %parallel_loop3A_1320 : vector<32xbf16>
      %parallel_loop3A_1323 = arith.subf %pack3A_115, %parallel_loop3A_1275 : vector<32xbf16>
      %parallel_loop3A_1324 = arith.mulf %parallel_loop3A_1323, %parallel_loop3A_1323 : vector<32xbf16>
      %parallel_loop3A_1325 = arith.subf %pack3A_124, %parallel_loop3A_1276 : vector<32xbf16>
      %parallel_loop3A_1326 = arith.mulf %parallel_loop3A_1325, %parallel_loop3A_1325 : vector<32xbf16>
      %parallel_loop3A_1327 = arith.addf %parallel_loop3A_1324, %parallel_loop3A_1326 : vector<32xbf16>
      %parallel_loop3A_1328 = arith.subf %pack3A_133, %parallel_loop3A_1277 : vector<32xbf16>
      %parallel_loop3A_1329 = arith.mulf %parallel_loop3A_1328, %parallel_loop3A_1328 : vector<32xbf16>
      %parallel_loop3A_1330 = arith.addf %parallel_loop3A_1327, %parallel_loop3A_1329 : vector<32xbf16>
      %parallel_loop3A_1331 = arith.maximumf %parallel_loop3A_1238, %parallel_loop3A_1330 : vector<32xbf16>
      %parallel_loop3A_1332 = arith.minimumf %parallel_loop3A_1238, %parallel_loop3A_1330 : vector<32xbf16>
      %parallel_loop3A_1333 = arith.maximumf %parallel_loop3A_1242, %parallel_loop3A_1331 : vector<32xbf16>
      %parallel_loop3A_1334 = arith.minimumf %parallel_loop3A_1242, %parallel_loop3A_1331 : vector<32xbf16>
      %parallel_loop3A_1335 = arith.maximumf %parallel_loop3A_1246, %parallel_loop3A_1333 : vector<32xbf16>
      %parallel_loop3A_1336 = arith.minimumf %parallel_loop3A_1246, %parallel_loop3A_1333 : vector<32xbf16>
      %parallel_loop3A_1337 = arith.minimumf %parallel_loop3A_1250, %parallel_loop3A_1335 : vector<32xbf16>
      %parallel_loop3A_1338 = vector.extract_strided_slice %parallel_loop3A_1257 {offsets = [1], sizes = [1], strides = [1]} : vector<16xf32> to vector<1xf32>
      %parallel_loop3A_1339 = vector.extract %parallel_loop3A_1338[0] : f32 from vector<1xf32>
      %parallel_loop3A_1340 = vector.broadcast %parallel_loop3A_1339 : f32 to vector<16xf32>
      %parallel_loop3A_1341 = vector.extract_strided_slice %parallel_loop3A_1261 {offsets = [1], sizes = [1], strides = [1]} : vector<16xf32> to vector<1xf32>
      %parallel_loop3A_1342 = vector.extract %parallel_loop3A_1341[0] : f32 from vector<1xf32>
      %parallel_loop3A_1343 = vector.broadcast %parallel_loop3A_1342 : f32 to vector<16xf32>
      %parallel_loop3A_1344 = vector.extract_strided_slice %parallel_loop3A_1265 {offsets = [1], sizes = [1], strides = [1]} : vector<16xf32> to vector<1xf32>
      %parallel_loop3A_1345 = vector.extract %parallel_loop3A_1344[0] : f32 from vector<1xf32>
      %parallel_loop3A_1346 = vector.broadcast %parallel_loop3A_1345 : f32 to vector<16xf32>
      %parallel_loop3A_1347 = tpu.pack_subelements %parallel_loop3A_1340, %parallel_loop3A_1340 {pack_format = #tpu.pack_format<interleaved>, positions = array<i32: 0, 1>} : vector<16xf32>, vector<16xf32> -> vector<32xbf16>
      %parallel_loop3A_1348 = tpu.pack_subelements %parallel_loop3A_1343, %parallel_loop3A_1343 {pack_format = #tpu.pack_format<interleaved>, positions = array<i32: 0, 1>} : vector<16xf32>, vector<16xf32> -> vector<32xbf16>
      %parallel_loop3A_1349 = tpu.pack_subelements %parallel_loop3A_1346, %parallel_loop3A_1346 {pack_format = #tpu.pack_format<interleaved>, positions = array<i32: 0, 1>} : vector<16xf32>, vector<16xf32> -> vector<32xbf16>
      %parallel_loop3A_1350 = arith.subf %pack3A, %parallel_loop3A_1347 : vector<32xbf16>
      %parallel_loop3A_1351 = arith.mulf %parallel_loop3A_1350, %parallel_loop3A_1350 : vector<32xbf16>
      %parallel_loop3A_1352 = arith.subf %pack3A_25, %parallel_loop3A_1348 : vector<32xbf16>
      %parallel_loop3A_1353 = arith.mulf %parallel_loop3A_1352, %parallel_loop3A_1352 : vector<32xbf16>
      %parallel_loop3A_1354 = arith.addf %parallel_loop3A_1351, %parallel_loop3A_1353 : vector<32xbf16>
      %parallel_loop3A_1355 = arith.subf %pack3A_34, %parallel_loop3A_1349 : vector<32xbf16>
      %parallel_loop3A_1356 = arith.mulf %parallel_loop3A_1355, %parallel_loop3A_1355 : vector<32xbf16>
      %parallel_loop3A_1357 = arith.addf %parallel_loop3A_1354, %parallel_loop3A_1356 : vector<32xbf16>
      %parallel_loop3A_1358 = arith.maximumf %parallel_loop3A_1287, %parallel_loop3A_1357 : vector<32xbf16>
      %parallel_loop3A_1359 = arith.minimumf %parallel_loop3A_1287, %parallel_loop3A_1357 : vector<32xbf16>
      %parallel_loop3A_1360 = arith.maximumf %parallel_loop3A_1289, %parallel_loop3A_1358 : vector<32xbf16>
      %parallel_loop3A_1361 = arith.minimumf %parallel_loop3A_1289, %parallel_loop3A_1358 : vector<32xbf16>
      %parallel_loop3A_1362 = arith.maximumf %parallel_loop3A_1291, %parallel_loop3A_1360 : vector<32xbf16>
      %parallel_loop3A_1363 = arith.minimumf %parallel_loop3A_1291, %parallel_loop3A_1360 : vector<32xbf16>
      %parallel_loop3A_1364 = arith.minimumf %parallel_loop3A_1292, %parallel_loop3A_1362 : vector<32xbf16>
      %parallel_loop3A_1365 = arith.subf %pack3A_49, %parallel_loop3A_1347 : vector<32xbf16>
      %parallel_loop3A_1366 = arith.mulf %parallel_loop3A_1365, %parallel_loop3A_1365 : vector<32xbf16>
      %parallel_loop3A_1367 = arith.subf %pack3A_58, %parallel_loop3A_1348 : vector<32xbf16>
      %parallel_loop3A_1368 = arith.mulf %parallel_loop3A_1367, %parallel_loop3A_1367 : vector<32xbf16>
      %parallel_loop3A_1369 = arith.addf %parallel_loop3A_1366, %parallel_loop3A_1368 : vector<32xbf16>
      %parallel_loop3A_1370 = arith.subf %pack3A_67, %parallel_loop3A_1349 : vector<32xbf16>
      %parallel_loop3A_1371 = arith.mulf %parallel_loop3A_1370, %parallel_loop3A_1370 : vector<32xbf16>
      %parallel_loop3A_1372 = arith.addf %parallel_loop3A_1369, %parallel_loop3A_1371 : vector<32xbf16>
      %parallel_loop3A_1373 = arith.maximumf %parallel_loop3A_1302, %parallel_loop3A_1372 : vector<32xbf16>
      %parallel_loop3A_1374 = arith.minimumf %parallel_loop3A_1302, %parallel_loop3A_1372 : vector<32xbf16>
      %parallel_loop3A_1375 = arith.maximumf %parallel_loop3A_1304, %parallel_loop3A_1373 : vector<32xbf16>
      %parallel_loop3A_1376 = arith.minimumf %parallel_loop3A_1304, %parallel_loop3A_1373 : vector<32xbf16>
      %parallel_loop3A_1377 = arith.maximumf %parallel_loop3A_1306, %parallel_loop3A_1375 : vector<32xbf16>
      %parallel_loop3A_1378 = arith.minimumf %parallel_loop3A_1306, %parallel_loop3A_1375 : vector<32xbf16>
      %parallel_loop3A_1379 = arith.minimumf %parallel_loop3A_1307, %parallel_loop3A_1377 : vector<32xbf16>
      %parallel_loop3A_1380 = arith.subf %pack3A_82, %parallel_loop3A_1347 : vector<32xbf16>
      %parallel_loop3A_1381 = arith.mulf %parallel_loop3A_1380, %parallel_loop3A_1380 : vector<32xbf16>
      %parallel_loop3A_1382 = arith.subf %pack3A_91, %parallel_loop3A_1348 : vector<32xbf16>
      %parallel_loop3A_1383 = arith.mulf %parallel_loop3A_1382, %parallel_loop3A_1382 : vector<32xbf16>
      %parallel_loop3A_1384 = arith.addf %parallel_loop3A_1381, %parallel_loop3A_1383 : vector<32xbf16>
      %parallel_loop3A_1385 = arith.subf %pack3A_100, %parallel_loop3A_1349 : vector<32xbf16>
      %parallel_loop3A_1386 = arith.mulf %parallel_loop3A_1385, %parallel_loop3A_1385 : vector<32xbf16>
      %parallel_loop3A_1387 = arith.addf %parallel_loop3A_1384, %parallel_loop3A_1386 : vector<32xbf16>
      %parallel_loop3A_1388 = arith.maximumf %parallel_loop3A_1317, %parallel_loop3A_1387 : vector<32xbf16>
      %parallel_loop3A_1389 = arith.minimumf %parallel_loop3A_1317, %parallel_loop3A_1387 : vector<32xbf16>
      %parallel_loop3A_1390 = arith.maximumf %parallel_loop3A_1319, %parallel_loop3A_1388 : vector<32xbf16>
      %parallel_loop3A_1391 = arith.minimumf %parallel_loop3A_1319, %parallel_loop3A_1388 : vector<32xbf16>
      %parallel_loop3A_1392 = arith.maximumf %parallel_loop3A_1321, %parallel_loop3A_1390 : vector<32xbf16>
      %parallel_loop3A_1393 = arith.minimumf %parallel_loop3A_1321, %parallel_loop3A_1390 : vector<32xbf16>
      %parallel_loop3A_1394 = arith.minimumf %parallel_loop3A_1322, %parallel_loop3A_1392 : vector<32xbf16>
      %parallel_loop3A_1395 = arith.subf %pack3A_115, %parallel_loop3A_1347 : vector<32xbf16>
      %parallel_loop3A_1396 = arith.mulf %parallel_loop3A_1395, %parallel_loop3A_1395 : vector<32xbf16>
      %parallel_loop3A_1397 = arith.subf %pack3A_124, %parallel_loop3A_1348 : vector<32xbf16>
      %parallel_loop3A_1398 = arith.mulf %parallel_loop3A_1397, %parallel_loop3A_1397 : vector<32xbf16>
      %parallel_loop3A_1399 = arith.addf %parallel_loop3A_1396, %parallel_loop3A_1398 : vector<32xbf16>
      %parallel_loop3A_1400 = arith.subf %pack3A_133, %parallel_loop3A_1349 : vector<32xbf16>
      %parallel_loop3A_1401 = arith.mulf %parallel_loop3A_1400, %parallel_loop3A_1400 : vector<32xbf16>
      %parallel_loop3A_1402 = arith.addf %parallel_loop3A_1399, %parallel_loop3A_1401 : vector<32xbf16>
      %parallel_loop3A_1403 = arith.maximumf %parallel_loop3A_1332, %parallel_loop3A_1402 : vector<32xbf16>
      %parallel_loop3A_1404 = arith.minimumf %parallel_loop3A_1332, %parallel_loop3A_1402 : vector<32xbf16>
      %parallel_loop3A_1405 = arith.maximumf %parallel_loop3A_1334, %parallel_loop3A_1403 : vector<32xbf16>
      %parallel_loop3A_1406 = arith.minimumf %parallel_loop3A_1334, %parallel_loop3A_1403 : vector<32xbf16>
      %parallel_loop3A_1407 = arith.maximumf %parallel_loop3A_1336, %parallel_loop3A_1405 : vector<32xbf16>
      %parallel_loop3A_1408 = arith.minimumf %parallel_loop3A_1336, %parallel_loop3A_1405 : vector<32xbf16>
      %parallel_loop3A_1409 = arith.minimumf %parallel_loop3A_1337, %parallel_loop3A_1407 : vector<32xbf16>
      %parallel_loop3A_1410 = vector.extract_strided_slice %parallel_loop3A_1257 {offsets = [2], sizes = [1], strides = [1]} : vector<16xf32> to vector<1xf32>
      %parallel_loop3A_1411 = vector.extract %parallel_loop3A_1410[0] : f32 from vector<1xf32>
      %parallel_loop3A_1412 = vector.broadcast %parallel_loop3A_1411 : f32 to vector<16xf32>
      %parallel_loop3A_1413 = vector.extract_strided_slice %parallel_loop3A_1261 {offsets = [2], sizes = [1], strides = [1]} : vector<16xf32> to vector<1xf32>
      %parallel_loop3A_1414 = vector.extract %parallel_loop3A_1413[0] : f32 from vector<1xf32>
      %parallel_loop3A_1415 = vector.broadcast %parallel_loop3A_1414 : f32 to vector<16xf32>
      %parallel_loop3A_1416 = vector.extract_strided_slice %parallel_loop3A_1265 {offsets = [2], sizes = [1], strides = [1]} : vector<16xf32> to vector<1xf32>
      %parallel_loop3A_1417 = vector.extract %parallel_loop3A_1416[0] : f32 from vector<1xf32>
      %parallel_loop3A_1418 = vector.broadcast %parallel_loop3A_1417 : f32 to vector<16xf32>
      %parallel_loop3A_1419 = tpu.pack_subelements %parallel_loop3A_1412, %parallel_loop3A_1412 {pack_format = #tpu.pack_format<interleaved>, positions = array<i32: 0, 1>} : vector<16xf32>, vector<16xf32> -> vector<32xbf16>
      %parallel_loop3A_1420 = tpu.pack_subelements %parallel_loop3A_1415, %parallel_loop3A_1415 {pack_format = #tpu.pack_format<interleaved>, positions = array<i32: 0, 1>} : vector<16xf32>, vector<16xf32> -> vector<32xbf16>
      %parallel_loop3A_1421 = tpu.pack_subelements %parallel_loop3A_1418, %parallel_loop3A_1418 {pack_format = #tpu.pack_format<interleaved>, positions = array<i32: 0, 1>} : vector<16xf32>, vector<16xf32> -> vector<32xbf16>
      %parallel_loop3A_1422 = arith.subf %pack3A, %parallel_loop3A_1419 : vector<32xbf16>
      %parallel_loop3A_1423 = arith.mulf %parallel_loop3A_1422, %parallel_loop3A_1422 : vector<32xbf16>
      %parallel_loop3A_1424 = arith.subf %pack3A_25, %parallel_loop3A_1420 : vector<32xbf16>
      %parallel_loop3A_1425 = arith.mulf %parallel_loop3A_1424, %parallel_loop3A_1424 : vector<32xbf16>
      %parallel_loop3A_1426 = arith.addf %parallel_loop3A_1423, %parallel_loop3A_1425 : vector<32xbf16>
      %parallel_loop3A_1427 = arith.subf %pack3A_34, %parallel_loop3A_1421 : vector<32xbf16>
      %parallel_loop3A_1428 = arith.mulf %parallel_loop3A_1427, %parallel_loop3A_1427 : vector<32xbf16>
      %parallel_loop3A_1429 = arith.addf %parallel_loop3A_1426, %parallel_loop3A_1428 : vector<32xbf16>
      %parallel_loop3A_1430 = arith.maximumf %parallel_loop3A_1359, %parallel_loop3A_1429 : vector<32xbf16>
      %parallel_loop3A_1431 = arith.minimumf %parallel_loop3A_1359, %parallel_loop3A_1429 : vector<32xbf16>
      %parallel_loop3A_1432 = arith.maximumf %parallel_loop3A_1361, %parallel_loop3A_1430 : vector<32xbf16>
      %parallel_loop3A_1433 = arith.minimumf %parallel_loop3A_1361, %parallel_loop3A_1430 : vector<32xbf16>
      %parallel_loop3A_1434 = arith.maximumf %parallel_loop3A_1363, %parallel_loop3A_1432 : vector<32xbf16>
      %parallel_loop3A_1435 = arith.minimumf %parallel_loop3A_1363, %parallel_loop3A_1432 : vector<32xbf16>
      %parallel_loop3A_1436 = arith.minimumf %parallel_loop3A_1364, %parallel_loop3A_1434 : vector<32xbf16>
      %parallel_loop3A_1437 = arith.subf %pack3A_49, %parallel_loop3A_1419 : vector<32xbf16>
      %parallel_loop3A_1438 = arith.mulf %parallel_loop3A_1437, %parallel_loop3A_1437 : vector<32xbf16>
      %parallel_loop3A_1439 = arith.subf %pack3A_58, %parallel_loop3A_1420 : vector<32xbf16>
      %parallel_loop3A_1440 = arith.mulf %parallel_loop3A_1439, %parallel_loop3A_1439 : vector<32xbf16>
      %parallel_loop3A_1441 = arith.addf %parallel_loop3A_1438, %parallel_loop3A_1440 : vector<32xbf16>
      %parallel_loop3A_1442 = arith.subf %pack3A_67, %parallel_loop3A_1421 : vector<32xbf16>
      %parallel_loop3A_1443 = arith.mulf %parallel_loop3A_1442, %parallel_loop3A_1442 : vector<32xbf16>
      %parallel_loop3A_1444 = arith.addf %parallel_loop3A_1441, %parallel_loop3A_1443 : vector<32xbf16>
      %parallel_loop3A_1445 = arith.maximumf %parallel_loop3A_1374, %parallel_loop3A_1444 : vector<32xbf16>
      %parallel_loop3A_1446 = arith.minimumf %parallel_loop3A_1374, %parallel_loop3A_1444 : vector<32xbf16>
      %parallel_loop3A_1447 = arith.maximumf %parallel_loop3A_1376, %parallel_loop3A_1445 : vector<32xbf16>
      %parallel_loop3A_1448 = arith.minimumf %parallel_loop3A_1376, %parallel_loop3A_1445 : vector<32xbf16>
      %parallel_loop3A_1449 = arith.maximumf %parallel_loop3A_1378, %parallel_loop3A_1447 : vector<32xbf16>
      %parallel_loop3A_1450 = arith.minimumf %parallel_loop3A_1378, %parallel_loop3A_1447 : vector<32xbf16>
      %parallel_loop3A_1451 = arith.minimumf %parallel_loop3A_1379, %parallel_loop3A_1449 : vector<32xbf16>
      %parallel_loop3A_1452 = arith.subf %pack3A_82, %parallel_loop3A_1419 : vector<32xbf16>
      %parallel_loop3A_1453 = arith.mulf %parallel_loop3A_1452, %parallel_loop3A_1452 : vector<32xbf16>
      %parallel_loop3A_1454 = arith.subf %pack3A_91, %parallel_loop3A_1420 : vector<32xbf16>
      %parallel_loop3A_1455 = arith.mulf %parallel_loop3A_1454, %parallel_loop3A_1454 : vector<32xbf16>
      %parallel_loop3A_1456 = arith.addf %parallel_loop3A_1453, %parallel_loop3A_1455 : vector<32xbf16>
      %parallel_loop3A_1457 = arith.subf %pack3A_100, %parallel_loop3A_1421 : vector<32xbf16>
      %parallel_loop3A_1458 = arith.mulf %parallel_loop3A_1457, %parallel_loop3A_1457 : vector<32xbf16>
      %parallel_loop3A_1459 = arith.addf %parallel_loop3A_1456, %parallel_loop3A_1458 : vector<32xbf16>
      %parallel_loop3A_1460 = arith.maximumf %parallel_loop3A_1389, %parallel_loop3A_1459 : vector<32xbf16>
      %parallel_loop3A_1461 = arith.minimumf %parallel_loop3A_1389, %parallel_loop3A_1459 : vector<32xbf16>
      %parallel_loop3A_1462 = arith.maximumf %parallel_loop3A_1391, %parallel_loop3A_1460 : vector<32xbf16>
      %parallel_loop3A_1463 = arith.minimumf %parallel_loop3A_1391, %parallel_loop3A_1460 : vector<32xbf16>
      %parallel_loop3A_1464 = arith.maximumf %parallel_loop3A_1393, %parallel_loop3A_1462 : vector<32xbf16>
      %parallel_loop3A_1465 = arith.minimumf %parallel_loop3A_1393, %parallel_loop3A_1462 : vector<32xbf16>
      %parallel_loop3A_1466 = arith.minimumf %parallel_loop3A_1394, %parallel_loop3A_1464 : vector<32xbf16>
      %parallel_loop3A_1467 = arith.subf %pack3A_115, %parallel_loop3A_1419 : vector<32xbf16>
      %parallel_loop3A_1468 = arith.mulf %parallel_loop3A_1467, %parallel_loop3A_1467 : vector<32xbf16>
      %parallel_loop3A_1469 = arith.subf %pack3A_124, %parallel_loop3A_1420 : vector<32xbf16>
      %parallel_loop3A_1470 = arith.mulf %parallel_loop3A_1469, %parallel_loop3A_1469 : vector<32xbf16>
      %parallel_loop3A_1471 = arith.addf %parallel_loop3A_1468, %parallel_loop3A_1470 : vector<32xbf16>
      %parallel_loop3A_1472 = arith.subf %pack3A_133, %parallel_loop3A_1421 : vector<32xbf16>
      %parallel_loop3A_1473 = arith.mulf %parallel_loop3A_1472, %parallel_loop3A_1472 : vector<32xbf16>
      %parallel_loop3A_1474 = arith.addf %parallel_loop3A_1471, %parallel_loop3A_1473 : vector<32xbf16>
      %parallel_loop3A_1475 = arith.maximumf %parallel_loop3A_1404, %parallel_loop3A_1474 : vector<32xbf16>
      %parallel_loop3A_1476 = arith.minimumf %parallel_loop3A_1404, %parallel_loop3A_1474 : vector<32xbf16>
      %parallel_loop3A_1477 = arith.maximumf %parallel_loop3A_1406, %parallel_loop3A_1475 : vector<32xbf16>
      %parallel_loop3A_1478 = arith.minimumf %parallel_loop3A_1406, %parallel_loop3A_1475 : vector<32xbf16>
      %parallel_loop3A_1479 = arith.maximumf %parallel_loop3A_1408, %parallel_loop3A_1477 : vector<32xbf16>
      %parallel_loop3A_1480 = arith.minimumf %parallel_loop3A_1408, %parallel_loop3A_1477 : vector<32xbf16>
      %parallel_loop3A_1481 = arith.minimumf %parallel_loop3A_1409, %parallel_loop3A_1479 : vector<32xbf16>
      %parallel_loop3A_1482 = vector.extract_strided_slice %parallel_loop3A_1257 {offsets = [3], sizes = [1], strides = [1]} : vector<16xf32> to vector<1xf32>
      %parallel_loop3A_1483 = vector.extract %parallel_loop3A_1482[0] : f32 from vector<1xf32>
      %parallel_loop3A_1484 = vector.broadcast %parallel_loop3A_1483 : f32 to vector<16xf32>
      %parallel_loop3A_1485 = vector.extract_strided_slice %parallel_loop3A_1261 {offsets = [3], sizes = [1], strides = [1]} : vector<16xf32> to vector<1xf32>
      %parallel_loop3A_1486 = vector.extract %parallel_loop3A_1485[0] : f32 from vector<1xf32>
      %parallel_loop3A_1487 = vector.broadcast %parallel_loop3A_1486 : f32 to vector<16xf32>
      %parallel_loop3A_1488 = vector.extract_strided_slice %parallel_loop3A_1265 {offsets = [3], sizes = [1], strides = [1]} : vector<16xf32> to vector<1xf32>
      %parallel_loop3A_1489 = vector.extract %parallel_loop3A_1488[0] : f32 from vector<1xf32>
      %parallel_loop3A_1490 = vector.broadcast %parallel_loop3A_1489 : f32 to vector<16xf32>
      %parallel_loop3A_1491 = tpu.pack_subelements %parallel_loop3A_1484, %parallel_loop3A_1484 {pack_format = #tpu.pack_format<interleaved>, positions = array<i32: 0, 1>} : vector<16xf32>, vector<16xf32> -> vector<32xbf16>
      %parallel_loop3A_1492 = tpu.pack_subelements %parallel_loop3A_1487, %parallel_loop3A_1487 {pack_format = #tpu.pack_format<interleaved>, positions = array<i32: 0, 1>} : vector<16xf32>, vector<16xf32> -> vector<32xbf16>
      %parallel_loop3A_1493 = tpu.pack_subelements %parallel_loop3A_1490, %parallel_loop3A_1490 {pack_format = #tpu.pack_format<interleaved>, positions = array<i32: 0, 1>} : vector<16xf32>, vector<16xf32> -> vector<32xbf16>
      %parallel_loop3A_1494 = arith.subf %pack3A, %parallel_loop3A_1491 : vector<32xbf16>
      %parallel_loop3A_1495 = arith.mulf %parallel_loop3A_1494, %parallel_loop3A_1494 : vector<32xbf16>
      %parallel_loop3A_1496 = arith.subf %pack3A_25, %parallel_loop3A_1492 : vector<32xbf16>
      %parallel_loop3A_1497 = arith.mulf %parallel_loop3A_1496, %parallel_loop3A_1496 : vector<32xbf16>
      %parallel_loop3A_1498 = arith.addf %parallel_loop3A_1495, %parallel_loop3A_1497 : vector<32xbf16>
      %parallel_loop3A_1499 = arith.subf %pack3A_34, %parallel_loop3A_1493 : vector<32xbf16>
      %parallel_loop3A_1500 = arith.mulf %parallel_loop3A_1499, %parallel_loop3A_1499 : vector<32xbf16>
      %parallel_loop3A_1501 = arith.addf %parallel_loop3A_1498, %parallel_loop3A_1500 : vector<32xbf16>
      %parallel_loop3A_1502 = arith.maximumf %parallel_loop3A_1431, %parallel_loop3A_1501 : vector<32xbf16>
      %parallel_loop3A_1503 = arith.minimumf %parallel_loop3A_1431, %parallel_loop3A_1501 : vector<32xbf16>
      %parallel_loop3A_1504 = arith.maximumf %parallel_loop3A_1433, %parallel_loop3A_1502 : vector<32xbf16>
      %parallel_loop3A_1505 = arith.minimumf %parallel_loop3A_1433, %parallel_loop3A_1502 : vector<32xbf16>
      %parallel_loop3A_1506 = arith.maximumf %parallel_loop3A_1435, %parallel_loop3A_1504 : vector<32xbf16>
      %parallel_loop3A_1507 = arith.minimumf %parallel_loop3A_1435, %parallel_loop3A_1504 : vector<32xbf16>
      %parallel_loop3A_1508 = arith.minimumf %parallel_loop3A_1436, %parallel_loop3A_1506 : vector<32xbf16>
      %parallel_loop3A_1509 = arith.subf %pack3A_49, %parallel_loop3A_1491 : vector<32xbf16>
      %parallel_loop3A_1510 = arith.mulf %parallel_loop3A_1509, %parallel_loop3A_1509 : vector<32xbf16>
      %parallel_loop3A_1511 = arith.subf %pack3A_58, %parallel_loop3A_1492 : vector<32xbf16>
      %parallel_loop3A_1512 = arith.mulf %parallel_loop3A_1511, %parallel_loop3A_1511 : vector<32xbf16>
      %parallel_loop3A_1513 = arith.addf %parallel_loop3A_1510, %parallel_loop3A_1512 : vector<32xbf16>
      %parallel_loop3A_1514 = arith.subf %pack3A_67, %parallel_loop3A_1493 : vector<32xbf16>
      %parallel_loop3A_1515 = arith.mulf %parallel_loop3A_1514, %parallel_loop3A_1514 : vector<32xbf16>
      %parallel_loop3A_1516 = arith.addf %parallel_loop3A_1513, %parallel_loop3A_1515 : vector<32xbf16>
      %parallel_loop3A_1517 = arith.maximumf %parallel_loop3A_1446, %parallel_loop3A_1516 : vector<32xbf16>
      %parallel_loop3A_1518 = arith.minimumf %parallel_loop3A_1446, %parallel_loop3A_1516 : vector<32xbf16>
      %parallel_loop3A_1519 = arith.maximumf %parallel_loop3A_1448, %parallel_loop3A_1517 : vector<32xbf16>
      %parallel_loop3A_1520 = arith.minimumf %parallel_loop3A_1448, %parallel_loop3A_1517 : vector<32xbf16>
      %parallel_loop3A_1521 = arith.maximumf %parallel_loop3A_1450, %parallel_loop3A_1519 : vector<32xbf16>
      %parallel_loop3A_1522 = arith.minimumf %parallel_loop3A_1450, %parallel_loop3A_1519 : vector<32xbf16>
      %parallel_loop3A_1523 = arith.minimumf %parallel_loop3A_1451, %parallel_loop3A_1521 : vector<32xbf16>
      %parallel_loop3A_1524 = arith.subf %pack3A_82, %parallel_loop3A_1491 : vector<32xbf16>
      %parallel_loop3A_1525 = arith.mulf %parallel_loop3A_1524, %parallel_loop3A_1524 : vector<32xbf16>
      %parallel_loop3A_1526 = arith.subf %pack3A_91, %parallel_loop3A_1492 : vector<32xbf16>
      %parallel_loop3A_1527 = arith.mulf %parallel_loop3A_1526, %parallel_loop3A_1526 : vector<32xbf16>
      %parallel_loop3A_1528 = arith.addf %parallel_loop3A_1525, %parallel_loop3A_1527 : vector<32xbf16>
      %parallel_loop3A_1529 = arith.subf %pack3A_100, %parallel_loop3A_1493 : vector<32xbf16>
      %parallel_loop3A_1530 = arith.mulf %parallel_loop3A_1529, %parallel_loop3A_1529 : vector<32xbf16>
      %parallel_loop3A_1531 = arith.addf %parallel_loop3A_1528, %parallel_loop3A_1530 : vector<32xbf16>
      %parallel_loop3A_1532 = arith.maximumf %parallel_loop3A_1461, %parallel_loop3A_1531 : vector<32xbf16>
      %parallel_loop3A_1533 = arith.minimumf %parallel_loop3A_1461, %parallel_loop3A_1531 : vector<32xbf16>
      %parallel_loop3A_1534 = arith.maximumf %parallel_loop3A_1463, %parallel_loop3A_1532 : vector<32xbf16>
      %parallel_loop3A_1535 = arith.minimumf %parallel_loop3A_1463, %parallel_loop3A_1532 : vector<32xbf16>
      %parallel_loop3A_1536 = arith.maximumf %parallel_loop3A_1465, %parallel_loop3A_1534 : vector<32xbf16>
      %parallel_loop3A_1537 = arith.minimumf %parallel_loop3A_1465, %parallel_loop3A_1534 : vector<32xbf16>
      %parallel_loop3A_1538 = arith.minimumf %parallel_loop3A_1466, %parallel_loop3A_1536 : vector<32xbf16>
      %parallel_loop3A_1539 = arith.subf %pack3A_115, %parallel_loop3A_1491 : vector<32xbf16>
      %parallel_loop3A_1540 = arith.mulf %parallel_loop3A_1539, %parallel_loop3A_1539 : vector<32xbf16>
      %parallel_loop3A_1541 = arith.subf %pack3A_124, %parallel_loop3A_1492 : vector<32xbf16>
      %parallel_loop3A_1542 = arith.mulf %parallel_loop3A_1541, %parallel_loop3A_1541 : vector<32xbf16>
      %parallel_loop3A_1543 = arith.addf %parallel_loop3A_1540, %parallel_loop3A_1542 : vector<32xbf16>
      %parallel_loop3A_1544 = arith.subf %pack3A_133, %parallel_loop3A_1493 : vector<32xbf16>
      %parallel_loop3A_1545 = arith.mulf %parallel_loop3A_1544, %parallel_loop3A_1544 : vector<32xbf16>
      %parallel_loop3A_1546 = arith.addf %parallel_loop3A_1543, %parallel_loop3A_1545 : vector<32xbf16>
      %parallel_loop3A_1547 = arith.maximumf %parallel_loop3A_1476, %parallel_loop3A_1546 : vector<32xbf16>
      %parallel_loop3A_1548 = arith.minimumf %parallel_loop3A_1476, %parallel_loop3A_1546 : vector<32xbf16>
      %parallel_loop3A_1549 = arith.maximumf %parallel_loop3A_1478, %parallel_loop3A_1547 : vector<32xbf16>
      %parallel_loop3A_1550 = arith.minimumf %parallel_loop3A_1478, %parallel_loop3A_1547 : vector<32xbf16>
      %parallel_loop3A_1551 = arith.maximumf %parallel_loop3A_1480, %parallel_loop3A_1549 : vector<32xbf16>
      %parallel_loop3A_1552 = arith.minimumf %parallel_loop3A_1480, %parallel_loop3A_1549 : vector<32xbf16>
      %parallel_loop3A_1553 = arith.minimumf %parallel_loop3A_1481, %parallel_loop3A_1551 : vector<32xbf16>
      %parallel_loop3A_1554 = vector.extract_strided_slice %parallel_loop3A_1257 {offsets = [4], sizes = [1], strides = [1]} : vector<16xf32> to vector<1xf32>
      %parallel_loop3A_1555 = vector.extract %parallel_loop3A_1554[0] : f32 from vector<1xf32>
      %parallel_loop3A_1556 = vector.broadcast %parallel_loop3A_1555 : f32 to vector<16xf32>
      %parallel_loop3A_1557 = vector.extract_strided_slice %parallel_loop3A_1261 {offsets = [4], sizes = [1], strides = [1]} : vector<16xf32> to vector<1xf32>
      %parallel_loop3A_1558 = vector.extract %parallel_loop3A_1557[0] : f32 from vector<1xf32>
      %parallel_loop3A_1559 = vector.broadcast %parallel_loop3A_1558 : f32 to vector<16xf32>
      %parallel_loop3A_1560 = vector.extract_strided_slice %parallel_loop3A_1265 {offsets = [4], sizes = [1], strides = [1]} : vector<16xf32> to vector<1xf32>
      %parallel_loop3A_1561 = vector.extract %parallel_loop3A_1560[0] : f32 from vector<1xf32>
      %parallel_loop3A_1562 = vector.broadcast %parallel_loop3A_1561 : f32 to vector<16xf32>
      %parallel_loop3A_1563 = tpu.pack_subelements %parallel_loop3A_1556, %parallel_loop3A_1556 {pack_format = #tpu.pack_format<interleaved>, positions = array<i32: 0, 1>} : vector<16xf32>, vector<16xf32> -> vector<32xbf16>
      %parallel_loop3A_1564 = tpu.pack_subelements %parallel_loop3A_1559, %parallel_loop3A_1559 {pack_format = #tpu.pack_format<interleaved>, positions = array<i32: 0, 1>} : vector<16xf32>, vector<16xf32> -> vector<32xbf16>
      %parallel_loop3A_1565 = tpu.pack_subelements %parallel_loop3A_1562, %parallel_loop3A_1562 {pack_format = #tpu.pack_format<interleaved>, positions = array<i32: 0, 1>} : vector<16xf32>, vector<16xf32> -> vector<32xbf16>
      %parallel_loop3A_1566 = arith.subf %pack3A, %parallel_loop3A_1563 : vector<32xbf16>
      %parallel_loop3A_1567 = arith.mulf %parallel_loop3A_1566, %parallel_loop3A_1566 : vector<32xbf16>
      %parallel_loop3A_1568 = arith.subf %pack3A_25, %parallel_loop3A_1564 : vector<32xbf16>
      %parallel_loop3A_1569 = arith.mulf %parallel_loop3A_1568, %parallel_loop3A_1568 : vector<32xbf16>
      %parallel_loop3A_1570 = arith.addf %parallel_loop3A_1567, %parallel_loop3A_1569 : vector<32xbf16>
      %parallel_loop3A_1571 = arith.subf %pack3A_34, %parallel_loop3A_1565 : vector<32xbf16>
      %parallel_loop3A_1572 = arith.mulf %parallel_loop3A_1571, %parallel_loop3A_1571 : vector<32xbf16>
      %parallel_loop3A_1573 = arith.addf %parallel_loop3A_1570, %parallel_loop3A_1572 : vector<32xbf16>
      %parallel_loop3A_1574 = arith.maximumf %parallel_loop3A_1503, %parallel_loop3A_1573 : vector<32xbf16>
      %parallel_loop3A_1575 = arith.minimumf %parallel_loop3A_1503, %parallel_loop3A_1573 : vector<32xbf16>
      %parallel_loop3A_1576 = arith.maximumf %parallel_loop3A_1505, %parallel_loop3A_1574 : vector<32xbf16>
      %parallel_loop3A_1577 = arith.minimumf %parallel_loop3A_1505, %parallel_loop3A_1574 : vector<32xbf16>
      %parallel_loop3A_1578 = arith.maximumf %parallel_loop3A_1507, %parallel_loop3A_1576 : vector<32xbf16>
      %parallel_loop3A_1579 = arith.minimumf %parallel_loop3A_1507, %parallel_loop3A_1576 : vector<32xbf16>
      %parallel_loop3A_1580 = arith.minimumf %parallel_loop3A_1508, %parallel_loop3A_1578 : vector<32xbf16>
      %parallel_loop3A_1581 = arith.subf %pack3A_49, %parallel_loop3A_1563 : vector<32xbf16>
      %parallel_loop3A_1582 = arith.mulf %parallel_loop3A_1581, %parallel_loop3A_1581 : vector<32xbf16>
      %parallel_loop3A_1583 = arith.subf %pack3A_58, %parallel_loop3A_1564 : vector<32xbf16>
      %parallel_loop3A_1584 = arith.mulf %parallel_loop3A_1583, %parallel_loop3A_1583 : vector<32xbf16>
      %parallel_loop3A_1585 = arith.addf %parallel_loop3A_1582, %parallel_loop3A_1584 : vector<32xbf16>
      %parallel_loop3A_1586 = arith.subf %pack3A_67, %parallel_loop3A_1565 : vector<32xbf16>
      %parallel_loop3A_1587 = arith.mulf %parallel_loop3A_1586, %parallel_loop3A_1586 : vector<32xbf16>
      %parallel_loop3A_1588 = arith.addf %parallel_loop3A_1585, %parallel_loop3A_1587 : vector<32xbf16>
      %parallel_loop3A_1589 = arith.maximumf %parallel_loop3A_1518, %parallel_loop3A_1588 : vector<32xbf16>
      %parallel_loop3A_1590 = arith.minimumf %parallel_loop3A_1518, %parallel_loop3A_1588 : vector<32xbf16>
      %parallel_loop3A_1591 = arith.maximumf %parallel_loop3A_1520, %parallel_loop3A_1589 : vector<32xbf16>
      %parallel_loop3A_1592 = arith.minimumf %parallel_loop3A_1520, %parallel_loop3A_1589 : vector<32xbf16>
      %parallel_loop3A_1593 = arith.maximumf %parallel_loop3A_1522, %parallel_loop3A_1591 : vector<32xbf16>
      %parallel_loop3A_1594 = arith.minimumf %parallel_loop3A_1522, %parallel_loop3A_1591 : vector<32xbf16>
      %parallel_loop3A_1595 = arith.minimumf %parallel_loop3A_1523, %parallel_loop3A_1593 : vector<32xbf16>
      %parallel_loop3A_1596 = arith.subf %pack3A_82, %parallel_loop3A_1563 : vector<32xbf16>
      %parallel_loop3A_1597 = arith.mulf %parallel_loop3A_1596, %parallel_loop3A_1596 : vector<32xbf16>
      %parallel_loop3A_1598 = arith.subf %pack3A_91, %parallel_loop3A_1564 : vector<32xbf16>
      %parallel_loop3A_1599 = arith.mulf %parallel_loop3A_1598, %parallel_loop3A_1598 : vector<32xbf16>
      %parallel_loop3A_1600 = arith.addf %parallel_loop3A_1597, %parallel_loop3A_1599 : vector<32xbf16>
      %parallel_loop3A_1601 = arith.subf %pack3A_100, %parallel_loop3A_1565 : vector<32xbf16>
      %parallel_loop3A_1602 = arith.mulf %parallel_loop3A_1601, %parallel_loop3A_1601 : vector<32xbf16>
      %parallel_loop3A_1603 = arith.addf %parallel_loop3A_1600, %parallel_loop3A_1602 : vector<32xbf16>
      %parallel_loop3A_1604 = arith.maximumf %parallel_loop3A_1533, %parallel_loop3A_1603 : vector<32xbf16>
      %parallel_loop3A_1605 = arith.minimumf %parallel_loop3A_1533, %parallel_loop3A_1603 : vector<32xbf16>
      %parallel_loop3A_1606 = arith.maximumf %parallel_loop3A_1535, %parallel_loop3A_1604 : vector<32xbf16>
      %parallel_loop3A_1607 = arith.minimumf %parallel_loop3A_1535, %parallel_loop3A_1604 : vector<32xbf16>
      %parallel_loop3A_1608 = arith.maximumf %parallel_loop3A_1537, %parallel_loop3A_1606 : vector<32xbf16>
      %parallel_loop3A_1609 = arith.minimumf %parallel_loop3A_1537, %parallel_loop3A_1606 : vector<32xbf16>
      %parallel_loop3A_1610 = arith.minimumf %parallel_loop3A_1538, %parallel_loop3A_1608 : vector<32xbf16>
      %parallel_loop3A_1611 = arith.subf %pack3A_115, %parallel_loop3A_1563 : vector<32xbf16>
      %parallel_loop3A_1612 = arith.mulf %parallel_loop3A_1611, %parallel_loop3A_1611 : vector<32xbf16>
      %parallel_loop3A_1613 = arith.subf %pack3A_124, %parallel_loop3A_1564 : vector<32xbf16>
      %parallel_loop3A_1614 = arith.mulf %parallel_loop3A_1613, %parallel_loop3A_1613 : vector<32xbf16>
      %parallel_loop3A_1615 = arith.addf %parallel_loop3A_1612, %parallel_loop3A_1614 : vector<32xbf16>
      %parallel_loop3A_1616 = arith.subf %pack3A_133, %parallel_loop3A_1565 : vector<32xbf16>
      %parallel_loop3A_1617 = arith.mulf %parallel_loop3A_1616, %parallel_loop3A_1616 : vector<32xbf16>
      %parallel_loop3A_1618 = arith.addf %parallel_loop3A_1615, %parallel_loop3A_1617 : vector<32xbf16>
      %parallel_loop3A_1619 = arith.maximumf %parallel_loop3A_1548, %parallel_loop3A_1618 : vector<32xbf16>
      %parallel_loop3A_1620 = arith.minimumf %parallel_loop3A_1548, %parallel_loop3A_1618 : vector<32xbf16>
      %parallel_loop3A_1621 = arith.maximumf %parallel_loop3A_1550, %parallel_loop3A_1619 : vector<32xbf16>
      %parallel_loop3A_1622 = arith.minimumf %parallel_loop3A_1550, %parallel_loop3A_1619 : vector<32xbf16>
      %parallel_loop3A_1623 = arith.maximumf %parallel_loop3A_1552, %parallel_loop3A_1621 : vector<32xbf16>
      %parallel_loop3A_1624 = arith.minimumf %parallel_loop3A_1552, %parallel_loop3A_1621 : vector<32xbf16>
      %parallel_loop3A_1625 = arith.minimumf %parallel_loop3A_1553, %parallel_loop3A_1623 : vector<32xbf16>
      %parallel_loop3A_1626 = vector.extract_strided_slice %parallel_loop3A_1257 {offsets = [5], sizes = [1], strides = [1]} : vector<16xf32> to vector<1xf32>
      %parallel_loop3A_1627 = vector.extract %parallel_loop3A_1626[0] : f32 from vector<1xf32>
      %parallel_loop3A_1628 = vector.broadcast %parallel_loop3A_1627 : f32 to vector<16xf32>
      %parallel_loop3A_1629 = vector.extract_strided_slice %parallel_loop3A_1261 {offsets = [5], sizes = [1], strides = [1]} : vector<16xf32> to vector<1xf32>
      %parallel_loop3A_1630 = vector.extract %parallel_loop3A_1629[0] : f32 from vector<1xf32>
      %parallel_loop3A_1631 = vector.broadcast %parallel_loop3A_1630 : f32 to vector<16xf32>
      %parallel_loop3A_1632 = vector.extract_strided_slice %parallel_loop3A_1265 {offsets = [5], sizes = [1], strides = [1]} : vector<16xf32> to vector<1xf32>
      %parallel_loop3A_1633 = vector.extract %parallel_loop3A_1632[0] : f32 from vector<1xf32>
      %parallel_loop3A_1634 = vector.broadcast %parallel_loop3A_1633 : f32 to vector<16xf32>
      %parallel_loop3A_1635 = tpu.pack_subelements %parallel_loop3A_1628, %parallel_loop3A_1628 {pack_format = #tpu.pack_format<interleaved>, positions = array<i32: 0, 1>} : vector<16xf32>, vector<16xf32> -> vector<32xbf16>
      %parallel_loop3A_1636 = tpu.pack_subelements %parallel_loop3A_1631, %parallel_loop3A_1631 {pack_format = #tpu.pack_format<interleaved>, positions = array<i32: 0, 1>} : vector<16xf32>, vector<16xf32> -> vector<32xbf16>
      %parallel_loop3A_1637 = tpu.pack_subelements %parallel_loop3A_1634, %parallel_loop3A_1634 {pack_format = #tpu.pack_format<interleaved>, positions = array<i32: 0, 1>} : vector<16xf32>, vector<16xf32> -> vector<32xbf16>
      %parallel_loop3A_1638 = arith.subf %pack3A, %parallel_loop3A_1635 : vector<32xbf16>
      %parallel_loop3A_1639 = arith.mulf %parallel_loop3A_1638, %parallel_loop3A_1638 : vector<32xbf16>
      %parallel_loop3A_1640 = arith.subf %pack3A_25, %parallel_loop3A_1636 : vector<32xbf16>
      %parallel_loop3A_1641 = arith.mulf %parallel_loop3A_1640, %parallel_loop3A_1640 : vector<32xbf16>
      %parallel_loop3A_1642 = arith.addf %parallel_loop3A_1639, %parallel_loop3A_1641 : vector<32xbf16>
      %parallel_loop3A_1643 = arith.subf %pack3A_34, %parallel_loop3A_1637 : vector<32xbf16>
      %parallel_loop3A_1644 = arith.mulf %parallel_loop3A_1643, %parallel_loop3A_1643 : vector<32xbf16>
      %parallel_loop3A_1645 = arith.addf %parallel_loop3A_1642, %parallel_loop3A_1644 : vector<32xbf16>
      %parallel_loop3A_1646 = arith.maximumf %parallel_loop3A_1575, %parallel_loop3A_1645 : vector<32xbf16>
      %parallel_loop3A_1647 = arith.minimumf %parallel_loop3A_1575, %parallel_loop3A_1645 : vector<32xbf16>
      %parallel_loop3A_1648 = arith.maximumf %parallel_loop3A_1577, %parallel_loop3A_1646 : vector<32xbf16>
      %parallel_loop3A_1649 = arith.minimumf %parallel_loop3A_1577, %parallel_loop3A_1646 : vector<32xbf16>
      %parallel_loop3A_1650 = arith.maximumf %parallel_loop3A_1579, %parallel_loop3A_1648 : vector<32xbf16>
      %parallel_loop3A_1651 = arith.minimumf %parallel_loop3A_1579, %parallel_loop3A_1648 : vector<32xbf16>
      %parallel_loop3A_1652 = arith.minimumf %parallel_loop3A_1580, %parallel_loop3A_1650 : vector<32xbf16>
      %parallel_loop3A_1653 = arith.subf %pack3A_49, %parallel_loop3A_1635 : vector<32xbf16>
      %parallel_loop3A_1654 = arith.mulf %parallel_loop3A_1653, %parallel_loop3A_1653 : vector<32xbf16>
      %parallel_loop3A_1655 = arith.subf %pack3A_58, %parallel_loop3A_1636 : vector<32xbf16>
      %parallel_loop3A_1656 = arith.mulf %parallel_loop3A_1655, %parallel_loop3A_1655 : vector<32xbf16>
      %parallel_loop3A_1657 = arith.addf %parallel_loop3A_1654, %parallel_loop3A_1656 : vector<32xbf16>
      %parallel_loop3A_1658 = arith.subf %pack3A_67, %parallel_loop3A_1637 : vector<32xbf16>
      %parallel_loop3A_1659 = arith.mulf %parallel_loop3A_1658, %parallel_loop3A_1658 : vector<32xbf16>
      %parallel_loop3A_1660 = arith.addf %parallel_loop3A_1657, %parallel_loop3A_1659 : vector<32xbf16>
      %parallel_loop3A_1661 = arith.maximumf %parallel_loop3A_1590, %parallel_loop3A_1660 : vector<32xbf16>
      %parallel_loop3A_1662 = arith.minimumf %parallel_loop3A_1590, %parallel_loop3A_1660 : vector<32xbf16>
      %parallel_loop3A_1663 = arith.maximumf %parallel_loop3A_1592, %parallel_loop3A_1661 : vector<32xbf16>
      %parallel_loop3A_1664 = arith.minimumf %parallel_loop3A_1592, %parallel_loop3A_1661 : vector<32xbf16>
      %parallel_loop3A_1665 = arith.maximumf %parallel_loop3A_1594, %parallel_loop3A_1663 : vector<32xbf16>
      %parallel_loop3A_1666 = arith.minimumf %parallel_loop3A_1594, %parallel_loop3A_1663 : vector<32xbf16>
      %parallel_loop3A_1667 = arith.minimumf %parallel_loop3A_1595, %parallel_loop3A_1665 : vector<32xbf16>
      %parallel_loop3A_1668 = arith.subf %pack3A_82, %parallel_loop3A_1635 : vector<32xbf16>
      %parallel_loop3A_1669 = arith.mulf %parallel_loop3A_1668, %parallel_loop3A_1668 : vector<32xbf16>
      %parallel_loop3A_1670 = arith.subf %pack3A_91, %parallel_loop3A_1636 : vector<32xbf16>
      %parallel_loop3A_1671 = arith.mulf %parallel_loop3A_1670, %parallel_loop3A_1670 : vector<32xbf16>
      %parallel_loop3A_1672 = arith.addf %parallel_loop3A_1669, %parallel_loop3A_1671 : vector<32xbf16>
      %parallel_loop3A_1673 = arith.subf %pack3A_100, %parallel_loop3A_1637 : vector<32xbf16>
      %parallel_loop3A_1674 = arith.mulf %parallel_loop3A_1673, %parallel_loop3A_1673 : vector<32xbf16>
      %parallel_loop3A_1675 = arith.addf %parallel_loop3A_1672, %parallel_loop3A_1674 : vector<32xbf16>
      %parallel_loop3A_1676 = arith.maximumf %parallel_loop3A_1605, %parallel_loop3A_1675 : vector<32xbf16>
      %parallel_loop3A_1677 = arith.minimumf %parallel_loop3A_1605, %parallel_loop3A_1675 : vector<32xbf16>
      %parallel_loop3A_1678 = arith.maximumf %parallel_loop3A_1607, %parallel_loop3A_1676 : vector<32xbf16>
      %parallel_loop3A_1679 = arith.minimumf %parallel_loop3A_1607, %parallel_loop3A_1676 : vector<32xbf16>
      %parallel_loop3A_1680 = arith.maximumf %parallel_loop3A_1609, %parallel_loop3A_1678 : vector<32xbf16>
      %parallel_loop3A_1681 = arith.minimumf %parallel_loop3A_1609, %parallel_loop3A_1678 : vector<32xbf16>
      %parallel_loop3A_1682 = arith.minimumf %parallel_loop3A_1610, %parallel_loop3A_1680 : vector<32xbf16>
      %parallel_loop3A_1683 = arith.subf %pack3A_115, %parallel_loop3A_1635 : vector<32xbf16>
      %parallel_loop3A_1684 = arith.mulf %parallel_loop3A_1683, %parallel_loop3A_1683 : vector<32xbf16>
      %parallel_loop3A_1685 = arith.subf %pack3A_124, %parallel_loop3A_1636 : vector<32xbf16>
      %parallel_loop3A_1686 = arith.mulf %parallel_loop3A_1685, %parallel_loop3A_1685 : vector<32xbf16>
      %parallel_loop3A_1687 = arith.addf %parallel_loop3A_1684, %parallel_loop3A_1686 : vector<32xbf16>
      %parallel_loop3A_1688 = arith.subf %pack3A_133, %parallel_loop3A_1637 : vector<32xbf16>
      %parallel_loop3A_1689 = arith.mulf %parallel_loop3A_1688, %parallel_loop3A_1688 : vector<32xbf16>
      %parallel_loop3A_1690 = arith.addf %parallel_loop3A_1687, %parallel_loop3A_1689 : vector<32xbf16>
      %parallel_loop3A_1691 = arith.maximumf %parallel_loop3A_1620, %parallel_loop3A_1690 : vector<32xbf16>
      %parallel_loop3A_1692 = arith.minimumf %parallel_loop3A_1620, %parallel_loop3A_1690 : vector<32xbf16>
      %parallel_loop3A_1693 = arith.maximumf %parallel_loop3A_1622, %parallel_loop3A_1691 : vector<32xbf16>
      %parallel_loop3A_1694 = arith.minimumf %parallel_loop3A_1622, %parallel_loop3A_1691 : vector<32xbf16>
      %parallel_loop3A_1695 = arith.maximumf %parallel_loop3A_1624, %parallel_loop3A_1693 : vector<32xbf16>
      %parallel_loop3A_1696 = arith.minimumf %parallel_loop3A_1624, %parallel_loop3A_1693 : vector<32xbf16>
      %parallel_loop3A_1697 = arith.minimumf %parallel_loop3A_1625, %parallel_loop3A_1695 : vector<32xbf16>
      %parallel_loop3A_1698 = vector.extract_strided_slice %parallel_loop3A_1257 {offsets = [6], sizes = [1], strides = [1]} : vector<16xf32> to vector<1xf32>
      %parallel_loop3A_1699 = vector.extract %parallel_loop3A_1698[0] : f32 from vector<1xf32>
      %parallel_loop3A_1700 = vector.broadcast %parallel_loop3A_1699 : f32 to vector<16xf32>
      %parallel_loop3A_1701 = vector.extract_strided_slice %parallel_loop3A_1261 {offsets = [6], sizes = [1], strides = [1]} : vector<16xf32> to vector<1xf32>
      %parallel_loop3A_1702 = vector.extract %parallel_loop3A_1701[0] : f32 from vector<1xf32>
      %parallel_loop3A_1703 = vector.broadcast %parallel_loop3A_1702 : f32 to vector<16xf32>
      %parallel_loop3A_1704 = vector.extract_strided_slice %parallel_loop3A_1265 {offsets = [6], sizes = [1], strides = [1]} : vector<16xf32> to vector<1xf32>
      %parallel_loop3A_1705 = vector.extract %parallel_loop3A_1704[0] : f32 from vector<1xf32>
      %parallel_loop3A_1706 = vector.broadcast %parallel_loop3A_1705 : f32 to vector<16xf32>
      %parallel_loop3A_1707 = tpu.pack_subelements %parallel_loop3A_1700, %parallel_loop3A_1700 {pack_format = #tpu.pack_format<interleaved>, positions = array<i32: 0, 1>} : vector<16xf32>, vector<16xf32> -> vector<32xbf16>
      %parallel_loop3A_1708 = tpu.pack_subelements %parallel_loop3A_1703, %parallel_loop3A_1703 {pack_format = #tpu.pack_format<interleaved>, positions = array<i32: 0, 1>} : vector<16xf32>, vector<16xf32> -> vector<32xbf16>
      %parallel_loop3A_1709 = tpu.pack_subelements %parallel_loop3A_1706, %parallel_loop3A_1706 {pack_format = #tpu.pack_format<interleaved>, positions = array<i32: 0, 1>} : vector<16xf32>, vector<16xf32> -> vector<32xbf16>
      %parallel_loop3A_1710 = arith.subf %pack3A, %parallel_loop3A_1707 : vector<32xbf16>
      %parallel_loop3A_1711 = arith.mulf %parallel_loop3A_1710, %parallel_loop3A_1710 : vector<32xbf16>
      %parallel_loop3A_1712 = arith.subf %pack3A_25, %parallel_loop3A_1708 : vector<32xbf16>
      %parallel_loop3A_1713 = arith.mulf %parallel_loop3A_1712, %parallel_loop3A_1712 : vector<32xbf16>
      %parallel_loop3A_1714 = arith.addf %parallel_loop3A_1711, %parallel_loop3A_1713 : vector<32xbf16>
      %parallel_loop3A_1715 = arith.subf %pack3A_34, %parallel_loop3A_1709 : vector<32xbf16>
      %parallel_loop3A_1716 = arith.mulf %parallel_loop3A_1715, %parallel_loop3A_1715 : vector<32xbf16>
      %parallel_loop3A_1717 = arith.addf %parallel_loop3A_1714, %parallel_loop3A_1716 : vector<32xbf16>
      %parallel_loop3A_1718 = arith.maximumf %parallel_loop3A_1647, %parallel_loop3A_1717 : vector<32xbf16>
      %parallel_loop3A_1719 = arith.minimumf %parallel_loop3A_1647, %parallel_loop3A_1717 : vector<32xbf16>
      %parallel_loop3A_1720 = arith.maximumf %parallel_loop3A_1649, %parallel_loop3A_1718 : vector<32xbf16>
      %parallel_loop3A_1721 = arith.minimumf %parallel_loop3A_1649, %parallel_loop3A_1718 : vector<32xbf16>
      %parallel_loop3A_1722 = arith.maximumf %parallel_loop3A_1651, %parallel_loop3A_1720 : vector<32xbf16>
      %parallel_loop3A_1723 = arith.minimumf %parallel_loop3A_1651, %parallel_loop3A_1720 : vector<32xbf16>
      %parallel_loop3A_1724 = arith.minimumf %parallel_loop3A_1652, %parallel_loop3A_1722 : vector<32xbf16>
      %parallel_loop3A_1725 = arith.subf %pack3A_49, %parallel_loop3A_1707 : vector<32xbf16>
      %parallel_loop3A_1726 = arith.mulf %parallel_loop3A_1725, %parallel_loop3A_1725 : vector<32xbf16>
      %parallel_loop3A_1727 = arith.subf %pack3A_58, %parallel_loop3A_1708 : vector<32xbf16>
      %parallel_loop3A_1728 = arith.mulf %parallel_loop3A_1727, %parallel_loop3A_1727 : vector<32xbf16>
      %parallel_loop3A_1729 = arith.addf %parallel_loop3A_1726, %parallel_loop3A_1728 : vector<32xbf16>
      %parallel_loop3A_1730 = arith.subf %pack3A_67, %parallel_loop3A_1709 : vector<32xbf16>
      %parallel_loop3A_1731 = arith.mulf %parallel_loop3A_1730, %parallel_loop3A_1730 : vector<32xbf16>
      %parallel_loop3A_1732 = arith.addf %parallel_loop3A_1729, %parallel_loop3A_1731 : vector<32xbf16>
      %parallel_loop3A_1733 = arith.maximumf %parallel_loop3A_1662, %parallel_loop3A_1732 : vector<32xbf16>
      %parallel_loop3A_1734 = arith.minimumf %parallel_loop3A_1662, %parallel_loop3A_1732 : vector<32xbf16>
      %parallel_loop3A_1735 = arith.maximumf %parallel_loop3A_1664, %parallel_loop3A_1733 : vector<32xbf16>
      %parallel_loop3A_1736 = arith.minimumf %parallel_loop3A_1664, %parallel_loop3A_1733 : vector<32xbf16>
      %parallel_loop3A_1737 = arith.maximumf %parallel_loop3A_1666, %parallel_loop3A_1735 : vector<32xbf16>
      %parallel_loop3A_1738 = arith.minimumf %parallel_loop3A_1666, %parallel_loop3A_1735 : vector<32xbf16>
      %parallel_loop3A_1739 = arith.minimumf %parallel_loop3A_1667, %parallel_loop3A_1737 : vector<32xbf16>
      %parallel_loop3A_1740 = arith.subf %pack3A_82, %parallel_loop3A_1707 : vector<32xbf16>
      %parallel_loop3A_1741 = arith.mulf %parallel_loop3A_1740, %parallel_loop3A_1740 : vector<32xbf16>
      %parallel_loop3A_1742 = arith.subf %pack3A_91, %parallel_loop3A_1708 : vector<32xbf16>
      %parallel_loop3A_1743 = arith.mulf %parallel_loop3A_1742, %parallel_loop3A_1742 : vector<32xbf16>
      %parallel_loop3A_1744 = arith.addf %parallel_loop3A_1741, %parallel_loop3A_1743 : vector<32xbf16>
      %parallel_loop3A_1745 = arith.subf %pack3A_100, %parallel_loop3A_1709 : vector<32xbf16>
      %parallel_loop3A_1746 = arith.mulf %parallel_loop3A_1745, %parallel_loop3A_1745 : vector<32xbf16>
      %parallel_loop3A_1747 = arith.addf %parallel_loop3A_1744, %parallel_loop3A_1746 : vector<32xbf16>
      %parallel_loop3A_1748 = arith.maximumf %parallel_loop3A_1677, %parallel_loop3A_1747 : vector<32xbf16>
      %parallel_loop3A_1749 = arith.minimumf %parallel_loop3A_1677, %parallel_loop3A_1747 : vector<32xbf16>
      %parallel_loop3A_1750 = arith.maximumf %parallel_loop3A_1679, %parallel_loop3A_1748 : vector<32xbf16>
      %parallel_loop3A_1751 = arith.minimumf %parallel_loop3A_1679, %parallel_loop3A_1748 : vector<32xbf16>
      %parallel_loop3A_1752 = arith.maximumf %parallel_loop3A_1681, %parallel_loop3A_1750 : vector<32xbf16>
      %parallel_loop3A_1753 = arith.minimumf %parallel_loop3A_1681, %parallel_loop3A_1750 : vector<32xbf16>
      %parallel_loop3A_1754 = arith.minimumf %parallel_loop3A_1682, %parallel_loop3A_1752 : vector<32xbf16>
      %parallel_loop3A_1755 = arith.subf %pack3A_115, %parallel_loop3A_1707 : vector<32xbf16>
      %parallel_loop3A_1756 = arith.mulf %parallel_loop3A_1755, %parallel_loop3A_1755 : vector<32xbf16>
      %parallel_loop3A_1757 = arith.subf %pack3A_124, %parallel_loop3A_1708 : vector<32xbf16>
      %parallel_loop3A_1758 = arith.mulf %parallel_loop3A_1757, %parallel_loop3A_1757 : vector<32xbf16>
      %parallel_loop3A_1759 = arith.addf %parallel_loop3A_1756, %parallel_loop3A_1758 : vector<32xbf16>
      %parallel_loop3A_1760 = arith.subf %pack3A_133, %parallel_loop3A_1709 : vector<32xbf16>
      %parallel_loop3A_1761 = arith.mulf %parallel_loop3A_1760, %parallel_loop3A_1760 : vector<32xbf16>
      %parallel_loop3A_1762 = arith.addf %parallel_loop3A_1759, %parallel_loop3A_1761 : vector<32xbf16>
      %parallel_loop3A_1763 = arith.maximumf %parallel_loop3A_1692, %parallel_loop3A_1762 : vector<32xbf16>
      %parallel_loop3A_1764 = arith.minimumf %parallel_loop3A_1692, %parallel_loop3A_1762 : vector<32xbf16>
      %parallel_loop3A_1765 = arith.maximumf %parallel_loop3A_1694, %parallel_loop3A_1763 : vector<32xbf16>
      %parallel_loop3A_1766 = arith.minimumf %parallel_loop3A_1694, %parallel_loop3A_1763 : vector<32xbf16>
      %parallel_loop3A_1767 = arith.maximumf %parallel_loop3A_1696, %parallel_loop3A_1765 : vector<32xbf16>
      %parallel_loop3A_1768 = arith.minimumf %parallel_loop3A_1696, %parallel_loop3A_1765 : vector<32xbf16>
      %parallel_loop3A_1769 = arith.minimumf %parallel_loop3A_1697, %parallel_loop3A_1767 : vector<32xbf16>
      %parallel_loop3A_1770 = vector.extract_strided_slice %parallel_loop3A_1257 {offsets = [7], sizes = [1], strides = [1]} : vector<16xf32> to vector<1xf32>
      %parallel_loop3A_1771 = vector.extract %parallel_loop3A_1770[0] : f32 from vector<1xf32>
      %parallel_loop3A_1772 = vector.broadcast %parallel_loop3A_1771 : f32 to vector<16xf32>
      %parallel_loop3A_1773 = vector.extract_strided_slice %parallel_loop3A_1261 {offsets = [7], sizes = [1], strides = [1]} : vector<16xf32> to vector<1xf32>
      %parallel_loop3A_1774 = vector.extract %parallel_loop3A_1773[0] : f32 from vector<1xf32>
      %parallel_loop3A_1775 = vector.broadcast %parallel_loop3A_1774 : f32 to vector<16xf32>
      %parallel_loop3A_1776 = vector.extract_strided_slice %parallel_loop3A_1265 {offsets = [7], sizes = [1], strides = [1]} : vector<16xf32> to vector<1xf32>
      %parallel_loop3A_1777 = vector.extract %parallel_loop3A_1776[0] : f32 from vector<1xf32>
      %parallel_loop3A_1778 = vector.broadcast %parallel_loop3A_1777 : f32 to vector<16xf32>
      %parallel_loop3A_1779 = tpu.pack_subelements %parallel_loop3A_1772, %parallel_loop3A_1772 {pack_format = #tpu.pack_format<interleaved>, positions = array<i32: 0, 1>} : vector<16xf32>, vector<16xf32> -> vector<32xbf16>
      %parallel_loop3A_1780 = tpu.pack_subelements %parallel_loop3A_1775, %parallel_loop3A_1775 {pack_format = #tpu.pack_format<interleaved>, positions = array<i32: 0, 1>} : vector<16xf32>, vector<16xf32> -> vector<32xbf16>
      %parallel_loop3A_1781 = tpu.pack_subelements %parallel_loop3A_1778, %parallel_loop3A_1778 {pack_format = #tpu.pack_format<interleaved>, positions = array<i32: 0, 1>} : vector<16xf32>, vector<16xf32> -> vector<32xbf16>
      %parallel_loop3A_1782 = arith.subf %pack3A, %parallel_loop3A_1779 : vector<32xbf16>
      %parallel_loop3A_1783 = arith.mulf %parallel_loop3A_1782, %parallel_loop3A_1782 : vector<32xbf16>
      %parallel_loop3A_1784 = arith.subf %pack3A_25, %parallel_loop3A_1780 : vector<32xbf16>
      %parallel_loop3A_1785 = arith.mulf %parallel_loop3A_1784, %parallel_loop3A_1784 : vector<32xbf16>
      %parallel_loop3A_1786 = arith.addf %parallel_loop3A_1783, %parallel_loop3A_1785 : vector<32xbf16>
      %parallel_loop3A_1787 = arith.subf %pack3A_34, %parallel_loop3A_1781 : vector<32xbf16>
      %parallel_loop3A_1788 = arith.mulf %parallel_loop3A_1787, %parallel_loop3A_1787 : vector<32xbf16>
      %parallel_loop3A_1789 = arith.addf %parallel_loop3A_1786, %parallel_loop3A_1788 : vector<32xbf16>
      %parallel_loop3A_1790 = arith.maximumf %parallel_loop3A_1719, %parallel_loop3A_1789 : vector<32xbf16>
      %parallel_loop3A_1791 = arith.minimumf %parallel_loop3A_1719, %parallel_loop3A_1789 : vector<32xbf16>
      %parallel_loop3A_1792 = arith.maximumf %parallel_loop3A_1721, %parallel_loop3A_1790 : vector<32xbf16>
      %parallel_loop3A_1793 = arith.minimumf %parallel_loop3A_1721, %parallel_loop3A_1790 : vector<32xbf16>
      %parallel_loop3A_1794 = arith.maximumf %parallel_loop3A_1723, %parallel_loop3A_1792 : vector<32xbf16>
      %parallel_loop3A_1795 = arith.minimumf %parallel_loop3A_1723, %parallel_loop3A_1792 : vector<32xbf16>
      %parallel_loop3A_1796 = arith.minimumf %parallel_loop3A_1724, %parallel_loop3A_1794 : vector<32xbf16>
      %parallel_loop3A_1797 = arith.subf %pack3A_49, %parallel_loop3A_1779 : vector<32xbf16>
      %parallel_loop3A_1798 = arith.mulf %parallel_loop3A_1797, %parallel_loop3A_1797 : vector<32xbf16>
      %parallel_loop3A_1799 = arith.subf %pack3A_58, %parallel_loop3A_1780 : vector<32xbf16>
      %parallel_loop3A_1800 = arith.mulf %parallel_loop3A_1799, %parallel_loop3A_1799 : vector<32xbf16>
      %parallel_loop3A_1801 = arith.addf %parallel_loop3A_1798, %parallel_loop3A_1800 : vector<32xbf16>
      %parallel_loop3A_1802 = arith.subf %pack3A_67, %parallel_loop3A_1781 : vector<32xbf16>
      %parallel_loop3A_1803 = arith.mulf %parallel_loop3A_1802, %parallel_loop3A_1802 : vector<32xbf16>
      %parallel_loop3A_1804 = arith.addf %parallel_loop3A_1801, %parallel_loop3A_1803 : vector<32xbf16>
      %parallel_loop3A_1805 = arith.maximumf %parallel_loop3A_1734, %parallel_loop3A_1804 : vector<32xbf16>
      %parallel_loop3A_1806 = arith.minimumf %parallel_loop3A_1734, %parallel_loop3A_1804 : vector<32xbf16>
      %parallel_loop3A_1807 = arith.maximumf %parallel_loop3A_1736, %parallel_loop3A_1805 : vector<32xbf16>
      %parallel_loop3A_1808 = arith.minimumf %parallel_loop3A_1736, %parallel_loop3A_1805 : vector<32xbf16>
      %parallel_loop3A_1809 = arith.maximumf %parallel_loop3A_1738, %parallel_loop3A_1807 : vector<32xbf16>
      %parallel_loop3A_1810 = arith.minimumf %parallel_loop3A_1738, %parallel_loop3A_1807 : vector<32xbf16>
      %parallel_loop3A_1811 = arith.minimumf %parallel_loop3A_1739, %parallel_loop3A_1809 : vector<32xbf16>
      %parallel_loop3A_1812 = arith.subf %pack3A_82, %parallel_loop3A_1779 : vector<32xbf16>
      %parallel_loop3A_1813 = arith.mulf %parallel_loop3A_1812, %parallel_loop3A_1812 : vector<32xbf16>
      %parallel_loop3A_1814 = arith.subf %pack3A_91, %parallel_loop3A_1780 : vector<32xbf16>
      %parallel_loop3A_1815 = arith.mulf %parallel_loop3A_1814, %parallel_loop3A_1814 : vector<32xbf16>
      %parallel_loop3A_1816 = arith.addf %parallel_loop3A_1813, %parallel_loop3A_1815 : vector<32xbf16>
      %parallel_loop3A_1817 = arith.subf %pack3A_100, %parallel_loop3A_1781 : vector<32xbf16>
      %parallel_loop3A_1818 = arith.mulf %parallel_loop3A_1817, %parallel_loop3A_1817 : vector<32xbf16>
      %parallel_loop3A_1819 = arith.addf %parallel_loop3A_1816, %parallel_loop3A_1818 : vector<32xbf16>
      %parallel_loop3A_1820 = arith.maximumf %parallel_loop3A_1749, %parallel_loop3A_1819 : vector<32xbf16>
      %parallel_loop3A_1821 = arith.minimumf %parallel_loop3A_1749, %parallel_loop3A_1819 : vector<32xbf16>
      %parallel_loop3A_1822 = arith.maximumf %parallel_loop3A_1751, %parallel_loop3A_1820 : vector<32xbf16>
      %parallel_loop3A_1823 = arith.minimumf %parallel_loop3A_1751, %parallel_loop3A_1820 : vector<32xbf16>
      %parallel_loop3A_1824 = arith.maximumf %parallel_loop3A_1753, %parallel_loop3A_1822 : vector<32xbf16>
      %parallel_loop3A_1825 = arith.minimumf %parallel_loop3A_1753, %parallel_loop3A_1822 : vector<32xbf16>
      %parallel_loop3A_1826 = arith.minimumf %parallel_loop3A_1754, %parallel_loop3A_1824 : vector<32xbf16>
      %parallel_loop3A_1827 = arith.subf %pack3A_115, %parallel_loop3A_1779 : vector<32xbf16>
      %parallel_loop3A_1828 = arith.mulf %parallel_loop3A_1827, %parallel_loop3A_1827 : vector<32xbf16>
      %parallel_loop3A_1829 = arith.subf %pack3A_124, %parallel_loop3A_1780 : vector<32xbf16>
      %parallel_loop3A_1830 = arith.mulf %parallel_loop3A_1829, %parallel_loop3A_1829 : vector<32xbf16>
      %parallel_loop3A_1831 = arith.addf %parallel_loop3A_1828, %parallel_loop3A_1830 : vector<32xbf16>
      %parallel_loop3A_1832 = arith.subf %pack3A_133, %parallel_loop3A_1781 : vector<32xbf16>
      %parallel_loop3A_1833 = arith.mulf %parallel_loop3A_1832, %parallel_loop3A_1832 : vector<32xbf16>
      %parallel_loop3A_1834 = arith.addf %parallel_loop3A_1831, %parallel_loop3A_1833 : vector<32xbf16>
      %parallel_loop3A_1835 = arith.maximumf %parallel_loop3A_1764, %parallel_loop3A_1834 : vector<32xbf16>
      %parallel_loop3A_1836 = arith.minimumf %parallel_loop3A_1764, %parallel_loop3A_1834 : vector<32xbf16>
      %parallel_loop3A_1837 = arith.maximumf %parallel_loop3A_1766, %parallel_loop3A_1835 : vector<32xbf16>
      %parallel_loop3A_1838 = arith.minimumf %parallel_loop3A_1766, %parallel_loop3A_1835 : vector<32xbf16>
      %parallel_loop3A_1839 = arith.maximumf %parallel_loop3A_1768, %parallel_loop3A_1837 : vector<32xbf16>
      %parallel_loop3A_1840 = arith.minimumf %parallel_loop3A_1768, %parallel_loop3A_1837 : vector<32xbf16>
      %parallel_loop3A_1841 = arith.minimumf %parallel_loop3A_1769, %parallel_loop3A_1839 : vector<32xbf16>
      %parallel_loop3A_1842 = vector.extract_strided_slice %parallel_loop3A_1257 {offsets = [8], sizes = [1], strides = [1]} : vector<16xf32> to vector<1xf32>
      %parallel_loop3A_1843 = vector.extract %parallel_loop3A_1842[0] : f32 from vector<1xf32>
      %parallel_loop3A_1844 = vector.broadcast %parallel_loop3A_1843 : f32 to vector<16xf32>
      %parallel_loop3A_1845 = vector.extract_strided_slice %parallel_loop3A_1261 {offsets = [8], sizes = [1], strides = [1]} : vector<16xf32> to vector<1xf32>
      %parallel_loop3A_1846 = vector.extract %parallel_loop3A_1845[0] : f32 from vector<1xf32>
      %parallel_loop3A_1847 = vector.broadcast %parallel_loop3A_1846 : f32 to vector<16xf32>
      %parallel_loop3A_1848 = vector.extract_strided_slice %parallel_loop3A_1265 {offsets = [8], sizes = [1], strides = [1]} : vector<16xf32> to vector<1xf32>
      %parallel_loop3A_1849 = vector.extract %parallel_loop3A_1848[0] : f32 from vector<1xf32>
      %parallel_loop3A_1850 = vector.broadcast %parallel_loop3A_1849 : f32 to vector<16xf32>
      %parallel_loop3A_1851 = tpu.pack_subelements %parallel_loop3A_1844, %parallel_loop3A_1844 {pack_format = #tpu.pack_format<interleaved>, positions = array<i32: 0, 1>} : vector<16xf32>, vector<16xf32> -> vector<32xbf16>
      %parallel_loop3A_1852 = tpu.pack_subelements %parallel_loop3A_1847, %parallel_loop3A_1847 {pack_format = #tpu.pack_format<interleaved>, positions = array<i32: 0, 1>} : vector<16xf32>, vector<16xf32> -> vector<32xbf16>
      %parallel_loop3A_1853 = tpu.pack_subelements %parallel_loop3A_1850, %parallel_loop3A_1850 {pack_format = #tpu.pack_format<interleaved>, positions = array<i32: 0, 1>} : vector<16xf32>, vector<16xf32> -> vector<32xbf16>
      %parallel_loop3A_1854 = arith.subf %pack3A, %parallel_loop3A_1851 : vector<32xbf16>
      %parallel_loop3A_1855 = arith.mulf %parallel_loop3A_1854, %parallel_loop3A_1854 : vector<32xbf16>
      %parallel_loop3A_1856 = arith.subf %pack3A_25, %parallel_loop3A_1852 : vector<32xbf16>
      %parallel_loop3A_1857 = arith.mulf %parallel_loop3A_1856, %parallel_loop3A_1856 : vector<32xbf16>
      %parallel_loop3A_1858 = arith.addf %parallel_loop3A_1855, %parallel_loop3A_1857 : vector<32xbf16>
      %parallel_loop3A_1859 = arith.subf %pack3A_34, %parallel_loop3A_1853 : vector<32xbf16>
      %parallel_loop3A_1860 = arith.mulf %parallel_loop3A_1859, %parallel_loop3A_1859 : vector<32xbf16>
      %parallel_loop3A_1861 = arith.addf %parallel_loop3A_1858, %parallel_loop3A_1860 : vector<32xbf16>
      %parallel_loop3A_1862 = arith.maximumf %parallel_loop3A_1791, %parallel_loop3A_1861 : vector<32xbf16>
      %parallel_loop3A_1863 = arith.minimumf %parallel_loop3A_1791, %parallel_loop3A_1861 : vector<32xbf16>
      %parallel_loop3A_1864 = arith.maximumf %parallel_loop3A_1793, %parallel_loop3A_1862 : vector<32xbf16>
      %parallel_loop3A_1865 = arith.minimumf %parallel_loop3A_1793, %parallel_loop3A_1862 : vector<32xbf16>
      %parallel_loop3A_1866 = arith.maximumf %parallel_loop3A_1795, %parallel_loop3A_1864 : vector<32xbf16>
      %parallel_loop3A_1867 = arith.minimumf %parallel_loop3A_1795, %parallel_loop3A_1864 : vector<32xbf16>
      %parallel_loop3A_1868 = arith.minimumf %parallel_loop3A_1796, %parallel_loop3A_1866 : vector<32xbf16>
      %parallel_loop3A_1869 = arith.subf %pack3A_49, %parallel_loop3A_1851 : vector<32xbf16>
      %parallel_loop3A_1870 = arith.mulf %parallel_loop3A_1869, %parallel_loop3A_1869 : vector<32xbf16>
      %parallel_loop3A_1871 = arith.subf %pack3A_58, %parallel_loop3A_1852 : vector<32xbf16>
      %parallel_loop3A_1872 = arith.mulf %parallel_loop3A_1871, %parallel_loop3A_1871 : vector<32xbf16>
      %parallel_loop3A_1873 = arith.addf %parallel_loop3A_1870, %parallel_loop3A_1872 : vector<32xbf16>
      %parallel_loop3A_1874 = arith.subf %pack3A_67, %parallel_loop3A_1853 : vector<32xbf16>
      %parallel_loop3A_1875 = arith.mulf %parallel_loop3A_1874, %parallel_loop3A_1874 : vector<32xbf16>
      %parallel_loop3A_1876 = arith.addf %parallel_loop3A_1873, %parallel_loop3A_1875 : vector<32xbf16>
      %parallel_loop3A_1877 = arith.maximumf %parallel_loop3A_1806, %parallel_loop3A_1876 : vector<32xbf16>
      %parallel_loop3A_1878 = arith.minimumf %parallel_loop3A_1806, %parallel_loop3A_1876 : vector<32xbf16>
      %parallel_loop3A_1879 = arith.maximumf %parallel_loop3A_1808, %parallel_loop3A_1877 : vector<32xbf16>
      %parallel_loop3A_1880 = arith.minimumf %parallel_loop3A_1808, %parallel_loop3A_1877 : vector<32xbf16>
      %parallel_loop3A_1881 = arith.maximumf %parallel_loop3A_1810, %parallel_loop3A_1879 : vector<32xbf16>
      %parallel_loop3A_1882 = arith.minimumf %parallel_loop3A_1810, %parallel_loop3A_1879 : vector<32xbf16>
      %parallel_loop3A_1883 = arith.minimumf %parallel_loop3A_1811, %parallel_loop3A_1881 : vector<32xbf16>
      %parallel_loop3A_1884 = arith.subf %pack3A_82, %parallel_loop3A_1851 : vector<32xbf16>
      %parallel_loop3A_1885 = arith.mulf %parallel_loop3A_1884, %parallel_loop3A_1884 : vector<32xbf16>
      %parallel_loop3A_1886 = arith.subf %pack3A_91, %parallel_loop3A_1852 : vector<32xbf16>
      %parallel_loop3A_1887 = arith.mulf %parallel_loop3A_1886, %parallel_loop3A_1886 : vector<32xbf16>
      %parallel_loop3A_1888 = arith.addf %parallel_loop3A_1885, %parallel_loop3A_1887 : vector<32xbf16>
      %parallel_loop3A_1889 = arith.subf %pack3A_100, %parallel_loop3A_1853 : vector<32xbf16>
      %parallel_loop3A_1890 = arith.mulf %parallel_loop3A_1889, %parallel_loop3A_1889 : vector<32xbf16>
      %parallel_loop3A_1891 = arith.addf %parallel_loop3A_1888, %parallel_loop3A_1890 : vector<32xbf16>
      %parallel_loop3A_1892 = arith.maximumf %parallel_loop3A_1821, %parallel_loop3A_1891 : vector<32xbf16>
      %parallel_loop3A_1893 = arith.minimumf %parallel_loop3A_1821, %parallel_loop3A_1891 : vector<32xbf16>
      %parallel_loop3A_1894 = arith.maximumf %parallel_loop3A_1823, %parallel_loop3A_1892 : vector<32xbf16>
      %parallel_loop3A_1895 = arith.minimumf %parallel_loop3A_1823, %parallel_loop3A_1892 : vector<32xbf16>
      %parallel_loop3A_1896 = arith.maximumf %parallel_loop3A_1825, %parallel_loop3A_1894 : vector<32xbf16>
      %parallel_loop3A_1897 = arith.minimumf %parallel_loop3A_1825, %parallel_loop3A_1894 : vector<32xbf16>
      %parallel_loop3A_1898 = arith.minimumf %parallel_loop3A_1826, %parallel_loop3A_1896 : vector<32xbf16>
      %parallel_loop3A_1899 = arith.subf %pack3A_115, %parallel_loop3A_1851 : vector<32xbf16>
      %parallel_loop3A_1900 = arith.mulf %parallel_loop3A_1899, %parallel_loop3A_1899 : vector<32xbf16>
      %parallel_loop3A_1901 = arith.subf %pack3A_124, %parallel_loop3A_1852 : vector<32xbf16>
      %parallel_loop3A_1902 = arith.mulf %parallel_loop3A_1901, %parallel_loop3A_1901 : vector<32xbf16>
      %parallel_loop3A_1903 = arith.addf %parallel_loop3A_1900, %parallel_loop3A_1902 : vector<32xbf16>
      %parallel_loop3A_1904 = arith.subf %pack3A_133, %parallel_loop3A_1853 : vector<32xbf16>
      %parallel_loop3A_1905 = arith.mulf %parallel_loop3A_1904, %parallel_loop3A_1904 : vector<32xbf16>
      %parallel_loop3A_1906 = arith.addf %parallel_loop3A_1903, %parallel_loop3A_1905 : vector<32xbf16>
      %parallel_loop3A_1907 = arith.maximumf %parallel_loop3A_1836, %parallel_loop3A_1906 : vector<32xbf16>
      %parallel_loop3A_1908 = arith.minimumf %parallel_loop3A_1836, %parallel_loop3A_1906 : vector<32xbf16>
      %parallel_loop3A_1909 = arith.maximumf %parallel_loop3A_1838, %parallel_loop3A_1907 : vector<32xbf16>
      %parallel_loop3A_1910 = arith.minimumf %parallel_loop3A_1838, %parallel_loop3A_1907 : vector<32xbf16>
      %parallel_loop3A_1911 = arith.maximumf %parallel_loop3A_1840, %parallel_loop3A_1909 : vector<32xbf16>
      %parallel_loop3A_1912 = arith.minimumf %parallel_loop3A_1840, %parallel_loop3A_1909 : vector<32xbf16>
      %parallel_loop3A_1913 = arith.minimumf %parallel_loop3A_1841, %parallel_loop3A_1911 : vector<32xbf16>
      %parallel_loop3A_1914 = vector.extract_strided_slice %parallel_loop3A_1257 {offsets = [9], sizes = [1], strides = [1]} : vector<16xf32> to vector<1xf32>
      %parallel_loop3A_1915 = vector.extract %parallel_loop3A_1914[0] : f32 from vector<1xf32>
      %parallel_loop3A_1916 = vector.broadcast %parallel_loop3A_1915 : f32 to vector<16xf32>
      %parallel_loop3A_1917 = vector.extract_strided_slice %parallel_loop3A_1261 {offsets = [9], sizes = [1], strides = [1]} : vector<16xf32> to vector<1xf32>
      %parallel_loop3A_1918 = vector.extract %parallel_loop3A_1917[0] : f32 from vector<1xf32>
      %parallel_loop3A_1919 = vector.broadcast %parallel_loop3A_1918 : f32 to vector<16xf32>
      %parallel_loop3A_1920 = vector.extract_strided_slice %parallel_loop3A_1265 {offsets = [9], sizes = [1], strides = [1]} : vector<16xf32> to vector<1xf32>
      %parallel_loop3A_1921 = vector.extract %parallel_loop3A_1920[0] : f32 from vector<1xf32>
      %parallel_loop3A_1922 = vector.broadcast %parallel_loop3A_1921 : f32 to vector<16xf32>
      %parallel_loop3A_1923 = tpu.pack_subelements %parallel_loop3A_1916, %parallel_loop3A_1916 {pack_format = #tpu.pack_format<interleaved>, positions = array<i32: 0, 1>} : vector<16xf32>, vector<16xf32> -> vector<32xbf16>
      %parallel_loop3A_1924 = tpu.pack_subelements %parallel_loop3A_1919, %parallel_loop3A_1919 {pack_format = #tpu.pack_format<interleaved>, positions = array<i32: 0, 1>} : vector<16xf32>, vector<16xf32> -> vector<32xbf16>
      %parallel_loop3A_1925 = tpu.pack_subelements %parallel_loop3A_1922, %parallel_loop3A_1922 {pack_format = #tpu.pack_format<interleaved>, positions = array<i32: 0, 1>} : vector<16xf32>, vector<16xf32> -> vector<32xbf16>
      %parallel_loop3A_1926 = arith.subf %pack3A, %parallel_loop3A_1923 : vector<32xbf16>
      %parallel_loop3A_1927 = arith.mulf %parallel_loop3A_1926, %parallel_loop3A_1926 : vector<32xbf16>
      %parallel_loop3A_1928 = arith.subf %pack3A_25, %parallel_loop3A_1924 : vector<32xbf16>
      %parallel_loop3A_1929 = arith.mulf %parallel_loop3A_1928, %parallel_loop3A_1928 : vector<32xbf16>
      %parallel_loop3A_1930 = arith.addf %parallel_loop3A_1927, %parallel_loop3A_1929 : vector<32xbf16>
      %parallel_loop3A_1931 = arith.subf %pack3A_34, %parallel_loop3A_1925 : vector<32xbf16>
      %parallel_loop3A_1932 = arith.mulf %parallel_loop3A_1931, %parallel_loop3A_1931 : vector<32xbf16>
      %parallel_loop3A_1933 = arith.addf %parallel_loop3A_1930, %parallel_loop3A_1932 : vector<32xbf16>
      %parallel_loop3A_1934 = arith.maximumf %parallel_loop3A_1863, %parallel_loop3A_1933 : vector<32xbf16>
      %parallel_loop3A_1935 = arith.minimumf %parallel_loop3A_1863, %parallel_loop3A_1933 : vector<32xbf16>
      %parallel_loop3A_1936 = arith.maximumf %parallel_loop3A_1865, %parallel_loop3A_1934 : vector<32xbf16>
      %parallel_loop3A_1937 = arith.minimumf %parallel_loop3A_1865, %parallel_loop3A_1934 : vector<32xbf16>
      %parallel_loop3A_1938 = arith.maximumf %parallel_loop3A_1867, %parallel_loop3A_1936 : vector<32xbf16>
      %parallel_loop3A_1939 = arith.minimumf %parallel_loop3A_1867, %parallel_loop3A_1936 : vector<32xbf16>
      %parallel_loop3A_1940 = arith.minimumf %parallel_loop3A_1868, %parallel_loop3A_1938 : vector<32xbf16>
      %parallel_loop3A_1941 = arith.subf %pack3A_49, %parallel_loop3A_1923 : vector<32xbf16>
      %parallel_loop3A_1942 = arith.mulf %parallel_loop3A_1941, %parallel_loop3A_1941 : vector<32xbf16>
      %parallel_loop3A_1943 = arith.subf %pack3A_58, %parallel_loop3A_1924 : vector<32xbf16>
      %parallel_loop3A_1944 = arith.mulf %parallel_loop3A_1943, %parallel_loop3A_1943 : vector<32xbf16>
      %parallel_loop3A_1945 = arith.addf %parallel_loop3A_1942, %parallel_loop3A_1944 : vector<32xbf16>
      %parallel_loop3A_1946 = arith.subf %pack3A_67, %parallel_loop3A_1925 : vector<32xbf16>
      %parallel_loop3A_1947 = arith.mulf %parallel_loop3A_1946, %parallel_loop3A_1946 : vector<32xbf16>
      %parallel_loop3A_1948 = arith.addf %parallel_loop3A_1945, %parallel_loop3A_1947 : vector<32xbf16>
      %parallel_loop3A_1949 = arith.maximumf %parallel_loop3A_1878, %parallel_loop3A_1948 : vector<32xbf16>
      %parallel_loop3A_1950 = arith.minimumf %parallel_loop3A_1878, %parallel_loop3A_1948 : vector<32xbf16>
      %parallel_loop3A_1951 = arith.maximumf %parallel_loop3A_1880, %parallel_loop3A_1949 : vector<32xbf16>
      %parallel_loop3A_1952 = arith.minimumf %parallel_loop3A_1880, %parallel_loop3A_1949 : vector<32xbf16>
      %parallel_loop3A_1953 = arith.maximumf %parallel_loop3A_1882, %parallel_loop3A_1951 : vector<32xbf16>
      %parallel_loop3A_1954 = arith.minimumf %parallel_loop3A_1882, %parallel_loop3A_1951 : vector<32xbf16>
      %parallel_loop3A_1955 = arith.minimumf %parallel_loop3A_1883, %parallel_loop3A_1953 : vector<32xbf16>
      %parallel_loop3A_1956 = arith.subf %pack3A_82, %parallel_loop3A_1923 : vector<32xbf16>
      %parallel_loop3A_1957 = arith.mulf %parallel_loop3A_1956, %parallel_loop3A_1956 : vector<32xbf16>
      %parallel_loop3A_1958 = arith.subf %pack3A_91, %parallel_loop3A_1924 : vector<32xbf16>
      %parallel_loop3A_1959 = arith.mulf %parallel_loop3A_1958, %parallel_loop3A_1958 : vector<32xbf16>
      %parallel_loop3A_1960 = arith.addf %parallel_loop3A_1957, %parallel_loop3A_1959 : vector<32xbf16>
      %parallel_loop3A_1961 = arith.subf %pack3A_100, %parallel_loop3A_1925 : vector<32xbf16>
      %parallel_loop3A_1962 = arith.mulf %parallel_loop3A_1961, %parallel_loop3A_1961 : vector<32xbf16>
      %parallel_loop3A_1963 = arith.addf %parallel_loop3A_1960, %parallel_loop3A_1962 : vector<32xbf16>
      %parallel_loop3A_1964 = arith.maximumf %parallel_loop3A_1893, %parallel_loop3A_1963 : vector<32xbf16>
      %parallel_loop3A_1965 = arith.minimumf %parallel_loop3A_1893, %parallel_loop3A_1963 : vector<32xbf16>
      %parallel_loop3A_1966 = arith.maximumf %parallel_loop3A_1895, %parallel_loop3A_1964 : vector<32xbf16>
      %parallel_loop3A_1967 = arith.minimumf %parallel_loop3A_1895, %parallel_loop3A_1964 : vector<32xbf16>
      %parallel_loop3A_1968 = arith.maximumf %parallel_loop3A_1897, %parallel_loop3A_1966 : vector<32xbf16>
      %parallel_loop3A_1969 = arith.minimumf %parallel_loop3A_1897, %parallel_loop3A_1966 : vector<32xbf16>
      %parallel_loop3A_1970 = arith.minimumf %parallel_loop3A_1898, %parallel_loop3A_1968 : vector<32xbf16>
      %parallel_loop3A_1971 = arith.subf %pack3A_115, %parallel_loop3A_1923 : vector<32xbf16>
      %parallel_loop3A_1972 = arith.mulf %parallel_loop3A_1971, %parallel_loop3A_1971 : vector<32xbf16>
      %parallel_loop3A_1973 = arith.subf %pack3A_124, %parallel_loop3A_1924 : vector<32xbf16>
      %parallel_loop3A_1974 = arith.mulf %parallel_loop3A_1973, %parallel_loop3A_1973 : vector<32xbf16>
      %parallel_loop3A_1975 = arith.addf %parallel_loop3A_1972, %parallel_loop3A_1974 : vector<32xbf16>
      %parallel_loop3A_1976 = arith.subf %pack3A_133, %parallel_loop3A_1925 : vector<32xbf16>
      %parallel_loop3A_1977 = arith.mulf %parallel_loop3A_1976, %parallel_loop3A_1976 : vector<32xbf16>
      %parallel_loop3A_1978 = arith.addf %parallel_loop3A_1975, %parallel_loop3A_1977 : vector<32xbf16>
      %parallel_loop3A_1979 = arith.maximumf %parallel_loop3A_1908, %parallel_loop3A_1978 : vector<32xbf16>
      %parallel_loop3A_1980 = arith.minimumf %parallel_loop3A_1908, %parallel_loop3A_1978 : vector<32xbf16>
      %parallel_loop3A_1981 = arith.maximumf %parallel_loop3A_1910, %parallel_loop3A_1979 : vector<32xbf16>
      %parallel_loop3A_1982 = arith.minimumf %parallel_loop3A_1910, %parallel_loop3A_1979 : vector<32xbf16>
      %parallel_loop3A_1983 = arith.maximumf %parallel_loop3A_1912, %parallel_loop3A_1981 : vector<32xbf16>
      %parallel_loop3A_1984 = arith.minimumf %parallel_loop3A_1912, %parallel_loop3A_1981 : vector<32xbf16>
      %parallel_loop3A_1985 = arith.minimumf %parallel_loop3A_1913, %parallel_loop3A_1983 : vector<32xbf16>
      %parallel_loop3A_1986 = vector.extract_strided_slice %parallel_loop3A_1257 {offsets = [10], sizes = [1], strides = [1]} : vector<16xf32> to vector<1xf32>
      %parallel_loop3A_1987 = vector.extract %parallel_loop3A_1986[0] : f32 from vector<1xf32>
      %parallel_loop3A_1988 = vector.broadcast %parallel_loop3A_1987 : f32 to vector<16xf32>
      %parallel_loop3A_1989 = vector.extract_strided_slice %parallel_loop3A_1261 {offsets = [10], sizes = [1], strides = [1]} : vector<16xf32> to vector<1xf32>
      %parallel_loop3A_1990 = vector.extract %parallel_loop3A_1989[0] : f32 from vector<1xf32>
      %parallel_loop3A_1991 = vector.broadcast %parallel_loop3A_1990 : f32 to vector<16xf32>
      %parallel_loop3A_1992 = vector.extract_strided_slice %parallel_loop3A_1265 {offsets = [10], sizes = [1], strides = [1]} : vector<16xf32> to vector<1xf32>
      %parallel_loop3A_1993 = vector.extract %parallel_loop3A_1992[0] : f32 from vector<1xf32>
      %parallel_loop3A_1994 = vector.broadcast %parallel_loop3A_1993 : f32 to vector<16xf32>
      %parallel_loop3A_1995 = tpu.pack_subelements %parallel_loop3A_1988, %parallel_loop3A_1988 {pack_format = #tpu.pack_format<interleaved>, positions = array<i32: 0, 1>} : vector<16xf32>, vector<16xf32> -> vector<32xbf16>
      %parallel_loop3A_1996 = tpu.pack_subelements %parallel_loop3A_1991, %parallel_loop3A_1991 {pack_format = #tpu.pack_format<interleaved>, positions = array<i32: 0, 1>} : vector<16xf32>, vector<16xf32> -> vector<32xbf16>
      %parallel_loop3A_1997 = tpu.pack_subelements %parallel_loop3A_1994, %parallel_loop3A_1994 {pack_format = #tpu.pack_format<interleaved>, positions = array<i32: 0, 1>} : vector<16xf32>, vector<16xf32> -> vector<32xbf16>
      %parallel_loop3A_1998 = arith.subf %pack3A, %parallel_loop3A_1995 : vector<32xbf16>
      %parallel_loop3A_1999 = arith.mulf %parallel_loop3A_1998, %parallel_loop3A_1998 : vector<32xbf16>
      %parallel_loop3A_2000 = arith.subf %pack3A_25, %parallel_loop3A_1996 : vector<32xbf16>
      %parallel_loop3A_2001 = arith.mulf %parallel_loop3A_2000, %parallel_loop3A_2000 : vector<32xbf16>
      %parallel_loop3A_2002 = arith.addf %parallel_loop3A_1999, %parallel_loop3A_2001 : vector<32xbf16>
      %parallel_loop3A_2003 = arith.subf %pack3A_34, %parallel_loop3A_1997 : vector<32xbf16>
      %parallel_loop3A_2004 = arith.mulf %parallel_loop3A_2003, %parallel_loop3A_2003 : vector<32xbf16>
      %parallel_loop3A_2005 = arith.addf %parallel_loop3A_2002, %parallel_loop3A_2004 : vector<32xbf16>
      %parallel_loop3A_2006 = arith.maximumf %parallel_loop3A_1935, %parallel_loop3A_2005 : vector<32xbf16>
      %parallel_loop3A_2007 = arith.minimumf %parallel_loop3A_1935, %parallel_loop3A_2005 : vector<32xbf16>
      %parallel_loop3A_2008 = arith.maximumf %parallel_loop3A_1937, %parallel_loop3A_2006 : vector<32xbf16>
      %parallel_loop3A_2009 = arith.minimumf %parallel_loop3A_1937, %parallel_loop3A_2006 : vector<32xbf16>
      %parallel_loop3A_2010 = arith.maximumf %parallel_loop3A_1939, %parallel_loop3A_2008 : vector<32xbf16>
      %parallel_loop3A_2011 = arith.minimumf %parallel_loop3A_1939, %parallel_loop3A_2008 : vector<32xbf16>
      %parallel_loop3A_2012 = arith.minimumf %parallel_loop3A_1940, %parallel_loop3A_2010 : vector<32xbf16>
      %parallel_loop3A_2013 = arith.subf %pack3A_49, %parallel_loop3A_1995 : vector<32xbf16>
      %parallel_loop3A_2014 = arith.mulf %parallel_loop3A_2013, %parallel_loop3A_2013 : vector<32xbf16>
      %parallel_loop3A_2015 = arith.subf %pack3A_58, %parallel_loop3A_1996 : vector<32xbf16>
      %parallel_loop3A_2016 = arith.mulf %parallel_loop3A_2015, %parallel_loop3A_2015 : vector<32xbf16>
      %parallel_loop3A_2017 = arith.addf %parallel_loop3A_2014, %parallel_loop3A_2016 : vector<32xbf16>
      %parallel_loop3A_2018 = arith.subf %pack3A_67, %parallel_loop3A_1997 : vector<32xbf16>
      %parallel_loop3A_2019 = arith.mulf %parallel_loop3A_2018, %parallel_loop3A_2018 : vector<32xbf16>
      %parallel_loop3A_2020 = arith.addf %parallel_loop3A_2017, %parallel_loop3A_2019 : vector<32xbf16>
      %parallel_loop3A_2021 = arith.maximumf %parallel_loop3A_1950, %parallel_loop3A_2020 : vector<32xbf16>
      %parallel_loop3A_2022 = arith.minimumf %parallel_loop3A_1950, %parallel_loop3A_2020 : vector<32xbf16>
      %parallel_loop3A_2023 = arith.maximumf %parallel_loop3A_1952, %parallel_loop3A_2021 : vector<32xbf16>
      %parallel_loop3A_2024 = arith.minimumf %parallel_loop3A_1952, %parallel_loop3A_2021 : vector<32xbf16>
      %parallel_loop3A_2025 = arith.maximumf %parallel_loop3A_1954, %parallel_loop3A_2023 : vector<32xbf16>
      %parallel_loop3A_2026 = arith.minimumf %parallel_loop3A_1954, %parallel_loop3A_2023 : vector<32xbf16>
      %parallel_loop3A_2027 = arith.minimumf %parallel_loop3A_1955, %parallel_loop3A_2025 : vector<32xbf16>
      %parallel_loop3A_2028 = arith.subf %pack3A_82, %parallel_loop3A_1995 : vector<32xbf16>
      %parallel_loop3A_2029 = arith.mulf %parallel_loop3A_2028, %parallel_loop3A_2028 : vector<32xbf16>
      %parallel_loop3A_2030 = arith.subf %pack3A_91, %parallel_loop3A_1996 : vector<32xbf16>
      %parallel_loop3A_2031 = arith.mulf %parallel_loop3A_2030, %parallel_loop3A_2030 : vector<32xbf16>
      %parallel_loop3A_2032 = arith.addf %parallel_loop3A_2029, %parallel_loop3A_2031 : vector<32xbf16>
      %parallel_loop3A_2033 = arith.subf %pack3A_100, %parallel_loop3A_1997 : vector<32xbf16>
      %parallel_loop3A_2034 = arith.mulf %parallel_loop3A_2033, %parallel_loop3A_2033 : vector<32xbf16>
      %parallel_loop3A_2035 = arith.addf %parallel_loop3A_2032, %parallel_loop3A_2034 : vector<32xbf16>
      %parallel_loop3A_2036 = arith.maximumf %parallel_loop3A_1965, %parallel_loop3A_2035 : vector<32xbf16>
      %parallel_loop3A_2037 = arith.minimumf %parallel_loop3A_1965, %parallel_loop3A_2035 : vector<32xbf16>
      %parallel_loop3A_2038 = arith.maximumf %parallel_loop3A_1967, %parallel_loop3A_2036 : vector<32xbf16>
      %parallel_loop3A_2039 = arith.minimumf %parallel_loop3A_1967, %parallel_loop3A_2036 : vector<32xbf16>
      %parallel_loop3A_2040 = arith.maximumf %parallel_loop3A_1969, %parallel_loop3A_2038 : vector<32xbf16>
      %parallel_loop3A_2041 = arith.minimumf %parallel_loop3A_1969, %parallel_loop3A_2038 : vector<32xbf16>
      %parallel_loop3A_2042 = arith.minimumf %parallel_loop3A_1970, %parallel_loop3A_2040 : vector<32xbf16>
      %parallel_loop3A_2043 = arith.subf %pack3A_115, %parallel_loop3A_1995 : vector<32xbf16>
      %parallel_loop3A_2044 = arith.mulf %parallel_loop3A_2043, %parallel_loop3A_2043 : vector<32xbf16>
      %parallel_loop3A_2045 = arith.subf %pack3A_124, %parallel_loop3A_1996 : vector<32xbf16>
      %parallel_loop3A_2046 = arith.mulf %parallel_loop3A_2045, %parallel_loop3A_2045 : vector<32xbf16>
      %parallel_loop3A_2047 = arith.addf %parallel_loop3A_2044, %parallel_loop3A_2046 : vector<32xbf16>
      %parallel_loop3A_2048 = arith.subf %pack3A_133, %parallel_loop3A_1997 : vector<32xbf16>
      %parallel_loop3A_2049 = arith.mulf %parallel_loop3A_2048, %parallel_loop3A_2048 : vector<32xbf16>
      %parallel_loop3A_2050 = arith.addf %parallel_loop3A_2047, %parallel_loop3A_2049 : vector<32xbf16>
      %parallel_loop3A_2051 = arith.maximumf %parallel_loop3A_1980, %parallel_loop3A_2050 : vector<32xbf16>
      %parallel_loop3A_2052 = arith.minimumf %parallel_loop3A_1980, %parallel_loop3A_2050 : vector<32xbf16>
      %parallel_loop3A_2053 = arith.maximumf %parallel_loop3A_1982, %parallel_loop3A_2051 : vector<32xbf16>
      %parallel_loop3A_2054 = arith.minimumf %parallel_loop3A_1982, %parallel_loop3A_2051 : vector<32xbf16>
      %parallel_loop3A_2055 = arith.maximumf %parallel_loop3A_1984, %parallel_loop3A_2053 : vector<32xbf16>
      %parallel_loop3A_2056 = arith.minimumf %parallel_loop3A_1984, %parallel_loop3A_2053 : vector<32xbf16>
      %parallel_loop3A_2057 = arith.minimumf %parallel_loop3A_1985, %parallel_loop3A_2055 : vector<32xbf16>
      %parallel_loop3A_2058 = vector.extract_strided_slice %parallel_loop3A_1257 {offsets = [11], sizes = [1], strides = [1]} : vector<16xf32> to vector<1xf32>
      %parallel_loop3A_2059 = vector.extract %parallel_loop3A_2058[0] : f32 from vector<1xf32>
      %parallel_loop3A_2060 = vector.broadcast %parallel_loop3A_2059 : f32 to vector<16xf32>
      %parallel_loop3A_2061 = vector.extract_strided_slice %parallel_loop3A_1261 {offsets = [11], sizes = [1], strides = [1]} : vector<16xf32> to vector<1xf32>
      %parallel_loop3A_2062 = vector.extract %parallel_loop3A_2061[0] : f32 from vector<1xf32>
      %parallel_loop3A_2063 = vector.broadcast %parallel_loop3A_2062 : f32 to vector<16xf32>
      %parallel_loop3A_2064 = vector.extract_strided_slice %parallel_loop3A_1265 {offsets = [11], sizes = [1], strides = [1]} : vector<16xf32> to vector<1xf32>
      %parallel_loop3A_2065 = vector.extract %parallel_loop3A_2064[0] : f32 from vector<1xf32>
      %parallel_loop3A_2066 = vector.broadcast %parallel_loop3A_2065 : f32 to vector<16xf32>
      %parallel_loop3A_2067 = tpu.pack_subelements %parallel_loop3A_2060, %parallel_loop3A_2060 {pack_format = #tpu.pack_format<interleaved>, positions = array<i32: 0, 1>} : vector<16xf32>, vector<16xf32> -> vector<32xbf16>
      %parallel_loop3A_2068 = tpu.pack_subelements %parallel_loop3A_2063, %parallel_loop3A_2063 {pack_format = #tpu.pack_format<interleaved>, positions = array<i32: 0, 1>} : vector<16xf32>, vector<16xf32> -> vector<32xbf16>
      %parallel_loop3A_2069 = tpu.pack_subelements %parallel_loop3A_2066, %parallel_loop3A_2066 {pack_format = #tpu.pack_format<interleaved>, positions = array<i32: 0, 1>} : vector<16xf32>, vector<16xf32> -> vector<32xbf16>
      %parallel_loop3A_2070 = arith.subf %pack3A, %parallel_loop3A_2067 : vector<32xbf16>
      %parallel_loop3A_2071 = arith.mulf %parallel_loop3A_2070, %parallel_loop3A_2070 : vector<32xbf16>
      %parallel_loop3A_2072 = arith.subf %pack3A_25, %parallel_loop3A_2068 : vector<32xbf16>
      %parallel_loop3A_2073 = arith.mulf %parallel_loop3A_2072, %parallel_loop3A_2072 : vector<32xbf16>
      %parallel_loop3A_2074 = arith.addf %parallel_loop3A_2071, %parallel_loop3A_2073 : vector<32xbf16>
      %parallel_loop3A_2075 = arith.subf %pack3A_34, %parallel_loop3A_2069 : vector<32xbf16>
      %parallel_loop3A_2076 = arith.mulf %parallel_loop3A_2075, %parallel_loop3A_2075 : vector<32xbf16>
      %parallel_loop3A_2077 = arith.addf %parallel_loop3A_2074, %parallel_loop3A_2076 : vector<32xbf16>
      %parallel_loop3A_2078 = arith.maximumf %parallel_loop3A_2007, %parallel_loop3A_2077 : vector<32xbf16>
      %parallel_loop3A_2079 = arith.minimumf %parallel_loop3A_2007, %parallel_loop3A_2077 : vector<32xbf16>
      %parallel_loop3A_2080 = arith.maximumf %parallel_loop3A_2009, %parallel_loop3A_2078 : vector<32xbf16>
      %parallel_loop3A_2081 = arith.minimumf %parallel_loop3A_2009, %parallel_loop3A_2078 : vector<32xbf16>
      %parallel_loop3A_2082 = arith.maximumf %parallel_loop3A_2011, %parallel_loop3A_2080 : vector<32xbf16>
      %parallel_loop3A_2083 = arith.minimumf %parallel_loop3A_2011, %parallel_loop3A_2080 : vector<32xbf16>
      %parallel_loop3A_2084 = arith.minimumf %parallel_loop3A_2012, %parallel_loop3A_2082 : vector<32xbf16>
      %parallel_loop3A_2085 = arith.subf %pack3A_49, %parallel_loop3A_2067 : vector<32xbf16>
      %parallel_loop3A_2086 = arith.mulf %parallel_loop3A_2085, %parallel_loop3A_2085 : vector<32xbf16>
      %parallel_loop3A_2087 = arith.subf %pack3A_58, %parallel_loop3A_2068 : vector<32xbf16>
      %parallel_loop3A_2088 = arith.mulf %parallel_loop3A_2087, %parallel_loop3A_2087 : vector<32xbf16>
      %parallel_loop3A_2089 = arith.addf %parallel_loop3A_2086, %parallel_loop3A_2088 : vector<32xbf16>
      %parallel_loop3A_2090 = arith.subf %pack3A_67, %parallel_loop3A_2069 : vector<32xbf16>
      %parallel_loop3A_2091 = arith.mulf %parallel_loop3A_2090, %parallel_loop3A_2090 : vector<32xbf16>
      %parallel_loop3A_2092 = arith.addf %parallel_loop3A_2089, %parallel_loop3A_2091 : vector<32xbf16>
      %parallel_loop3A_2093 = arith.maximumf %parallel_loop3A_2022, %parallel_loop3A_2092 : vector<32xbf16>
      %parallel_loop3A_2094 = arith.minimumf %parallel_loop3A_2022, %parallel_loop3A_2092 : vector<32xbf16>
      %parallel_loop3A_2095 = arith.maximumf %parallel_loop3A_2024, %parallel_loop3A_2093 : vector<32xbf16>
      %parallel_loop3A_2096 = arith.minimumf %parallel_loop3A_2024, %parallel_loop3A_2093 : vector<32xbf16>
      %parallel_loop3A_2097 = arith.maximumf %parallel_loop3A_2026, %parallel_loop3A_2095 : vector<32xbf16>
      %parallel_loop3A_2098 = arith.minimumf %parallel_loop3A_2026, %parallel_loop3A_2095 : vector<32xbf16>
      %parallel_loop3A_2099 = arith.minimumf %parallel_loop3A_2027, %parallel_loop3A_2097 : vector<32xbf16>
      %parallel_loop3A_2100 = arith.subf %pack3A_82, %parallel_loop3A_2067 : vector<32xbf16>
      %parallel_loop3A_2101 = arith.mulf %parallel_loop3A_2100, %parallel_loop3A_2100 : vector<32xbf16>
      %parallel_loop3A_2102 = arith.subf %pack3A_91, %parallel_loop3A_2068 : vector<32xbf16>
      %parallel_loop3A_2103 = arith.mulf %parallel_loop3A_2102, %parallel_loop3A_2102 : vector<32xbf16>
      %parallel_loop3A_2104 = arith.addf %parallel_loop3A_2101, %parallel_loop3A_2103 : vector<32xbf16>
      %parallel_loop3A_2105 = arith.subf %pack3A_100, %parallel_loop3A_2069 : vector<32xbf16>
      %parallel_loop3A_2106 = arith.mulf %parallel_loop3A_2105, %parallel_loop3A_2105 : vector<32xbf16>
      %parallel_loop3A_2107 = arith.addf %parallel_loop3A_2104, %parallel_loop3A_2106 : vector<32xbf16>
      %parallel_loop3A_2108 = arith.maximumf %parallel_loop3A_2037, %parallel_loop3A_2107 : vector<32xbf16>
      %parallel_loop3A_2109 = arith.minimumf %parallel_loop3A_2037, %parallel_loop3A_2107 : vector<32xbf16>
      %parallel_loop3A_2110 = arith.maximumf %parallel_loop3A_2039, %parallel_loop3A_2108 : vector<32xbf16>
      %parallel_loop3A_2111 = arith.minimumf %parallel_loop3A_2039, %parallel_loop3A_2108 : vector<32xbf16>
      %parallel_loop3A_2112 = arith.maximumf %parallel_loop3A_2041, %parallel_loop3A_2110 : vector<32xbf16>
      %parallel_loop3A_2113 = arith.minimumf %parallel_loop3A_2041, %parallel_loop3A_2110 : vector<32xbf16>
      %parallel_loop3A_2114 = arith.minimumf %parallel_loop3A_2042, %parallel_loop3A_2112 : vector<32xbf16>
      %parallel_loop3A_2115 = arith.subf %pack3A_115, %parallel_loop3A_2067 : vector<32xbf16>
      %parallel_loop3A_2116 = arith.mulf %parallel_loop3A_2115, %parallel_loop3A_2115 : vector<32xbf16>
      %parallel_loop3A_2117 = arith.subf %pack3A_124, %parallel_loop3A_2068 : vector<32xbf16>
      %parallel_loop3A_2118 = arith.mulf %parallel_loop3A_2117, %parallel_loop3A_2117 : vector<32xbf16>
      %parallel_loop3A_2119 = arith.addf %parallel_loop3A_2116, %parallel_loop3A_2118 : vector<32xbf16>
      %parallel_loop3A_2120 = arith.subf %pack3A_133, %parallel_loop3A_2069 : vector<32xbf16>
      %parallel_loop3A_2121 = arith.mulf %parallel_loop3A_2120, %parallel_loop3A_2120 : vector<32xbf16>
      %parallel_loop3A_2122 = arith.addf %parallel_loop3A_2119, %parallel_loop3A_2121 : vector<32xbf16>
      %parallel_loop3A_2123 = arith.maximumf %parallel_loop3A_2052, %parallel_loop3A_2122 : vector<32xbf16>
      %parallel_loop3A_2124 = arith.minimumf %parallel_loop3A_2052, %parallel_loop3A_2122 : vector<32xbf16>
      %parallel_loop3A_2125 = arith.maximumf %parallel_loop3A_2054, %parallel_loop3A_2123 : vector<32xbf16>
      %parallel_loop3A_2126 = arith.minimumf %parallel_loop3A_2054, %parallel_loop3A_2123 : vector<32xbf16>
      %parallel_loop3A_2127 = arith.maximumf %parallel_loop3A_2056, %parallel_loop3A_2125 : vector<32xbf16>
      %parallel_loop3A_2128 = arith.minimumf %parallel_loop3A_2056, %parallel_loop3A_2125 : vector<32xbf16>
      %parallel_loop3A_2129 = arith.minimumf %parallel_loop3A_2057, %parallel_loop3A_2127 : vector<32xbf16>
      %parallel_loop3A_2130 = vector.extract_strided_slice %parallel_loop3A_1257 {offsets = [12], sizes = [1], strides = [1]} : vector<16xf32> to vector<1xf32>
      %parallel_loop3A_2131 = vector.extract %parallel_loop3A_2130[0] : f32 from vector<1xf32>
      %parallel_loop3A_2132 = vector.broadcast %parallel_loop3A_2131 : f32 to vector<16xf32>
      %parallel_loop3A_2133 = vector.extract_strided_slice %parallel_loop3A_1261 {offsets = [12], sizes = [1], strides = [1]} : vector<16xf32> to vector<1xf32>
      %parallel_loop3A_2134 = vector.extract %parallel_loop3A_2133[0] : f32 from vector<1xf32>
      %parallel_loop3A_2135 = vector.broadcast %parallel_loop3A_2134 : f32 to vector<16xf32>
      %parallel_loop3A_2136 = vector.extract_strided_slice %parallel_loop3A_1265 {offsets = [12], sizes = [1], strides = [1]} : vector<16xf32> to vector<1xf32>
      %parallel_loop3A_2137 = vector.extract %parallel_loop3A_2136[0] : f32 from vector<1xf32>
      %parallel_loop3A_2138 = vector.broadcast %parallel_loop3A_2137 : f32 to vector<16xf32>
      %parallel_loop3A_2139 = tpu.pack_subelements %parallel_loop3A_2132, %parallel_loop3A_2132 {pack_format = #tpu.pack_format<interleaved>, positions = array<i32: 0, 1>} : vector<16xf32>, vector<16xf32> -> vector<32xbf16>
      %parallel_loop3A_2140 = tpu.pack_subelements %parallel_loop3A_2135, %parallel_loop3A_2135 {pack_format = #tpu.pack_format<interleaved>, positions = array<i32: 0, 1>} : vector<16xf32>, vector<16xf32> -> vector<32xbf16>
      %parallel_loop3A_2141 = tpu.pack_subelements %parallel_loop3A_2138, %parallel_loop3A_2138 {pack_format = #tpu.pack_format<interleaved>, positions = array<i32: 0, 1>} : vector<16xf32>, vector<16xf32> -> vector<32xbf16>
      %parallel_loop3A_2142 = arith.subf %pack3A, %parallel_loop3A_2139 : vector<32xbf16>
      %parallel_loop3A_2143 = arith.mulf %parallel_loop3A_2142, %parallel_loop3A_2142 : vector<32xbf16>
      %parallel_loop3A_2144 = arith.subf %pack3A_25, %parallel_loop3A_2140 : vector<32xbf16>
      %parallel_loop3A_2145 = arith.mulf %parallel_loop3A_2144, %parallel_loop3A_2144 : vector<32xbf16>
      %parallel_loop3A_2146 = arith.addf %parallel_loop3A_2143, %parallel_loop3A_2145 : vector<32xbf16>
      %parallel_loop3A_2147 = arith.subf %pack3A_34, %parallel_loop3A_2141 : vector<32xbf16>
      %parallel_loop3A_2148 = arith.mulf %parallel_loop3A_2147, %parallel_loop3A_2147 : vector<32xbf16>
      %parallel_loop3A_2149 = arith.addf %parallel_loop3A_2146, %parallel_loop3A_2148 : vector<32xbf16>
      %parallel_loop3A_2150 = arith.maximumf %parallel_loop3A_2079, %parallel_loop3A_2149 : vector<32xbf16>
      %parallel_loop3A_2151 = arith.minimumf %parallel_loop3A_2079, %parallel_loop3A_2149 : vector<32xbf16>
      %parallel_loop3A_2152 = arith.maximumf %parallel_loop3A_2081, %parallel_loop3A_2150 : vector<32xbf16>
      %parallel_loop3A_2153 = arith.minimumf %parallel_loop3A_2081, %parallel_loop3A_2150 : vector<32xbf16>
      %parallel_loop3A_2154 = arith.maximumf %parallel_loop3A_2083, %parallel_loop3A_2152 : vector<32xbf16>
      %parallel_loop3A_2155 = arith.minimumf %parallel_loop3A_2083, %parallel_loop3A_2152 : vector<32xbf16>
      %parallel_loop3A_2156 = arith.minimumf %parallel_loop3A_2084, %parallel_loop3A_2154 : vector<32xbf16>
      %parallel_loop3A_2157 = arith.subf %pack3A_49, %parallel_loop3A_2139 : vector<32xbf16>
      %parallel_loop3A_2158 = arith.mulf %parallel_loop3A_2157, %parallel_loop3A_2157 : vector<32xbf16>
      %parallel_loop3A_2159 = arith.subf %pack3A_58, %parallel_loop3A_2140 : vector<32xbf16>
      %parallel_loop3A_2160 = arith.mulf %parallel_loop3A_2159, %parallel_loop3A_2159 : vector<32xbf16>
      %parallel_loop3A_2161 = arith.addf %parallel_loop3A_2158, %parallel_loop3A_2160 : vector<32xbf16>
      %parallel_loop3A_2162 = arith.subf %pack3A_67, %parallel_loop3A_2141 : vector<32xbf16>
      %parallel_loop3A_2163 = arith.mulf %parallel_loop3A_2162, %parallel_loop3A_2162 : vector<32xbf16>
      %parallel_loop3A_2164 = arith.addf %parallel_loop3A_2161, %parallel_loop3A_2163 : vector<32xbf16>
      %parallel_loop3A_2165 = arith.maximumf %parallel_loop3A_2094, %parallel_loop3A_2164 : vector<32xbf16>
      %parallel_loop3A_2166 = arith.minimumf %parallel_loop3A_2094, %parallel_loop3A_2164 : vector<32xbf16>
      %parallel_loop3A_2167 = arith.maximumf %parallel_loop3A_2096, %parallel_loop3A_2165 : vector<32xbf16>
      %parallel_loop3A_2168 = arith.minimumf %parallel_loop3A_2096, %parallel_loop3A_2165 : vector<32xbf16>
      %parallel_loop3A_2169 = arith.maximumf %parallel_loop3A_2098, %parallel_loop3A_2167 : vector<32xbf16>
      %parallel_loop3A_2170 = arith.minimumf %parallel_loop3A_2098, %parallel_loop3A_2167 : vector<32xbf16>
      %parallel_loop3A_2171 = arith.minimumf %parallel_loop3A_2099, %parallel_loop3A_2169 : vector<32xbf16>
      %parallel_loop3A_2172 = arith.subf %pack3A_82, %parallel_loop3A_2139 : vector<32xbf16>
      %parallel_loop3A_2173 = arith.mulf %parallel_loop3A_2172, %parallel_loop3A_2172 : vector<32xbf16>
      %parallel_loop3A_2174 = arith.subf %pack3A_91, %parallel_loop3A_2140 : vector<32xbf16>
      %parallel_loop3A_2175 = arith.mulf %parallel_loop3A_2174, %parallel_loop3A_2174 : vector<32xbf16>
      %parallel_loop3A_2176 = arith.addf %parallel_loop3A_2173, %parallel_loop3A_2175 : vector<32xbf16>
      %parallel_loop3A_2177 = arith.subf %pack3A_100, %parallel_loop3A_2141 : vector<32xbf16>
      %parallel_loop3A_2178 = arith.mulf %parallel_loop3A_2177, %parallel_loop3A_2177 : vector<32xbf16>
      %parallel_loop3A_2179 = arith.addf %parallel_loop3A_2176, %parallel_loop3A_2178 : vector<32xbf16>
      %parallel_loop3A_2180 = arith.maximumf %parallel_loop3A_2109, %parallel_loop3A_2179 : vector<32xbf16>
      %parallel_loop3A_2181 = arith.minimumf %parallel_loop3A_2109, %parallel_loop3A_2179 : vector<32xbf16>
      %parallel_loop3A_2182 = arith.maximumf %parallel_loop3A_2111, %parallel_loop3A_2180 : vector<32xbf16>
      %parallel_loop3A_2183 = arith.minimumf %parallel_loop3A_2111, %parallel_loop3A_2180 : vector<32xbf16>
      %parallel_loop3A_2184 = arith.maximumf %parallel_loop3A_2113, %parallel_loop3A_2182 : vector<32xbf16>
      %parallel_loop3A_2185 = arith.minimumf %parallel_loop3A_2113, %parallel_loop3A_2182 : vector<32xbf16>
      %parallel_loop3A_2186 = arith.minimumf %parallel_loop3A_2114, %parallel_loop3A_2184 : vector<32xbf16>
      %parallel_loop3A_2187 = arith.subf %pack3A_115, %parallel_loop3A_2139 : vector<32xbf16>
      %parallel_loop3A_2188 = arith.mulf %parallel_loop3A_2187, %parallel_loop3A_2187 : vector<32xbf16>
      %parallel_loop3A_2189 = arith.subf %pack3A_124, %parallel_loop3A_2140 : vector<32xbf16>
      %parallel_loop3A_2190 = arith.mulf %parallel_loop3A_2189, %parallel_loop3A_2189 : vector<32xbf16>
      %parallel_loop3A_2191 = arith.addf %parallel_loop3A_2188, %parallel_loop3A_2190 : vector<32xbf16>
      %parallel_loop3A_2192 = arith.subf %pack3A_133, %parallel_loop3A_2141 : vector<32xbf16>
      %parallel_loop3A_2193 = arith.mulf %parallel_loop3A_2192, %parallel_loop3A_2192 : vector<32xbf16>
      %parallel_loop3A_2194 = arith.addf %parallel_loop3A_2191, %parallel_loop3A_2193 : vector<32xbf16>
      %parallel_loop3A_2195 = arith.maximumf %parallel_loop3A_2124, %parallel_loop3A_2194 : vector<32xbf16>
      %parallel_loop3A_2196 = arith.minimumf %parallel_loop3A_2124, %parallel_loop3A_2194 : vector<32xbf16>
      %parallel_loop3A_2197 = arith.maximumf %parallel_loop3A_2126, %parallel_loop3A_2195 : vector<32xbf16>
      %parallel_loop3A_2198 = arith.minimumf %parallel_loop3A_2126, %parallel_loop3A_2195 : vector<32xbf16>
      %parallel_loop3A_2199 = arith.maximumf %parallel_loop3A_2128, %parallel_loop3A_2197 : vector<32xbf16>
      %parallel_loop3A_2200 = arith.minimumf %parallel_loop3A_2128, %parallel_loop3A_2197 : vector<32xbf16>
      %parallel_loop3A_2201 = arith.minimumf %parallel_loop3A_2129, %parallel_loop3A_2199 : vector<32xbf16>
      %parallel_loop3A_2202 = vector.extract_strided_slice %parallel_loop3A_1257 {offsets = [13], sizes = [1], strides = [1]} : vector<16xf32> to vector<1xf32>
      %parallel_loop3A_2203 = vector.extract %parallel_loop3A_2202[0] : f32 from vector<1xf32>
      %parallel_loop3A_2204 = vector.broadcast %parallel_loop3A_2203 : f32 to vector<16xf32>
      %parallel_loop3A_2205 = vector.extract_strided_slice %parallel_loop3A_1261 {offsets = [13], sizes = [1], strides = [1]} : vector<16xf32> to vector<1xf32>
      %parallel_loop3A_2206 = vector.extract %parallel_loop3A_2205[0] : f32 from vector<1xf32>
      %parallel_loop3A_2207 = vector.broadcast %parallel_loop3A_2206 : f32 to vector<16xf32>
      %parallel_loop3A_2208 = vector.extract_strided_slice %parallel_loop3A_1265 {offsets = [13], sizes = [1], strides = [1]} : vector<16xf32> to vector<1xf32>
      %parallel_loop3A_2209 = vector.extract %parallel_loop3A_2208[0] : f32 from vector<1xf32>
      %parallel_loop3A_2210 = vector.broadcast %parallel_loop3A_2209 : f32 to vector<16xf32>
      %parallel_loop3A_2211 = tpu.pack_subelements %parallel_loop3A_2204, %parallel_loop3A_2204 {pack_format = #tpu.pack_format<interleaved>, positions = array<i32: 0, 1>} : vector<16xf32>, vector<16xf32> -> vector<32xbf16>
      %parallel_loop3A_2212 = tpu.pack_subelements %parallel_loop3A_2207, %parallel_loop3A_2207 {pack_format = #tpu.pack_format<interleaved>, positions = array<i32: 0, 1>} : vector<16xf32>, vector<16xf32> -> vector<32xbf16>
      %parallel_loop3A_2213 = tpu.pack_subelements %parallel_loop3A_2210, %parallel_loop3A_2210 {pack_format = #tpu.pack_format<interleaved>, positions = array<i32: 0, 1>} : vector<16xf32>, vector<16xf32> -> vector<32xbf16>
      %parallel_loop3A_2214 = arith.subf %pack3A, %parallel_loop3A_2211 : vector<32xbf16>
      %parallel_loop3A_2215 = arith.mulf %parallel_loop3A_2214, %parallel_loop3A_2214 : vector<32xbf16>
      %parallel_loop3A_2216 = arith.subf %pack3A_25, %parallel_loop3A_2212 : vector<32xbf16>
      %parallel_loop3A_2217 = arith.mulf %parallel_loop3A_2216, %parallel_loop3A_2216 : vector<32xbf16>
      %parallel_loop3A_2218 = arith.addf %parallel_loop3A_2215, %parallel_loop3A_2217 : vector<32xbf16>
      %parallel_loop3A_2219 = arith.subf %pack3A_34, %parallel_loop3A_2213 : vector<32xbf16>
      %parallel_loop3A_2220 = arith.mulf %parallel_loop3A_2219, %parallel_loop3A_2219 : vector<32xbf16>
      %parallel_loop3A_2221 = arith.addf %parallel_loop3A_2218, %parallel_loop3A_2220 : vector<32xbf16>
      %parallel_loop3A_2222 = arith.maximumf %parallel_loop3A_2151, %parallel_loop3A_2221 : vector<32xbf16>
      %parallel_loop3A_2223 = arith.minimumf %parallel_loop3A_2151, %parallel_loop3A_2221 : vector<32xbf16>
      %parallel_loop3A_2224 = arith.maximumf %parallel_loop3A_2153, %parallel_loop3A_2222 : vector<32xbf16>
      %parallel_loop3A_2225 = arith.minimumf %parallel_loop3A_2153, %parallel_loop3A_2222 : vector<32xbf16>
      %parallel_loop3A_2226 = arith.maximumf %parallel_loop3A_2155, %parallel_loop3A_2224 : vector<32xbf16>
      %parallel_loop3A_2227 = arith.minimumf %parallel_loop3A_2155, %parallel_loop3A_2224 : vector<32xbf16>
      %parallel_loop3A_2228 = arith.minimumf %parallel_loop3A_2156, %parallel_loop3A_2226 : vector<32xbf16>
      %parallel_loop3A_2229 = arith.subf %pack3A_49, %parallel_loop3A_2211 : vector<32xbf16>
      %parallel_loop3A_2230 = arith.mulf %parallel_loop3A_2229, %parallel_loop3A_2229 : vector<32xbf16>
      %parallel_loop3A_2231 = arith.subf %pack3A_58, %parallel_loop3A_2212 : vector<32xbf16>
      %parallel_loop3A_2232 = arith.mulf %parallel_loop3A_2231, %parallel_loop3A_2231 : vector<32xbf16>
      %parallel_loop3A_2233 = arith.addf %parallel_loop3A_2230, %parallel_loop3A_2232 : vector<32xbf16>
      %parallel_loop3A_2234 = arith.subf %pack3A_67, %parallel_loop3A_2213 : vector<32xbf16>
      %parallel_loop3A_2235 = arith.mulf %parallel_loop3A_2234, %parallel_loop3A_2234 : vector<32xbf16>
      %parallel_loop3A_2236 = arith.addf %parallel_loop3A_2233, %parallel_loop3A_2235 : vector<32xbf16>
      %parallel_loop3A_2237 = arith.maximumf %parallel_loop3A_2166, %parallel_loop3A_2236 : vector<32xbf16>
      %parallel_loop3A_2238 = arith.minimumf %parallel_loop3A_2166, %parallel_loop3A_2236 : vector<32xbf16>
      %parallel_loop3A_2239 = arith.maximumf %parallel_loop3A_2168, %parallel_loop3A_2237 : vector<32xbf16>
      %parallel_loop3A_2240 = arith.minimumf %parallel_loop3A_2168, %parallel_loop3A_2237 : vector<32xbf16>
      %parallel_loop3A_2241 = arith.maximumf %parallel_loop3A_2170, %parallel_loop3A_2239 : vector<32xbf16>
      %parallel_loop3A_2242 = arith.minimumf %parallel_loop3A_2170, %parallel_loop3A_2239 : vector<32xbf16>
      %parallel_loop3A_2243 = arith.minimumf %parallel_loop3A_2171, %parallel_loop3A_2241 : vector<32xbf16>
      %parallel_loop3A_2244 = arith.subf %pack3A_82, %parallel_loop3A_2211 : vector<32xbf16>
      %parallel_loop3A_2245 = arith.mulf %parallel_loop3A_2244, %parallel_loop3A_2244 : vector<32xbf16>
      %parallel_loop3A_2246 = arith.subf %pack3A_91, %parallel_loop3A_2212 : vector<32xbf16>
      %parallel_loop3A_2247 = arith.mulf %parallel_loop3A_2246, %parallel_loop3A_2246 : vector<32xbf16>
      %parallel_loop3A_2248 = arith.addf %parallel_loop3A_2245, %parallel_loop3A_2247 : vector<32xbf16>
      %parallel_loop3A_2249 = arith.subf %pack3A_100, %parallel_loop3A_2213 : vector<32xbf16>
      %parallel_loop3A_2250 = arith.mulf %parallel_loop3A_2249, %parallel_loop3A_2249 : vector<32xbf16>
      %parallel_loop3A_2251 = arith.addf %parallel_loop3A_2248, %parallel_loop3A_2250 : vector<32xbf16>
      %parallel_loop3A_2252 = arith.maximumf %parallel_loop3A_2181, %parallel_loop3A_2251 : vector<32xbf16>
      %parallel_loop3A_2253 = arith.minimumf %parallel_loop3A_2181, %parallel_loop3A_2251 : vector<32xbf16>
      %parallel_loop3A_2254 = arith.maximumf %parallel_loop3A_2183, %parallel_loop3A_2252 : vector<32xbf16>
      %parallel_loop3A_2255 = arith.minimumf %parallel_loop3A_2183, %parallel_loop3A_2252 : vector<32xbf16>
      %parallel_loop3A_2256 = arith.maximumf %parallel_loop3A_2185, %parallel_loop3A_2254 : vector<32xbf16>
      %parallel_loop3A_2257 = arith.minimumf %parallel_loop3A_2185, %parallel_loop3A_2254 : vector<32xbf16>
      %parallel_loop3A_2258 = arith.minimumf %parallel_loop3A_2186, %parallel_loop3A_2256 : vector<32xbf16>
      %parallel_loop3A_2259 = arith.subf %pack3A_115, %parallel_loop3A_2211 : vector<32xbf16>
      %parallel_loop3A_2260 = arith.mulf %parallel_loop3A_2259, %parallel_loop3A_2259 : vector<32xbf16>
      %parallel_loop3A_2261 = arith.subf %pack3A_124, %parallel_loop3A_2212 : vector<32xbf16>
      %parallel_loop3A_2262 = arith.mulf %parallel_loop3A_2261, %parallel_loop3A_2261 : vector<32xbf16>
      %parallel_loop3A_2263 = arith.addf %parallel_loop3A_2260, %parallel_loop3A_2262 : vector<32xbf16>
      %parallel_loop3A_2264 = arith.subf %pack3A_133, %parallel_loop3A_2213 : vector<32xbf16>
      %parallel_loop3A_2265 = arith.mulf %parallel_loop3A_2264, %parallel_loop3A_2264 : vector<32xbf16>
      %parallel_loop3A_2266 = arith.addf %parallel_loop3A_2263, %parallel_loop3A_2265 : vector<32xbf16>
      %parallel_loop3A_2267 = arith.maximumf %parallel_loop3A_2196, %parallel_loop3A_2266 : vector<32xbf16>
      %parallel_loop3A_2268 = arith.minimumf %parallel_loop3A_2196, %parallel_loop3A_2266 : vector<32xbf16>
      %parallel_loop3A_2269 = arith.maximumf %parallel_loop3A_2198, %parallel_loop3A_2267 : vector<32xbf16>
      %parallel_loop3A_2270 = arith.minimumf %parallel_loop3A_2198, %parallel_loop3A_2267 : vector<32xbf16>
      %parallel_loop3A_2271 = arith.maximumf %parallel_loop3A_2200, %parallel_loop3A_2269 : vector<32xbf16>
      %parallel_loop3A_2272 = arith.minimumf %parallel_loop3A_2200, %parallel_loop3A_2269 : vector<32xbf16>
      %parallel_loop3A_2273 = arith.minimumf %parallel_loop3A_2201, %parallel_loop3A_2271 : vector<32xbf16>
      %parallel_loop3A_2274 = vector.extract_strided_slice %parallel_loop3A_1257 {offsets = [14], sizes = [1], strides = [1]} : vector<16xf32> to vector<1xf32>
      %parallel_loop3A_2275 = vector.extract %parallel_loop3A_2274[0] : f32 from vector<1xf32>
      %parallel_loop3A_2276 = vector.broadcast %parallel_loop3A_2275 : f32 to vector<16xf32>
      %parallel_loop3A_2277 = vector.extract_strided_slice %parallel_loop3A_1261 {offsets = [14], sizes = [1], strides = [1]} : vector<16xf32> to vector<1xf32>
      %parallel_loop3A_2278 = vector.extract %parallel_loop3A_2277[0] : f32 from vector<1xf32>
      %parallel_loop3A_2279 = vector.broadcast %parallel_loop3A_2278 : f32 to vector<16xf32>
      %parallel_loop3A_2280 = vector.extract_strided_slice %parallel_loop3A_1265 {offsets = [14], sizes = [1], strides = [1]} : vector<16xf32> to vector<1xf32>
      %parallel_loop3A_2281 = vector.extract %parallel_loop3A_2280[0] : f32 from vector<1xf32>
      %parallel_loop3A_2282 = vector.broadcast %parallel_loop3A_2281 : f32 to vector<16xf32>
      %parallel_loop3A_2283 = tpu.pack_subelements %parallel_loop3A_2276, %parallel_loop3A_2276 {pack_format = #tpu.pack_format<interleaved>, positions = array<i32: 0, 1>} : vector<16xf32>, vector<16xf32> -> vector<32xbf16>
      %parallel_loop3A_2284 = tpu.pack_subelements %parallel_loop3A_2279, %parallel_loop3A_2279 {pack_format = #tpu.pack_format<interleaved>, positions = array<i32: 0, 1>} : vector<16xf32>, vector<16xf32> -> vector<32xbf16>
      %parallel_loop3A_2285 = tpu.pack_subelements %parallel_loop3A_2282, %parallel_loop3A_2282 {pack_format = #tpu.pack_format<interleaved>, positions = array<i32: 0, 1>} : vector<16xf32>, vector<16xf32> -> vector<32xbf16>
      %parallel_loop3A_2286 = arith.subf %pack3A, %parallel_loop3A_2283 : vector<32xbf16>
      %parallel_loop3A_2287 = arith.mulf %parallel_loop3A_2286, %parallel_loop3A_2286 : vector<32xbf16>
      %parallel_loop3A_2288 = arith.subf %pack3A_25, %parallel_loop3A_2284 : vector<32xbf16>
      %parallel_loop3A_2289 = arith.mulf %parallel_loop3A_2288, %parallel_loop3A_2288 : vector<32xbf16>
      %parallel_loop3A_2290 = arith.addf %parallel_loop3A_2287, %parallel_loop3A_2289 : vector<32xbf16>
      %parallel_loop3A_2291 = arith.subf %pack3A_34, %parallel_loop3A_2285 : vector<32xbf16>
      %parallel_loop3A_2292 = arith.mulf %parallel_loop3A_2291, %parallel_loop3A_2291 : vector<32xbf16>
      %parallel_loop3A_2293 = arith.addf %parallel_loop3A_2290, %parallel_loop3A_2292 : vector<32xbf16>
      %parallel_loop3A_2294 = arith.maximumf %parallel_loop3A_2223, %parallel_loop3A_2293 : vector<32xbf16>
      %parallel_loop3A_2295 = arith.minimumf %parallel_loop3A_2223, %parallel_loop3A_2293 : vector<32xbf16>
      %parallel_loop3A_2296 = arith.maximumf %parallel_loop3A_2225, %parallel_loop3A_2294 : vector<32xbf16>
      %parallel_loop3A_2297 = arith.minimumf %parallel_loop3A_2225, %parallel_loop3A_2294 : vector<32xbf16>
      %parallel_loop3A_2298 = arith.maximumf %parallel_loop3A_2227, %parallel_loop3A_2296 : vector<32xbf16>
      %parallel_loop3A_2299 = arith.minimumf %parallel_loop3A_2227, %parallel_loop3A_2296 : vector<32xbf16>
      %parallel_loop3A_2300 = arith.minimumf %parallel_loop3A_2228, %parallel_loop3A_2298 : vector<32xbf16>
      %parallel_loop3A_2301 = arith.subf %pack3A_49, %parallel_loop3A_2283 : vector<32xbf16>
      %parallel_loop3A_2302 = arith.mulf %parallel_loop3A_2301, %parallel_loop3A_2301 : vector<32xbf16>
      %parallel_loop3A_2303 = arith.subf %pack3A_58, %parallel_loop3A_2284 : vector<32xbf16>
      %parallel_loop3A_2304 = arith.mulf %parallel_loop3A_2303, %parallel_loop3A_2303 : vector<32xbf16>
      %parallel_loop3A_2305 = arith.addf %parallel_loop3A_2302, %parallel_loop3A_2304 : vector<32xbf16>
      %parallel_loop3A_2306 = arith.subf %pack3A_67, %parallel_loop3A_2285 : vector<32xbf16>
      %parallel_loop3A_2307 = arith.mulf %parallel_loop3A_2306, %parallel_loop3A_2306 : vector<32xbf16>
      %parallel_loop3A_2308 = arith.addf %parallel_loop3A_2305, %parallel_loop3A_2307 : vector<32xbf16>
      %parallel_loop3A_2309 = arith.maximumf %parallel_loop3A_2238, %parallel_loop3A_2308 : vector<32xbf16>
      %parallel_loop3A_2310 = arith.minimumf %parallel_loop3A_2238, %parallel_loop3A_2308 : vector<32xbf16>
      %parallel_loop3A_2311 = arith.maximumf %parallel_loop3A_2240, %parallel_loop3A_2309 : vector<32xbf16>
      %parallel_loop3A_2312 = arith.minimumf %parallel_loop3A_2240, %parallel_loop3A_2309 : vector<32xbf16>
      %parallel_loop3A_2313 = arith.maximumf %parallel_loop3A_2242, %parallel_loop3A_2311 : vector<32xbf16>
      %parallel_loop3A_2314 = arith.minimumf %parallel_loop3A_2242, %parallel_loop3A_2311 : vector<32xbf16>
      %parallel_loop3A_2315 = arith.minimumf %parallel_loop3A_2243, %parallel_loop3A_2313 : vector<32xbf16>
      %parallel_loop3A_2316 = arith.subf %pack3A_82, %parallel_loop3A_2283 : vector<32xbf16>
      %parallel_loop3A_2317 = arith.mulf %parallel_loop3A_2316, %parallel_loop3A_2316 : vector<32xbf16>
      %parallel_loop3A_2318 = arith.subf %pack3A_91, %parallel_loop3A_2284 : vector<32xbf16>
      %parallel_loop3A_2319 = arith.mulf %parallel_loop3A_2318, %parallel_loop3A_2318 : vector<32xbf16>
      %parallel_loop3A_2320 = arith.addf %parallel_loop3A_2317, %parallel_loop3A_2319 : vector<32xbf16>
      %parallel_loop3A_2321 = arith.subf %pack3A_100, %parallel_loop3A_2285 : vector<32xbf16>
      %parallel_loop3A_2322 = arith.mulf %parallel_loop3A_2321, %parallel_loop3A_2321 : vector<32xbf16>
      %parallel_loop3A_2323 = arith.addf %parallel_loop3A_2320, %parallel_loop3A_2322 : vector<32xbf16>
      %parallel_loop3A_2324 = arith.maximumf %parallel_loop3A_2253, %parallel_loop3A_2323 : vector<32xbf16>
      %parallel_loop3A_2325 = arith.minimumf %parallel_loop3A_2253, %parallel_loop3A_2323 : vector<32xbf16>
      %parallel_loop3A_2326 = arith.maximumf %parallel_loop3A_2255, %parallel_loop3A_2324 : vector<32xbf16>
      %parallel_loop3A_2327 = arith.minimumf %parallel_loop3A_2255, %parallel_loop3A_2324 : vector<32xbf16>
      %parallel_loop3A_2328 = arith.maximumf %parallel_loop3A_2257, %parallel_loop3A_2326 : vector<32xbf16>
      %parallel_loop3A_2329 = arith.minimumf %parallel_loop3A_2257, %parallel_loop3A_2326 : vector<32xbf16>
      %parallel_loop3A_2330 = arith.minimumf %parallel_loop3A_2258, %parallel_loop3A_2328 : vector<32xbf16>
      %parallel_loop3A_2331 = arith.subf %pack3A_115, %parallel_loop3A_2283 : vector<32xbf16>
      %parallel_loop3A_2332 = arith.mulf %parallel_loop3A_2331, %parallel_loop3A_2331 : vector<32xbf16>
      %parallel_loop3A_2333 = arith.subf %pack3A_124, %parallel_loop3A_2284 : vector<32xbf16>
      %parallel_loop3A_2334 = arith.mulf %parallel_loop3A_2333, %parallel_loop3A_2333 : vector<32xbf16>
      %parallel_loop3A_2335 = arith.addf %parallel_loop3A_2332, %parallel_loop3A_2334 : vector<32xbf16>
      %parallel_loop3A_2336 = arith.subf %pack3A_133, %parallel_loop3A_2285 : vector<32xbf16>
      %parallel_loop3A_2337 = arith.mulf %parallel_loop3A_2336, %parallel_loop3A_2336 : vector<32xbf16>
      %parallel_loop3A_2338 = arith.addf %parallel_loop3A_2335, %parallel_loop3A_2337 : vector<32xbf16>
      %parallel_loop3A_2339 = arith.maximumf %parallel_loop3A_2268, %parallel_loop3A_2338 : vector<32xbf16>
      %parallel_loop3A_2340 = arith.minimumf %parallel_loop3A_2268, %parallel_loop3A_2338 : vector<32xbf16>
      %parallel_loop3A_2341 = arith.maximumf %parallel_loop3A_2270, %parallel_loop3A_2339 : vector<32xbf16>
      %parallel_loop3A_2342 = arith.minimumf %parallel_loop3A_2270, %parallel_loop3A_2339 : vector<32xbf16>
      %parallel_loop3A_2343 = arith.maximumf %parallel_loop3A_2272, %parallel_loop3A_2341 : vector<32xbf16>
      %parallel_loop3A_2344 = arith.minimumf %parallel_loop3A_2272, %parallel_loop3A_2341 : vector<32xbf16>
      %parallel_loop3A_2345 = arith.minimumf %parallel_loop3A_2273, %parallel_loop3A_2343 : vector<32xbf16>
      %parallel_loop3A_2346 = vector.extract_strided_slice %parallel_loop3A_1257 {offsets = [15], sizes = [1], strides = [1]} : vector<16xf32> to vector<1xf32>
      %parallel_loop3A_2347 = vector.extract %parallel_loop3A_2346[0] : f32 from vector<1xf32>
      %parallel_loop3A_2348 = vector.broadcast %parallel_loop3A_2347 : f32 to vector<16xf32>
      %parallel_loop3A_2349 = vector.extract_strided_slice %parallel_loop3A_1261 {offsets = [15], sizes = [1], strides = [1]} : vector<16xf32> to vector<1xf32>
      %parallel_loop3A_2350 = vector.extract %parallel_loop3A_2349[0] : f32 from vector<1xf32>
      %parallel_loop3A_2351 = vector.broadcast %parallel_loop3A_2350 : f32 to vector<16xf32>
      %parallel_loop3A_2352 = vector.extract_strided_slice %parallel_loop3A_1265 {offsets = [15], sizes = [1], strides = [1]} : vector<16xf32> to vector<1xf32>
      %parallel_loop3A_2353 = vector.extract %parallel_loop3A_2352[0] : f32 from vector<1xf32>
      %parallel_loop3A_2354 = vector.broadcast %parallel_loop3A_2353 : f32 to vector<16xf32>
      %parallel_loop3A_2355 = tpu.pack_subelements %parallel_loop3A_2348, %parallel_loop3A_2348 {pack_format = #tpu.pack_format<interleaved>, positions = array<i32: 0, 1>} : vector<16xf32>, vector<16xf32> -> vector<32xbf16>
      %parallel_loop3A_2356 = tpu.pack_subelements %parallel_loop3A_2351, %parallel_loop3A_2351 {pack_format = #tpu.pack_format<interleaved>, positions = array<i32: 0, 1>} : vector<16xf32>, vector<16xf32> -> vector<32xbf16>
      %parallel_loop3A_2357 = tpu.pack_subelements %parallel_loop3A_2354, %parallel_loop3A_2354 {pack_format = #tpu.pack_format<interleaved>, positions = array<i32: 0, 1>} : vector<16xf32>, vector<16xf32> -> vector<32xbf16>
      %parallel_loop3A_2358 = arith.subf %pack3A, %parallel_loop3A_2355 : vector<32xbf16>
      %parallel_loop3A_2359 = arith.mulf %parallel_loop3A_2358, %parallel_loop3A_2358 : vector<32xbf16>
      %parallel_loop3A_2360 = arith.subf %pack3A_25, %parallel_loop3A_2356 : vector<32xbf16>
      %parallel_loop3A_2361 = arith.mulf %parallel_loop3A_2360, %parallel_loop3A_2360 : vector<32xbf16>
      %parallel_loop3A_2362 = arith.addf %parallel_loop3A_2359, %parallel_loop3A_2361 : vector<32xbf16>
      %parallel_loop3A_2363 = arith.subf %pack3A_34, %parallel_loop3A_2357 : vector<32xbf16>
      %parallel_loop3A_2364 = arith.mulf %parallel_loop3A_2363, %parallel_loop3A_2363 : vector<32xbf16>
      %parallel_loop3A_2365 = arith.addf %parallel_loop3A_2362, %parallel_loop3A_2364 : vector<32xbf16>
      %parallel_loop3A_2366 = arith.maximumf %parallel_loop3A_2295, %parallel_loop3A_2365 : vector<32xbf16>
      %parallel_loop3A_2367 = arith.minimumf %parallel_loop3A_2295, %parallel_loop3A_2365 : vector<32xbf16>
      %parallel_loop3A_2368 = arith.maximumf %parallel_loop3A_2297, %parallel_loop3A_2366 : vector<32xbf16>
      %parallel_loop3A_2369 = arith.minimumf %parallel_loop3A_2297, %parallel_loop3A_2366 : vector<32xbf16>
      %parallel_loop3A_2370 = arith.maximumf %parallel_loop3A_2299, %parallel_loop3A_2368 : vector<32xbf16>
      %parallel_loop3A_2371 = arith.minimumf %parallel_loop3A_2299, %parallel_loop3A_2368 : vector<32xbf16>
      %parallel_loop3A_2372 = arith.minimumf %parallel_loop3A_2300, %parallel_loop3A_2370 : vector<32xbf16>
      %parallel_loop3A_2373 = arith.subf %pack3A_49, %parallel_loop3A_2355 : vector<32xbf16>
      %parallel_loop3A_2374 = arith.mulf %parallel_loop3A_2373, %parallel_loop3A_2373 : vector<32xbf16>
      %parallel_loop3A_2375 = arith.subf %pack3A_58, %parallel_loop3A_2356 : vector<32xbf16>
      %parallel_loop3A_2376 = arith.mulf %parallel_loop3A_2375, %parallel_loop3A_2375 : vector<32xbf16>
      %parallel_loop3A_2377 = arith.addf %parallel_loop3A_2374, %parallel_loop3A_2376 : vector<32xbf16>
      %parallel_loop3A_2378 = arith.subf %pack3A_67, %parallel_loop3A_2357 : vector<32xbf16>
      %parallel_loop3A_2379 = arith.mulf %parallel_loop3A_2378, %parallel_loop3A_2378 : vector<32xbf16>
      %parallel_loop3A_2380 = arith.addf %parallel_loop3A_2377, %parallel_loop3A_2379 : vector<32xbf16>
      %parallel_loop3A_2381 = arith.maximumf %parallel_loop3A_2310, %parallel_loop3A_2380 : vector<32xbf16>
      %parallel_loop3A_2382 = arith.minimumf %parallel_loop3A_2310, %parallel_loop3A_2380 : vector<32xbf16>
      %parallel_loop3A_2383 = arith.maximumf %parallel_loop3A_2312, %parallel_loop3A_2381 : vector<32xbf16>
      %parallel_loop3A_2384 = arith.minimumf %parallel_loop3A_2312, %parallel_loop3A_2381 : vector<32xbf16>
      %parallel_loop3A_2385 = arith.maximumf %parallel_loop3A_2314, %parallel_loop3A_2383 : vector<32xbf16>
      %parallel_loop3A_2386 = arith.minimumf %parallel_loop3A_2314, %parallel_loop3A_2383 : vector<32xbf16>
      %parallel_loop3A_2387 = arith.minimumf %parallel_loop3A_2315, %parallel_loop3A_2385 : vector<32xbf16>
      %parallel_loop3A_2388 = arith.subf %pack3A_82, %parallel_loop3A_2355 : vector<32xbf16>
      %parallel_loop3A_2389 = arith.mulf %parallel_loop3A_2388, %parallel_loop3A_2388 : vector<32xbf16>
      %parallel_loop3A_2390 = arith.subf %pack3A_91, %parallel_loop3A_2356 : vector<32xbf16>
      %parallel_loop3A_2391 = arith.mulf %parallel_loop3A_2390, %parallel_loop3A_2390 : vector<32xbf16>
      %parallel_loop3A_2392 = arith.addf %parallel_loop3A_2389, %parallel_loop3A_2391 : vector<32xbf16>
      %parallel_loop3A_2393 = arith.subf %pack3A_100, %parallel_loop3A_2357 : vector<32xbf16>
      %parallel_loop3A_2394 = arith.mulf %parallel_loop3A_2393, %parallel_loop3A_2393 : vector<32xbf16>
      %parallel_loop3A_2395 = arith.addf %parallel_loop3A_2392, %parallel_loop3A_2394 : vector<32xbf16>
      %parallel_loop3A_2396 = arith.maximumf %parallel_loop3A_2325, %parallel_loop3A_2395 : vector<32xbf16>
      %parallel_loop3A_2397 = arith.minimumf %parallel_loop3A_2325, %parallel_loop3A_2395 : vector<32xbf16>
      %parallel_loop3A_2398 = arith.maximumf %parallel_loop3A_2327, %parallel_loop3A_2396 : vector<32xbf16>
      %parallel_loop3A_2399 = arith.minimumf %parallel_loop3A_2327, %parallel_loop3A_2396 : vector<32xbf16>
      %parallel_loop3A_2400 = arith.maximumf %parallel_loop3A_2329, %parallel_loop3A_2398 : vector<32xbf16>
      %parallel_loop3A_2401 = arith.minimumf %parallel_loop3A_2329, %parallel_loop3A_2398 : vector<32xbf16>
      %parallel_loop3A_2402 = arith.minimumf %parallel_loop3A_2330, %parallel_loop3A_2400 : vector<32xbf16>
      %parallel_loop3A_2403 = arith.subf %pack3A_115, %parallel_loop3A_2355 : vector<32xbf16>
      %parallel_loop3A_2404 = arith.mulf %parallel_loop3A_2403, %parallel_loop3A_2403 : vector<32xbf16>
      %parallel_loop3A_2405 = arith.subf %pack3A_124, %parallel_loop3A_2356 : vector<32xbf16>
      %parallel_loop3A_2406 = arith.mulf %parallel_loop3A_2405, %parallel_loop3A_2405 : vector<32xbf16>
      %parallel_loop3A_2407 = arith.addf %parallel_loop3A_2404, %parallel_loop3A_2406 : vector<32xbf16>
      %parallel_loop3A_2408 = arith.subf %pack3A_133, %parallel_loop3A_2357 : vector<32xbf16>
      %parallel_loop3A_2409 = arith.mulf %parallel_loop3A_2408, %parallel_loop3A_2408 : vector<32xbf16>
      %parallel_loop3A_2410 = arith.addf %parallel_loop3A_2407, %parallel_loop3A_2409 : vector<32xbf16>
      %parallel_loop3A_2411 = arith.maximumf %parallel_loop3A_2340, %parallel_loop3A_2410 : vector<32xbf16>
      %parallel_loop3A_2412 = arith.minimumf %parallel_loop3A_2340, %parallel_loop3A_2410 : vector<32xbf16>
      %parallel_loop3A_2413 = arith.maximumf %parallel_loop3A_2342, %parallel_loop3A_2411 : vector<32xbf16>
      %parallel_loop3A_2414 = arith.minimumf %parallel_loop3A_2342, %parallel_loop3A_2411 : vector<32xbf16>
      %parallel_loop3A_2415 = arith.maximumf %parallel_loop3A_2344, %parallel_loop3A_2413 : vector<32xbf16>
      %parallel_loop3A_2416 = arith.minimumf %parallel_loop3A_2344, %parallel_loop3A_2413 : vector<32xbf16>
      %parallel_loop3A_2417 = arith.minimumf %parallel_loop3A_2345, %parallel_loop3A_2415 : vector<32xbf16>
      scf.yield %parallel_loop3A_2367, %parallel_loop3A_2382, %parallel_loop3A_2397, %parallel_loop3A_2412, %parallel_loop3A_2369, %parallel_loop3A_2384, %parallel_loop3A_2399, %parallel_loop3A_2414, %parallel_loop3A_2371, %parallel_loop3A_2386, %parallel_loop3A_2401, %parallel_loop3A_2416, %parallel_loop3A_2372, %parallel_loop3A_2387, %parallel_loop3A_2402, %parallel_loop3A_2417 : vector<32xbf16>, vector<32xbf16>, vector<32xbf16>, vector<32xbf16>, vector<32xbf16>, vector<32xbf16>, vector<32xbf16>, vector<32xbf16>, vector<32xbf16>, vector<32xbf16>, vector<32xbf16>, vector<32xbf16>, vector<32xbf16>, vector<32xbf16>, vector<32xbf16>, vector<32xbf16>
    } {sc.loop_unroll_factor = 2 : i64, sc.parallel_access}
    %unpack3A = tpu.unpack_subelements %parallel_loop3A_138#4, 0 {pack_format = #tpu.pack_format<interleaved>} : vector<32xbf16> -> vector<16xf32>
    %unpack3A_139 = tpu.unpack_subelements %parallel_loop3A_138#4, 1 {pack_format = #tpu.pack_format<interleaved>} : vector<32xbf16> -> vector<16xf32>
    %unpack3A_140 = tpu.unpack_subelements %parallel_loop3A_138#8, 0 {pack_format = #tpu.pack_format<interleaved>} : vector<32xbf16> -> vector<16xf32>
    %unpack3A_141 = tpu.unpack_subelements %parallel_loop3A_138#8, 1 {pack_format = #tpu.pack_format<interleaved>} : vector<32xbf16> -> vector<16xf32>
    %unpack3A_142 = tpu.unpack_subelements %parallel_loop3A_138#12, 0 {pack_format = #tpu.pack_format<interleaved>} : vector<32xbf16> -> vector<16xf32>
    %unpack3A_143 = tpu.unpack_subelements %parallel_loop3A_138#12, 1 {pack_format = #tpu.pack_format<interleaved>} : vector<32xbf16> -> vector<16xf32>
    %bitcast3A = vector.bitcast %unpack3A : vector<16xf32> to vector<16xi32>
    %shift_right_arithmetic3A = arith.constant 1 : i32
    %shift_right_arithmetic3A_144 = vector.broadcast %shift_right_arithmetic3A : i32 to vector<16xi32>
    %shift_right_arithmetic3A_145 = arith.shrsi %bitcast3A, %shift_right_arithmetic3A_144 : vector<16xi32>
    %add3A_146 = arith.constant 532487669 : i32
    %add3A_147 = vector.broadcast %add3A_146 : i32 to vector<16xi32>
    %add3A_148 = arith.addi %shift_right_arithmetic3A_145, %add3A_147 : vector<16xi32>
    %bitcast3A_149 = vector.bitcast %add3A_148 : vector<16xi32> to vector<16xf32>
    %div3A = arith.divf %unpack3A, %bitcast3A_149 : vector<16xf32>
    %add3A_150 = arith.addf %bitcast3A_149, %div3A : vector<16xf32>
    %mul3A_151 = arith.constant 5.000000e-01 : f32
    %mul3A_152 = vector.broadcast %mul3A_151 : f32 to vector<16xf32>
    %mul3A_153 = arith.mulf %mul3A_152, %add3A_150 : vector<16xf32>
    %div3A_154 = arith.divf %unpack3A, %mul3A_153 : vector<16xf32>
    %add3A_155 = arith.addf %mul3A_153, %div3A_154 : vector<16xf32>
    %mul3A_156 = arith.constant 5.000000e-01 : f32
    %mul3A_157 = vector.broadcast %mul3A_156 : f32 to vector<16xf32>
    %mul3A_158 = arith.mulf %mul3A_157, %add3A_155 : vector<16xf32>
    %div3A_159 = arith.divf %unpack3A, %mul3A_158 : vector<16xf32>
    %add3A_160 = arith.addf %mul3A_158, %div3A_159 : vector<16xf32>
    %mul3A_161 = arith.constant 5.000000e-01 : f32
    %mul3A_162 = vector.broadcast %mul3A_161 : f32 to vector<16xf32>
    %mul3A_163 = arith.mulf %mul3A_162, %add3A_160 : vector<16xf32>
    %gt3A = arith.constant 0.000000e+00 : f32
    %gt3A_164 = vector.broadcast %gt3A : f32 to vector<16xf32>
    %gt3A_165 = arith.cmpf ogt, %unpack3A, %gt3A_164 : vector<16xf32>
    %jit3A = arith.constant 0.000000e+00 : f32
    %broadcast_in_dim3A_166 = vector.broadcast %jit3A : f32 to vector<16xf32>
    %select_n3A = arith.select %gt3A_165, %mul3A_163, %broadcast_in_dim3A_166 : vector<16xi1>, vector<16xf32>
    %bitcast3A_167 = vector.bitcast %unpack3A_140 : vector<16xf32> to vector<16xi32>
    %shift_right_arithmetic3A_168 = arith.constant 1 : i32
    %shift_right_arithmetic3A_169 = vector.broadcast %shift_right_arithmetic3A_168 : i32 to vector<16xi32>
    %shift_right_arithmetic3A_170 = arith.shrsi %bitcast3A_167, %shift_right_arithmetic3A_169 : vector<16xi32>
    %add3A_171 = arith.constant 532487669 : i32
    %add3A_172 = vector.broadcast %add3A_171 : i32 to vector<16xi32>
    %add3A_173 = arith.addi %shift_right_arithmetic3A_170, %add3A_172 : vector<16xi32>
    %bitcast3A_174 = vector.bitcast %add3A_173 : vector<16xi32> to vector<16xf32>
    %div3A_175 = arith.divf %unpack3A_140, %bitcast3A_174 : vector<16xf32>
    %add3A_176 = arith.addf %bitcast3A_174, %div3A_175 : vector<16xf32>
    %mul3A_177 = arith.constant 5.000000e-01 : f32
    %mul3A_178 = vector.broadcast %mul3A_177 : f32 to vector<16xf32>
    %mul3A_179 = arith.mulf %mul3A_178, %add3A_176 : vector<16xf32>
    %div3A_180 = arith.divf %unpack3A_140, %mul3A_179 : vector<16xf32>
    %add3A_181 = arith.addf %mul3A_179, %div3A_180 : vector<16xf32>
    %mul3A_182 = arith.constant 5.000000e-01 : f32
    %mul3A_183 = vector.broadcast %mul3A_182 : f32 to vector<16xf32>
    %mul3A_184 = arith.mulf %mul3A_183, %add3A_181 : vector<16xf32>
    %div3A_185 = arith.divf %unpack3A_140, %mul3A_184 : vector<16xf32>
    %add3A_186 = arith.addf %mul3A_184, %div3A_185 : vector<16xf32>
    %mul3A_187 = arith.constant 5.000000e-01 : f32
    %mul3A_188 = vector.broadcast %mul3A_187 : f32 to vector<16xf32>
    %mul3A_189 = arith.mulf %mul3A_188, %add3A_186 : vector<16xf32>
    %gt3A_190 = arith.constant 0.000000e+00 : f32
    %gt3A_191 = vector.broadcast %gt3A_190 : f32 to vector<16xf32>
    %gt3A_192 = arith.cmpf ogt, %unpack3A_140, %gt3A_191 : vector<16xf32>
    %jit3A_193 = arith.constant 0.000000e+00 : f32
    %broadcast_in_dim3A_194 = vector.broadcast %jit3A_193 : f32 to vector<16xf32>
    %select_n3A_195 = arith.select %gt3A_192, %mul3A_189, %broadcast_in_dim3A_194 : vector<16xi1>, vector<16xf32>
    %add3A_196 = arith.addf %select_n3A, %select_n3A_195 : vector<16xf32>
    %bitcast3A_197 = vector.bitcast %unpack3A_142 : vector<16xf32> to vector<16xi32>
    %shift_right_arithmetic3A_198 = arith.constant 1 : i32
    %shift_right_arithmetic3A_199 = vector.broadcast %shift_right_arithmetic3A_198 : i32 to vector<16xi32>
    %shift_right_arithmetic3A_200 = arith.shrsi %bitcast3A_197, %shift_right_arithmetic3A_199 : vector<16xi32>
    %add3A_201 = arith.constant 532487669 : i32
    %add3A_202 = vector.broadcast %add3A_201 : i32 to vector<16xi32>
    %add3A_203 = arith.addi %shift_right_arithmetic3A_200, %add3A_202 : vector<16xi32>
    %bitcast3A_204 = vector.bitcast %add3A_203 : vector<16xi32> to vector<16xf32>
    %div3A_205 = arith.divf %unpack3A_142, %bitcast3A_204 : vector<16xf32>
    %add3A_206 = arith.addf %bitcast3A_204, %div3A_205 : vector<16xf32>
    %mul3A_207 = arith.constant 5.000000e-01 : f32
    %mul3A_208 = vector.broadcast %mul3A_207 : f32 to vector<16xf32>
    %mul3A_209 = arith.mulf %mul3A_208, %add3A_206 : vector<16xf32>
    %div3A_210 = arith.divf %unpack3A_142, %mul3A_209 : vector<16xf32>
    %add3A_211 = arith.addf %mul3A_209, %div3A_210 : vector<16xf32>
    %mul3A_212 = arith.constant 5.000000e-01 : f32
    %mul3A_213 = vector.broadcast %mul3A_212 : f32 to vector<16xf32>
    %mul3A_214 = arith.mulf %mul3A_213, %add3A_211 : vector<16xf32>
    %div3A_215 = arith.divf %unpack3A_142, %mul3A_214 : vector<16xf32>
    %add3A_216 = arith.addf %mul3A_214, %div3A_215 : vector<16xf32>
    %mul3A_217 = arith.constant 5.000000e-01 : f32
    %mul3A_218 = vector.broadcast %mul3A_217 : f32 to vector<16xf32>
    %mul3A_219 = arith.mulf %mul3A_218, %add3A_216 : vector<16xf32>
    %gt3A_220 = arith.constant 0.000000e+00 : f32
    %gt3A_221 = vector.broadcast %gt3A_220 : f32 to vector<16xf32>
    %gt3A_222 = arith.cmpf ogt, %unpack3A_142, %gt3A_221 : vector<16xf32>
    %jit3A_223 = arith.constant 0.000000e+00 : f32
    %broadcast_in_dim3A_224 = vector.broadcast %jit3A_223 : f32 to vector<16xf32>
    %select_n3A_225 = arith.select %gt3A_222, %mul3A_219, %broadcast_in_dim3A_224 : vector<16xi1>, vector<16xf32>
    %add3A_226 = arith.addf %add3A_196, %select_n3A_225 : vector<16xf32>
    %mul3A_227 = arith.constant 0.333333343 : f32
    %mul3A_228 = vector.broadcast %mul3A_227 : f32 to vector<16xf32>
    %mul3A_229 = arith.mulf %add3A_226, %mul3A_228 : vector<16xf32>
    %max3A = arith.constant 9.99999974E-6 : f32
    %max3A_230 = vector.broadcast %max3A : f32 to vector<16xf32>
    %max3A_231 = arith.maximumf %mul3A_229, %max3A_230 : vector<16xf32>
    %mul3A_232 = arith.constant 1.000000e-03 : f32
    %mul3A_233 = vector.broadcast %mul3A_232 : f32 to vector<16xf32>
    %mul3A_234 = arith.mulf %max3A_231, %mul3A_233 : vector<16xf32>
    %mul3A_235 = arith.mulf %mul3A_234, %mul3A_234 : vector<16xf32>
    %swap3A = arith.constant 0 : i32
    %swap3A_236 = arith.index_cast %swap3A : i32 to index
    %swap3A_237 = arith.constant 0 : index
    %swap3A_238 = tpu.vector_load %arg5[%swap3A_236, %swap3A_237] {strides = array<i32>} : memref<9x128xf32, #tpu.memory_space<vmem>>, vector<16xf32>,
    tpu.vector_store %arg5[%swap3A_236, %swap3A_237], %mul3A_235 {strides = array<i32>} : memref<9x128xf32, #tpu.memory_space<vmem>>, vector<16xf32>,
    %swap3A_239 = arith.constant 1 : i32
    %swap3A_240 = arith.index_cast %swap3A_239 : i32 to index
    %swap3A_241 = arith.constant 0 : index
    %swap3A_242 = tpu.vector_load %arg5[%swap3A_240, %swap3A_241] {strides = array<i32>} : memref<9x128xf32, #tpu.memory_space<vmem>>, vector<16xf32>,
    tpu.vector_store %arg5[%swap3A_240, %swap3A_241], %broadcast_in_dim3A_3 {strides = array<i32>} : memref<9x128xf32, #tpu.memory_space<vmem>>, vector<16xf32>,
    %swap3A_243 = arith.constant 2 : i32
    %swap3A_244 = arith.index_cast %swap3A_243 : i32 to index
    %swap3A_245 = arith.constant 0 : index
    %swap3A_246 = tpu.vector_load %arg5[%swap3A_244, %swap3A_245] {strides = array<i32>} : memref<9x128xf32, #tpu.memory_space<vmem>>, vector<16xf32>,
    tpu.vector_store %arg5[%swap3A_244, %swap3A_245], %broadcast_in_dim3A_3 {strides = array<i32>} : memref<9x128xf32, #tpu.memory_space<vmem>>, vector<16xf32>,
    %swap3A_247 = arith.constant 3 : i32
    %swap3A_248 = arith.index_cast %swap3A_247 : i32 to index
    %swap3A_249 = arith.constant 0 : index
    %swap3A_250 = tpu.vector_load %arg5[%swap3A_248, %swap3A_249] {strides = array<i32>} : memref<9x128xf32, #tpu.memory_space<vmem>>, vector<16xf32>,
    tpu.vector_store %arg5[%swap3A_248, %swap3A_249], %broadcast_in_dim3A_3 {strides = array<i32>} : memref<9x128xf32, #tpu.memory_space<vmem>>, vector<16xf32>,
    %swap3A_251 = arith.constant 4 : i32
    %swap3A_252 = arith.index_cast %swap3A_251 : i32 to index
    %swap3A_253 = arith.constant 0 : index
    %swap3A_254 = tpu.vector_load %arg5[%swap3A_252, %swap3A_253] {strides = array<i32>} : memref<9x128xf32, #tpu.memory_space<vmem>>, vector<16xf32>,
    tpu.vector_store %arg5[%swap3A_252, %swap3A_253], %mul3A_235 {strides = array<i32>} : memref<9x128xf32, #tpu.memory_space<vmem>>, vector<16xf32>,
    %swap3A_255 = arith.constant 5 : i32
    %swap3A_256 = arith.index_cast %swap3A_255 : i32 to index
    %swap3A_257 = arith.constant 0 : index
    %swap3A_258 = tpu.vector_load %arg5[%swap3A_256, %swap3A_257] {strides = array<i32>} : memref<9x128xf32, #tpu.memory_space<vmem>>, vector<16xf32>,
    tpu.vector_store %arg5[%swap3A_256, %swap3A_257], %broadcast_in_dim3A_3 {strides = array<i32>} : memref<9x128xf32, #tpu.memory_space<vmem>>, vector<16xf32>,
    %swap3A_259 = arith.constant 6 : i32
    %swap3A_260 = arith.index_cast %swap3A_259 : i32 to index
    %swap3A_261 = arith.constant 0 : index
    %swap3A_262 = tpu.vector_load %arg5[%swap3A_260, %swap3A_261] {strides = array<i32>} : memref<9x128xf32, #tpu.memory_space<vmem>>, vector<16xf32>,
    tpu.vector_store %arg5[%swap3A_260, %swap3A_261], %broadcast_in_dim3A_3 {strides = array<i32>} : memref<9x128xf32, #tpu.memory_space<vmem>>, vector<16xf32>,
    %swap3A_263 = arith.constant 7 : i32
    %swap3A_264 = arith.index_cast %swap3A_263 : i32 to index
    %swap3A_265 = arith.constant 0 : index
    %swap3A_266 = tpu.vector_load %arg5[%swap3A_264, %swap3A_265] {strides = array<i32>} : memref<9x128xf32, #tpu.memory_space<vmem>>, vector<16xf32>,
    tpu.vector_store %arg5[%swap3A_264, %swap3A_265], %broadcast_in_dim3A_3 {strides = array<i32>} : memref<9x128xf32, #tpu.memory_space<vmem>>, vector<16xf32>,
    %swap3A_267 = arith.constant 8 : i32
    %swap3A_268 = arith.index_cast %swap3A_267 : i32 to index
    %swap3A_269 = arith.constant 0 : index
    %swap3A_270 = tpu.vector_load %arg5[%swap3A_268, %swap3A_269] {strides = array<i32>} : memref<9x128xf32, #tpu.memory_space<vmem>>, vector<16xf32>,
    tpu.vector_store %arg5[%swap3A_268, %swap3A_269], %mul3A_235 {strides = array<i32>} : memref<9x128xf32, #tpu.memory_space<vmem>>, vector<16xf32>,
    %bitcast3A_271 = vector.bitcast %unpack3A_139 : vector<16xf32> to vector<16xi32>
    %shift_right_arithmetic3A_272 = arith.constant 1 : i32
    %shift_right_arithmetic3A_273 = vector.broadcast %shift_right_arithmetic3A_272 : i32 to vector<16xi32>
    %shift_right_arithmetic3A_274 = arith.shrsi %bitcast3A_271, %shift_right_arithmetic3A_273 : vector<16xi32>
    %add3A_275 = arith.constant 532487669 : i32
    %add3A_276 = vector.broadcast %add3A_275 : i32 to vector<16xi32>
    %add3A_277 = arith.addi %shift_right_arithmetic3A_274, %add3A_276 : vector<16xi32>
    %bitcast3A_278 = vector.bitcast %add3A_277 : vector<16xi32> to vector<16xf32>
    %div3A_279 = arith.divf %unpack3A_139, %bitcast3A_278 : vector<16xf32>
    %add3A_280 = arith.addf %bitcast3A_278, %div3A_279 : vector<16xf32>
    %mul3A_281 = arith.constant 5.000000e-01 : f32
    %mul3A_282 = vector.broadcast %mul3A_281 : f32 to vector<16xf32>
    %mul3A_283 = arith.mulf %mul3A_282, %add3A_280 : vector<16xf32>
    %div3A_284 = arith.divf %unpack3A_139, %mul3A_283 : vector<16xf32>
    %add3A_285 = arith.addf %mul3A_283, %div3A_284 : vector<16xf32>
    %mul3A_286 = arith.constant 5.000000e-01 : f32
    %mul3A_287 = vector.broadcast %mul3A_286 : f32 to vector<16xf32>
    %mul3A_288 = arith.mulf %mul3A_287, %add3A_285 : vector<16xf32>
    %div3A_289 = arith.divf %unpack3A_139, %mul3A_288 : vector<16xf32>
    %add3A_290 = arith.addf %mul3A_288, %div3A_289 : vector<16xf32>
    %mul3A_291 = arith.constant 5.000000e-01 : f32
    %mul3A_292 = vector.broadcast %mul3A_291 : f32 to vector<16xf32>
    %mul3A_293 = arith.mulf %mul3A_292, %add3A_290 : vector<16xf32>
    %gt3A_294 = arith.constant 0.000000e+00 : f32
    %gt3A_295 = vector.broadcast %gt3A_294 : f32 to vector<16xf32>
    %gt3A_296 = arith.cmpf ogt, %unpack3A_139, %gt3A_295 : vector<16xf32>
    %jit3A_297 = arith.constant 0.000000e+00 : f32
    %broadcast_in_dim3A_298 = vector.broadcast %jit3A_297 : f32 to vector<16xf32>
    %select_n3A_299 = arith.select %gt3A_296, %mul3A_293, %broadcast_in_dim3A_298 : vector<16xi1>, vector<16xf32>
    %bitcast3A_300 = vector.bitcast %unpack3A_141 : vector<16xf32> to vector<16xi32>
    %shift_right_arithmetic3A_301 = arith.constant 1 : i32
    %shift_right_arithmetic3A_302 = vector.broadcast %shift_right_arithmetic3A_301 : i32 to vector<16xi32>
    %shift_right_arithmetic3A_303 = arith.shrsi %bitcast3A_300, %shift_right_arithmetic3A_302 : vector<16xi32>
    %add3A_304 = arith.constant 532487669 : i32
    %add3A_305 = vector.broadcast %add3A_304 : i32 to vector<16xi32>
    %add3A_306 = arith.addi %shift_right_arithmetic3A_303, %add3A_305 : vector<16xi32>
    %bitcast3A_307 = vector.bitcast %add3A_306 : vector<16xi32> to vector<16xf32>
    %div3A_308 = arith.divf %unpack3A_141, %bitcast3A_307 : vector<16xf32>
    %add3A_309 = arith.addf %bitcast3A_307, %div3A_308 : vector<16xf32>
    %mul3A_310 = arith.constant 5.000000e-01 : f32
    %mul3A_311 = vector.broadcast %mul3A_310 : f32 to vector<16xf32>
    %mul3A_312 = arith.mulf %mul3A_311, %add3A_309 : vector<16xf32>
    %div3A_313 = arith.divf %unpack3A_141, %mul3A_312 : vector<16xf32>
    %add3A_314 = arith.addf %mul3A_312, %div3A_313 : vector<16xf32>
    %mul3A_315 = arith.constant 5.000000e-01 : f32
    %mul3A_316 = vector.broadcast %mul3A_315 : f32 to vector<16xf32>
    %mul3A_317 = arith.mulf %mul3A_316, %add3A_314 : vector<16xf32>
    %div3A_318 = arith.divf %unpack3A_141, %mul3A_317 : vector<16xf32>
    %add3A_319 = arith.addf %mul3A_317, %div3A_318 : vector<16xf32>
    %mul3A_320 = arith.constant 5.000000e-01 : f32
    %mul3A_321 = vector.broadcast %mul3A_320 : f32 to vector<16xf32>
    %mul3A_322 = arith.mulf %mul3A_321, %add3A_319 : vector<16xf32>
    %gt3A_323 = arith.constant 0.000000e+00 : f32
    %gt3A_324 = vector.broadcast %gt3A_323 : f32 to vector<16xf32>
    %gt3A_325 = arith.cmpf ogt, %unpack3A_141, %gt3A_324 : vector<16xf32>
    %jit3A_326 = arith.constant 0.000000e+00 : f32
    %broadcast_in_dim3A_327 = vector.broadcast %jit3A_326 : f32 to vector<16xf32>
    %select_n3A_328 = arith.select %gt3A_325, %mul3A_322, %broadcast_in_dim3A_327 : vector<16xi1>, vector<16xf32>
    %add3A_329 = arith.addf %select_n3A_299, %select_n3A_328 : vector<16xf32>
    %bitcast3A_330 = vector.bitcast %unpack3A_143 : vector<16xf32> to vector<16xi32>
    %shift_right_arithmetic3A_331 = arith.constant 1 : i32
    %shift_right_arithmetic3A_332 = vector.broadcast %shift_right_arithmetic3A_331 : i32 to vector<16xi32>
    %shift_right_arithmetic3A_333 = arith.shrsi %bitcast3A_330, %shift_right_arithmetic3A_332 : vector<16xi32>
    %add3A_334 = arith.constant 532487669 : i32
    %add3A_335 = vector.broadcast %add3A_334 : i32 to vector<16xi32>
    %add3A_336 = arith.addi %shift_right_arithmetic3A_333, %add3A_335 : vector<16xi32>
    %bitcast3A_337 = vector.bitcast %add3A_336 : vector<16xi32> to vector<16xf32>
    %div3A_338 = arith.divf %unpack3A_143, %bitcast3A_337 : vector<16xf32>
    %add3A_339 = arith.addf %bitcast3A_337, %div3A_338 : vector<16xf32>
    %mul3A_340 = arith.constant 5.000000e-01 : f32
    %mul3A_341 = vector.broadcast %mul3A_340 : f32 to vector<16xf32>
    %mul3A_342 = arith.mulf %mul3A_341, %add3A_339 : vector<16xf32>
    %div3A_343 = arith.divf %unpack3A_143, %mul3A_342 : vector<16xf32>
    %add3A_344 = arith.addf %mul3A_342, %div3A_343 : vector<16xf32>
    %mul3A_345 = arith.constant 5.000000e-01 : f32
    %mul3A_346 = vector.broadcast %mul3A_345 : f32 to vector<16xf32>
    %mul3A_347 = arith.mulf %mul3A_346, %add3A_344 : vector<16xf32>
    %div3A_348 = arith.divf %unpack3A_143, %mul3A_347 : vector<16xf32>
    %add3A_349 = arith.addf %mul3A_347, %div3A_348 : vector<16xf32>
    %mul3A_350 = arith.constant 5.000000e-01 : f32
    %mul3A_351 = vector.broadcast %mul3A_350 : f32 to vector<16xf32>
    %mul3A_352 = arith.mulf %mul3A_351, %add3A_349 : vector<16xf32>
    %gt3A_353 = arith.constant 0.000000e+00 : f32
    %gt3A_354 = vector.broadcast %gt3A_353 : f32 to vector<16xf32>
    %gt3A_355 = arith.cmpf ogt, %unpack3A_143, %gt3A_354 : vector<16xf32>
    %jit3A_356 = arith.constant 0.000000e+00 : f32
    %broadcast_in_dim3A_357 = vector.broadcast %jit3A_356 : f32 to vector<16xf32>
    %select_n3A_358 = arith.select %gt3A_355, %mul3A_352, %broadcast_in_dim3A_357 : vector<16xi1>, vector<16xf32>
    %add3A_359 = arith.addf %add3A_329, %select_n3A_358 : vector<16xf32>
    %mul3A_360 = arith.constant 0.333333343 : f32
    %mul3A_361 = vector.broadcast %mul3A_360 : f32 to vector<16xf32>
    %mul3A_362 = arith.mulf %add3A_359, %mul3A_361 : vector<16xf32>
    %max3A_363 = arith.constant 9.99999974E-6 : f32
    %max3A_364 = vector.broadcast %max3A_363 : f32 to vector<16xf32>
    %max3A_365 = arith.maximumf %mul3A_362, %max3A_364 : vector<16xf32>
    %mul3A_366 = arith.constant 1.000000e-03 : f32
    %mul3A_367 = vector.broadcast %mul3A_366 : f32 to vector<16xf32>
    %mul3A_368 = arith.mulf %max3A_365, %mul3A_367 : vector<16xf32>
    %mul3A_369 = arith.mulf %mul3A_368, %mul3A_368 : vector<16xf32>
    %swap3A_370 = arith.constant 0 : i32
    %swap3A_371 = arith.index_cast %swap3A_370 : i32 to index
    %swap3A_372 = arith.constant 16 : index
    %swap3A_373 = tpu.vector_load %arg5[%swap3A_371, %swap3A_372] {strides = array<i32>} : memref<9x128xf32, #tpu.memory_space<vmem>>, vector<16xf32>,
    tpu.vector_store %arg5[%swap3A_371, %swap3A_372], %mul3A_369 {strides = array<i32>} : memref<9x128xf32, #tpu.memory_space<vmem>>, vector<16xf32>,
    %swap3A_374 = arith.constant 1 : i32
    %swap3A_375 = arith.index_cast %swap3A_374 : i32 to index
    %swap3A_376 = arith.constant 16 : index
    %swap3A_377 = tpu.vector_load %arg5[%swap3A_375, %swap3A_376] {strides = array<i32>} : memref<9x128xf32, #tpu.memory_space<vmem>>, vector<16xf32>,
    tpu.vector_store %arg5[%swap3A_375, %swap3A_376], %broadcast_in_dim3A_3 {strides = array<i32>} : memref<9x128xf32, #tpu.memory_space<vmem>>, vector<16xf32>,
    %swap3A_378 = arith.constant 2 : i32
    %swap3A_379 = arith.index_cast %swap3A_378 : i32 to index
    %swap3A_380 = arith.constant 16 : index
    %swap3A_381 = tpu.vector_load %arg5[%swap3A_379, %swap3A_380] {strides = array<i32>} : memref<9x128xf32, #tpu.memory_space<vmem>>, vector<16xf32>,
    tpu.vector_store %arg5[%swap3A_379, %swap3A_380], %broadcast_in_dim3A_3 {strides = array<i32>} : memref<9x128xf32, #tpu.memory_space<vmem>>, vector<16xf32>,
    %swap3A_382 = arith.constant 3 : i32
    %swap3A_383 = arith.index_cast %swap3A_382 : i32 to index
    %swap3A_384 = arith.constant 16 : index
    %swap3A_385 = tpu.vector_load %arg5[%swap3A_383, %swap3A_384] {strides = array<i32>} : memref<9x128xf32, #tpu.memory_space<vmem>>, vector<16xf32>,
    tpu.vector_store %arg5[%swap3A_383, %swap3A_384], %broadcast_in_dim3A_3 {strides = array<i32>} : memref<9x128xf32, #tpu.memory_space<vmem>>, vector<16xf32>,
    %swap3A_386 = arith.constant 4 : i32
    %swap3A_387 = arith.index_cast %swap3A_386 : i32 to index
    %swap3A_388 = arith.constant 16 : index
    %swap3A_389 = tpu.vector_load %arg5[%swap3A_387, %swap3A_388] {strides = array<i32>} : memref<9x128xf32, #tpu.memory_space<vmem>>, vector<16xf32>,
    tpu.vector_store %arg5[%swap3A_387, %swap3A_388], %mul3A_369 {strides = array<i32>} : memref<9x128xf32, #tpu.memory_space<vmem>>, vector<16xf32>,
    %swap3A_390 = arith.constant 5 : i32
    %swap3A_391 = arith.index_cast %swap3A_390 : i32 to index
    %swap3A_392 = arith.constant 16 : index
    %swap3A_393 = tpu.vector_load %arg5[%swap3A_391, %swap3A_392] {strides = array<i32>} : memref<9x128xf32, #tpu.memory_space<vmem>>, vector<16xf32>,
    tpu.vector_store %arg5[%swap3A_391, %swap3A_392], %broadcast_in_dim3A_3 {strides = array<i32>} : memref<9x128xf32, #tpu.memory_space<vmem>>, vector<16xf32>,
    %swap3A_394 = arith.constant 6 : i32
    %swap3A_395 = arith.index_cast %swap3A_394 : i32 to index
    %swap3A_396 = arith.constant 16 : index
    %swap3A_397 = tpu.vector_load %arg5[%swap3A_395, %swap3A_396] {strides = array<i32>} : memref<9x128xf32, #tpu.memory_space<vmem>>, vector<16xf32>,
    tpu.vector_store %arg5[%swap3A_395, %swap3A_396], %broadcast_in_dim3A_3 {strides = array<i32>} : memref<9x128xf32, #tpu.memory_space<vmem>>, vector<16xf32>,
    %swap3A_398 = arith.constant 7 : i32
    %swap3A_399 = arith.index_cast %swap3A_398 : i32 to index
    %swap3A_400 = arith.constant 16 : index
    %swap3A_401 = tpu.vector_load %arg5[%swap3A_399, %swap3A_400] {strides = array<i32>} : memref<9x128xf32, #tpu.memory_space<vmem>>, vector<16xf32>,
    tpu.vector_store %arg5[%swap3A_399, %swap3A_400], %broadcast_in_dim3A_3 {strides = array<i32>} : memref<9x128xf32, #tpu.memory_space<vmem>>, vector<16xf32>,
    %swap3A_402 = arith.constant 8 : i32
    %swap3A_403 = arith.index_cast %swap3A_402 : i32 to index
    %swap3A_404 = arith.constant 16 : index
    %swap3A_405 = tpu.vector_load %arg5[%swap3A_403, %swap3A_404] {strides = array<i32>} : memref<9x128xf32, #tpu.memory_space<vmem>>, vector<16xf32>,
    tpu.vector_store %arg5[%swap3A_403, %swap3A_404], %mul3A_369 {strides = array<i32>} : memref<9x128xf32, #tpu.memory_space<vmem>>, vector<16xf32>,
    %unpack3A_406 = tpu.unpack_subelements %parallel_loop3A_138#5, 0 {pack_format = #tpu.pack_format<interleaved>} : vector<32xbf16> -> vector<16xf32>
    %unpack3A_407 = tpu.unpack_subelements %parallel_loop3A_138#5, 1 {pack_format = #tpu.pack_format<interleaved>} : vector<32xbf16> -> vector<16xf32>
    %unpack3A_408 = tpu.unpack_subelements %parallel_loop3A_138#9, 0 {pack_format = #tpu.pack_format<interleaved>} : vector<32xbf16> -> vector<16xf32>
    %unpack3A_409 = tpu.unpack_subelements %parallel_loop3A_138#9, 1 {pack_format = #tpu.pack_format<interleaved>} : vector<32xbf16> -> vector<16xf32>
    %unpack3A_410 = tpu.unpack_subelements %parallel_loop3A_138#13, 0 {pack_format = #tpu.pack_format<interleaved>} : vector<32xbf16> -> vector<16xf32>
    %unpack3A_411 = tpu.unpack_subelements %parallel_loop3A_138#13, 1 {pack_format = #tpu.pack_format<interleaved>} : vector<32xbf16> -> vector<16xf32>
    %bitcast3A_412 = vector.bitcast %unpack3A_406 : vector<16xf32> to vector<16xi32>
    %shift_right_arithmetic3A_413 = arith.constant 1 : i32
    %shift_right_arithmetic3A_414 = vector.broadcast %shift_right_arithmetic3A_413 : i32 to vector<16xi32>
    %shift_right_arithmetic3A_415 = arith.shrsi %bitcast3A_412, %shift_right_arithmetic3A_414 : vector<16xi32>
    %add3A_416 = arith.constant 532487669 : i32
    %add3A_417 = vector.broadcast %add3A_416 : i32 to vector<16xi32>
    %add3A_418 = arith.addi %shift_right_arithmetic3A_415, %add3A_417 : vector<16xi32>
    %bitcast3A_419 = vector.bitcast %add3A_418 : vector<16xi32> to vector<16xf32>
    %div3A_420 = arith.divf %unpack3A_406, %bitcast3A_419 : vector<16xf32>
    %add3A_421 = arith.addf %bitcast3A_419, %div3A_420 : vector<16xf32>
    %mul3A_422 = arith.constant 5.000000e-01 : f32
    %mul3A_423 = vector.broadcast %mul3A_422 : f32 to vector<16xf32>
    %mul3A_424 = arith.mulf %mul3A_423, %add3A_421 : vector<16xf32>
    %div3A_425 = arith.divf %unpack3A_406, %mul3A_424 : vector<16xf32>
    %add3A_426 = arith.addf %mul3A_424, %div3A_425 : vector<16xf32>
    %mul3A_427 = arith.constant 5.000000e-01 : f32
    %mul3A_428 = vector.broadcast %mul3A_427 : f32 to vector<16xf32>
    %mul3A_429 = arith.mulf %mul3A_428, %add3A_426 : vector<16xf32>
    %div3A_430 = arith.divf %unpack3A_406, %mul3A_429 : vector<16xf32>
    %add3A_431 = arith.addf %mul3A_429, %div3A_430 : vector<16xf32>
    %mul3A_432 = arith.constant 5.000000e-01 : f32
    %mul3A_433 = vector.broadcast %mul3A_432 : f32 to vector<16xf32>
    %mul3A_434 = arith.mulf %mul3A_433, %add3A_431 : vector<16xf32>
    %gt3A_435 = arith.constant 0.000000e+00 : f32
    %gt3A_436 = vector.broadcast %gt3A_435 : f32 to vector<16xf32>
    %gt3A_437 = arith.cmpf ogt, %unpack3A_406, %gt3A_436 : vector<16xf32>
    %jit3A_438 = arith.constant 0.000000e+00 : f32
    %broadcast_in_dim3A_439 = vector.broadcast %jit3A_438 : f32 to vector<16xf32>
    %select_n3A_440 = arith.select %gt3A_437, %mul3A_434, %broadcast_in_dim3A_439 : vector<16xi1>, vector<16xf32>
    %bitcast3A_441 = vector.bitcast %unpack3A_408 : vector<16xf32> to vector<16xi32>
    %shift_right_arithmetic3A_442 = arith.constant 1 : i32
    %shift_right_arithmetic3A_443 = vector.broadcast %shift_right_arithmetic3A_442 : i32 to vector<16xi32>
    %shift_right_arithmetic3A_444 = arith.shrsi %bitcast3A_441, %shift_right_arithmetic3A_443 : vector<16xi32>
    %add3A_445 = arith.constant 532487669 : i32
    %add3A_446 = vector.broadcast %add3A_445 : i32 to vector<16xi32>
    %add3A_447 = arith.addi %shift_right_arithmetic3A_444, %add3A_446 : vector<16xi32>
    %bitcast3A_448 = vector.bitcast %add3A_447 : vector<16xi32> to vector<16xf32>
    %div3A_449 = arith.divf %unpack3A_408, %bitcast3A_448 : vector<16xf32>
    %add3A_450 = arith.addf %bitcast3A_448, %div3A_449 : vector<16xf32>
    %mul3A_451 = arith.constant 5.000000e-01 : f32
    %mul3A_452 = vector.broadcast %mul3A_451 : f32 to vector<16xf32>
    %mul3A_453 = arith.mulf %mul3A_452, %add3A_450 : vector<16xf32>
    %div3A_454 = arith.divf %unpack3A_408, %mul3A_453 : vector<16xf32>
    %add3A_455 = arith.addf %mul3A_453, %div3A_454 : vector<16xf32>
    %mul3A_456 = arith.constant 5.000000e-01 : f32
    %mul3A_457 = vector.broadcast %mul3A_456 : f32 to vector<16xf32>
    %mul3A_458 = arith.mulf %mul3A_457, %add3A_455 : vector<16xf32>
    %div3A_459 = arith.divf %unpack3A_408, %mul3A_458 : vector<16xf32>
    %add3A_460 = arith.addf %mul3A_458, %div3A_459 : vector<16xf32>
    %mul3A_461 = arith.constant 5.000000e-01 : f32
    %mul3A_462 = vector.broadcast %mul3A_461 : f32 to vector<16xf32>
    %mul3A_463 = arith.mulf %mul3A_462, %add3A_460 : vector<16xf32>
    %gt3A_464 = arith.constant 0.000000e+00 : f32
    %gt3A_465 = vector.broadcast %gt3A_464 : f32 to vector<16xf32>
    %gt3A_466 = arith.cmpf ogt, %unpack3A_408, %gt3A_465 : vector<16xf32>
    %jit3A_467 = arith.constant 0.000000e+00 : f32
    %broadcast_in_dim3A_468 = vector.broadcast %jit3A_467 : f32 to vector<16xf32>
    %select_n3A_469 = arith.select %gt3A_466, %mul3A_463, %broadcast_in_dim3A_468 : vector<16xi1>, vector<16xf32>
    %add3A_470 = arith.addf %select_n3A_440, %select_n3A_469 : vector<16xf32>
    %bitcast3A_471 = vector.bitcast %unpack3A_410 : vector<16xf32> to vector<16xi32>
    %shift_right_arithmetic3A_472 = arith.constant 1 : i32
    %shift_right_arithmetic3A_473 = vector.broadcast %shift_right_arithmetic3A_472 : i32 to vector<16xi32>
    %shift_right_arithmetic3A_474 = arith.shrsi %bitcast3A_471, %shift_right_arithmetic3A_473 : vector<16xi32>
    %add3A_475 = arith.constant 532487669 : i32
    %add3A_476 = vector.broadcast %add3A_475 : i32 to vector<16xi32>
    %add3A_477 = arith.addi %shift_right_arithmetic3A_474, %add3A_476 : vector<16xi32>
    %bitcast3A_478 = vector.bitcast %add3A_477 : vector<16xi32> to vector<16xf32>
    %div3A_479 = arith.divf %unpack3A_410, %bitcast3A_478 : vector<16xf32>
    %add3A_480 = arith.addf %bitcast3A_478, %div3A_479 : vector<16xf32>
    %mul3A_481 = arith.constant 5.000000e-01 : f32
    %mul3A_482 = vector.broadcast %mul3A_481 : f32 to vector<16xf32>
    %mul3A_483 = arith.mulf %mul3A_482, %add3A_480 : vector<16xf32>
    %div3A_484 = arith.divf %unpack3A_410, %mul3A_483 : vector<16xf32>
    %add3A_485 = arith.addf %mul3A_483, %div3A_484 : vector<16xf32>
    %mul3A_486 = arith.constant 5.000000e-01 : f32
    %mul3A_487 = vector.broadcast %mul3A_486 : f32 to vector<16xf32>
    %mul3A_488 = arith.mulf %mul3A_487, %add3A_485 : vector<16xf32>
    %div3A_489 = arith.divf %unpack3A_410, %mul3A_488 : vector<16xf32>
    %add3A_490 = arith.addf %mul3A_488, %div3A_489 : vector<16xf32>
    %mul3A_491 = arith.constant 5.000000e-01 : f32
    %mul3A_492 = vector.broadcast %mul3A_491 : f32 to vector<16xf32>
    %mul3A_493 = arith.mulf %mul3A_492, %add3A_490 : vector<16xf32>
    %gt3A_494 = arith.constant 0.000000e+00 : f32
    %gt3A_495 = vector.broadcast %gt3A_494 : f32 to vector<16xf32>
    %gt3A_496 = arith.cmpf ogt, %unpack3A_410, %gt3A_495 : vector<16xf32>
    %jit3A_497 = arith.constant 0.000000e+00 : f32
    %broadcast_in_dim3A_498 = vector.broadcast %jit3A_497 : f32 to vector<16xf32>
    %select_n3A_499 = arith.select %gt3A_496, %mul3A_493, %broadcast_in_dim3A_498 : vector<16xi1>, vector<16xf32>
    %add3A_500 = arith.addf %add3A_470, %select_n3A_499 : vector<16xf32>
    %mul3A_501 = arith.constant 0.333333343 : f32
    %mul3A_502 = vector.broadcast %mul3A_501 : f32 to vector<16xf32>
    %mul3A_503 = arith.mulf %add3A_500, %mul3A_502 : vector<16xf32>
    %max3A_504 = arith.constant 9.99999974E-6 : f32
    %max3A_505 = vector.broadcast %max3A_504 : f32 to vector<16xf32>
    %max3A_506 = arith.maximumf %mul3A_503, %max3A_505 : vector<16xf32>
    %mul3A_507 = arith.constant 1.000000e-03 : f32
    %mul3A_508 = vector.broadcast %mul3A_507 : f32 to vector<16xf32>
    %mul3A_509 = arith.mulf %max3A_506, %mul3A_508 : vector<16xf32>
    %mul3A_510 = arith.mulf %mul3A_509, %mul3A_509 : vector<16xf32>
    %swap3A_511 = arith.constant 0 : i32
    %swap3A_512 = arith.index_cast %swap3A_511 : i32 to index
    %swap3A_513 = arith.constant 32 : index
    %swap3A_514 = tpu.vector_load %arg5[%swap3A_512, %swap3A_513] {strides = array<i32>} : memref<9x128xf32, #tpu.memory_space<vmem>>, vector<16xf32>,
    tpu.vector_store %arg5[%swap3A_512, %swap3A_513], %mul3A_510 {strides = array<i32>} : memref<9x128xf32, #tpu.memory_space<vmem>>, vector<16xf32>,
    %swap3A_515 = arith.constant 1 : i32
    %swap3A_516 = arith.index_cast %swap3A_515 : i32 to index
    %swap3A_517 = arith.constant 32 : index
    %swap3A_518 = tpu.vector_load %arg5[%swap3A_516, %swap3A_517] {strides = array<i32>} : memref<9x128xf32, #tpu.memory_space<vmem>>, vector<16xf32>,
    tpu.vector_store %arg5[%swap3A_516, %swap3A_517], %broadcast_in_dim3A_3 {strides = array<i32>} : memref<9x128xf32, #tpu.memory_space<vmem>>, vector<16xf32>,
    %swap3A_519 = arith.constant 2 : i32
    %swap3A_520 = arith.index_cast %swap3A_519 : i32 to index
    %swap3A_521 = arith.constant 32 : index
    %swap3A_522 = tpu.vector_load %arg5[%swap3A_520, %swap3A_521] {strides = array<i32>} : memref<9x128xf32, #tpu.memory_space<vmem>>, vector<16xf32>,
    tpu.vector_store %arg5[%swap3A_520, %swap3A_521], %broadcast_in_dim3A_3 {strides = array<i32>} : memref<9x128xf32, #tpu.memory_space<vmem>>, vector<16xf32>,
    %swap3A_523 = arith.constant 3 : i32
    %swap3A_524 = arith.index_cast %swap3A_523 : i32 to index
    %swap3A_525 = arith.constant 32 : index
    %swap3A_526 = tpu.vector_load %arg5[%swap3A_524, %swap3A_525] {strides = array<i32>} : memref<9x128xf32, #tpu.memory_space<vmem>>, vector<16xf32>,
    tpu.vector_store %arg5[%swap3A_524, %swap3A_525], %broadcast_in_dim3A_3 {strides = array<i32>} : memref<9x128xf32, #tpu.memory_space<vmem>>, vector<16xf32>,
    %swap3A_527 = arith.constant 4 : i32
    %swap3A_528 = arith.index_cast %swap3A_527 : i32 to index
    %swap3A_529 = arith.constant 32 : index
    %swap3A_530 = tpu.vector_load %arg5[%swap3A_528, %swap3A_529] {strides = array<i32>} : memref<9x128xf32, #tpu.memory_space<vmem>>, vector<16xf32>,
    tpu.vector_store %arg5[%swap3A_528, %swap3A_529], %mul3A_510 {strides = array<i32>} : memref<9x128xf32, #tpu.memory_space<vmem>>, vector<16xf32>,
    %swap3A_531 = arith.constant 5 : i32
    %swap3A_532 = arith.index_cast %swap3A_531 : i32 to index
    %swap3A_533 = arith.constant 32 : index
    %swap3A_534 = tpu.vector_load %arg5[%swap3A_532, %swap3A_533] {strides = array<i32>} : memref<9x128xf32, #tpu.memory_space<vmem>>, vector<16xf32>,
    tpu.vector_store %arg5[%swap3A_532, %swap3A_533], %broadcast_in_dim3A_3 {strides = array<i32>} : memref<9x128xf32, #tpu.memory_space<vmem>>, vector<16xf32>,
    %swap3A_535 = arith.constant 6 : i32
    %swap3A_536 = arith.index_cast %swap3A_535 : i32 to index
    %swap3A_537 = arith.constant 32 : index
    %swap3A_538 = tpu.vector_load %arg5[%swap3A_536, %swap3A_537] {strides = array<i32>} : memref<9x128xf32, #tpu.memory_space<vmem>>, vector<16xf32>,
    tpu.vector_store %arg5[%swap3A_536, %swap3A_537], %broadcast_in_dim3A_3 {strides = array<i32>} : memref<9x128xf32, #tpu.memory_space<vmem>>, vector<16xf32>,
    %swap3A_539 = arith.constant 7 : i32
    %swap3A_540 = arith.index_cast %swap3A_539 : i32 to index
    %swap3A_541 = arith.constant 32 : index
    %swap3A_542 = tpu.vector_load %arg5[%swap3A_540, %swap3A_541] {strides = array<i32>} : memref<9x128xf32, #tpu.memory_space<vmem>>, vector<16xf32>,
    tpu.vector_store %arg5[%swap3A_540, %swap3A_541], %broadcast_in_dim3A_3 {strides = array<i32>} : memref<9x128xf32, #tpu.memory_space<vmem>>, vector<16xf32>,
    %swap3A_543 = arith.constant 8 : i32
    %swap3A_544 = arith.index_cast %swap3A_543 : i32 to index
    %swap3A_545 = arith.constant 32 : index
    %swap3A_546 = tpu.vector_load %arg5[%swap3A_544, %swap3A_545] {strides = array<i32>} : memref<9x128xf32, #tpu.memory_space<vmem>>, vector<16xf32>,
    tpu.vector_store %arg5[%swap3A_544, %swap3A_545], %mul3A_510 {strides = array<i32>} : memref<9x128xf32, #tpu.memory_space<vmem>>, vector<16xf32>,
    %bitcast3A_547 = vector.bitcast %unpack3A_407 : vector<16xf32> to vector<16xi32>
    %shift_right_arithmetic3A_548 = arith.constant 1 : i32
    %shift_right_arithmetic3A_549 = vector.broadcast %shift_right_arithmetic3A_548 : i32 to vector<16xi32>
    %shift_right_arithmetic3A_550 = arith.shrsi %bitcast3A_547, %shift_right_arithmetic3A_549 : vector<16xi32>
    %add3A_551 = arith.constant 532487669 : i32
    %add3A_552 = vector.broadcast %add3A_551 : i32 to vector<16xi32>
    %add3A_553 = arith.addi %shift_right_arithmetic3A_550, %add3A_552 : vector<16xi32>
    %bitcast3A_554 = vector.bitcast %add3A_553 : vector<16xi32> to vector<16xf32>
    %div3A_555 = arith.divf %unpack3A_407, %bitcast3A_554 : vector<16xf32>
    %add3A_556 = arith.addf %bitcast3A_554, %div3A_555 : vector<16xf32>
    %mul3A_557 = arith.constant 5.000000e-01 : f32
    %mul3A_558 = vector.broadcast %mul3A_557 : f32 to vector<16xf32>
    %mul3A_559 = arith.mulf %mul3A_558, %add3A_556 : vector<16xf32>
    %div3A_560 = arith.divf %unpack3A_407, %mul3A_559 : vector<16xf32>
    %add3A_561 = arith.addf %mul3A_559, %div3A_560 : vector<16xf32>
    %mul3A_562 = arith.constant 5.000000e-01 : f32
    %mul3A_563 = vector.broadcast %mul3A_562 : f32 to vector<16xf32>
    %mul3A_564 = arith.mulf %mul3A_563, %add3A_561 : vector<16xf32>
    %div3A_565 = arith.divf %unpack3A_407, %mul3A_564 : vector<16xf32>
    %add3A_566 = arith.addf %mul3A_564, %div3A_565 : vector<16xf32>
    %mul3A_567 = arith.constant 5.000000e-01 : f32
    %mul3A_568 = vector.broadcast %mul3A_567 : f32 to vector<16xf32>
    %mul3A_569 = arith.mulf %mul3A_568, %add3A_566 : vector<16xf32>
    %gt3A_570 = arith.constant 0.000000e+00 : f32
    %gt3A_571 = vector.broadcast %gt3A_570 : f32 to vector<16xf32>
    %gt3A_572 = arith.cmpf ogt, %unpack3A_407, %gt3A_571 : vector<16xf32>
    %jit3A_573 = arith.constant 0.000000e+00 : f32
    %broadcast_in_dim3A_574 = vector.broadcast %jit3A_573 : f32 to vector<16xf32>
    %select_n3A_575 = arith.select %gt3A_572, %mul3A_569, %broadcast_in_dim3A_574 : vector<16xi1>, vector<16xf32>
    %bitcast3A_576 = vector.bitcast %unpack3A_409 : vector<16xf32> to vector<16xi32>
    %shift_right_arithmetic3A_577 = arith.constant 1 : i32
    %shift_right_arithmetic3A_578 = vector.broadcast %shift_right_arithmetic3A_577 : i32 to vector<16xi32>
    %shift_right_arithmetic3A_579 = arith.shrsi %bitcast3A_576, %shift_right_arithmetic3A_578 : vector<16xi32>
    %add3A_580 = arith.constant 532487669 : i32
    %add3A_581 = vector.broadcast %add3A_580 : i32 to vector<16xi32>
    %add3A_582 = arith.addi %shift_right_arithmetic3A_579, %add3A_581 : vector<16xi32>
    %bitcast3A_583 = vector.bitcast %add3A_582 : vector<16xi32> to vector<16xf32>
    %div3A_584 = arith.divf %unpack3A_409, %bitcast3A_583 : vector<16xf32>
    %add3A_585 = arith.addf %bitcast3A_583, %div3A_584 : vector<16xf32>
    %mul3A_586 = arith.constant 5.000000e-01 : f32
    %mul3A_587 = vector.broadcast %mul3A_586 : f32 to vector<16xf32>
    %mul3A_588 = arith.mulf %mul3A_587, %add3A_585 : vector<16xf32>
    %div3A_589 = arith.divf %unpack3A_409, %mul3A_588 : vector<16xf32>
    %add3A_590 = arith.addf %mul3A_588, %div3A_589 : vector<16xf32>
    %mul3A_591 = arith.constant 5.000000e-01 : f32
    %mul3A_592 = vector.broadcast %mul3A_591 : f32 to vector<16xf32>
    %mul3A_593 = arith.mulf %mul3A_592, %add3A_590 : vector<16xf32>
    %div3A_594 = arith.divf %unpack3A_409, %mul3A_593 : vector<16xf32>
    %add3A_595 = arith.addf %mul3A_593, %div3A_594 : vector<16xf32>
    %mul3A_596 = arith.constant 5.000000e-01 : f32
    %mul3A_597 = vector.broadcast %mul3A_596 : f32 to vector<16xf32>
    %mul3A_598 = arith.mulf %mul3A_597, %add3A_595 : vector<16xf32>
    %gt3A_599 = arith.constant 0.000000e+00 : f32
    %gt3A_600 = vector.broadcast %gt3A_599 : f32 to vector<16xf32>
    %gt3A_601 = arith.cmpf ogt, %unpack3A_409, %gt3A_600 : vector<16xf32>
    %jit3A_602 = arith.constant 0.000000e+00 : f32
    %broadcast_in_dim3A_603 = vector.broadcast %jit3A_602 : f32 to vector<16xf32>
    %select_n3A_604 = arith.select %gt3A_601, %mul3A_598, %broadcast_in_dim3A_603 : vector<16xi1>, vector<16xf32>
    %add3A_605 = arith.addf %select_n3A_575, %select_n3A_604 : vector<16xf32>
    %bitcast3A_606 = vector.bitcast %unpack3A_411 : vector<16xf32> to vector<16xi32>
    %shift_right_arithmetic3A_607 = arith.constant 1 : i32
    %shift_right_arithmetic3A_608 = vector.broadcast %shift_right_arithmetic3A_607 : i32 to vector<16xi32>
    %shift_right_arithmetic3A_609 = arith.shrsi %bitcast3A_606, %shift_right_arithmetic3A_608 : vector<16xi32>
    %add3A_610 = arith.constant 532487669 : i32
    %add3A_611 = vector.broadcast %add3A_610 : i32 to vector<16xi32>
    %add3A_612 = arith.addi %shift_right_arithmetic3A_609, %add3A_611 : vector<16xi32>
    %bitcast3A_613 = vector.bitcast %add3A_612 : vector<16xi32> to vector<16xf32>
    %div3A_614 = arith.divf %unpack3A_411, %bitcast3A_613 : vector<16xf32>
    %add3A_615 = arith.addf %bitcast3A_613, %div3A_614 : vector<16xf32>
    %mul3A_616 = arith.constant 5.000000e-01 : f32
    %mul3A_617 = vector.broadcast %mul3A_616 : f32 to vector<16xf32>
    %mul3A_618 = arith.mulf %mul3A_617, %add3A_615 : vector<16xf32>
    %div3A_619 = arith.divf %unpack3A_411, %mul3A_618 : vector<16xf32>
    %add3A_620 = arith.addf %mul3A_618, %div3A_619 : vector<16xf32>
    %mul3A_621 = arith.constant 5.000000e-01 : f32
    %mul3A_622 = vector.broadcast %mul3A_621 : f32 to vector<16xf32>
    %mul3A_623 = arith.mulf %mul3A_622, %add3A_620 : vector<16xf32>
    %div3A_624 = arith.divf %unpack3A_411, %mul3A_623 : vector<16xf32>
    %add3A_625 = arith.addf %mul3A_623, %div3A_624 : vector<16xf32>
    %mul3A_626 = arith.constant 5.000000e-01 : f32
    %mul3A_627 = vector.broadcast %mul3A_626 : f32 to vector<16xf32>
    %mul3A_628 = arith.mulf %mul3A_627, %add3A_625 : vector<16xf32>
    %gt3A_629 = arith.constant 0.000000e+00 : f32
    %gt3A_630 = vector.broadcast %gt3A_629 : f32 to vector<16xf32>
    %gt3A_631 = arith.cmpf ogt, %unpack3A_411, %gt3A_630 : vector<16xf32>
    %jit3A_632 = arith.constant 0.000000e+00 : f32
    %broadcast_in_dim3A_633 = vector.broadcast %jit3A_632 : f32 to vector<16xf32>
    %select_n3A_634 = arith.select %gt3A_631, %mul3A_628, %broadcast_in_dim3A_633 : vector<16xi1>, vector<16xf32>
    %add3A_635 = arith.addf %add3A_605, %select_n3A_634 : vector<16xf32>
    %mul3A_636 = arith.constant 0.333333343 : f32
    %mul3A_637 = vector.broadcast %mul3A_636 : f32 to vector<16xf32>
    %mul3A_638 = arith.mulf %add3A_635, %mul3A_637 : vector<16xf32>
    %max3A_639 = arith.constant 9.99999974E-6 : f32
    %max3A_640 = vector.broadcast %max3A_639 : f32 to vector<16xf32>
    %max3A_641 = arith.maximumf %mul3A_638, %max3A_640 : vector<16xf32>
    %mul3A_642 = arith.constant 1.000000e-03 : f32
    %mul3A_643 = vector.broadcast %mul3A_642 : f32 to vector<16xf32>
    %mul3A_644 = arith.mulf %max3A_641, %mul3A_643 : vector<16xf32>
    %mul3A_645 = arith.mulf %mul3A_644, %mul3A_644 : vector<16xf32>
    %swap3A_646 = arith.constant 0 : i32
    %swap3A_647 = arith.index_cast %swap3A_646 : i32 to index
    %swap3A_648 = arith.constant 48 : index
    %swap3A_649 = tpu.vector_load %arg5[%swap3A_647, %swap3A_648] {strides = array<i32>} : memref<9x128xf32, #tpu.memory_space<vmem>>, vector<16xf32>,
    tpu.vector_store %arg5[%swap3A_647, %swap3A_648], %mul3A_645 {strides = array<i32>} : memref<9x128xf32, #tpu.memory_space<vmem>>, vector<16xf32>,
    %swap3A_650 = arith.constant 1 : i32
    %swap3A_651 = arith.index_cast %swap3A_650 : i32 to index
    %swap3A_652 = arith.constant 48 : index
    %swap3A_653 = tpu.vector_load %arg5[%swap3A_651, %swap3A_652] {strides = array<i32>} : memref<9x128xf32, #tpu.memory_space<vmem>>, vector<16xf32>,
    tpu.vector_store %arg5[%swap3A_651, %swap3A_652], %broadcast_in_dim3A_3 {strides = array<i32>} : memref<9x128xf32, #tpu.memory_space<vmem>>, vector<16xf32>,
    %swap3A_654 = arith.constant 2 : i32
    %swap3A_655 = arith.index_cast %swap3A_654 : i32 to index
    %swap3A_656 = arith.constant 48 : index
    %swap3A_657 = tpu.vector_load %arg5[%swap3A_655, %swap3A_656] {strides = array<i32>} : memref<9x128xf32, #tpu.memory_space<vmem>>, vector<16xf32>,
    tpu.vector_store %arg5[%swap3A_655, %swap3A_656], %broadcast_in_dim3A_3 {strides = array<i32>} : memref<9x128xf32, #tpu.memory_space<vmem>>, vector<16xf32>,
    %swap3A_658 = arith.constant 3 : i32
    %swap3A_659 = arith.index_cast %swap3A_658 : i32 to index
    %swap3A_660 = arith.constant 48 : index
    %swap3A_661 = tpu.vector_load %arg5[%swap3A_659, %swap3A_660] {strides = array<i32>} : memref<9x128xf32, #tpu.memory_space<vmem>>, vector<16xf32>,
    tpu.vector_store %arg5[%swap3A_659, %swap3A_660], %broadcast_in_dim3A_3 {strides = array<i32>} : memref<9x128xf32, #tpu.memory_space<vmem>>, vector<16xf32>,
    %swap3A_662 = arith.constant 4 : i32
    %swap3A_663 = arith.index_cast %swap3A_662 : i32 to index
    %swap3A_664 = arith.constant 48 : index
    %swap3A_665 = tpu.vector_load %arg5[%swap3A_663, %swap3A_664] {strides = array<i32>} : memref<9x128xf32, #tpu.memory_space<vmem>>, vector<16xf32>,
    tpu.vector_store %arg5[%swap3A_663, %swap3A_664], %mul3A_645 {strides = array<i32>} : memref<9x128xf32, #tpu.memory_space<vmem>>, vector<16xf32>,
    %swap3A_666 = arith.constant 5 : i32
    %swap3A_667 = arith.index_cast %swap3A_666 : i32 to index
    %swap3A_668 = arith.constant 48 : index
    %swap3A_669 = tpu.vector_load %arg5[%swap3A_667, %swap3A_668] {strides = array<i32>} : memref<9x128xf32, #tpu.memory_space<vmem>>, vector<16xf32>,
    tpu.vector_store %arg5[%swap3A_667, %swap3A_668], %broadcast_in_dim3A_3 {strides = array<i32>} : memref<9x128xf32, #tpu.memory_space<vmem>>, vector<16xf32>,
    %swap3A_670 = arith.constant 6 : i32
    %swap3A_671 = arith.index_cast %swap3A_670 : i32 to index
    %swap3A_672 = arith.constant 48 : index
    %swap3A_673 = tpu.vector_load %arg5[%swap3A_671, %swap3A_672] {strides = array<i32>} : memref<9x128xf32, #tpu.memory_space<vmem>>, vector<16xf32>,
    tpu.vector_store %arg5[%swap3A_671, %swap3A_672], %broadcast_in_dim3A_3 {strides = array<i32>} : memref<9x128xf32, #tpu.memory_space<vmem>>, vector<16xf32>,
    %swap3A_674 = arith.constant 7 : i32
    %swap3A_675 = arith.index_cast %swap3A_674 : i32 to index
    %swap3A_676 = arith.constant 48 : index
    %swap3A_677 = tpu.vector_load %arg5[%swap3A_675, %swap3A_676] {strides = array<i32>} : memref<9x128xf32, #tpu.memory_space<vmem>>, vector<16xf32>,
    tpu.vector_store %arg5[%swap3A_675, %swap3A_676], %broadcast_in_dim3A_3 {strides = array<i32>} : memref<9x128xf32, #tpu.memory_space<vmem>>, vector<16xf32>,
    %swap3A_678 = arith.constant 8 : i32
    %swap3A_679 = arith.index_cast %swap3A_678 : i32 to index
    %swap3A_680 = arith.constant 48 : index
    %swap3A_681 = tpu.vector_load %arg5[%swap3A_679, %swap3A_680] {strides = array<i32>} : memref<9x128xf32, #tpu.memory_space<vmem>>, vector<16xf32>,
    tpu.vector_store %arg5[%swap3A_679, %swap3A_680], %mul3A_645 {strides = array<i32>} : memref<9x128xf32, #tpu.memory_space<vmem>>, vector<16xf32>,
    %unpack3A_682 = tpu.unpack_subelements %parallel_loop3A_138#6, 0 {pack_format = #tpu.pack_format<interleaved>} : vector<32xbf16> -> vector<16xf32>
    %unpack3A_683 = tpu.unpack_subelements %parallel_loop3A_138#6, 1 {pack_format = #tpu.pack_format<interleaved>} : vector<32xbf16> -> vector<16xf32>
    %unpack3A_684 = tpu.unpack_subelements %parallel_loop3A_138#10, 0 {pack_format = #tpu.pack_format<interleaved>} : vector<32xbf16> -> vector<16xf32>
    %unpack3A_685 = tpu.unpack_subelements %parallel_loop3A_138#10, 1 {pack_format = #tpu.pack_format<interleaved>} : vector<32xbf16> -> vector<16xf32>
    %unpack3A_686 = tpu.unpack_subelements %parallel_loop3A_138#14, 0 {pack_format = #tpu.pack_format<interleaved>} : vector<32xbf16> -> vector<16xf32>
    %unpack3A_687 = tpu.unpack_subelements %parallel_loop3A_138#14, 1 {pack_format = #tpu.pack_format<interleaved>} : vector<32xbf16> -> vector<16xf32>
    %bitcast3A_688 = vector.bitcast %unpack3A_682 : vector<16xf32> to vector<16xi32>
    %shift_right_arithmetic3A_689 = arith.constant 1 : i32
    %shift_right_arithmetic3A_690 = vector.broadcast %shift_right_arithmetic3A_689 : i32 to vector<16xi32>
    %shift_right_arithmetic3A_691 = arith.shrsi %bitcast3A_688, %shift_right_arithmetic3A_690 : vector<16xi32>
    %add3A_692 = arith.constant 532487669 : i32
    %add3A_693 = vector.broadcast %add3A_692 : i32 to vector<16xi32>
    %add3A_694 = arith.addi %shift_right_arithmetic3A_691, %add3A_693 : vector<16xi32>
    %bitcast3A_695 = vector.bitcast %add3A_694 : vector<16xi32> to vector<16xf32>
    %div3A_696 = arith.divf %unpack3A_682, %bitcast3A_695 : vector<16xf32>
    %add3A_697 = arith.addf %bitcast3A_695, %div3A_696 : vector<16xf32>
    %mul3A_698 = arith.constant 5.000000e-01 : f32
    %mul3A_699 = vector.broadcast %mul3A_698 : f32 to vector<16xf32>
    %mul3A_700 = arith.mulf %mul3A_699, %add3A_697 : vector<16xf32>
    %div3A_701 = arith.divf %unpack3A_682, %mul3A_700 : vector<16xf32>
    %add3A_702 = arith.addf %mul3A_700, %div3A_701 : vector<16xf32>
    %mul3A_703 = arith.constant 5.000000e-01 : f32
    %mul3A_704 = vector.broadcast %mul3A_703 : f32 to vector<16xf32>
    %mul3A_705 = arith.mulf %mul3A_704, %add3A_702 : vector<16xf32>
    %div3A_706 = arith.divf %unpack3A_682, %mul3A_705 : vector<16xf32>
    %add3A_707 = arith.addf %mul3A_705, %div3A_706 : vector<16xf32>
    %mul3A_708 = arith.constant 5.000000e-01 : f32
    %mul3A_709 = vector.broadcast %mul3A_708 : f32 to vector<16xf32>
    %mul3A_710 = arith.mulf %mul3A_709, %add3A_707 : vector<16xf32>
    %gt3A_711 = arith.constant 0.000000e+00 : f32
    %gt3A_712 = vector.broadcast %gt3A_711 : f32 to vector<16xf32>
    %gt3A_713 = arith.cmpf ogt, %unpack3A_682, %gt3A_712 : vector<16xf32>
    %jit3A_714 = arith.constant 0.000000e+00 : f32
    %broadcast_in_dim3A_715 = vector.broadcast %jit3A_714 : f32 to vector<16xf32>
    %select_n3A_716 = arith.select %gt3A_713, %mul3A_710, %broadcast_in_dim3A_715 : vector<16xi1>, vector<16xf32>
    %bitcast3A_717 = vector.bitcast %unpack3A_684 : vector<16xf32> to vector<16xi32>
    %shift_right_arithmetic3A_718 = arith.constant 1 : i32
    %shift_right_arithmetic3A_719 = vector.broadcast %shift_right_arithmetic3A_718 : i32 to vector<16xi32>
    %shift_right_arithmetic3A_720 = arith.shrsi %bitcast3A_717, %shift_right_arithmetic3A_719 : vector<16xi32>
    %add3A_721 = arith.constant 532487669 : i32
    %add3A_722 = vector.broadcast %add3A_721 : i32 to vector<16xi32>
    %add3A_723 = arith.addi %shift_right_arithmetic3A_720, %add3A_722 : vector<16xi32>
    %bitcast3A_724 = vector.bitcast %add3A_723 : vector<16xi32> to vector<16xf32>
    %div3A_725 = arith.divf %unpack3A_684, %bitcast3A_724 : vector<16xf32>
    %add3A_726 = arith.addf %bitcast3A_724, %div3A_725 : vector<16xf32>
    %mul3A_727 = arith.constant 5.000000e-01 : f32
    %mul3A_728 = vector.broadcast %mul3A_727 : f32 to vector<16xf32>
    %mul3A_729 = arith.mulf %mul3A_728, %add3A_726 : vector<16xf32>
    %div3A_730 = arith.divf %unpack3A_684, %mul3A_729 : vector<16xf32>
    %add3A_731 = arith.addf %mul3A_729, %div3A_730 : vector<16xf32>
    %mul3A_732 = arith.constant 5.000000e-01 : f32
    %mul3A_733 = vector.broadcast %mul3A_732 : f32 to vector<16xf32>
    %mul3A_734 = arith.mulf %mul3A_733, %add3A_731 : vector<16xf32>
    %div3A_735 = arith.divf %unpack3A_684, %mul3A_734 : vector<16xf32>
    %add3A_736 = arith.addf %mul3A_734, %div3A_735 : vector<16xf32>
    %mul3A_737 = arith.constant 5.000000e-01 : f32
    %mul3A_738 = vector.broadcast %mul3A_737 : f32 to vector<16xf32>
    %mul3A_739 = arith.mulf %mul3A_738, %add3A_736 : vector<16xf32>
    %gt3A_740 = arith.constant 0.000000e+00 : f32
    %gt3A_741 = vector.broadcast %gt3A_740 : f32 to vector<16xf32>
    %gt3A_742 = arith.cmpf ogt, %unpack3A_684, %gt3A_741 : vector<16xf32>
    %jit3A_743 = arith.constant 0.000000e+00 : f32
    %broadcast_in_dim3A_744 = vector.broadcast %jit3A_743 : f32 to vector<16xf32>
    %select_n3A_745 = arith.select %gt3A_742, %mul3A_739, %broadcast_in_dim3A_744 : vector<16xi1>, vector<16xf32>
    %add3A_746 = arith.addf %select_n3A_716, %select_n3A_745 : vector<16xf32>
    %bitcast3A_747 = vector.bitcast %unpack3A_686 : vector<16xf32> to vector<16xi32>
    %shift_right_arithmetic3A_748 = arith.constant 1 : i32
    %shift_right_arithmetic3A_749 = vector.broadcast %shift_right_arithmetic3A_748 : i32 to vector<16xi32>
    %shift_right_arithmetic3A_750 = arith.shrsi %bitcast3A_747, %shift_right_arithmetic3A_749 : vector<16xi32>
    %add3A_751 = arith.constant 532487669 : i32
    %add3A_752 = vector.broadcast %add3A_751 : i32 to vector<16xi32>
    %add3A_753 = arith.addi %shift_right_arithmetic3A_750, %add3A_752 : vector<16xi32>
    %bitcast3A_754 = vector.bitcast %add3A_753 : vector<16xi32> to vector<16xf32>
    %div3A_755 = arith.divf %unpack3A_686, %bitcast3A_754 : vector<16xf32>
    %add3A_756 = arith.addf %bitcast3A_754, %div3A_755 : vector<16xf32>
    %mul3A_757 = arith.constant 5.000000e-01 : f32
    %mul3A_758 = vector.broadcast %mul3A_757 : f32 to vector<16xf32>
    %mul3A_759 = arith.mulf %mul3A_758, %add3A_756 : vector<16xf32>
    %div3A_760 = arith.divf %unpack3A_686, %mul3A_759 : vector<16xf32>
    %add3A_761 = arith.addf %mul3A_759, %div3A_760 : vector<16xf32>
    %mul3A_762 = arith.constant 5.000000e-01 : f32
    %mul3A_763 = vector.broadcast %mul3A_762 : f32 to vector<16xf32>
    %mul3A_764 = arith.mulf %mul3A_763, %add3A_761 : vector<16xf32>
    %div3A_765 = arith.divf %unpack3A_686, %mul3A_764 : vector<16xf32>
    %add3A_766 = arith.addf %mul3A_764, %div3A_765 : vector<16xf32>
    %mul3A_767 = arith.constant 5.000000e-01 : f32
    %mul3A_768 = vector.broadcast %mul3A_767 : f32 to vector<16xf32>
    %mul3A_769 = arith.mulf %mul3A_768, %add3A_766 : vector<16xf32>
    %gt3A_770 = arith.constant 0.000000e+00 : f32
    %gt3A_771 = vector.broadcast %gt3A_770 : f32 to vector<16xf32>
    %gt3A_772 = arith.cmpf ogt, %unpack3A_686, %gt3A_771 : vector<16xf32>
    %jit3A_773 = arith.constant 0.000000e+00 : f32
    %broadcast_in_dim3A_774 = vector.broadcast %jit3A_773 : f32 to vector<16xf32>
    %select_n3A_775 = arith.select %gt3A_772, %mul3A_769, %broadcast_in_dim3A_774 : vector<16xi1>, vector<16xf32>
    %add3A_776 = arith.addf %add3A_746, %select_n3A_775 : vector<16xf32>
    %mul3A_777 = arith.constant 0.333333343 : f32
    %mul3A_778 = vector.broadcast %mul3A_777 : f32 to vector<16xf32>
    %mul3A_779 = arith.mulf %add3A_776, %mul3A_778 : vector<16xf32>
    %max3A_780 = arith.constant 9.99999974E-6 : f32
    %max3A_781 = vector.broadcast %max3A_780 : f32 to vector<16xf32>
    %max3A_782 = arith.maximumf %mul3A_779, %max3A_781 : vector<16xf32>
    %mul3A_783 = arith.constant 1.000000e-03 : f32
    %mul3A_784 = vector.broadcast %mul3A_783 : f32 to vector<16xf32>
    %mul3A_785 = arith.mulf %max3A_782, %mul3A_784 : vector<16xf32>
    %mul3A_786 = arith.mulf %mul3A_785, %mul3A_785 : vector<16xf32>
    %swap3A_787 = arith.constant 0 : i32
    %swap3A_788 = arith.index_cast %swap3A_787 : i32 to index
    %swap3A_789 = arith.constant 64 : index
    %swap3A_790 = tpu.vector_load %arg5[%swap3A_788, %swap3A_789] {strides = array<i32>} : memref<9x128xf32, #tpu.memory_space<vmem>>, vector<16xf32>,
    tpu.vector_store %arg5[%swap3A_788, %swap3A_789], %mul3A_786 {strides = array<i32>} : memref<9x128xf32, #tpu.memory_space<vmem>>, vector<16xf32>,
    %swap3A_791 = arith.constant 1 : i32
    %swap3A_792 = arith.index_cast %swap3A_791 : i32 to index
    %swap3A_793 = arith.constant 64 : index
    %swap3A_794 = tpu.vector_load %arg5[%swap3A_792, %swap3A_793] {strides = array<i32>} : memref<9x128xf32, #tpu.memory_space<vmem>>, vector<16xf32>,
    tpu.vector_store %arg5[%swap3A_792, %swap3A_793], %broadcast_in_dim3A_3 {strides = array<i32>} : memref<9x128xf32, #tpu.memory_space<vmem>>, vector<16xf32>,
    %swap3A_795 = arith.constant 2 : i32
    %swap3A_796 = arith.index_cast %swap3A_795 : i32 to index
    %swap3A_797 = arith.constant 64 : index
    %swap3A_798 = tpu.vector_load %arg5[%swap3A_796, %swap3A_797] {strides = array<i32>} : memref<9x128xf32, #tpu.memory_space<vmem>>, vector<16xf32>,
    tpu.vector_store %arg5[%swap3A_796, %swap3A_797], %broadcast_in_dim3A_3 {strides = array<i32>} : memref<9x128xf32, #tpu.memory_space<vmem>>, vector<16xf32>,
    %swap3A_799 = arith.constant 3 : i32
    %swap3A_800 = arith.index_cast %swap3A_799 : i32 to index
    %swap3A_801 = arith.constant 64 : index
    %swap3A_802 = tpu.vector_load %arg5[%swap3A_800, %swap3A_801] {strides = array<i32>} : memref<9x128xf32, #tpu.memory_space<vmem>>, vector<16xf32>,
    tpu.vector_store %arg5[%swap3A_800, %swap3A_801], %broadcast_in_dim3A_3 {strides = array<i32>} : memref<9x128xf32, #tpu.memory_space<vmem>>, vector<16xf32>,
    %swap3A_803 = arith.constant 4 : i32
    %swap3A_804 = arith.index_cast %swap3A_803 : i32 to index
    %swap3A_805 = arith.constant 64 : index
    %swap3A_806 = tpu.vector_load %arg5[%swap3A_804, %swap3A_805] {strides = array<i32>} : memref<9x128xf32, #tpu.memory_space<vmem>>, vector<16xf32>,
    tpu.vector_store %arg5[%swap3A_804, %swap3A_805], %mul3A_786 {strides = array<i32>} : memref<9x128xf32, #tpu.memory_space<vmem>>, vector<16xf32>,
    %swap3A_807 = arith.constant 5 : i32
    %swap3A_808 = arith.index_cast %swap3A_807 : i32 to index
    %swap3A_809 = arith.constant 64 : index
    %swap3A_810 = tpu.vector_load %arg5[%swap3A_808, %swap3A_809] {strides = array<i32>} : memref<9x128xf32, #tpu.memory_space<vmem>>, vector<16xf32>,
    tpu.vector_store %arg5[%swap3A_808, %swap3A_809], %broadcast_in_dim3A_3 {strides = array<i32>} : memref<9x128xf32, #tpu.memory_space<vmem>>, vector<16xf32>,
    %swap3A_811 = arith.constant 6 : i32
    %swap3A_812 = arith.index_cast %swap3A_811 : i32 to index
    %swap3A_813 = arith.constant 64 : index
    %swap3A_814 = tpu.vector_load %arg5[%swap3A_812, %swap3A_813] {strides = array<i32>} : memref<9x128xf32, #tpu.memory_space<vmem>>, vector<16xf32>,
    tpu.vector_store %arg5[%swap3A_812, %swap3A_813], %broadcast_in_dim3A_3 {strides = array<i32>} : memref<9x128xf32, #tpu.memory_space<vmem>>, vector<16xf32>,
    %swap3A_815 = arith.constant 7 : i32
    %swap3A_816 = arith.index_cast %swap3A_815 : i32 to index
    %swap3A_817 = arith.constant 64 : index
    %swap3A_818 = tpu.vector_load %arg5[%swap3A_816, %swap3A_817] {strides = array<i32>} : memref<9x128xf32, #tpu.memory_space<vmem>>, vector<16xf32>,
    tpu.vector_store %arg5[%swap3A_816, %swap3A_817], %broadcast_in_dim3A_3 {strides = array<i32>} : memref<9x128xf32, #tpu.memory_space<vmem>>, vector<16xf32>,
    %swap3A_819 = arith.constant 8 : i32
    %swap3A_820 = arith.index_cast %swap3A_819 : i32 to index
    %swap3A_821 = arith.constant 64 : index
    %swap3A_822 = tpu.vector_load %arg5[%swap3A_820, %swap3A_821] {strides = array<i32>} : memref<9x128xf32, #tpu.memory_space<vmem>>, vector<16xf32>,
    tpu.vector_store %arg5[%swap3A_820, %swap3A_821], %mul3A_786 {strides = array<i32>} : memref<9x128xf32, #tpu.memory_space<vmem>>, vector<16xf32>,
    %bitcast3A_823 = vector.bitcast %unpack3A_683 : vector<16xf32> to vector<16xi32>
    %shift_right_arithmetic3A_824 = arith.constant 1 : i32
    %shift_right_arithmetic3A_825 = vector.broadcast %shift_right_arithmetic3A_824 : i32 to vector<16xi32>
    %shift_right_arithmetic3A_826 = arith.shrsi %bitcast3A_823, %shift_right_arithmetic3A_825 : vector<16xi32>
    %add3A_827 = arith.constant 532487669 : i32
    %add3A_828 = vector.broadcast %add3A_827 : i32 to vector<16xi32>
    %add3A_829 = arith.addi %shift_right_arithmetic3A_826, %add3A_828 : vector<16xi32>
    %bitcast3A_830 = vector.bitcast %add3A_829 : vector<16xi32> to vector<16xf32>
    %div3A_831 = arith.divf %unpack3A_683, %bitcast3A_830 : vector<16xf32>
    %add3A_832 = arith.addf %bitcast3A_830, %div3A_831 : vector<16xf32>
    %mul3A_833 = arith.constant 5.000000e-01 : f32
    %mul3A_834 = vector.broadcast %mul3A_833 : f32 to vector<16xf32>
    %mul3A_835 = arith.mulf %mul3A_834, %add3A_832 : vector<16xf32>
    %div3A_836 = arith.divf %unpack3A_683, %mul3A_835 : vector<16xf32>
    %add3A_837 = arith.addf %mul3A_835, %div3A_836 : vector<16xf32>
    %mul3A_838 = arith.constant 5.000000e-01 : f32
    %mul3A_839 = vector.broadcast %mul3A_838 : f32 to vector<16xf32>
    %mul3A_840 = arith.mulf %mul3A_839, %add3A_837 : vector<16xf32>
    %div3A_841 = arith.divf %unpack3A_683, %mul3A_840 : vector<16xf32>
    %add3A_842 = arith.addf %mul3A_840, %div3A_841 : vector<16xf32>
    %mul3A_843 = arith.constant 5.000000e-01 : f32
    %mul3A_844 = vector.broadcast %mul3A_843 : f32 to vector<16xf32>
    %mul3A_845 = arith.mulf %mul3A_844, %add3A_842 : vector<16xf32>
    %gt3A_846 = arith.constant 0.000000e+00 : f32
    %gt3A_847 = vector.broadcast %gt3A_846 : f32 to vector<16xf32>
    %gt3A_848 = arith.cmpf ogt, %unpack3A_683, %gt3A_847 : vector<16xf32>
    %jit3A_849 = arith.constant 0.000000e+00 : f32
    %broadcast_in_dim3A_850 = vector.broadcast %jit3A_849 : f32 to vector<16xf32>
    %select_n3A_851 = arith.select %gt3A_848, %mul3A_845, %broadcast_in_dim3A_850 : vector<16xi1>, vector<16xf32>
    %bitcast3A_852 = vector.bitcast %unpack3A_685 : vector<16xf32> to vector<16xi32>
    %shift_right_arithmetic3A_853 = arith.constant 1 : i32
    %shift_right_arithmetic3A_854 = vector.broadcast %shift_right_arithmetic3A_853 : i32 to vector<16xi32>
    %shift_right_arithmetic3A_855 = arith.shrsi %bitcast3A_852, %shift_right_arithmetic3A_854 : vector<16xi32>
    %add3A_856 = arith.constant 532487669 : i32
    %add3A_857 = vector.broadcast %add3A_856 : i32 to vector<16xi32>
    %add3A_858 = arith.addi %shift_right_arithmetic3A_855, %add3A_857 : vector<16xi32>
    %bitcast3A_859 = vector.bitcast %add3A_858 : vector<16xi32> to vector<16xf32>
    %div3A_860 = arith.divf %unpack3A_685, %bitcast3A_859 : vector<16xf32>
    %add3A_861 = arith.addf %bitcast3A_859, %div3A_860 : vector<16xf32>
    %mul3A_862 = arith.constant 5.000000e-01 : f32
    %mul3A_863 = vector.broadcast %mul3A_862 : f32 to vector<16xf32>
    %mul3A_864 = arith.mulf %mul3A_863, %add3A_861 : vector<16xf32>
    %div3A_865 = arith.divf %unpack3A_685, %mul3A_864 : vector<16xf32>
    %add3A_866 = arith.addf %mul3A_864, %div3A_865 : vector<16xf32>
    %mul3A_867 = arith.constant 5.000000e-01 : f32
    %mul3A_868 = vector.broadcast %mul3A_867 : f32 to vector<16xf32>
    %mul3A_869 = arith.mulf %mul3A_868, %add3A_866 : vector<16xf32>
    %div3A_870 = arith.divf %unpack3A_685, %mul3A_869 : vector<16xf32>
    %add3A_871 = arith.addf %mul3A_869, %div3A_870 : vector<16xf32>
    %mul3A_872 = arith.constant 5.000000e-01 : f32
    %mul3A_873 = vector.broadcast %mul3A_872 : f32 to vector<16xf32>
    %mul3A_874 = arith.mulf %mul3A_873, %add3A_871 : vector<16xf32>
    %gt3A_875 = arith.constant 0.000000e+00 : f32
    %gt3A_876 = vector.broadcast %gt3A_875 : f32 to vector<16xf32>
    %gt3A_877 = arith.cmpf ogt, %unpack3A_685, %gt3A_876 : vector<16xf32>
    %jit3A_878 = arith.constant 0.000000e+00 : f32
    %broadcast_in_dim3A_879 = vector.broadcast %jit3A_878 : f32 to vector<16xf32>
    %select_n3A_880 = arith.select %gt3A_877, %mul3A_874, %broadcast_in_dim3A_879 : vector<16xi1>, vector<16xf32>
    %add3A_881 = arith.addf %select_n3A_851, %select_n3A_880 : vector<16xf32>
    %bitcast3A_882 = vector.bitcast %unpack3A_687 : vector<16xf32> to vector<16xi32>
    %shift_right_arithmetic3A_883 = arith.constant 1 : i32
    %shift_right_arithmetic3A_884 = vector.broadcast %shift_right_arithmetic3A_883 : i32 to vector<16xi32>
    %shift_right_arithmetic3A_885 = arith.shrsi %bitcast3A_882, %shift_right_arithmetic3A_884 : vector<16xi32>
    %add3A_886 = arith.constant 532487669 : i32
    %add3A_887 = vector.broadcast %add3A_886 : i32 to vector<16xi32>
    %add3A_888 = arith.addi %shift_right_arithmetic3A_885, %add3A_887 : vector<16xi32>
    %bitcast3A_889 = vector.bitcast %add3A_888 : vector<16xi32> to vector<16xf32>
    %div3A_890 = arith.divf %unpack3A_687, %bitcast3A_889 : vector<16xf32>
    %add3A_891 = arith.addf %bitcast3A_889, %div3A_890 : vector<16xf32>
    %mul3A_892 = arith.constant 5.000000e-01 : f32
    %mul3A_893 = vector.broadcast %mul3A_892 : f32 to vector<16xf32>
    %mul3A_894 = arith.mulf %mul3A_893, %add3A_891 : vector<16xf32>
    %div3A_895 = arith.divf %unpack3A_687, %mul3A_894 : vector<16xf32>
    %add3A_896 = arith.addf %mul3A_894, %div3A_895 : vector<16xf32>
    %mul3A_897 = arith.constant 5.000000e-01 : f32
    %mul3A_898 = vector.broadcast %mul3A_897 : f32 to vector<16xf32>
    %mul3A_899 = arith.mulf %mul3A_898, %add3A_896 : vector<16xf32>
    %div3A_900 = arith.divf %unpack3A_687, %mul3A_899 : vector<16xf32>
    %add3A_901 = arith.addf %mul3A_899, %div3A_900 : vector<16xf32>
    %mul3A_902 = arith.constant 5.000000e-01 : f32
    %mul3A_903 = vector.broadcast %mul3A_902 : f32 to vector<16xf32>
    %mul3A_904 = arith.mulf %mul3A_903, %add3A_901 : vector<16xf32>
    %gt3A_905 = arith.constant 0.000000e+00 : f32
    %gt3A_906 = vector.broadcast %gt3A_905 : f32 to vector<16xf32>
    %gt3A_907 = arith.cmpf ogt, %unpack3A_687, %gt3A_906 : vector<16xf32>
    %jit3A_908 = arith.constant 0.000000e+00 : f32
    %broadcast_in_dim3A_909 = vector.broadcast %jit3A_908 : f32 to vector<16xf32>
    %select_n3A_910 = arith.select %gt3A_907, %mul3A_904, %broadcast_in_dim3A_909 : vector<16xi1>, vector<16xf32>
    %add3A_911 = arith.addf %add3A_881, %select_n3A_910 : vector<16xf32>
    %mul3A_912 = arith.constant 0.333333343 : f32
    %mul3A_913 = vector.broadcast %mul3A_912 : f32 to vector<16xf32>
    %mul3A_914 = arith.mulf %add3A_911, %mul3A_913 : vector<16xf32>
    %max3A_915 = arith.constant 9.99999974E-6 : f32
    %max3A_916 = vector.broadcast %max3A_915 : f32 to vector<16xf32>
    %max3A_917 = arith.maximumf %mul3A_914, %max3A_916 : vector<16xf32>
    %mul3A_918 = arith.constant 1.000000e-03 : f32
    %mul3A_919 = vector.broadcast %mul3A_918 : f32 to vector<16xf32>
    %mul3A_920 = arith.mulf %max3A_917, %mul3A_919 : vector<16xf32>
    %mul3A_921 = arith.mulf %mul3A_920, %mul3A_920 : vector<16xf32>
    %swap3A_922 = arith.constant 0 : i32
    %swap3A_923 = arith.index_cast %swap3A_922 : i32 to index
    %swap3A_924 = arith.constant 80 : index
    %swap3A_925 = tpu.vector_load %arg5[%swap3A_923, %swap3A_924] {strides = array<i32>} : memref<9x128xf32, #tpu.memory_space<vmem>>, vector<16xf32>,
    tpu.vector_store %arg5[%swap3A_923, %swap3A_924], %mul3A_921 {strides = array<i32>} : memref<9x128xf32, #tpu.memory_space<vmem>>, vector<16xf32>,
    %swap3A_926 = arith.constant 1 : i32
    %swap3A_927 = arith.index_cast %swap3A_926 : i32 to index
    %swap3A_928 = arith.constant 80 : index
    %swap3A_929 = tpu.vector_load %arg5[%swap3A_927, %swap3A_928] {strides = array<i32>} : memref<9x128xf32, #tpu.memory_space<vmem>>, vector<16xf32>,
    tpu.vector_store %arg5[%swap3A_927, %swap3A_928], %broadcast_in_dim3A_3 {strides = array<i32>} : memref<9x128xf32, #tpu.memory_space<vmem>>, vector<16xf32>,
    %swap3A_930 = arith.constant 2 : i32
    %swap3A_931 = arith.index_cast %swap3A_930 : i32 to index
    %swap3A_932 = arith.constant 80 : index
    %swap3A_933 = tpu.vector_load %arg5[%swap3A_931, %swap3A_932] {strides = array<i32>} : memref<9x128xf32, #tpu.memory_space<vmem>>, vector<16xf32>,
    tpu.vector_store %arg5[%swap3A_931, %swap3A_932], %broadcast_in_dim3A_3 {strides = array<i32>} : memref<9x128xf32, #tpu.memory_space<vmem>>, vector<16xf32>,
    %swap3A_934 = arith.constant 3 : i32
    %swap3A_935 = arith.index_cast %swap3A_934 : i32 to index
    %swap3A_936 = arith.constant 80 : index
    %swap3A_937 = tpu.vector_load %arg5[%swap3A_935, %swap3A_936] {strides = array<i32>} : memref<9x128xf32, #tpu.memory_space<vmem>>, vector<16xf32>,
    tpu.vector_store %arg5[%swap3A_935, %swap3A_936], %broadcast_in_dim3A_3 {strides = array<i32>} : memref<9x128xf32, #tpu.memory_space<vmem>>, vector<16xf32>,
    %swap3A_938 = arith.constant 4 : i32
    %swap3A_939 = arith.index_cast %swap3A_938 : i32 to index
    %swap3A_940 = arith.constant 80 : index
    %swap3A_941 = tpu.vector_load %arg5[%swap3A_939, %swap3A_940] {strides = array<i32>} : memref<9x128xf32, #tpu.memory_space<vmem>>, vector<16xf32>,
    tpu.vector_store %arg5[%swap3A_939, %swap3A_940], %mul3A_921 {strides = array<i32>} : memref<9x128xf32, #tpu.memory_space<vmem>>, vector<16xf32>,
    %swap3A_942 = arith.constant 5 : i32
    %swap3A_943 = arith.index_cast %swap3A_942 : i32 to index
    %swap3A_944 = arith.constant 80 : index
    %swap3A_945 = tpu.vector_load %arg5[%swap3A_943, %swap3A_944] {strides = array<i32>} : memref<9x128xf32, #tpu.memory_space<vmem>>, vector<16xf32>,
    tpu.vector_store %arg5[%swap3A_943, %swap3A_944], %broadcast_in_dim3A_3 {strides = array<i32>} : memref<9x128xf32, #tpu.memory_space<vmem>>, vector<16xf32>,
    %swap3A_946 = arith.constant 6 : i32
    %swap3A_947 = arith.index_cast %swap3A_946 : i32 to index
    %swap3A_948 = arith.constant 80 : index
    %swap3A_949 = tpu.vector_load %arg5[%swap3A_947, %swap3A_948] {strides = array<i32>} : memref<9x128xf32, #tpu.memory_space<vmem>>, vector<16xf32>,
    tpu.vector_store %arg5[%swap3A_947, %swap3A_948], %broadcast_in_dim3A_3 {strides = array<i32>} : memref<9x128xf32, #tpu.memory_space<vmem>>, vector<16xf32>,
    %swap3A_950 = arith.constant 7 : i32
    %swap3A_951 = arith.index_cast %swap3A_950 : i32 to index
    %swap3A_952 = arith.constant 80 : index
    %swap3A_953 = tpu.vector_load %arg5[%swap3A_951, %swap3A_952] {strides = array<i32>} : memref<9x128xf32, #tpu.memory_space<vmem>>, vector<16xf32>,
    tpu.vector_store %arg5[%swap3A_951, %swap3A_952], %broadcast_in_dim3A_3 {strides = array<i32>} : memref<9x128xf32, #tpu.memory_space<vmem>>, vector<16xf32>,
    %swap3A_954 = arith.constant 8 : i32
    %swap3A_955 = arith.index_cast %swap3A_954 : i32 to index
    %swap3A_956 = arith.constant 80 : index
    %swap3A_957 = tpu.vector_load %arg5[%swap3A_955, %swap3A_956] {strides = array<i32>} : memref<9x128xf32, #tpu.memory_space<vmem>>, vector<16xf32>,
    tpu.vector_store %arg5[%swap3A_955, %swap3A_956], %mul3A_921 {strides = array<i32>} : memref<9x128xf32, #tpu.memory_space<vmem>>, vector<16xf32>,
    %unpack3A_958 = tpu.unpack_subelements %parallel_loop3A_138#7, 0 {pack_format = #tpu.pack_format<interleaved>} : vector<32xbf16> -> vector<16xf32>
    %unpack3A_959 = tpu.unpack_subelements %parallel_loop3A_138#7, 1 {pack_format = #tpu.pack_format<interleaved>} : vector<32xbf16> -> vector<16xf32>
    %unpack3A_960 = tpu.unpack_subelements %parallel_loop3A_138#11, 0 {pack_format = #tpu.pack_format<interleaved>} : vector<32xbf16> -> vector<16xf32>
    %unpack3A_961 = tpu.unpack_subelements %parallel_loop3A_138#11, 1 {pack_format = #tpu.pack_format<interleaved>} : vector<32xbf16> -> vector<16xf32>
    %unpack3A_962 = tpu.unpack_subelements %parallel_loop3A_138#15, 0 {pack_format = #tpu.pack_format<interleaved>} : vector<32xbf16> -> vector<16xf32>
    %unpack3A_963 = tpu.unpack_subelements %parallel_loop3A_138#15, 1 {pack_format = #tpu.pack_format<interleaved>} : vector<32xbf16> -> vector<16xf32>
    %bitcast3A_964 = vector.bitcast %unpack3A_958 : vector<16xf32> to vector<16xi32>
    %shift_right_arithmetic3A_965 = arith.constant 1 : i32
    %shift_right_arithmetic3A_966 = vector.broadcast %shift_right_arithmetic3A_965 : i32 to vector<16xi32>
    %shift_right_arithmetic3A_967 = arith.shrsi %bitcast3A_964, %shift_right_arithmetic3A_966 : vector<16xi32>
    %add3A_968 = arith.constant 532487669 : i32
    %add3A_969 = vector.broadcast %add3A_968 : i32 to vector<16xi32>
    %add3A_970 = arith.addi %shift_right_arithmetic3A_967, %add3A_969 : vector<16xi32>
    %bitcast3A_971 = vector.bitcast %add3A_970 : vector<16xi32> to vector<16xf32>
    %div3A_972 = arith.divf %unpack3A_958, %bitcast3A_971 : vector<16xf32>
    %add3A_973 = arith.addf %bitcast3A_971, %div3A_972 : vector<16xf32>
    %mul3A_974 = arith.constant 5.000000e-01 : f32
    %mul3A_975 = vector.broadcast %mul3A_974 : f32 to vector<16xf32>
    %mul3A_976 = arith.mulf %mul3A_975, %add3A_973 : vector<16xf32>
    %div3A_977 = arith.divf %unpack3A_958, %mul3A_976 : vector<16xf32>
    %add3A_978 = arith.addf %mul3A_976, %div3A_977 : vector<16xf32>
    %mul3A_979 = arith.constant 5.000000e-01 : f32
    %mul3A_980 = vector.broadcast %mul3A_979 : f32 to vector<16xf32>
    %mul3A_981 = arith.mulf %mul3A_980, %add3A_978 : vector<16xf32>
    %div3A_982 = arith.divf %unpack3A_958, %mul3A_981 : vector<16xf32>
    %add3A_983 = arith.addf %mul3A_981, %div3A_982 : vector<16xf32>
    %mul3A_984 = arith.constant 5.000000e-01 : f32
    %mul3A_985 = vector.broadcast %mul3A_984 : f32 to vector<16xf32>
    %mul3A_986 = arith.mulf %mul3A_985, %add3A_983 : vector<16xf32>
    %gt3A_987 = arith.constant 0.000000e+00 : f32
    %gt3A_988 = vector.broadcast %gt3A_987 : f32 to vector<16xf32>
    %gt3A_989 = arith.cmpf ogt, %unpack3A_958, %gt3A_988 : vector<16xf32>
    %jit3A_990 = arith.constant 0.000000e+00 : f32
    %broadcast_in_dim3A_991 = vector.broadcast %jit3A_990 : f32 to vector<16xf32>
    %select_n3A_992 = arith.select %gt3A_989, %mul3A_986, %broadcast_in_dim3A_991 : vector<16xi1>, vector<16xf32>
    %bitcast3A_993 = vector.bitcast %unpack3A_960 : vector<16xf32> to vector<16xi32>
    %shift_right_arithmetic3A_994 = arith.constant 1 : i32
    %shift_right_arithmetic3A_995 = vector.broadcast %shift_right_arithmetic3A_994 : i32 to vector<16xi32>
    %shift_right_arithmetic3A_996 = arith.shrsi %bitcast3A_993, %shift_right_arithmetic3A_995 : vector<16xi32>
    %add3A_997 = arith.constant 532487669 : i32
    %add3A_998 = vector.broadcast %add3A_997 : i32 to vector<16xi32>
    %add3A_999 = arith.addi %shift_right_arithmetic3A_996, %add3A_998 : vector<16xi32>
    %bitcast3A_1000 = vector.bitcast %add3A_999 : vector<16xi32> to vector<16xf32>
    %div3A_1001 = arith.divf %unpack3A_960, %bitcast3A_1000 : vector<16xf32>
    %add3A_1002 = arith.addf %bitcast3A_1000, %div3A_1001 : vector<16xf32>
    %mul3A_1003 = arith.constant 5.000000e-01 : f32
    %mul3A_1004 = vector.broadcast %mul3A_1003 : f32 to vector<16xf32>
    %mul3A_1005 = arith.mulf %mul3A_1004, %add3A_1002 : vector<16xf32>
    %div3A_1006 = arith.divf %unpack3A_960, %mul3A_1005 : vector<16xf32>
    %add3A_1007 = arith.addf %mul3A_1005, %div3A_1006 : vector<16xf32>
    %mul3A_1008 = arith.constant 5.000000e-01 : f32
    %mul3A_1009 = vector.broadcast %mul3A_1008 : f32 to vector<16xf32>
    %mul3A_1010 = arith.mulf %mul3A_1009, %add3A_1007 : vector<16xf32>
    %div3A_1011 = arith.divf %unpack3A_960, %mul3A_1010 : vector<16xf32>
    %add3A_1012 = arith.addf %mul3A_1010, %div3A_1011 : vector<16xf32>
    %mul3A_1013 = arith.constant 5.000000e-01 : f32
    %mul3A_1014 = vector.broadcast %mul3A_1013 : f32 to vector<16xf32>
    %mul3A_1015 = arith.mulf %mul3A_1014, %add3A_1012 : vector<16xf32>
    %gt3A_1016 = arith.constant 0.000000e+00 : f32
    %gt3A_1017 = vector.broadcast %gt3A_1016 : f32 to vector<16xf32>
    %gt3A_1018 = arith.cmpf ogt, %unpack3A_960, %gt3A_1017 : vector<16xf32>
    %jit3A_1019 = arith.constant 0.000000e+00 : f32
    %broadcast_in_dim3A_1020 = vector.broadcast %jit3A_1019 : f32 to vector<16xf32>
    %select_n3A_1021 = arith.select %gt3A_1018, %mul3A_1015, %broadcast_in_dim3A_1020 : vector<16xi1>, vector<16xf32>
    %add3A_1022 = arith.addf %select_n3A_992, %select_n3A_1021 : vector<16xf32>
    %bitcast3A_1023 = vector.bitcast %unpack3A_962 : vector<16xf32> to vector<16xi32>
    %shift_right_arithmetic3A_1024 = arith.constant 1 : i32
    %shift_right_arithmetic3A_1025 = vector.broadcast %shift_right_arithmetic3A_1024 : i32 to vector<16xi32>
    %shift_right_arithmetic3A_1026 = arith.shrsi %bitcast3A_1023, %shift_right_arithmetic3A_1025 : vector<16xi32>
    %add3A_1027 = arith.constant 532487669 : i32
    %add3A_1028 = vector.broadcast %add3A_1027 : i32 to vector<16xi32>
    %add3A_1029 = arith.addi %shift_right_arithmetic3A_1026, %add3A_1028 : vector<16xi32>
    %bitcast3A_1030 = vector.bitcast %add3A_1029 : vector<16xi32> to vector<16xf32>
    %div3A_1031 = arith.divf %unpack3A_962, %bitcast3A_1030 : vector<16xf32>
    %add3A_1032 = arith.addf %bitcast3A_1030, %div3A_1031 : vector<16xf32>
    %mul3A_1033 = arith.constant 5.000000e-01 : f32
    %mul3A_1034 = vector.broadcast %mul3A_1033 : f32 to vector<16xf32>
    %mul3A_1035 = arith.mulf %mul3A_1034, %add3A_1032 : vector<16xf32>
    %div3A_1036 = arith.divf %unpack3A_962, %mul3A_1035 : vector<16xf32>
    %add3A_1037 = arith.addf %mul3A_1035, %div3A_1036 : vector<16xf32>
    %mul3A_1038 = arith.constant 5.000000e-01 : f32
    %mul3A_1039 = vector.broadcast %mul3A_1038 : f32 to vector<16xf32>
    %mul3A_1040 = arith.mulf %mul3A_1039, %add3A_1037 : vector<16xf32>
    %div3A_1041 = arith.divf %unpack3A_962, %mul3A_1040 : vector<16xf32>
    %add3A_1042 = arith.addf %mul3A_1040, %div3A_1041 : vector<16xf32>
    %mul3A_1043 = arith.constant 5.000000e-01 : f32
    %mul3A_1044 = vector.broadcast %mul3A_1043 : f32 to vector<16xf32>
    %mul3A_1045 = arith.mulf %mul3A_1044, %add3A_1042 : vector<16xf32>
    %gt3A_1046 = arith.constant 0.000000e+00 : f32
    %gt3A_1047 = vector.broadcast %gt3A_1046 : f32 to vector<16xf32>
    %gt3A_1048 = arith.cmpf ogt, %unpack3A_962, %gt3A_1047 : vector<16xf32>
    %jit3A_1049 = arith.constant 0.000000e+00 : f32
    %broadcast_in_dim3A_1050 = vector.broadcast %jit3A_1049 : f32 to vector<16xf32>
    %select_n3A_1051 = arith.select %gt3A_1048, %mul3A_1045, %broadcast_in_dim3A_1050 : vector<16xi1>, vector<16xf32>
    %add3A_1052 = arith.addf %add3A_1022, %select_n3A_1051 : vector<16xf32>
    %mul3A_1053 = arith.constant 0.333333343 : f32
    %mul3A_1054 = vector.broadcast %mul3A_1053 : f32 to vector<16xf32>
    %mul3A_1055 = arith.mulf %add3A_1052, %mul3A_1054 : vector<16xf32>
    %max3A_1056 = arith.constant 9.99999974E-6 : f32
    %max3A_1057 = vector.broadcast %max3A_1056 : f32 to vector<16xf32>
    %max3A_1058 = arith.maximumf %mul3A_1055, %max3A_1057 : vector<16xf32>
    %mul3A_1059 = arith.constant 1.000000e-03 : f32
    %mul3A_1060 = vector.broadcast %mul3A_1059 : f32 to vector<16xf32>
    %mul3A_1061 = arith.mulf %max3A_1058, %mul3A_1060 : vector<16xf32>
    %mul3A_1062 = arith.mulf %mul3A_1061, %mul3A_1061 : vector<16xf32>
    %swap3A_1063 = arith.constant 0 : i32
    %swap3A_1064 = arith.index_cast %swap3A_1063 : i32 to index
    %swap3A_1065 = arith.constant 96 : index
    %swap3A_1066 = tpu.vector_load %arg5[%swap3A_1064, %swap3A_1065] {strides = array<i32>} : memref<9x128xf32, #tpu.memory_space<vmem>>, vector<16xf32>,
    tpu.vector_store %arg5[%swap3A_1064, %swap3A_1065], %mul3A_1062 {strides = array<i32>} : memref<9x128xf32, #tpu.memory_space<vmem>>, vector<16xf32>,
    %swap3A_1067 = arith.constant 1 : i32
    %swap3A_1068 = arith.index_cast %swap3A_1067 : i32 to index
    %swap3A_1069 = arith.constant 96 : index
    %swap3A_1070 = tpu.vector_load %arg5[%swap3A_1068, %swap3A_1069] {strides = array<i32>} : memref<9x128xf32, #tpu.memory_space<vmem>>, vector<16xf32>,
    tpu.vector_store %arg5[%swap3A_1068, %swap3A_1069], %broadcast_in_dim3A_3 {strides = array<i32>} : memref<9x128xf32, #tpu.memory_space<vmem>>, vector<16xf32>,
    %swap3A_1071 = arith.constant 2 : i32
    %swap3A_1072 = arith.index_cast %swap3A_1071 : i32 to index
    %swap3A_1073 = arith.constant 96 : index
    %swap3A_1074 = tpu.vector_load %arg5[%swap3A_1072, %swap3A_1073] {strides = array<i32>} : memref<9x128xf32, #tpu.memory_space<vmem>>, vector<16xf32>,
    tpu.vector_store %arg5[%swap3A_1072, %swap3A_1073], %broadcast_in_dim3A_3 {strides = array<i32>} : memref<9x128xf32, #tpu.memory_space<vmem>>, vector<16xf32>,
    %swap3A_1075 = arith.constant 3 : i32
    %swap3A_1076 = arith.index_cast %swap3A_1075 : i32 to index
    %swap3A_1077 = arith.constant 96 : index
    %swap3A_1078 = tpu.vector_load %arg5[%swap3A_1076, %swap3A_1077] {strides = array<i32>} : memref<9x128xf32, #tpu.memory_space<vmem>>, vector<16xf32>,
    tpu.vector_store %arg5[%swap3A_1076, %swap3A_1077], %broadcast_in_dim3A_3 {strides = array<i32>} : memref<9x128xf32, #tpu.memory_space<vmem>>, vector<16xf32>,
    %swap3A_1079 = arith.constant 4 : i32
    %swap3A_1080 = arith.index_cast %swap3A_1079 : i32 to index
    %swap3A_1081 = arith.constant 96 : index
    %swap3A_1082 = tpu.vector_load %arg5[%swap3A_1080, %swap3A_1081] {strides = array<i32>} : memref<9x128xf32, #tpu.memory_space<vmem>>, vector<16xf32>,
    tpu.vector_store %arg5[%swap3A_1080, %swap3A_1081], %mul3A_1062 {strides = array<i32>} : memref<9x128xf32, #tpu.memory_space<vmem>>, vector<16xf32>,
    %swap3A_1083 = arith.constant 5 : i32
    %swap3A_1084 = arith.index_cast %swap3A_1083 : i32 to index
    %swap3A_1085 = arith.constant 96 : index
    %swap3A_1086 = tpu.vector_load %arg5[%swap3A_1084, %swap3A_1085] {strides = array<i32>} : memref<9x128xf32, #tpu.memory_space<vmem>>, vector<16xf32>,
    tpu.vector_store %arg5[%swap3A_1084, %swap3A_1085], %broadcast_in_dim3A_3 {strides = array<i32>} : memref<9x128xf32, #tpu.memory_space<vmem>>, vector<16xf32>,
    %swap3A_1087 = arith.constant 6 : i32
    %swap3A_1088 = arith.index_cast %swap3A_1087 : i32 to index
    %swap3A_1089 = arith.constant 96 : index
    %swap3A_1090 = tpu.vector_load %arg5[%swap3A_1088, %swap3A_1089] {strides = array<i32>} : memref<9x128xf32, #tpu.memory_space<vmem>>, vector<16xf32>,
    tpu.vector_store %arg5[%swap3A_1088, %swap3A_1089], %broadcast_in_dim3A_3 {strides = array<i32>} : memref<9x128xf32, #tpu.memory_space<vmem>>, vector<16xf32>,
    %swap3A_1091 = arith.constant 7 : i32
    %swap3A_1092 = arith.index_cast %swap3A_1091 : i32 to index
    %swap3A_1093 = arith.constant 96 : index
    %swap3A_1094 = tpu.vector_load %arg5[%swap3A_1092, %swap3A_1093] {strides = array<i32>} : memref<9x128xf32, #tpu.memory_space<vmem>>, vector<16xf32>,
    tpu.vector_store %arg5[%swap3A_1092, %swap3A_1093], %broadcast_in_dim3A_3 {strides = array<i32>} : memref<9x128xf32, #tpu.memory_space<vmem>>, vector<16xf32>,
    %swap3A_1095 = arith.constant 8 : i32
    %swap3A_1096 = arith.index_cast %swap3A_1095 : i32 to index
    %swap3A_1097 = arith.constant 96 : index
    %swap3A_1098 = tpu.vector_load %arg5[%swap3A_1096, %swap3A_1097] {strides = array<i32>} : memref<9x128xf32, #tpu.memory_space<vmem>>, vector<16xf32>,
    tpu.vector_store %arg5[%swap3A_1096, %swap3A_1097], %mul3A_1062 {strides = array<i32>} : memref<9x128xf32, #tpu.memory_space<vmem>>, vector<16xf32>,
    %bitcast3A_1099 = vector.bitcast %unpack3A_959 : vector<16xf32> to vector<16xi32>
    %shift_right_arithmetic3A_1100 = arith.constant 1 : i32
    %shift_right_arithmetic3A_1101 = vector.broadcast %shift_right_arithmetic3A_1100 : i32 to vector<16xi32>
    %shift_right_arithmetic3A_1102 = arith.shrsi %bitcast3A_1099, %shift_right_arithmetic3A_1101 : vector<16xi32>
    %add3A_1103 = arith.constant 532487669 : i32
    %add3A_1104 = vector.broadcast %add3A_1103 : i32 to vector<16xi32>
    %add3A_1105 = arith.addi %shift_right_arithmetic3A_1102, %add3A_1104 : vector<16xi32>
    %bitcast3A_1106 = vector.bitcast %add3A_1105 : vector<16xi32> to vector<16xf32>
    %div3A_1107 = arith.divf %unpack3A_959, %bitcast3A_1106 : vector<16xf32>
    %add3A_1108 = arith.addf %bitcast3A_1106, %div3A_1107 : vector<16xf32>
    %mul3A_1109 = arith.constant 5.000000e-01 : f32
    %mul3A_1110 = vector.broadcast %mul3A_1109 : f32 to vector<16xf32>
    %mul3A_1111 = arith.mulf %mul3A_1110, %add3A_1108 : vector<16xf32>
    %div3A_1112 = arith.divf %unpack3A_959, %mul3A_1111 : vector<16xf32>
    %add3A_1113 = arith.addf %mul3A_1111, %div3A_1112 : vector<16xf32>
    %mul3A_1114 = arith.constant 5.000000e-01 : f32
    %mul3A_1115 = vector.broadcast %mul3A_1114 : f32 to vector<16xf32>
    %mul3A_1116 = arith.mulf %mul3A_1115, %add3A_1113 : vector<16xf32>
    %div3A_1117 = arith.divf %unpack3A_959, %mul3A_1116 : vector<16xf32>
    %add3A_1118 = arith.addf %mul3A_1116, %div3A_1117 : vector<16xf32>
    %mul3A_1119 = arith.constant 5.000000e-01 : f32
    %mul3A_1120 = vector.broadcast %mul3A_1119 : f32 to vector<16xf32>
    %mul3A_1121 = arith.mulf %mul3A_1120, %add3A_1118 : vector<16xf32>
    %gt3A_1122 = arith.constant 0.000000e+00 : f32
    %gt3A_1123 = vector.broadcast %gt3A_1122 : f32 to vector<16xf32>
    %gt3A_1124 = arith.cmpf ogt, %unpack3A_959, %gt3A_1123 : vector<16xf32>
    %jit3A_1125 = arith.constant 0.000000e+00 : f32
    %broadcast_in_dim3A_1126 = vector.broadcast %jit3A_1125 : f32 to vector<16xf32>
    %select_n3A_1127 = arith.select %gt3A_1124, %mul3A_1121, %broadcast_in_dim3A_1126 : vector<16xi1>, vector<16xf32>
    %bitcast3A_1128 = vector.bitcast %unpack3A_961 : vector<16xf32> to vector<16xi32>
    %shift_right_arithmetic3A_1129 = arith.constant 1 : i32
    %shift_right_arithmetic3A_1130 = vector.broadcast %shift_right_arithmetic3A_1129 : i32 to vector<16xi32>
    %shift_right_arithmetic3A_1131 = arith.shrsi %bitcast3A_1128, %shift_right_arithmetic3A_1130 : vector<16xi32>
    %add3A_1132 = arith.constant 532487669 : i32
    %add3A_1133 = vector.broadcast %add3A_1132 : i32 to vector<16xi32>
    %add3A_1134 = arith.addi %shift_right_arithmetic3A_1131, %add3A_1133 : vector<16xi32>
    %bitcast3A_1135 = vector.bitcast %add3A_1134 : vector<16xi32> to vector<16xf32>
    %div3A_1136 = arith.divf %unpack3A_961, %bitcast3A_1135 : vector<16xf32>
    %add3A_1137 = arith.addf %bitcast3A_1135, %div3A_1136 : vector<16xf32>
    %mul3A_1138 = arith.constant 5.000000e-01 : f32
    %mul3A_1139 = vector.broadcast %mul3A_1138 : f32 to vector<16xf32>
    %mul3A_1140 = arith.mulf %mul3A_1139, %add3A_1137 : vector<16xf32>
    %div3A_1141 = arith.divf %unpack3A_961, %mul3A_1140 : vector<16xf32>
    %add3A_1142 = arith.addf %mul3A_1140, %div3A_1141 : vector<16xf32>
    %mul3A_1143 = arith.constant 5.000000e-01 : f32
    %mul3A_1144 = vector.broadcast %mul3A_1143 : f32 to vector<16xf32>
    %mul3A_1145 = arith.mulf %mul3A_1144, %add3A_1142 : vector<16xf32>
    %div3A_1146 = arith.divf %unpack3A_961, %mul3A_1145 : vector<16xf32>
    %add3A_1147 = arith.addf %mul3A_1145, %div3A_1146 : vector<16xf32>
    %mul3A_1148 = arith.constant 5.000000e-01 : f32
    %mul3A_1149 = vector.broadcast %mul3A_1148 : f32 to vector<16xf32>
    %mul3A_1150 = arith.mulf %mul3A_1149, %add3A_1147 : vector<16xf32>
    %gt3A_1151 = arith.constant 0.000000e+00 : f32
    %gt3A_1152 = vector.broadcast %gt3A_1151 : f32 to vector<16xf32>
    %gt3A_1153 = arith.cmpf ogt, %unpack3A_961, %gt3A_1152 : vector<16xf32>
    %jit3A_1154 = arith.constant 0.000000e+00 : f32
    %broadcast_in_dim3A_1155 = vector.broadcast %jit3A_1154 : f32 to vector<16xf32>
    %select_n3A_1156 = arith.select %gt3A_1153, %mul3A_1150, %broadcast_in_dim3A_1155 : vector<16xi1>, vector<16xf32>
    %add3A_1157 = arith.addf %select_n3A_1127, %select_n3A_1156 : vector<16xf32>
    %bitcast3A_1158 = vector.bitcast %unpack3A_963 : vector<16xf32> to vector<16xi32>
    %shift_right_arithmetic3A_1159 = arith.constant 1 : i32
    %shift_right_arithmetic3A_1160 = vector.broadcast %shift_right_arithmetic3A_1159 : i32 to vector<16xi32>
    %shift_right_arithmetic3A_1161 = arith.shrsi %bitcast3A_1158, %shift_right_arithmetic3A_1160 : vector<16xi32>
    %add3A_1162 = arith.constant 532487669 : i32
    %add3A_1163 = vector.broadcast %add3A_1162 : i32 to vector<16xi32>
    %add3A_1164 = arith.addi %shift_right_arithmetic3A_1161, %add3A_1163 : vector<16xi32>
    %bitcast3A_1165 = vector.bitcast %add3A_1164 : vector<16xi32> to vector<16xf32>
    %div3A_1166 = arith.divf %unpack3A_963, %bitcast3A_1165 : vector<16xf32>
    %add3A_1167 = arith.addf %bitcast3A_1165, %div3A_1166 : vector<16xf32>
    %mul3A_1168 = arith.constant 5.000000e-01 : f32
    %mul3A_1169 = vector.broadcast %mul3A_1168 : f32 to vector<16xf32>
    %mul3A_1170 = arith.mulf %mul3A_1169, %add3A_1167 : vector<16xf32>
    %div3A_1171 = arith.divf %unpack3A_963, %mul3A_1170 : vector<16xf32>
    %add3A_1172 = arith.addf %mul3A_1170, %div3A_1171 : vector<16xf32>
    %mul3A_1173 = arith.constant 5.000000e-01 : f32
    %mul3A_1174 = vector.broadcast %mul3A_1173 : f32 to vector<16xf32>
    %mul3A_1175 = arith.mulf %mul3A_1174, %add3A_1172 : vector<16xf32>
    %div3A_1176 = arith.divf %unpack3A_963, %mul3A_1175 : vector<16xf32>
    %add3A_1177 = arith.addf %mul3A_1175, %div3A_1176 : vector<16xf32>
    %mul3A_1178 = arith.constant 5.000000e-01 : f32
    %mul3A_1179 = vector.broadcast %mul3A_1178 : f32 to vector<16xf32>
    %mul3A_1180 = arith.mulf %mul3A_1179, %add3A_1177 : vector<16xf32>
    %gt3A_1181 = arith.constant 0.000000e+00 : f32
    %gt3A_1182 = vector.broadcast %gt3A_1181 : f32 to vector<16xf32>
    %gt3A_1183 = arith.cmpf ogt, %unpack3A_963, %gt3A_1182 : vector<16xf32>
    %jit3A_1184 = arith.constant 0.000000e+00 : f32
    %broadcast_in_dim3A_1185 = vector.broadcast %jit3A_1184 : f32 to vector<16xf32>
    %select_n3A_1186 = arith.select %gt3A_1183, %mul3A_1180, %broadcast_in_dim3A_1185 : vector<16xi1>, vector<16xf32>
    %add3A_1187 = arith.addf %add3A_1157, %select_n3A_1186 : vector<16xf32>
    %mul3A_1188 = arith.constant 0.333333343 : f32
    %mul3A_1189 = vector.broadcast %mul3A_1188 : f32 to vector<16xf32>
    %mul3A_1190 = arith.mulf %add3A_1187, %mul3A_1189 : vector<16xf32>
    %max3A_1191 = arith.constant 9.99999974E-6 : f32
    %max3A_1192 = vector.broadcast %max3A_1191 : f32 to vector<16xf32>
    %max3A_1193 = arith.maximumf %mul3A_1190, %max3A_1192 : vector<16xf32>
    %mul3A_1194 = arith.constant 1.000000e-03 : f32
    %mul3A_1195 = vector.broadcast %mul3A_1194 : f32 to vector<16xf32>
    %mul3A_1196 = arith.mulf %max3A_1193, %mul3A_1195 : vector<16xf32>
    %mul3A_1197 = arith.mulf %mul3A_1196, %mul3A_1196 : vector<16xf32>
    %swap3A_1198 = arith.constant 0 : i32
    %swap3A_1199 = arith.index_cast %swap3A_1198 : i32 to index
    %swap3A_1200 = arith.constant 112 : index
    %swap3A_1201 = tpu.vector_load %arg5[%swap3A_1199, %swap3A_1200] {strides = array<i32>} : memref<9x128xf32, #tpu.memory_space<vmem>>, vector<16xf32>,
    tpu.vector_store %arg5[%swap3A_1199, %swap3A_1200], %mul3A_1197 {strides = array<i32>} : memref<9x128xf32, #tpu.memory_space<vmem>>, vector<16xf32>,
    %swap3A_1202 = arith.constant 1 : i32
    %swap3A_1203 = arith.index_cast %swap3A_1202 : i32 to index
    %swap3A_1204 = arith.constant 112 : index
    %swap3A_1205 = tpu.vector_load %arg5[%swap3A_1203, %swap3A_1204] {strides = array<i32>} : memref<9x128xf32, #tpu.memory_space<vmem>>, vector<16xf32>,
    tpu.vector_store %arg5[%swap3A_1203, %swap3A_1204], %broadcast_in_dim3A_3 {strides = array<i32>} : memref<9x128xf32, #tpu.memory_space<vmem>>, vector<16xf32>,
    %swap3A_1206 = arith.constant 2 : i32
    %swap3A_1207 = arith.index_cast %swap3A_1206 : i32 to index
    %swap3A_1208 = arith.constant 112 : index
    %swap3A_1209 = tpu.vector_load %arg5[%swap3A_1207, %swap3A_1208] {strides = array<i32>} : memref<9x128xf32, #tpu.memory_space<vmem>>, vector<16xf32>,
    tpu.vector_store %arg5[%swap3A_1207, %swap3A_1208], %broadcast_in_dim3A_3 {strides = array<i32>} : memref<9x128xf32, #tpu.memory_space<vmem>>, vector<16xf32>,
    %swap3A_1210 = arith.constant 3 : i32
    %swap3A_1211 = arith.index_cast %swap3A_1210 : i32 to index
    %swap3A_1212 = arith.constant 112 : index
    %swap3A_1213 = tpu.vector_load %arg5[%swap3A_1211, %swap3A_1212] {strides = array<i32>} : memref<9x128xf32, #tpu.memory_space<vmem>>, vector<16xf32>,
    tpu.vector_store %arg5[%swap3A_1211, %swap3A_1212], %broadcast_in_dim3A_3 {strides = array<i32>} : memref<9x128xf32, #tpu.memory_space<vmem>>, vector<16xf32>,
    %swap3A_1214 = arith.constant 4 : i32
    %swap3A_1215 = arith.index_cast %swap3A_1214 : i32 to index
    %swap3A_1216 = arith.constant 112 : index
    %swap3A_1217 = tpu.vector_load %arg5[%swap3A_1215, %swap3A_1216] {strides = array<i32>} : memref<9x128xf32, #tpu.memory_space<vmem>>, vector<16xf32>,
    tpu.vector_store %arg5[%swap3A_1215, %swap3A_1216], %mul3A_1197 {strides = array<i32>} : memref<9x128xf32, #tpu.memory_space<vmem>>, vector<16xf32>,
    %swap3A_1218 = arith.constant 5 : i32
    %swap3A_1219 = arith.index_cast %swap3A_1218 : i32 to index
    %swap3A_1220 = arith.constant 112 : index
    %swap3A_1221 = tpu.vector_load %arg5[%swap3A_1219, %swap3A_1220] {strides = array<i32>} : memref<9x128xf32, #tpu.memory_space<vmem>>, vector<16xf32>,
    tpu.vector_store %arg5[%swap3A_1219, %swap3A_1220], %broadcast_in_dim3A_3 {strides = array<i32>} : memref<9x128xf32, #tpu.memory_space<vmem>>, vector<16xf32>,
    %swap3A_1222 = arith.constant 6 : i32
    %swap3A_1223 = arith.index_cast %swap3A_1222 : i32 to index
    %swap3A_1224 = arith.constant 112 : index
    %swap3A_1225 = tpu.vector_load %arg5[%swap3A_1223, %swap3A_1224] {strides = array<i32>} : memref<9x128xf32, #tpu.memory_space<vmem>>, vector<16xf32>,
    tpu.vector_store %arg5[%swap3A_1223, %swap3A_1224], %broadcast_in_dim3A_3 {strides = array<i32>} : memref<9x128xf32, #tpu.memory_space<vmem>>, vector<16xf32>,
    %swap3A_1226 = arith.constant 7 : i32
    %swap3A_1227 = arith.index_cast %swap3A_1226 : i32 to index
    %swap3A_1228 = arith.constant 112 : index
    %swap3A_1229 = tpu.vector_load %arg5[%swap3A_1227, %swap3A_1228] {strides = array<i32>} : memref<9x128xf32, #tpu.memory_space<vmem>>, vector<16xf32>,
    tpu.vector_store %arg5[%swap3A_1227, %swap3A_1228], %broadcast_in_dim3A_3 {strides = array<i32>} : memref<9x128xf32, #tpu.memory_space<vmem>>, vector<16xf32>,
    %swap3A_1230 = arith.constant 8 : i32
    %swap3A_1231 = arith.index_cast %swap3A_1230 : i32 to index
    %swap3A_1232 = arith.constant 112 : index
    %swap3A_1233 = tpu.vector_load %arg5[%swap3A_1231, %swap3A_1232] {strides = array<i32>} : memref<9x128xf32, #tpu.memory_space<vmem>>, vector<16xf32>,
    tpu.vector_store %arg5[%swap3A_1231, %swap3A_1232], %mul3A_1197 {strides = array<i32>} : memref<9x128xf32, #tpu.memory_space<vmem>>, vector<16xf32>,
    "tpu.region"() ({
      %run_scoped3A = tpu.sem_alloc : memref<!tpu.dma_semaphore, #tpu.memory_space<semaphore_mem>>
      %dma_start3A = arith.constant 0 : i32
      %dma_start3A_1234 = arith.constant 0 : i32
      %dma_start3A_1235 = tpu.memref_slice %arg3[%add3A, %dma_start3A, %dma_start3A_1234] : memref<32x9x128xf32, #tpu.memory_space<hbm>> -> memref<1x9x128xf32, #tpu.memory_space<hbm>>
      %dma_start3A_1236 = tpu.memref_squeeze %dma_start3A_1235 : memref<1x9x128xf32, #tpu.memory_space<hbm>> -> memref<9x128xf32, #tpu.memory_space<hbm>>
      %dma_start3A_1237 = arith.constant 0 : i32
      %dma_start3A_1238 = arith.constant 0 : i32
      %dma_start3A_1239 = tpu.memref_slice %arg3[%add3A, %dma_start3A_1237, %dma_start3A_1238] : memref<32x9x128xf32, #tpu.memory_space<hbm>> -> memref<1x9x128xf32, #tpu.memory_space<hbm>>
      %dma_start3A_1240 = tpu.memref_squeeze %dma_start3A_1239 : memref<1x9x128xf32, #tpu.memory_space<hbm>> -> memref<9x128xf32, #tpu.memory_space<hbm>>
      tpu.enqueue_dma source(%arg5 : memref<9x128xf32, #tpu.memory_space<vmem>>) target(%dma_start3A_1240 : memref<9x128xf32, #tpu.memory_space<hbm>>) target_semaphore(%run_scoped3A : memref<!tpu.dma_semaphore, #tpu.memory_space<semaphore_mem>>)
      %dma_wait3A = arith.constant 0 : i32
      %dma_wait3A_1241 = arith.constant 0 : i32
      %dma_wait3A_1242 = tpu.memref_slice %arg3[%add3A, %dma_wait3A, %dma_wait3A_1241] : memref<32x9x128xf32, #tpu.memory_space<hbm>> -> memref<1x9x128xf32, #tpu.memory_space<hbm>>
      %dma_wait3A_1243 = tpu.memref_squeeze %dma_wait3A_1242 : memref<1x9x128xf32, #tpu.memory_space<hbm>> -> memref<9x128xf32, #tpu.memory_space<hbm>>
      %dma_wait3A_1244 = arith.constant 0 : i32
      %dma_wait3A_1245 = arith.constant 0 : i32
      %dma_wait3A_1246 = tpu.memref_slice %arg3[%add3A, %dma_wait3A_1244, %dma_wait3A_1245] : memref<32x9x128xf32, #tpu.memory_space<hbm>> -> memref<1x9x128xf32, #tpu.memory_space<hbm>>
      %dma_wait3A_1247 = tpu.memref_squeeze %dma_wait3A_1246 : memref<1x9x128xf32, #tpu.memory_space<hbm>> -> memref<9x128xf32, #tpu.memory_space<hbm>>
      tpu.wait_dma2 semaphore(%run_scoped3A : memref<!tpu.dma_semaphore, #tpu.memory_space<semaphore_mem>>) src(%arg5 : memref<9x128xf32, #tpu.memory_space<vmem>>) dst(%dma_wait3A_1247 : memref<9x128xf32, #tpu.memory_space<hbm>>)
      tpu.yield
    }) : () -> ()
    return
  }
}

</mosaic_0001>

<sc_bundles>
// kernel: _knn.3.cloned.1.call-start
scs
__scs_entry_jumppad:
0x0: {  	(pc) =	sbr.rel $0x88, $3  }
0x1: {  	(tag) =	ssettag $0x0;
	lr =	simm.s32 $0x1  }
0x2: {  	[smem:$0x3FA0] =	sst lr;
	_ =	strace $0xD0000000  }
0x3: {  	_ = 	snop  }
0x4: {  	_ = 	snop  }
0x5: {  	_ = 	snop  }
0x6: {  	_ = 	snop  }
0x7: {  	_ = 	snop  }
__scs_overlays_trampoline_lowered:
0x8: {  	[smem:$0x3FAF] =	sst s0  }
0x9: {  	[smem:$0x3FB0] =	sst s1  }
0xa: {  	[smem:$0x3FB1] =	sst s2  }
0xb: {  	[smem:$0x3FB2] =	sst s3  }
0xc: {  	[smem:$0x3FB3] =	sst s4  }
0xd: {  	[smem:$0x3FB4] =	sst s5  }
0xe: {  	[smem:$0x3FB5] =	sst s6  }
0xf: {  	[smem:$0x3FB6] =	sst s7  }
0x10: {  	[smem:$0x3FB7] =	sst s8  }
0x11: {  	[smem:$0x3FB8] =	sst s9;
	s0 =	simm.s32 @!p0 $0x0  }
0x12: {  	s1 =	sld [smem:$0x3F9E];
	s0 =	simm.s32 @p0 $0x1  }
0x13: {  	[smem:$0x3FB9] =	sst s0;
	s0 =	simm.s32 @!p1 $0x0  }
0x14: {  	s2 =	sld [smem:$0x3F9D];
	s0 =	simm.s32 @p1 $0x1  }
0x15: {  	[smem:$0x3FBA] =	sst s0;
	s0 =	simm.s32 @!p2 $0x0  }
0x16: {  	s3 =	sld [smem:$0x3FDB];
	s0 =	simm.s32 @p2 $0x1  }
0x17: {  	s4 =	simm.s32 $0x1BF5;
	[smem:$0x3FBC] =	sst s0  }
0x18: {  	s0 =	sld [smem:$0x3F9F];
	_ =	swait.ge [sflag:s4], $0x0  }
0x19: {  	s7 =	sld [smem:$0x3FA0]  }
0x1a: {  	s8 =	sadd.s32 $0xFFFFE003, lr  }
0x1b: {  	s9 =	sadd.s32 $0xFFFFFEF7, lr;
	s5 =	simm.s32 $0xFFFFFFFF;
	p2 =	slt.u32 s8, $0xFFFFF086  }
0x1c: {  	p1 =	slt.u32 s9, $0xF7A;
	s5 =	simm.s32 @!p2 $0x0  }
0x1d: {  	s5 =	simm.s32 @p1 $0x1;
	p0 =	seq.s32 s7, s2  }
0x1e: {  	s7 =	smul.u32 @!p0 $0xF7A, s2;
	p2 =	seq.s32 @!p0 s5, $0x0  }
0x1f: {  	s9 =	smul.u32 $0xF7A, s1;
	s8 =	simm.s32 @!p0 $0x1BF5;
	p2 =	por !p2, p0  }
0x20: {  	[sflag:s8] =	ssyncset.s32 @!p0 $0xFFFFF086;
	s6 =	sadd.s32 @!p0 s3, s7;
	s7 =	simm.s32 @!p0 $0x108  }
0x21: {  	s3 =	sadd.s32 s3, s9;
	s6 =	sadd.s32 @!p0 $0x88, s6;
	s7 =	simm.s32 @p2 $0x1082  }
0x22: {  	[simem:s7], [sflag:s8] =	dma.local @!p0 [hbm:s6], $0xF7A  }
0x23: {  	s9 =	sor.u32 $0xD0000000, s2;
	s6 =	simm.s32 $0x108;
	_ =	swait.ge @!p0 [sflag:s8], $0x0  }
0x24: {  	s3 =	sadd.s32 $0x88, s3;
	s6 =	simm.s32 @!p1 $0x1082;
	[sflag:s4] =	ssyncset.s32 $0xFFFFF086  }
0x25: {  	[simem:s6], [sflag:s4] =	dma.local [hbm:s3], $0xF7A  }
0x26: {  	[smem:$0x3FA0] =	sst s1;
	(tag) =	ssettag s2;
	_ =	strace s9  }
0x27: {  	s1 =	sld [smem:$0x3FB0]  }
0x28: {  	s2 =	sld [smem:$0x3FB1]  }
0x29: {  	s4 =	sld [smem:$0x3FB3]  }
0x2a: {  	p0 =	seq.s32 s5, $0x0;
	s5 =	sld [smem:$0x3FB4]  }
0x2b: {  	s6 =	sld [smem:$0x3FB5]  }
0x2c: {  	s7 =	sld [smem:$0x3FB6]  }
0x2d: {  	s3 =	simm.s32 $0x108;
	s8 =	sld [smem:$0x3FB7]  }
0x2e: {  	s3 =	simm.s32 @!p0 $0x1082;
	s9 =	sld [smem:$0x3FB8]  }
0x2f: {  	lr =	sadd.s32 s0, s3;
	s0 =	sld [smem:$0x3FAF]  }
0x30: {  	s3 =	sld [smem:$0x3FB2]  }
0x31: {  	[smem:$0x3FBB] =	sst s10  }
0x32: {  	s10 =	sld [smem:$0x3FB9];
	_ =	sdelay $0x3  }
0x33: {  	p0 =	seq.s32 s10, $0x1;
	s10 =	sld [smem:$0x3FBB];
	_ =	sdelay $0x3  }
0x34: {  	[smem:$0x3FBB] =	sst s10  }
0x35: {  	s10 =	sld [smem:$0x3FBA];
	_ =	sdelay $0x3  }
0x36: {  	p1 =	seq.s32 s10, $0x1;
	s10 =	sld [smem:$0x3FBB];
	_ =	sdelay $0x3  }
0x37: {  	[smem:$0x3FBB] =	sst s10  }
0x38: {  	s10 =	sld [smem:$0x3FBC]  }
0x39: {  	_ = 	snop;
	(pc) =	sbr.ind lr, $3  }
0x3a: {  	_ = 	snop  }
0x3b: {  	_ = 	snop  }
0x3c: {  	p2 =	seq.s32 s10, $0x1;
	s10 =	sld [smem:$0x3FBB]  }
0x3d: {  	_ =	shalt  }
0x3e: {  	_ =	shalt  }
0x3f: {  	_ =	shalt  }
0x40: {  	_ =	shalt  }
0x41: {  	_ =	shalt  }
0x42: {  	_ =	shalt  }
0x43: {  	_ =	shalt  }
0x44: {  	_ =	shalt  }
0x45: {  	_ =	shalt  }
0x46: {  	_ =	shalt  }
0x47: {  	_ =	shalt  }
0x48: {  	_ =	shalt  }
0x49: {  	_ =	shalt  }
0x4a: {  	_ =	shalt  }
0x4b: {  	_ =	shalt  }
0x4c: {  	_ =	shalt  }
0x4d: {  	_ =	shalt  }
0x4e: {  	_ =	shalt  }
0x4f: {  	_ =	shalt  }
0x50: {  	_ =	shalt  }
0x51: {  	_ =	shalt  }
0x52: {  	_ =	shalt  }
0x53: {  	_ =	shalt  }
0x54: {  	_ =	shalt  }
0x55: {  	_ =	shalt  }
0x56: {  	_ =	shalt  }
0x57: {  	_ =	shalt  }
0x58: {  	_ =	shalt  }
0x59: {  	_ =	shalt  }
0x5a: {  	_ =	shalt  }
0x5b: {  	_ =	shalt  }
0x5c: {  	_ =	shalt  }
0x5d: {  	_ =	shalt  }
0x5e: {  	_ =	shalt  }
0x5f: {  	_ =	shalt  }
0x60: {  	_ =	shalt  }
0x61: {  	_ =	shalt  }
0x62: {  	_ =	shalt  }
0x63: {  	_ =	shalt  }
0x64: {  	_ =	shalt  }
0x65: {  	_ =	shalt  }
0x66: {  	_ =	shalt  }
0x67: {  	_ =	shalt  }
0x68: {  	_ =	shalt  }
0x69: {  	_ =	shalt  }
0x6a: {  	_ =	shalt  }
0x6b: {  	_ =	shalt  }
0x6c: {  	_ =	shalt  }
0x6d: {  	_ =	shalt  }
0x6e: {  	_ =	shalt  }
0x6f: {  	_ =	shalt  }
0x70: {  	_ =	shalt  }
0x71: {  	_ =	shalt  }
0x72: {  	_ =	shalt  }
0x73: {  	_ =	shalt  }
0x74: {  	_ =	shalt  }
0x75: {  	_ =	shalt  }
0x76: {  	_ =	shalt  }
0x77: {  	_ =	shalt  }
0x78: {  	_ =	shalt  }
0x79: {  	_ =	shalt  }
0x7a: {  	_ =	shalt  }
0x7b: {  	_ =	shalt  }
0x7c: {  	_ =	shalt  }
0x7d: {  	_ =	shalt  }
0x7e: {  	_ =	shalt  }
0x7f: {  	_ =	shalt  }
0x80: {  	_ =	shalt  }
0x81: {  	_ =	shalt  }
0x82: {  	_ =	shalt  }
0x83: {  	_ =	shalt  }
0x84: {  	_ =	shalt  }
0x85: {  	_ =	shalt  }
0x86: {  	_ =	shalt  }
0x87: {  	_ =	shalt  }
.Lfunc_end0:
.L_simem_size_0:
called_computation_lowered:
.L_overlay_start_0:
0x88: {  	s2 =	sld [smem:$0x3FD9]  }
0x89: {  	s3 =	sld [smem:$0x3FFE];
	_ =	sdelay $0x1  }
0x8a: {  	s1 =	srdreg.scid  }
0x8b: {  	s0 =	sand.u32 $0x1, s1  }
0x8c: {  	s17 =	sshll.u32 s0, $0xA;
	s2 =	sadd.s32 s3, s2  }
0x8d: {  	s2 =	sadd.s32 s2, s17  }
0x8e: {  	[smem:$0x3FC7] =	sst s2  }
0x8f: {  	_ = 	snop  }
0x90: {  	s2 =	sld [smem:$0x3FC9];
	(tm) =	ssettm $0x1  }
0x91: {  	s18 =	sld [smem:$0x3FFB];
	_ =	sdelay $0x3  }
0x92: {  	_ =	strace s18  }
0x93: {  	s3 =	sld [smem:$0x3FFC];
	_ =	sdelay $0x3  }
0x94: {  	_ =	strace s3  }
0x95: {  	s3 =	sld [smem:$0x3FFD];
	_ =	sdelay $0x3  }
0x96: {  	_ =	strace s3  }
0x97: {  	_ =	strace $0x8FFFFFFF  }
0x98: {  	s19 =	sld [smem:$0x3FDB];
	_ =	sdelay $0x1  }
0x99: {  	s4 =	simm.s32 $_scs_section_size  }
0x9a: {  	s5 =	simm.s32 $_size__tile_overlayer_lowered;
	s6 =	simm.s32 $_tile_overlayer_lowered  }
0x9b: {  	s22 =	simm.s32 $0x1BFF;
	s21 =	sshll.u32 s6, $0x1;
	s3 =	sadd.s32 s4, s19  }
0x9c: {  	s7 =	simm.s32 $0x0;
	s20 =	sshll.u32 s5, $0x1;
	s5 =	sadd.s32 s21, s3  }
0x9d: {  	[timem:s7], [sflag:s22] =	dma.local [hbm:s5], s20  }
0x9e: {  	_ =	swait.ge [sflag:s22], s20  }
0x9f: {  	s4 =	ssub.s32 $0x0, s20;
	[sflag:s22] =	ssyncset.done $0x0  }
0xa0: {  	[sflag:s22] =	ssyncadd.s32 s4;
	_ =	sdelay $0x1  }
0xa1: {  	s23 =	simm.s32 $0x1B8B  }
0xa2: {  	_ =	swait.ge [sflag:s23], $0x1  }
0xa3: {  	[sflag:s23] =	ssyncset.done $0x0  }
0xa4: {  	s25 =	simm.s32 $0x1B8E;
	s24 =	sld [smem:$0x3FFE];
	[sflag:s23] =	ssyncadd.s32 $0xFFFFFFFF  }
0xa5: {  	s26 =	simm.s32 $execute0_lowered;
	[smem:$0x3FD2] =	sst s25  }
0xa6: {  	s5 =	sshll.u32 s26, $0x1;
	_ =	strace $0x80000046;
	[dreg:$0x1] =	wrdreg $0xFFFFFFFF  }
0xa7: {  	s28 =	simm.s32 $_size_execute0_lowered;
	s3 =	sadd.s32 s3, s5;
	[dreg:$0x0] =	wrdreg $0x0  }
0xa8: {  	s5 =	sshll.u32 s28, $0x1;
	[dreg:$0x2] =	wrdreg s3  }
0xa9: {  	[dreg:$0x3] =	wrdreg s5  }
0xaa: {  	[dreg:$0x4] =	wrdreg $0xC0  }
0xab: {  	_ =	task [dreg:s7], $0x5FFFF  }
0xac: {  	[dreg:$0x1] =	wrdreg $0xFFFFFFFF  }
0xad: {  	[dreg:$0x0] =	wrdreg $0x60  }
0xae: {  	[dreg:$0x2] =	wrdreg s2  }
0xaf: {  	[dreg:$0x3] =	wrdreg s24  }
0xb0: {  	[dreg:$0x4] =	wrdreg $0x9  }
0xb1: {  	_ =	task.clear_ibuf [dreg:s7], $0x5FFFF;
	_ =	strace $0x90000046  }
0xb2: {  	s29 =	simm.s32 $0x9;
	_ =	strace $0x80000048  }
0xb3: {  	_ =	swait.ge [sflag:s29], $0x1  }
0xb4: {  	[sflag:s29] =	ssyncadd.s32 $0xFFFFFFFF  }
0xb5: {  	_ =	strace $0x90000048  }
0xb6: {  	_ =	sfence  }
0xb7: {  	s30 =	sld [smem:$0x0];
	_ =	sdelay $0x2  }
0xb8: {  	s31 =	sshll.u32 s1, $0xD;
	s1 =	sshrl.u32 s1, $0x2  }
0xb9: {  	s3 =	sand.u32 $0x4000, s31;
	s1 =	sadd.s32 s1, s30  }
0xba: {  	s0 =	sor.u32 s3, s0;
	s1 =	sshll.u32 s1, $0x11  }
0xbb: {  	s0 =	sor.u32 s1, s0  }
0xbc: {  	s0 =	sadd.s32 $0x8F2B, s0  }
0xbd: {  	[sflag:s0] =	ssyncadd.remote.s32 $0x1  }
0xbe: {  	_ =	sfence.sel $0xFFFF  }
0xbf: {  	[dreg:$0x0] =	wrdreg $0xFFFFFFFF;
	(pc) =	sbr.abs _section_cstart, $3  }
0xc0: {  	[dreg:$0x1] =	wrdreg $0xFFFFFFFF  }
0xc1: {  	_ =	task.clear_ibuf [dreg:s7], $0x2FFFF;
	_ =	strace $0x9FFFFFFF  }
0xc2: {  	(tm) =	ssettm $0x7FFFFFFF  }
0xc3: {  	_ =	shalt  }
tec
execute0_lowered:
.L_overlay_start_1:
0x0: {  	(tag) =	ssettag $0x1  }
0x1: {  	s2 =	rddreg [dreg:$0x0]  }
0x2: {  	s4 =	rddreg [dreg:$0x1]  }
0x3: {  	s3 =	srdreg.scid;
	s1 =	stileid.u32  }
0x4: {  	s0 =	rddreg [dreg:$0x2];
	s5 =	sand.u32 $0x1, s3;
	s6 =	sshll.u32 s1, $0x1  }
0x5: {  	s9 =	simm.s32 $0x0;
	s3 =	simm.s32 $0x0;
	s6 =	sor.u32 s5, s6  }
0x6: {  	s5 =	ssub.s32 $0x2, s5;
	[smem:$0x7FF] =	sst s3;
	s7 =	sshll.u32 s6, $0x8  }
0x7: {  	s8 =	sshrl.u32 s5, $0x1;
	_ =	strace $0x80000047;
	s7 =	sadd.s32 s7, s4  }
0x8: {  	s8 =	ssub.s32 s5, s8;
	s4 =	sshll.u32 s6, $0x9;
	s5 =	sadd.s32 $0x400, s7  }
0x9: {  	v45 =	vimm.f32 $0.0e+00;
	s6 =	smax.u32 s8, $0x1;
	s7 =	simm.s32 $0x1;
	s8 =	simm.s32 $0x4000  }
.LBB2_1:
0xa: {  	[tilespmem:s3], [sflag:$0x1] =	stream.linear.gather [hbm4b:s2+s3], $0x4000, $0x38;
	[tilespmem:$0x4800] =	vst v63  }
0xb: {  	_ =	swait.ge [sflag:s7], $0x4000  }
0xc: {  	[sflag:s7] =	ssyncset.done $0x0  }
0xd: {  	[sflag:s7] =	ssyncadd.s32 $0xFFFFC000  }
0xe: {  	v0 =	vld [tilespmem:s4+$0x0]  }
0xf: {  	v1 =	vld [tilespmem:s4+$0x10]  }
0x10: {  	v2 =	vld [tilespmem:s4+$0x80]  }
0x11: {  	v3 =	vld [tilespmem:s4+$0x90]  }
0x12: {  	v4 =	vld [tilespmem:s4+$0x100]  }
0x13: {  	v5 =	vld [tilespmem:s4+$0x110]  }
0x14: {  	v6 =	vld [tilespmem:s4+$0x20]  }
0x15: {  	v7 =	vld [tilespmem:s4+$0x30]  }
0x16: {  	v8 =	vld [tilespmem:s4+$0xA0]  }
0x17: {  	v9 =	vld [tilespmem:s4+$0xB0]  }
0x18: {  	v10 =	vld [tilespmem:s4+$0x120]  }
0x19: {  	v11 =	vld [tilespmem:s4+$0x130]  }
0x1a: {  	v12 =	vld [tilespmem:s4+$0x40]  }
0x1b: {  	v13 =	vld [tilespmem:s4+$0x50]  }
0x1c: {  	v14 =	vld [tilespmem:s4+$0xC0]  }
0x1d: {  	v15 =	vld [tilespmem:s4+$0xD0]  }
0x1e: {  	v16 =	vld [tilespmem:s4+$0x140]  }
0x1f: {  	v17 =	vld [tilespmem:s4+$0x150]  }
0x20: {  	v18 =	vld [tilespmem:s4+$0x60]  }
0x21: {  	v19 =	vld [tilespmem:s4+$0x70]  }
0x22: {  	v20 =	vld [tilespmem:s4+$0xE0]  }
0x23: {  	v21 =	vld [tilespmem:s4+$0xF0]  }
0x24: {  	v24 =	vimm.bf16 $1.0000e+30;
	v22 =	vld [tilespmem:s4+$0x160]  }
0x25: {  	v27 =	vimm.bf16 $1.0000e+30;
	v32 =	vimm.bf16 $1.0000e+30;
	v26 =	vimm.bf16 $1.0000e+30;
	v23 =	vld [tilespmem:s4+$0x170]  }
0x26: {  	v28 =	vimm.bf16 $1.0000e+30;
	v30 =	vimm.bf16 $1.0000e+30;
	v29 =	vimm.bf16 $1.0000e+30  }
0x27: {  	v1 =	vpack.i.f32.bf16 v1, v0;
	v2 =	vpack.i.f32.bf16 v3, v2;
	v3 =	vpack.i.f32.bf16 v5, v4  }
0x28: {  	v4 =	vpack.i.f32.bf16 v7, v6;
	v5 =	vpack.i.f32.bf16 v9, v8;
	v6 =	vpack.i.f32.bf16 v11, v10  }
0x29: {  	v7 =	vpack.i.f32.bf16 v13, v12;
	v8 =	vpack.i.f32.bf16 v15, v14;
	v9 =	vpack.i.f32.bf16 v17, v16  }
0x2a: {  	v10 =	vpack.i.f32.bf16 v19, v18;
	v11 =	vpack.i.f32.bf16 v21, v20;
	v12 =	vpack.i.f32.bf16 v23, v22  }
0x2b: {  	v16 =	vimm.bf16 $1.0000e+30;
	v19 =	vimm.bf16 $1.0000e+30;
	v0 =	vimm.bf16 $1.0000e+30  }
0x2c: {  	v17 =	vimm.bf16 $1.0000e+30;
	v20 =	vimm.bf16 $1.0000e+30;
	v22 =	vimm.bf16 $1.0000e+30  }
0x2d: {  	s10 =	simm.s32 $0xFFFFFFFE;
	s11 =	simm.s32 $0x0;
	s12 =	simm.s32 $0x0;
	v18 =	vimm.bf16 $1.0000e+30;
	v21 =	vimm.bf16 $1.0000e+30;
	v23 =	vimm.bf16 $1.0000e+30  }
.LBB2_2:
0x2e: {  	s13 =	sand.u32 $0x60, s11;
	s14 =	sand.u32 $0x3E00, s12  }
0x2f: {  	s13 =	sor.u32 s13, s14  }
0x30: {  	v14 =	vld [tilespmem:s13+$0x0]  }
0x31: {  	v15 =	vld [tilespmem:s13+$0x80]  }
0x32: {  	v13 =	vld [tilespmem:s13+$0x100];
	_ =	sdelay $0x3  }
0x33: {  	v31 =	vbroadcast v14, $0x0;
	v33 =	vbroadcast v15, $0x0  }
0x34: {  	v34 =	vbroadcast v13, $0x0  }
0x35: {  	v31 =	vpack.i.f32.bf16 v31, v31;
	v33 =	vpack.i.f32.bf16 v33, v33  }
0x36: {  	v34 =	vpack.i.f32.bf16 v34, v34;
	v35 =	vsub.bf16 v1, v31;
	v36 =	vsub.bf16 v2, v33  }
0x37: {  	v37 =	vsub.bf16 v3, v34;
	v46 =	vsub.bf16 v4, v31  }
0x38: {  	v38 =	vsub.bf16 v5, v33;
	v49 =	vsub.bf16 v6, v34  }
0x39: {  	v41 =	vbroadcast v14, $0x1;
	v52 =	vsub.bf16 v7, v31;
	v53 =	vsub.bf16 v8, v33  }
0x3a: {  	v42 =	vbroadcast v15, $0x1;
	v57 =	vsub.bf16 v9, v34;
	v31 =	vsub.bf16 v10, v31  }
0x3b: {  	v33 =	vsub.bf16 v11, v33;
	v35 =	vmul.bf16 v35, v35;
	v36 =	vmul.bf16 v36, v36  }
0x3c: {  	v34 =	vsub.bf16 v12, v34;
	v47 =	vmul.bf16 v46, v46;
	v48 =	vmul.bf16 v38, v38  }
0x3d: {  	v44 =	vmul.bf16 v37, v37;
	v51 =	vmul.bf16 v49, v49;
	v35 =	vadd.bf16 v36, v35  }
0x3e: {  	v31 =	vmul.bf16 v31, v31;
	v33 =	vmul.bf16 v33, v33;
	v36 =	vadd.bf16 v48, v47  }
0x3f: {  	v55 =	vmul.bf16 v52, v52;
	v56 =	vmul.bf16 v53, v53;
	v35 =	vadd.bf16 v44, v35  }
0x40: {  	v60 =	vmul.bf16 v57, v57;
	v31 =	vadd.bf16 v33, v31;
	v54 =	vadd.bf16 v51, v36  }
0x41: {  	v36 =	vadd.bf16 v56, v55;
	v44 =	vbroadcast v13, $0x1;
	v39 =	vmax.bf16 v29, v35  }
0x42: {  	v29 =	vmin.bf16 v29, v35;
	v58 =	vmax.bf16 v30, v54;
	v30 =	vmin.bf16 v30, v54  }
0x43: {  	v62 =	vadd.bf16 v60, v36;
	v35 =	vpack.i.f32.bf16 v42, v42;
	v50 =	vmax.bf16 v23, v39  }
0x44: {  	v23 =	vmin.bf16 v23, v39;
	v59 =	vmax.bf16 v32, v58;
	v32 =	vmin.bf16 v32, v58  }
0x45: {  	v47 =	vsub.bf16 v2, v35;
	v40 =	vmax.bf16 v22, v50;
	v22 =	vmin.bf16 v22, v50  }
0x46: {  	v61 =	vmax.bf16 v27, v59;
	v27 =	vmin.bf16 v27, v59;
	v36 =	vmax.bf16 v28, v62  }
0x47: {  	v28 =	vmin.bf16 v28, v62;
	v0 =	vmin.bf16 v0, v40;
	v24 =	vmin.bf16 v24, v61  }
0x48: {  	v63 =	vmax.bf16 v21, v36;
	v40 =	vmul.bf16 v34, v34;
	v21 =	vmin.bf16 v21, v36  }
0x49: {  	v34 =	vpack.i.f32.bf16 v41, v41;
	v50 =	vmul.bf16 v47, v47;
	v41 =	vsub.bf16 v5, v35  }
0x4a: {  	v43 =	vmax.bf16 v20, v63;
	v46 =	vsub.bf16 v1, v34;
	v53 =	vsub.bf16 v4, v34  }
0x4b: {  	v20 =	vmin.bf16 v20, v63;
	v62 =	vsub.bf16 v7, v34;
	v63 =	vsub.bf16 v8, v35  }
0x4c: {  	v34 =	vsub.bf16 v10, v34;
	v35 =	vsub.bf16 v11, v35;
	v56 =	vmul.bf16 v41, v41  }
0x4d: {  	v31 =	vadd.bf16 v40, v31;
	v49 =	vmul.bf16 v46, v46;
	v55 =	vmul.bf16 v53, v53  }
0x4e: {  	v19 =	vmin.bf16 v19, v43;
	v46 =	vmul.bf16 v62, v62;
	v47 =	vmul.bf16 v63, v63  }
0x4f: {  	v48 =	vmax.bf16 v26, v31;
	v26 =	vmin.bf16 v26, v31;
	v31 =	vpack.i.f32.bf16 v44, v44  }
0x50: {  	v34 =	vmul.bf16 v34, v34;
	v35 =	vmul.bf16 v35, v35;
	v51 =	vsub.bf16 v3, v31  }
0x51: {  	v52 =	vmax.bf16 v18, v48;
	v33 =	vadd.bf16 v50, v49;
	v57 =	vsub.bf16 v6, v31  }
0x52: {  	v18 =	vmin.bf16 v18, v48;
	v59 =	vadd.bf16 v56, v55;
	v48 =	vsub.bf16 v9, v31  }
0x53: {  	v37 =	vadd.bf16 v47, v46;
	v31 =	vsub.bf16 v12, v31;
	v56 =	vbroadcast v14, $0x2  }
0x54: {  	v58 =	vmax.bf16 v17, v52;
	v17 =	vmin.bf16 v17, v52;
	v54 =	vmul.bf16 v51, v51  }
0x55: {  	v16 =	vmin.bf16 v16, v58;
	v60 =	vmul.bf16 v57, v57;
	v51 =	vmul.bf16 v48, v48  }
0x56: {  	v57 =	vbroadcast v15, $0x2;
	v58 =	vadd.bf16 v35, v34;
	v35 =	vpack.i.f32.bf16 v56, v56  }
0x57: {  	v31 =	vmul.bf16 v31, v31;
	v47 =	vsub.bf16 v4, v35;
	v33 =	vadd.bf16 v54, v33  }
0x58: {  	v36 =	vadd.bf16 v60, v59;
	v37 =	vadd.bf16 v51, v37;
	v59 =	vbroadcast v13, $0x2  }
0x59: {  	v31 =	vadd.bf16 v31, v58;
	v61 =	vmax.bf16 v29, v33;
	v29 =	vmin.bf16 v29, v33  }
0x5a: {  	v50 =	vmax.bf16 v30, v36;
	v30 =	vmin.bf16 v30, v36;
	v54 =	vmax.bf16 v28, v37  }
0x5b: {  	v28 =	vmin.bf16 v28, v37;
	v37 =	vpack.i.f32.bf16 v57, v57;
	v33 =	vpack.i.f32.bf16 v59, v59  }
0x5c: {  	v44 =	vmax.bf16 v23, v61;
	v23 =	vmin.bf16 v23, v61;
	v52 =	vmax.bf16 v32, v50  }
0x5d: {  	v32 =	vmin.bf16 v32, v50;
	v55 =	vmax.bf16 v21, v54;
	v61 =	vsub.bf16 v1, v35  }
0x5e: {  	v21 =	vmin.bf16 v21, v54;
	v62 =	vsub.bf16 v2, v37;
	v43 =	vsub.bf16 v3, v33  }
0x5f: {  	v48 =	vsub.bf16 v5, v37;
	v50 =	vmul.bf16 v47, v47;
	v56 =	vsub.bf16 v8, v37  }
0x60: {  	v37 =	vsub.bf16 v11, v37;
	v49 =	vmax.bf16 v22, v44;
	v22 =	vmin.bf16 v22, v44  }
0x61: {  	v53 =	vmax.bf16 v27, v52;
	v27 =	vmin.bf16 v27, v52;
	v60 =	vmax.bf16 v20, v55  }
0x62: {  	v20 =	vmin.bf16 v20, v55;
	v44 =	vmax.bf16 v26, v31;
	v52 =	vsub.bf16 v6, v33  }
0x63: {  	v26 =	vmin.bf16 v26, v31;
	v55 =	vsub.bf16 v7, v35;
	v35 =	vsub.bf16 v10, v35  }
0x64: {  	v0 =	vmin.bf16 v0, v49;
	v24 =	vmin.bf16 v24, v53;
	v63 =	vmul.bf16 v61, v61  }
0x65: {  	v42 =	vmul.bf16 v62, v62;
	v19 =	vmin.bf16 v19, v60;
	v31 =	vmax.bf16 v18, v44  }
0x66: {  	v46 =	vmul.bf16 v43, v43;
	v18 =	vmin.bf16 v18, v44;
	v51 =	vmul.bf16 v48, v48  }
0x67: {  	v59 =	vmul.bf16 v56, v56;
	v60 =	vsub.bf16 v9, v33;
	v34 =	vadd.bf16 v42, v63  }
0x68: {  	v41 =	vmul.bf16 v37, v37;
	v43 =	vbroadcast v15, $0x3;
	v49 =	vmax.bf16 v17, v31  }
0x69: {  	v17 =	vmin.bf16 v17, v31;
	v54 =	vmul.bf16 v52, v52;
	v31 =	vadd.bf16 v46, v34  }
0x6a: {  	v33 =	vsub.bf16 v12, v33;
	v58 =	vmul.bf16 v55, v55;
	v40 =	vmul.bf16 v35, v35  }
0x6b: {  	v16 =	vmin.bf16 v16, v49;
	v34 =	vadd.bf16 v51, v50;
	v53 =	vmax.bf16 v29, v31  }
0x6c: {  	v62 =	vmul.bf16 v60, v60;
	v29 =	vmin.bf16 v29, v31;
	v31 =	vmax.bf16 v23, v53  }
0x6d: {  	v57 =	vmax.bf16 v22, v31;
	v22 =	vmin.bf16 v22, v31;
	v31 =	vadd.bf16 v54, v34  }
0x6e: {  	v33 =	vmul.bf16 v33, v33;
	v42 =	vbroadcast v14, $0x3;
	v35 =	vpack.i.f32.bf16 v43, v43  }
0x6f: {  	v48 =	vsub.bf16 v2, v35;
	v34 =	vadd.bf16 v59, v58;
	v61 =	vmax.bf16 v30, v31  }
0x70: {  	v55 =	vsub.bf16 v5, v35;
	v30 =	vmin.bf16 v30, v31;
	v31 =	vmax.bf16 v32, v61  }
0x71: {  	v63 =	vmax.bf16 v27, v31;
	v27 =	vmin.bf16 v27, v31;
	v31 =	vadd.bf16 v62, v34  }
0x72: {  	v46 =	vbroadcast v13, $0x3;
	v51 =	vmul.bf16 v48, v48;
	v23 =	vmin.bf16 v23, v53  }
0x73: {  	v58 =	vmul.bf16 v55, v55;
	v0 =	vmin.bf16 v0, v57;
	v36 =	vmax.bf16 v28, v31  }
0x74: {  	v34 =	vadd.bf16 v41, v40;
	v28 =	vmin.bf16 v28, v31;
	v31 =	vmax.bf16 v21, v36  }
0x75: {  	v32 =	vmin.bf16 v32, v61;
	v40 =	vbroadcast v15, $0x9;
	v44 =	vmax.bf16 v20, v31  }
0x76: {  	v20 =	vmin.bf16 v20, v31;
	v31 =	vadd.bf16 v33, v34;
	v34 =	vpack.i.f32.bf16 v42, v42  }
0x77: {  	v24 =	vmin.bf16 v24, v63;
	v21 =	vmin.bf16 v21, v36;
	v47 =	vsub.bf16 v1, v34  }
0x78: {  	v19 =	vmin.bf16 v19, v44;
	v54 =	vsub.bf16 v4, v34;
	v44 =	vsub.bf16 v7, v34  }
0x79: {  	v34 =	vsub.bf16 v10, v34;
	v49 =	vmax.bf16 v26, v31;
	v26 =	vmin.bf16 v26, v31  }
0x7a: {  	v31 =	vpack.i.f32.bf16 v46, v46;
	v46 =	vsub.bf16 v8, v35;
	v35 =	vsub.bf16 v11, v35  }
0x7b: {  	v50 =	vmul.bf16 v47, v47;
	v52 =	vsub.bf16 v3, v31;
	v53 =	vmax.bf16 v18, v49  }
0x7c: {  	v18 =	vmin.bf16 v18, v49;
	v57 =	vmul.bf16 v54, v54;
	v59 =	vsub.bf16 v6, v31  }
0x7d: {  	v48 =	vmul.bf16 v44, v44;
	v34 =	vmul.bf16 v34, v34;
	v60 =	vmax.bf16 v17, v53  }
0x7e: {  	v17 =	vmin.bf16 v17, v53;
	v49 =	vmul.bf16 v46, v46;
	v35 =	vmul.bf16 v35, v35  }
0x7f: {  	v33 =	vadd.bf16 v51, v50;
	v56 =	vmul.bf16 v52, v52;
	v16 =	vmin.bf16 v16, v60  }
0x80: {  	v61 =	vadd.bf16 v58, v57;
	v62 =	vmul.bf16 v59, v59;
	v50 =	vsub.bf16 v9, v31  }
0x81: {  	v31 =	vsub.bf16 v12, v31;
	v58 =	vbroadcast v14, $0x4;
	v37 =	vadd.bf16 v49, v48  }
0x82: {  	v59 =	vbroadcast v15, $0x4;
	v60 =	vadd.bf16 v35, v34;
	v33 =	vadd.bf16 v56, v33  }
0x83: {  	v36 =	vadd.bf16 v62, v61;
	v53 =	vmul.bf16 v50, v50;
	v31 =	vmul.bf16 v31, v31  }
0x84: {  	v61 =	vbroadcast v13, $0x4;
	v35 =	vpack.i.f32.bf16 v58, v58;
	v63 =	vmax.bf16 v29, v33  }
0x85: {  	v29 =	vmin.bf16 v29, v33;
	v52 =	vmax.bf16 v30, v36;
	v30 =	vmin.bf16 v30, v36  }
0x86: {  	v37 =	vadd.bf16 v53, v37;
	v31 =	vadd.bf16 v31, v60;
	v33 =	vpack.i.f32.bf16 v61, v61  }
0x87: {  	v47 =	vmax.bf16 v23, v63;
	v23 =	vmin.bf16 v23, v63;
	v54 =	vmax.bf16 v32, v52  }
0x88: {  	v32 =	vmin.bf16 v32, v52;
	v63 =	vsub.bf16 v1, v35;
	v48 =	vsub.bf16 v3, v33  }
0x89: {  	v42 =	vsub.bf16 v9, v33;
	v51 =	vmax.bf16 v22, v47;
	v22 =	vmin.bf16 v22, v47  }
0x8a: {  	v55 =	vmax.bf16 v27, v54;
	v27 =	vmin.bf16 v27, v54;
	v56 =	vmax.bf16 v28, v37  }
0x8b: {  	v28 =	vmin.bf16 v28, v37;
	v37 =	vpack.i.f32.bf16 v59, v59;
	v49 =	vmax.bf16 v26, v31  }
0x8c: {  	v26 =	vmin.bf16 v26, v31;
	v59 =	vsub.bf16 v7, v35;
	v0 =	vmin.bf16 v0, v51  }
0x8d: {  	v24 =	vmin.bf16 v24, v55;
	v57 =	vmax.bf16 v21, v56;
	v21 =	vmin.bf16 v21, v56  }
0x8e: {  	v44 =	vsub.bf16 v2, v37;
	v46 =	vmul.bf16 v63, v63;
	v51 =	vsub.bf16 v4, v35  }
0x8f: {  	v31 =	vmax.bf16 v18, v49;
	v52 =	vsub.bf16 v5, v37;
	v56 =	vsub.bf16 v6, v33  }
0x90: {  	v50 =	vmul.bf16 v48, v48;
	v60 =	vsub.bf16 v8, v37;
	v35 =	vsub.bf16 v10, v35  }
0x91: {  	v18 =	vmin.bf16 v18, v49;
	v37 =	vsub.bf16 v11, v37;
	v33 =	vsub.bf16 v12, v33  }
0x92: {  	v49 =	vbroadcast v14, $0x5;
	v62 =	vmax.bf16 v20, v57;
	v47 =	vmul.bf16 v44, v44  }
0x93: {  	v20 =	vmin.bf16 v20, v57;
	v53 =	vmax.bf16 v17, v31;
	v17 =	vmin.bf16 v17, v31  }
0x94: {  	v54 =	vmul.bf16 v51, v51;
	v55 =	vmul.bf16 v52, v52;
	v34 =	vadd.bf16 v47, v46  }
0x95: {  	v19 =	vmin.bf16 v19, v62;
	v58 =	vmul.bf16 v56, v56;
	v62 =	vmul.bf16 v59, v59  }
0x96: {  	v63 =	vmul.bf16 v60, v60;
	v44 =	vmul.bf16 v42, v42;
	v31 =	vadd.bf16 v50, v34  }
0x97: {  	v16 =	vmin.bf16 v16, v53;
	v48 =	vmul.bf16 v37, v37;
	v33 =	vmul.bf16 v33, v33  }
0x98: {  	v52 =	vbroadcast v13, $0x5;
	v34 =	vadd.bf16 v55, v54;
	v57 =	vmax.bf16 v29, v31  }
0x99: {  	v50 =	vbroadcast v15, $0x5;
	v29 =	vmin.bf16 v29, v31;
	v31 =	vmax.bf16 v23, v57  }
0x9a: {  	v61 =	vmax.bf16 v22, v31;
	v22 =	vmin.bf16 v22, v31;
	v31 =	vadd.bf16 v58, v34  }
0x9b: {  	v42 =	vbroadcast v13, $0x9;
	v47 =	vmul.bf16 v35, v35;
	v35 =	vpack.i.f32.bf16 v50, v50  }
0x9c: {  	v23 =	vmin.bf16 v23, v57;
	v34 =	vadd.bf16 v63, v62;
	v43 =	vmax.bf16 v30, v31  }
0x9d: {  	v54 =	vsub.bf16 v2, v35;
	v30 =	vmin.bf16 v30, v31;
	v31 =	vmax.bf16 v32, v43  }
0x9e: {  	v46 =	vmax.bf16 v27, v31;
	v27 =	vmin.bf16 v27, v31;
	v31 =	vadd.bf16 v44, v34  }
0x9f: {  	v0 =	vmin.bf16 v0, v61;
	v57 =	vmul.bf16 v54, v54;
	v61 =	vsub.bf16 v5, v35  }
0xa0: {  	v32 =	vmin.bf16 v32, v43;
	v43 =	vbroadcast v14, $0x6;
	v36 =	vmax.bf16 v28, v31  }
0xa1: {  	v34 =	vadd.bf16 v48, v47;
	v28 =	vmin.bf16 v28, v31;
	v31 =	vmax.bf16 v21, v36  }
0xa2: {  	v44 =	vmul.bf16 v61, v61;
	v24 =	vmin.bf16 v24, v46;
	v51 =	vmax.bf16 v20, v31  }
0xa3: {  	v20 =	vmin.bf16 v20, v31;
	v31 =	vadd.bf16 v33, v34;
	v34 =	vpack.i.f32.bf16 v49, v49  }
0xa4: {  	v21 =	vmin.bf16 v21, v36;
	v53 =	vsub.bf16 v1, v34;
	v60 =	vsub.bf16 v4, v34  }
0xa5: {  	v19 =	vmin.bf16 v19, v51;
	v51 =	vsub.bf16 v7, v34;
	v34 =	vsub.bf16 v10, v34  }
0xa6: {  	v55 =	vmax.bf16 v26, v31;
	v26 =	vmin.bf16 v26, v31;
	v31 =	vpack.i.f32.bf16 v52, v52  }
0xa7: {  	v52 =	vsub.bf16 v8, v35;
	v35 =	vsub.bf16 v11, v35;
	v56 =	vmul.bf16 v53, v53  }
0xa8: {  	v58 =	vsub.bf16 v3, v31;
	v59 =	vmax.bf16 v18, v55;
	v18 =	vmin.bf16 v18, v55  }
0xa9: {  	v63 =	vmul.bf16 v60, v60;
	v46 =	vsub.bf16 v6, v31;
	v54 =	vmul.bf16 v51, v51  }
0xaa: {  	v34 =	vmul.bf16 v34, v34;
	v47 =	vmax.bf16 v17, v59;
	v17 =	vmin.bf16 v17, v59  }
0xab: {  	v55 =	vmul.bf16 v52, v52;
	v35 =	vmul.bf16 v35, v35;
	v33 =	vadd.bf16 v57, v56  }
0xac: {  	v62 =	vmul.bf16 v58, v58;
	v16 =	vmin.bf16 v16, v47;
	v48 =	vadd.bf16 v44, v63  }
0xad: {  	v49 =	vmul.bf16 v46, v46;
	v56 =	vsub.bf16 v9, v31;
	v31 =	vsub.bf16 v12, v31  }
0xae: {  	v44 =	vbroadcast v15, $0x6;
	v47 =	vbroadcast v13, $0x6;
	v37 =	vadd.bf16 v55, v54  }
0xaf: {  	v46 =	vadd.bf16 v35, v34;
	v35 =	vpack.i.f32.bf16 v43, v43;
	v33 =	vadd.bf16 v62, v33  }
0xb0: {  	v36 =	vadd.bf16 v49, v48;
	v59 =	vmul.bf16 v56, v56;
	v31 =	vmul.bf16 v31, v31  }
0xb1: {  	v49 =	vsub.bf16 v1, v35;
	v56 =	vsub.bf16 v4, v35;
	v50 =	vmax.bf16 v29, v33  }
0xb2: {  	v29 =	vmin.bf16 v29, v33;
	v58 =	vmax.bf16 v30, v36;
	v30 =	vmin.bf16 v30, v36  }
0xb3: {  	v37 =	vadd.bf16 v59, v37;
	v31 =	vadd.bf16 v31, v46;
	v51 =	vmul.bf16 v49, v49  }
0xb4: {  	v33 =	vpack.i.f32.bf16 v47, v47;
	v59 =	vmul.bf16 v56, v56;
	v56 =	vbroadcast v14, $0x7  }
0xb5: {  	v53 =	vmax.bf16 v23, v50;
	v23 =	vmin.bf16 v23, v50;
	v60 =	vmax.bf16 v32, v58  }
0xb6: {  	v32 =	vmin.bf16 v32, v58;
	v57 =	vmax.bf16 v22, v53;
	v22 =	vmin.bf16 v22, v53  }
0xb7: {  	v61 =	vmax.bf16 v27, v60;
	v27 =	vmin.bf16 v27, v60;
	v62 =	vmax.bf16 v28, v37  }
0xb8: {  	v28 =	vmin.bf16 v28, v37;
	v37 =	vpack.i.f32.bf16 v44, v44;
	v53 =	vsub.bf16 v3, v33  }
0xb9: {  	v54 =	vmax.bf16 v26, v31;
	v26 =	vmin.bf16 v26, v31;
	v44 =	vsub.bf16 v7, v35  }
0xba: {  	v35 =	vsub.bf16 v10, v35;
	v0 =	vmin.bf16 v0, v57;
	v24 =	vmin.bf16 v24, v61  }
0xbb: {  	v63 =	vmax.bf16 v21, v62;
	v21 =	vmin.bf16 v21, v62;
	v50 =	vsub.bf16 v2, v37  }
0xbc: {  	v31 =	vmax.bf16 v18, v54;
	v57 =	vsub.bf16 v5, v37;
	v61 =	vsub.bf16 v6, v33  }
0xbd: {  	v18 =	vmin.bf16 v18, v54;
	v46 =	vsub.bf16 v8, v37;
	v37 =	vsub.bf16 v11, v37  }
0xbe: {  	v48 =	vmax.bf16 v20, v63;
	v20 =	vmin.bf16 v20, v63;
	v52 =	vmul.bf16 v50, v50  }
0xbf: {  	v55 =	vmul.bf16 v53, v53;
	v58 =	vmax.bf16 v17, v31;
	v17 =	vmin.bf16 v17, v31  }
0xc0: {  	v54 =	vmul.bf16 v35, v35;
	v19 =	vmin.bf16 v19, v48;
	v34 =	vadd.bf16 v52, v51  }
0xc1: {  	v60 =	vmul.bf16 v57, v57;
	v16 =	vmin.bf16 v16, v58;
	v63 =	vmul.bf16 v61, v61  }
0xc2: {  	v48 =	vmul.bf16 v44, v44;
	v50 =	vsub.bf16 v9, v33;
	v31 =	vadd.bf16 v55, v34  }
0xc3: {  	v49 =	vmul.bf16 v46, v46;
	v33 =	vsub.bf16 v12, v33;
	v57 =	vbroadcast v15, $0x7  }
0xc4: {  	v52 =	vmul.bf16 v50, v50;
	v34 =	vadd.bf16 v60, v59;
	v62 =	vmax.bf16 v29, v31  }
0xc5: {  	v35 =	vpack.i.f32.bf16 v57, v57;
	v29 =	vmin.bf16 v29, v31;
	v31 =	vmax.bf16 v23, v62  }
0xc6: {  	v47 =	vmax.bf16 v22, v31;
	v22 =	vmin.bf16 v22, v31;
	v31 =	vadd.bf16 v63, v34  }
0xc7: {  	v33 =	vmul.bf16 v33, v33;
	v61 =	vsub.bf16 v2, v35;
	v55 =	vmul.bf16 v37, v37  }
0xc8: {  	v59 =	vbroadcast v13, $0x7;
	v34 =	vadd.bf16 v49, v48;
	v51 =	vmax.bf16 v30, v31  }
0xc9: {  	v44 =	vmul.bf16 v61, v61;
	v30 =	vmin.bf16 v30, v31;
	v31 =	vmax.bf16 v32, v51  }
0xca: {  	v53 =	vmax.bf16 v27, v31;
	v27 =	vmin.bf16 v27, v31;
	v31 =	vadd.bf16 v52, v34  }
0xcb: {  	v23 =	vmin.bf16 v23, v62;
	v49 =	vsub.bf16 v5, v35;
	v0 =	vmin.bf16 v0, v47  }
0xcc: {  	v32 =	vmin.bf16 v32, v51;
	v34 =	vadd.bf16 v55, v54;
	v36 =	vmax.bf16 v28, v31  }
0xcd: {  	v52 =	vmul.bf16 v49, v49;
	v28 =	vmin.bf16 v28, v31;
	v31 =	vmax.bf16 v21, v36  }
0xce: {  	v24 =	vmin.bf16 v24, v53;
	v21 =	vmin.bf16 v21, v36;
	v58 =	vmax.bf16 v20, v31  }
0xcf: {  	v20 =	vmin.bf16 v20, v31;
	v31 =	vadd.bf16 v33, v34;
	v34 =	vpack.i.f32.bf16 v56, v56  }
0xd0: {  	v19 =	vmin.bf16 v19, v58;
	v60 =	vsub.bf16 v1, v34;
	v48 =	vsub.bf16 v4, v34  }
0xd1: {  	v58 =	vsub.bf16 v7, v34;
	v34 =	vsub.bf16 v10, v34;
	v62 =	vmax.bf16 v26, v31  }
0xd2: {  	v26 =	vmin.bf16 v26, v31;
	v31 =	vpack.i.f32.bf16 v59, v59;
	v59 =	vsub.bf16 v8, v35  }
0xd3: {  	v35 =	vsub.bf16 v11, v35;
	v63 =	vmul.bf16 v60, v60;
	v46 =	vsub.bf16 v3, v31  }
0xd4: {  	v47 =	vmax.bf16 v18, v62;
	v18 =	vmin.bf16 v18, v62;
	v51 =	vmul.bf16 v48, v48  }
0xd5: {  	v53 =	vsub.bf16 v6, v31;
	v61 =	vmul.bf16 v58, v58;
	v34 =	vmul.bf16 v34, v34  }
0xd6: {  	v54 =	vmax.bf16 v17, v47;
	v17 =	vmin.bf16 v17, v47;
	v62 =	vmul.bf16 v59, v59  }
0xd7: {  	v35 =	vmul.bf16 v35, v35;
	v33 =	vadd.bf16 v44, v63;
	v50 =	vmul.bf16 v46, v46  }
0xd8: {  	v16 =	vmin.bf16 v16, v54;
	v55 =	vadd.bf16 v52, v51;
	v56 =	vmul.bf16 v53, v53  }
0xd9: {  	v63 =	vsub.bf16 v9, v31;
	v31 =	vsub.bf16 v12, v31;
	v51 =	vbroadcast v14, $0x8  }
0xda: {  	v52 =	vbroadcast v15, $0x8;
	v37 =	vadd.bf16 v62, v61;
	v53 =	vadd.bf16 v35, v34  }
0xdb: {  	v54 =	vbroadcast v13, $0x8;
	v33 =	vadd.bf16 v50, v33;
	v36 =	vadd.bf16 v56, v55  }
0xdc: {  	v46 =	vmul.bf16 v63, v63;
	v31 =	vmul.bf16 v31, v31;
	v35 =	vpack.i.f32.bf16 v51, v51  }
0xdd: {  	v56 =	vsub.bf16 v1, v35;
	v63 =	vsub.bf16 v4, v35;
	v57 =	vmax.bf16 v29, v33  }
0xde: {  	v29 =	vmin.bf16 v29, v33;
	v44 =	vmax.bf16 v30, v36;
	v30 =	vmin.bf16 v30, v36  }
0xdf: {  	v37 =	vadd.bf16 v46, v37;
	v31 =	vadd.bf16 v31, v53;
	v33 =	vpack.i.f32.bf16 v54, v54  }
0xe0: {  	v60 =	vmax.bf16 v23, v57;
	v23 =	vmin.bf16 v23, v57;
	v47 =	vmax.bf16 v32, v44  }
0xe1: {  	v32 =	vmin.bf16 v32, v44;
	v58 =	vmul.bf16 v56, v56;
	v43 =	vmax.bf16 v22, v60  }
0xe2: {  	v22 =	vmin.bf16 v22, v60;
	v48 =	vmax.bf16 v27, v47;
	v27 =	vmin.bf16 v27, v47  }
0xe3: {  	v49 =	vmax.bf16 v28, v37;
	v28 =	vmin.bf16 v28, v37;
	v37 =	vpack.i.f32.bf16 v52, v52  }
0xe4: {  	v60 =	vsub.bf16 v3, v33;
	v61 =	vmax.bf16 v26, v31;
	v26 =	vmin.bf16 v26, v31  }
0xe5: {  	v47 =	vmul.bf16 v63, v63;
	v52 =	vsub.bf16 v7, v35;
	v35 =	vsub.bf16 v10, v35  }
0xe6: {  	v63 =	vbroadcast v14, $0x9;
	v0 =	vmin.bf16 v0, v43;
	v24 =	vmin.bf16 v24, v48  }
0xe7: {  	v50 =	vmax.bf16 v21, v49;
	v21 =	vmin.bf16 v21, v49;
	v57 =	vsub.bf16 v2, v37  }
0xe8: {  	v31 =	vmax.bf16 v18, v61;
	v44 =	vsub.bf16 v5, v37;
	v49 =	vsub.bf16 v6, v33  }
0xe9: {  	v18 =	vmin.bf16 v18, v61;
	v53 =	vsub.bf16 v8, v37;
	v37 =	vsub.bf16 v11, v37  }
0xea: {  	v55 =	vmax.bf16 v20, v50;
	v20 =	vmin.bf16 v20, v50;
	v59 =	vmul.bf16 v57, v57  }
0xeb: {  	v62 =	vmul.bf16 v60, v60;
	v46 =	vmax.bf16 v17, v31;
	v17 =	vmin.bf16 v17, v31  }
0xec: {  	v61 =	vmul.bf16 v35, v35;
	v35 =	vpack.i.f32.bf16 v40, v40;
	v34 =	vadd.bf16 v59, v58  }
0xed: {  	v19 =	vmin.bf16 v19, v55;
	v48 =	vmul.bf16 v44, v44;
	v16 =	vmin.bf16 v16, v46  }
0xee: {  	v51 =	vmul.bf16 v49, v49;
	v55 =	vmul.bf16 v52, v52;
	v31 =	vadd.bf16 v62, v34  }
0xef: {  	v56 =	vmul.bf16 v53, v53;
	v57 =	vsub.bf16 v9, v33;
	v33 =	vsub.bf16 v12, v33  }
0xf0: {  	v44 =	vsub.bf16 v2, v35;
	v34 =	vadd.bf16 v48, v47;
	v50 =	vmax.bf16 v29, v31  }
0xf1: {  	v59 =	vmul.bf16 v57, v57;
	v29 =	vmin.bf16 v29, v31;
	v31 =	vmax.bf16 v23, v50  }
0xf2: {  	v54 =	vmax.bf16 v22, v31;
	v22 =	vmin.bf16 v22, v31;
	v31 =	vadd.bf16 v51, v34  }
0xf3: {  	v52 =	vsub.bf16 v5, v35;
	v33 =	vmul.bf16 v33, v33;
	v62 =	vmul.bf16 v37, v37  }
0xf4: {  	v48 =	vmul.bf16 v44, v44;
	v34 =	vadd.bf16 v56, v55;
	v58 =	vmax.bf16 v30, v31  }
0xf5: {  	v23 =	vmin.bf16 v23, v50;
	v30 =	vmin.bf16 v30, v31;
	v31 =	vmax.bf16 v32, v58  }
0xf6: {  	v60 =	vmax.bf16 v27, v31;
	v27 =	vmin.bf16 v27, v31;
	v31 =	vadd.bf16 v59, v34  }
0xf7: {  	v55 =	vmul.bf16 v52, v52;
	v0 =	vmin.bf16 v0, v54;
	v34 =	vadd.bf16 v62, v61  }
0xf8: {  	v62 =	vsub.bf16 v8, v35;
	v35 =	vsub.bf16 v11, v35;
	v36 =	vmax.bf16 v28, v31  }
0xf9: {  	v32 =	vmin.bf16 v32, v58;
	v28 =	vmin.bf16 v28, v31;
	v31 =	vmax.bf16 v21, v36  }
0xfa: {  	v24 =	vmin.bf16 v24, v60;
	v35 =	vmul.bf16 v35, v35;
	v41 =	vmax.bf16 v20, v31  }
0xfb: {  	v20 =	vmin.bf16 v20, v31;
	v31 =	vadd.bf16 v33, v34;
	v34 =	vpack.i.f32.bf16 v63, v63  }
0xfc: {  	v21 =	vmin.bf16 v21, v36;
	v43 =	vsub.bf16 v1, v34;
	v51 =	vsub.bf16 v4, v34  }
0xfd: {  	v19 =	vmin.bf16 v19, v41;
	v61 =	vsub.bf16 v7, v34;
	v34 =	vsub.bf16 v10, v34  }
0xfe: {  	v46 =	vmax.bf16 v26, v31;
	v26 =	vmin.bf16 v26, v31;
	v31 =	vpack.i.f32.bf16 v42, v42  }
0xff: {  	v41 =	vbroadcast v14, $0xB;
	v47 =	vmul.bf16 v43, v43;
	v49 =	vsub.bf16 v3, v31  }
0x100: {  	v50 =	vmax.bf16 v18, v46;
	v18 =	vmin.bf16 v18, v46;
	v54 =	vmul.bf16 v51, v51  }
0x101: {  	v56 =	vsub.bf16 v6, v31;
	v44 =	vmul.bf16 v61, v61;
	v46 =	vmul.bf16 v62, v62  }
0x102: {  	v34 =	vmul.bf16 v34, v34;
	v57 =	vmax.bf16 v17, v50;
	v17 =	vmin.bf16 v17, v50  }
0x103: {  	v33 =	vadd.bf16 v48, v47;
	v53 =	vmul.bf16 v49, v49;
	v16 =	vmin.bf16 v16, v57  }
0x104: {  	v58 =	vadd.bf16 v55, v54;
	v59 =	vmul.bf16 v56, v56;
	v47 =	vsub.bf16 v9, v31  }
0x105: {  	v37 =	vadd.bf16 v46, v44;
	v31 =	vsub.bf16 v12, v31;
	v55 =	vbroadcast v14, $0xA  }
0x106: {  	v56 =	vbroadcast v15, $0xA;
	v57 =	vadd.bf16 v35, v34;
	v33 =	vadd.bf16 v53, v33  }
0x107: {  	v36 =	vadd.bf16 v59, v58;
	v50 =	vmul.bf16 v47, v47;
	v35 =	vpack.i.f32.bf16 v55, v55  }
0x108: {  	v31 =	vmul.bf16 v31, v31;
	v58 =	vbroadcast v13, $0xA;
	v46 =	vsub.bf16 v4, v35  }
0x109: {  	v60 =	vmax.bf16 v29, v33;
	v29 =	vmin.bf16 v29, v33;
	v49 =	vmax.bf16 v30, v36  }
0x10a: {  	v30 =	vmin.bf16 v30, v36;
	v37 =	vadd.bf16 v50, v37;
	v31 =	vadd.bf16 v31, v57  }
0x10b: {  	v33 =	vpack.i.f32.bf16 v58, v58;
	v63 =	vmax.bf16 v23, v60;
	v23 =	vmin.bf16 v23, v60  }
0x10c: {  	v51 =	vmax.bf16 v32, v49;
	v32 =	vmin.bf16 v32, v49;
	v60 =	vsub.bf16 v1, v35  }
0x10d: {  	v42 =	vsub.bf16 v3, v33;
	v49 =	vmul.bf16 v46, v46;
	v48 =	vmax.bf16 v22, v63  }
0x10e: {  	v22 =	vmin.bf16 v22, v63;
	v52 =	vmax.bf16 v27, v51;
	v27 =	vmin.bf16 v27, v51  }
0x10f: {  	v53 =	vmax.bf16 v28, v37;
	v28 =	vmin.bf16 v28, v37;
	v37 =	vpack.i.f32.bf16 v56, v56  }
0x110: {  	v43 =	vmax.bf16 v26, v31;
	v26 =	vmin.bf16 v26, v31;
	v51 =	vsub.bf16 v6, v33  }
0x111: {  	v0 =	vmin.bf16 v0, v48;
	v24 =	vmin.bf16 v24, v52;
	v54 =	vmax.bf16 v21, v53  }
0x112: {  	v21 =	vmin.bf16 v21, v53;
	v61 =	vsub.bf16 v2, v37;
	v62 =	vmul.bf16 v60, v60  }
0x113: {  	v31 =	vmax.bf16 v18, v43;
	v44 =	vmul.bf16 v42, v42;
	v47 =	vsub.bf16 v5, v37  }
0x114: {  	v18 =	vmin.bf16 v18, v43;
	v55 =	vsub.bf16 v8, v37;
	v37 =	vsub.bf16 v11, v37  }
0x115: {  	v42 =	vbroadcast v15, $0xB;
	v59 =	vmax.bf16 v20, v54;
	v63 =	vmul.bf16 v61, v61  }
0x116: {  	v20 =	vmin.bf16 v20, v54;
	v48 =	vmax.bf16 v17, v31;
	v17 =	vmin.bf16 v17, v31  }
0x117: {  	v53 =	vmul.bf16 v51, v51;
	v54 =	vsub.bf16 v7, v35;
	v34 =	vadd.bf16 v63, v62  }
0x118: {  	v35 =	vsub.bf16 v10, v35;
	v19 =	vmin.bf16 v19, v59;
	v50 =	vmul.bf16 v47, v47  }
0x119: {  	v16 =	vmin.bf16 v16, v48;
	v58 =	vmul.bf16 v55, v55;
	v31 =	vadd.bf16 v44, v34  }
0x11a: {  	v59 =	vsub.bf16 v9, v33;
	v40 =	vmul.bf16 v37, v37;
	v33 =	vsub.bf16 v12, v33  }
0x11b: {  	v57 =	vmul.bf16 v54, v54;
	v34 =	vadd.bf16 v50, v49;
	v52 =	vmax.bf16 v29, v31  }
0x11c: {  	v61 =	vmul.bf16 v59, v59;
	v29 =	vmin.bf16 v29, v31;
	v31 =	vmax.bf16 v23, v52  }
0x11d: {  	v56 =	vmax.bf16 v22, v31;
	v22 =	vmin.bf16 v22, v31;
	v31 =	vadd.bf16 v53, v34  }
0x11e: {  	v63 =	vmul.bf16 v35, v35;
	v33 =	vmul.bf16 v33, v33;
	v35 =	vpack.i.f32.bf16 v42, v42  }
0x11f: {  	v47 =	vsub.bf16 v2, v35;
	v34 =	vadd.bf16 v58, v57;
	v60 =	vmax.bf16 v30, v31  }
0x120: {  	v54 =	vsub.bf16 v5, v35;
	v30 =	vmin.bf16 v30, v31;
	v31 =	vmax.bf16 v32, v60  }
0x121: {  	v62 =	vmax.bf16 v27, v31;
	v27 =	vmin.bf16 v27, v31;
	v31 =	vadd.bf16 v61, v34  }
0x122: {  	v44 =	vbroadcast v13, $0xB;
	v50 =	vmul.bf16 v47, v47;
	v23 =	vmin.bf16 v23, v52  }
0x123: {  	v57 =	vmul.bf16 v54, v54;
	v0 =	vmin.bf16 v0, v56;
	v36 =	vmax.bf16 v28, v31  }
0x124: {  	v34 =	vadd.bf16 v40, v63;
	v28 =	vmin.bf16 v28, v31;
	v31 =	vmax.bf16 v21, v36  }
0x125: {  	v32 =	vmin.bf16 v32, v60;
	v24 =	vmin.bf16 v24, v62;
	v43 =	vmax.bf16 v20, v31  }
0x126: {  	v20 =	vmin.bf16 v20, v31;
	v31 =	vadd.bf16 v33, v34;
	v34 =	vpack.i.f32.bf16 v41, v41  }
0x127: {  	v21 =	vmin.bf16 v21, v36;
	v46 =	vsub.bf16 v1, v34;
	v53 =	vsub.bf16 v4, v34  }
0x128: {  	v19 =	vmin.bf16 v19, v43;
	v63 =	vsub.bf16 v7, v34;
	v34 =	vsub.bf16 v10, v34  }
0x129: {  	v48 =	vmax.bf16 v26, v31;
	v26 =	vmin.bf16 v26, v31;
	v31 =	vpack.i.f32.bf16 v44, v44  }
0x12a: {  	v44 =	vsub.bf16 v8, v35;
	v35 =	vsub.bf16 v11, v35;
	v49 =	vmul.bf16 v46, v46  }
0x12b: {  	v51 =	vsub.bf16 v3, v31;
	v52 =	vmax.bf16 v18, v48;
	v18 =	vmin.bf16 v18, v48  }
0x12c: {  	v56 =	vmul.bf16 v53, v53;
	v58 =	vsub.bf16 v6, v31;
	v47 =	vmul.bf16 v63, v63  }
0x12d: {  	v34 =	vmul.bf16 v34, v34;
	v59 =	vmax.bf16 v17, v52;
	v17 =	vmin.bf16 v17, v52  }
0x12e: {  	v48 =	vmul.bf16 v44, v44;
	v35 =	vmul.bf16 v35, v35;
	v33 =	vadd.bf16 v50, v49  }
0x12f: {  	v55 =	vmul.bf16 v51, v51;
	v16 =	vmin.bf16 v16, v59;
	v60 =	vadd.bf16 v57, v56  }
0x130: {  	v61 =	vmul.bf16 v58, v58;
	v49 =	vsub.bf16 v9, v31;
	v31 =	vsub.bf16 v12, v31  }
0x131: {  	v57 =	vbroadcast v14, $0xC;
	v37 =	vadd.bf16 v48, v47;
	v59 =	vadd.bf16 v35, v34  }
0x132: {  	v58 =	vbroadcast v15, $0xC;
	v33 =	vadd.bf16 v55, v33;
	v36 =	vadd.bf16 v61, v60  }
0x133: {  	v52 =	vmul.bf16 v49, v49;
	v31 =	vmul.bf16 v31, v31;
	v35 =	vpack.i.f32.bf16 v57, v57  }
0x134: {  	v60 =	vbroadcast v13, $0xC;
	v49 =	vsub.bf16 v4, v35;
	v57 =	vsub.bf16 v7, v35  }
0x135: {  	v62 =	vmax.bf16 v29, v33;
	v29 =	vmin.bf16 v29, v33;
	v51 =	vmax.bf16 v30, v36  }
0x136: {  	v30 =	vmin.bf16 v30, v36;
	v37 =	vadd.bf16 v52, v37;
	v31 =	vadd.bf16 v31, v59  }
0x137: {  	v33 =	vpack.i.f32.bf16 v60, v60;
	v46 =	vmax.bf16 v23, v62;
	v23 =	vmin.bf16 v23, v62  }
0x138: {  	v53 =	vmax.bf16 v32, v51;
	v32 =	vmin.bf16 v32, v51;
	v62 =	vsub.bf16 v1, v35  }
0x139: {  	v52 =	vmul.bf16 v49, v49;
	v60 =	vmul.bf16 v57, v57;
	v35 =	vsub.bf16 v10, v35  }
0x13a: {  	v50 =	vmax.bf16 v22, v46;
	v22 =	vmin.bf16 v22, v46;
	v54 =	vmax.bf16 v27, v53  }
0x13b: {  	v27 =	vmin.bf16 v27, v53;
	v55 =	vmax.bf16 v28, v37;
	v28 =	vmin.bf16 v28, v37  }
0x13c: {  	v37 =	vpack.i.f32.bf16 v58, v58;
	v46 =	vsub.bf16 v3, v33;
	v47 =	vmax.bf16 v26, v31  }
0x13d: {  	v26 =	vmin.bf16 v26, v31;
	v0 =	vmin.bf16 v0, v50;
	v24 =	vmin.bf16 v24, v54  }
0x13e: {  	v56 =	vmax.bf16 v21, v55;
	v21 =	vmin.bf16 v21, v55;
	v63 =	vsub.bf16 v2, v37  }
0x13f: {  	v43 =	vmul.bf16 v62, v62;
	v31 =	vmax.bf16 v18, v47;
	v50 =	vsub.bf16 v5, v37  }
0x140: {  	v18 =	vmin.bf16 v18, v47;
	v54 =	vsub.bf16 v6, v33;
	v58 =	vsub.bf16 v8, v37  }
0x141: {  	v62 =	vsub.bf16 v9, v33;
	v37 =	vsub.bf16 v11, v37;
	v44 =	vmul.bf16 v63, v63  }
0x142: {  	v42 =	vmul.bf16 v35, v35;
	v33 =	vsub.bf16 v12, v33;
	v61 =	vmax.bf16 v20, v56  }
0x143: {  	v20 =	vmin.bf16 v20, v56;
	v48 =	vmul.bf16 v46, v46;
	v34 =	vadd.bf16 v44, v43  }
0x144: {  	v51 =	vmax.bf16 v17, v31;
	v17 =	vmin.bf16 v17, v31;
	v46 =	vbroadcast v15, $0xD  }
0x145: {  	v19 =	vmin.bf16 v19, v61;
	v53 =	vmul.bf16 v50, v50;
	v31 =	vadd.bf16 v48, v34  }
0x146: {  	v16 =	vmin.bf16 v16, v51;
	v56 =	vmul.bf16 v54, v54;
	v61 =	vmul.bf16 v58, v58  }
0x147: {  	v40 =	vmul.bf16 v62, v62;
	v34 =	vadd.bf16 v53, v52;
	v55 =	vmax.bf16 v29, v31  }
0x148: {  	v33 =	vmul.bf16 v33, v33;
	v29 =	vmin.bf16 v29, v31;
	v31 =	vmax.bf16 v23, v55  }
0x149: {  	v59 =	vmax.bf16 v22, v31;
	v22 =	vmin.bf16 v22, v31;
	v31 =	vadd.bf16 v56, v34  }
0x14a: {  	v35 =	vpack.i.f32.bf16 v46, v46;
	v43 =	vmul.bf16 v37, v37;
	v44 =	vbroadcast v14, $0xD  }
0x14b: {  	v50 =	vsub.bf16 v2, v35;
	v34 =	vadd.bf16 v61, v60;
	v63 =	vmax.bf16 v30, v31  }
0x14c: {  	v57 =	vsub.bf16 v5, v35;
	v30 =	vmin.bf16 v30, v31;
	v31 =	vmax.bf16 v32, v63  }
0x14d: {  	v41 =	vmax.bf16 v27, v31;
	v27 =	vmin.bf16 v27, v31;
	v31 =	vadd.bf16 v40, v34  }
0x14e: {  	v48 =	vbroadcast v13, $0xD;
	v53 =	vmul.bf16 v50, v50;
	v23 =	vmin.bf16 v23, v55  }
0x14f: {  	v60 =	vmul.bf16 v57, v57;
	v0 =	vmin.bf16 v0, v59;
	v36 =	vmax.bf16 v28, v31  }
0x150: {  	v34 =	vadd.bf16 v43, v42;
	v28 =	vmin.bf16 v28, v31;
	v31 =	vmax.bf16 v21, v36  }
0x151: {  	v32 =	vmin.bf16 v32, v63;
	v24 =	vmin.bf16 v24, v41;
	v47 =	vmax.bf16 v20, v31  }
0x152: {  	v20 =	vmin.bf16 v20, v31;
	v31 =	vadd.bf16 v33, v34;
	v34 =	vpack.i.f32.bf16 v44, v44  }
0x153: {  	v21 =	vmin.bf16 v21, v36;
	v49 =	vsub.bf16 v1, v34;
	v56 =	vsub.bf16 v4, v34  }
0x154: {  	v19 =	vmin.bf16 v19, v47;
	v47 =	vsub.bf16 v7, v34;
	v34 =	vsub.bf16 v10, v34  }
0x155: {  	v51 =	vmax.bf16 v26, v31;
	v26 =	vmin.bf16 v26, v31;
	v31 =	vpack.i.f32.bf16 v48, v48  }
0x156: {  	v48 =	vsub.bf16 v8, v35;
	v35 =	vsub.bf16 v11, v35;
	v52 =	vmul.bf16 v49, v49  }
0x157: {  	v54 =	vsub.bf16 v3, v31;
	v55 =	vmax.bf16 v18, v51;
	v18 =	vmin.bf16 v18, v51  }
0x158: {  	v59 =	vmul.bf16 v56, v56;
	v61 =	vsub.bf16 v6, v31;
	v50 =	vmul.bf16 v47, v47  }
0x159: {  	v34 =	vmul.bf16 v34, v34;
	v62 =	vmax.bf16 v17, v55;
	v17 =	vmin.bf16 v17, v55  }
0x15a: {  	v51 =	vmul.bf16 v48, v48;
	v35 =	vmul.bf16 v35, v35;
	v33 =	vadd.bf16 v53, v52  }
0x15b: {  	v58 =	vmul.bf16 v54, v54;
	v16 =	vmin.bf16 v16, v62;
	v63 =	vadd.bf16 v60, v59  }
0x15c: {  	v44 =	vmul.bf16 v61, v61;
	v52 =	vsub.bf16 v9, v31;
	v60 =	vbroadcast v14, $0xE  }
0x15d: {  	v31 =	vsub.bf16 v12, v31;
	v61 =	vbroadcast v15, $0xE;
	v14 =	vbroadcast v14, $0xF  }
0x15e: {  	v15 =	vbroadcast v15, $0xF;
	v37 =	vadd.bf16 v51, v50;
	v62 =	vadd.bf16 v35, v34  }
0x15f: {  	v33 =	vadd.bf16 v58, v33;
	v36 =	vadd.bf16 v44, v63;
	v55 =	vmul.bf16 v52, v52  }
0x160: {  	v31 =	vmul.bf16 v31, v31;
	v63 =	vbroadcast v13, $0xE;
	v35 =	vpack.i.f32.bf16 v60, v60  }
0x161: {  	v13 =	vbroadcast v13, $0xF;
	v15 =	vpack.i.f32.bf16 v15, v15;
	v46 =	vmax.bf16 v29, v33  }
0x162: {  	v29 =	vmin.bf16 v29, v33;
	v54 =	vmax.bf16 v30, v36;
	v30 =	vmin.bf16 v30, v36  }
0x163: {  	v37 =	vadd.bf16 v55, v37;
	v31 =	vadd.bf16 v31, v62;
	v33 =	vpack.i.f32.bf16 v63, v63  }
0x164: {  	v49 =	vmax.bf16 v23, v46;
	v23 =	vmin.bf16 v23, v46;
	v56 =	vmax.bf16 v32, v54  }
0x165: {  	v32 =	vmin.bf16 v32, v54;
	v46 =	vsub.bf16 v1, v35;
	v50 =	vsub.bf16 v3, v33  }
0x166: {  	v53 =	vmax.bf16 v22, v49;
	v22 =	vmin.bf16 v22, v49;
	v57 =	vmax.bf16 v27, v56  }
0x167: {  	v27 =	vmin.bf16 v27, v56;
	v58 =	vmax.bf16 v28, v37;
	v28 =	vmin.bf16 v28, v37  }
0x168: {  	v37 =	vpack.i.f32.bf16 v61, v61;
	v51 =	vmax.bf16 v26, v31;
	v26 =	vmin.bf16 v26, v31  }
0x169: {  	v61 =	vsub.bf16 v7, v35;
	v0 =	vmin.bf16 v0, v53;
	v24 =	vmin.bf16 v24, v57  }
0x16a: {  	v59 =	vmax.bf16 v21, v58;
	v21 =	vmin.bf16 v21, v58;
	v47 =	vsub.bf16 v2, v37  }
0x16b: {  	v48 =	vmul.bf16 v46, v46;
	v53 =	vsub.bf16 v4, v35;
	v54 =	vsub.bf16 v5, v37  }
0x16c: {  	v31 =	vmax.bf16 v18, v51;
	v58 =	vsub.bf16 v6, v33;
	v62 =	vsub.bf16 v8, v37  }
0x16d: {  	v52 =	vmul.bf16 v50, v50;
	v46 =	vsub.bf16 v9, v33;
	v35 =	vsub.bf16 v10, v35  }
0x16e: {  	v18 =	vmin.bf16 v18, v51;
	v37 =	vsub.bf16 v11, v37;
	v33 =	vsub.bf16 v12, v33  }
0x16f: {  	v44 =	vmax.bf16 v20, v59;
	v20 =	vmin.bf16 v20, v59;
	v55 =	vmax.bf16 v17, v31  }
0x170: {  	v17 =	vmin.bf16 v17, v31;
	v43 =	vmul.bf16 v61, v61;
	v49 =	vmul.bf16 v47, v47  }
0x171: {  	v19 =	vmin.bf16 v19, v44;
	v56 =	vmul.bf16 v53, v53;
	v57 =	vmul.bf16 v54, v54  }
0x172: {  	v60 =	vmul.bf16 v58, v58;
	v44 =	vmul.bf16 v62, v62;
	v34 =	vadd.bf16 v49, v48  }
0x173: {  	v16 =	vmin.bf16 v16, v55;
	v50 =	vmul.bf16 v35, v35;
	v51 =	vmul.bf16 v37, v37  }
0x174: {  	v53 =	vpack.i.f32.bf16 v14, v14;
	v54 =	vsub.bf16 v2, v15;
	v31 =	vadd.bf16 v52, v34  }
0x175: {  	v33 =	vmul.bf16 v33, v33;
	v14 =	vsub.bf16 v1, v53;
	v58 =	vsub.bf16 v4, v53  }
0x176: {  	v42 =	vsub.bf16 v7, v53;
	v34 =	vadd.bf16 v57, v56;
	v59 =	vmax.bf16 v29, v31  }
0x177: {  	v48 =	vmul.bf16 v46, v46;
	v29 =	vmin.bf16 v29, v31;
	v31 =	vmax.bf16 v23, v59  }
0x178: {  	v63 =	vmax.bf16 v22, v31;
	v22 =	vmin.bf16 v22, v31;
	v31 =	vadd.bf16 v60, v34  }
0x179: {  	v23 =	vmin.bf16 v23, v59;
	v59 =	vsub.bf16 v5, v15;
	v34 =	vadd.bf16 v44, v43  }
0x17a: {  	v60 =	vmul.bf16 v58, v58;
	v43 =	vsub.bf16 v8, v15;
	v47 =	vmax.bf16 v30, v31  }
0x17b: {  	v44 =	vmul.bf16 v42, v42;
	v30 =	vmin.bf16 v30, v31;
	v31 =	vmax.bf16 v32, v47  }
0x17c: {  	v49 =	vmax.bf16 v27, v31;
	v27 =	vmin.bf16 v27, v31;
	v31 =	vadd.bf16 v48, v34  }
0x17d: {  	v0 =	vmin.bf16 v0, v63;
	v61 =	vmul.bf16 v59, v59;
	v46 =	vmul.bf16 v43, v43  }
0x17e: {  	v32 =	vmin.bf16 v32, v47;
	v34 =	vadd.bf16 v51, v50;
	v36 =	vmax.bf16 v28, v31  }
0x17f: {  	v24 =	vmin.bf16 v24, v49;
	v28 =	vmin.bf16 v28, v31;
	v31 =	vmax.bf16 v21, v36  }
0x180: {  	v52 =	vmax.bf16 v20, v31;
	v20 =	vmin.bf16 v20, v31;
	v31 =	vadd.bf16 v33, v34  }
0x181: {  	v21 =	vmin.bf16 v21, v36;
	v34 =	vadd.bf16 v46, v44;
	v33 =	vsub.bf16 v10, v53  }
0x182: {  	v53 =	vsub.bf16 v11, v15;
	v55 =	vmax.bf16 v26, v31;
	v26 =	vmin.bf16 v26, v31  }
0x183: {  	v31 =	vpack.i.f32.bf16 v13, v13;
	v13 =	vmul.bf16 v14, v14;
	v14 =	vmul.bf16 v54, v54  }
0x184: {  	v15 =	vld [tilespmem:s13+$0x110];
	v19 =	vmin.bf16 v19, v52;
	v33 =	vmul.bf16 v33, v33;
	v54 =	vmul.bf16 v53, v53  }
0x185: {  	v56 =	vsub.bf16 v3, v31;
	v57 =	vmax.bf16 v18, v55;
	v62 =	vsub.bf16 v6, v31  }
0x186: {  	v18 =	vmin.bf16 v18, v55;
	v47 =	vsub.bf16 v9, v31;
	v31 =	vsub.bf16 v12, v31  }
0x187: {  	v13 =	vadd.bf16 v14, v13;
	v63 =	vmax.bf16 v17, v57;
	v17 =	vmin.bf16 v17, v57  }
0x188: {  	v33 =	vadd.bf16 v54, v33;
	v14 =	vmul.bf16 v56, v56;
	v50 =	vmul.bf16 v47, v47  }
0x189: {  	v16 =	vmin.bf16 v16, v63;
	v31 =	vmul.bf16 v31, v31;
	v58 =	vbroadcast v15, $0x0  }
0x18a: {  	v40 =	vmul.bf16 v62, v62;
	v13 =	vadd.bf16 v14, v13;
	v14 =	vadd.bf16 v61, v60  }
0x18b: {  	v34 =	vadd.bf16 v50, v34;
	v31 =	vadd.bf16 v31, v33;
	v33 =	vpack.i.f32.bf16 v58, v58  }
0x18c: {  	v42 =	vsub.bf16 v3, v33;
	v41 =	vmax.bf16 v29, v13;
	v29 =	vmin.bf16 v29, v13  }
0x18d: {  	v14 =	vadd.bf16 v40, v14;
	v36 =	vmax.bf16 v28, v34;
	v13 =	vmax.bf16 v23, v41  }
0x18e: {  	v28 =	vmin.bf16 v28, v34;
	v48 =	vmax.bf16 v22, v13;
	v22 =	vmin.bf16 v22, v13;
	v13 =	vld [tilespmem:s13+$0x10]  }
0x18f: {  	v43 =	vmax.bf16 v26, v31;
	v49 =	vmax.bf16 v30, v14;
	v30 =	vmin.bf16 v30, v14;
	v14 =	vld [tilespmem:s13+$0x90]  }
0x190: {  	v26 =	vmin.bf16 v26, v31;
	v23 =	vmin.bf16 v23, v41;
	v55 =	vmax.bf16 v21, v36  }
0x191: {  	v21 =	vmin.bf16 v21, v36;
	v31 =	vmax.bf16 v18, v43;
	v44 =	vmul.bf16 v42, v42  }
0x192: {  	v18 =	vmin.bf16 v18, v43;
	v59 =	vmax.bf16 v20, v55;
	v20 =	vmin.bf16 v20, v55  }
0x193: {  	v0 =	vmin.bf16 v0, v48;
	v51 =	vmax.bf16 v32, v49;
	v32 =	vmin.bf16 v32, v49  }
0x194: {  	v19 =	vmin.bf16 v19, v59;
	v56 =	vbroadcast v13, $0x0;
	v57 =	vbroadcast v14, $0x0  }
0x195: {  	v48 =	vmax.bf16 v17, v31;
	v17 =	vmin.bf16 v17, v31;
	v59 =	vsub.bf16 v9, v33  }
0x196: {  	v52 =	vmax.bf16 v27, v51;
	v36 =	vpack.i.f32.bf16 v56, v56;
	v37 =	vpack.i.f32.bf16 v57, v57  }
0x197: {  	v27 =	vmin.bf16 v27, v51;
	v60 =	vsub.bf16 v1, v36;
	v61 =	vsub.bf16 v2, v37  }
0x198: {  	v51 =	vsub.bf16 v6, v33;
	v16 =	vmin.bf16 v16, v48;
	v33 =	vsub.bf16 v12, v33  }
0x199: {  	v24 =	vmin.bf16 v24, v52;
	v62 =	vmul.bf16 v60, v60;
	v63 =	vmul.bf16 v61, v61  }
0x19a: {  	v53 =	vmul.bf16 v51, v51;
	v33 =	vmul.bf16 v33, v33;
	v46 =	vsub.bf16 v4, v36  }
0x19b: {  	v42 =	vbroadcast v13, $0x1;
	v47 =	vsub.bf16 v5, v37;
	v34 =	vadd.bf16 v63, v62  }
0x19c: {  	v43 =	vbroadcast v14, $0x1;
	v54 =	vsub.bf16 v7, v36;
	v55 =	vsub.bf16 v8, v37  }
0x19d: {  	v49 =	vmul.bf16 v46, v46;
	v50 =	vmul.bf16 v47, v47;
	v31 =	vadd.bf16 v44, v34  }
0x19e: {  	v35 =	vpack.i.f32.bf16 v43, v43;
	v36 =	vsub.bf16 v10, v36;
	v37 =	vsub.bf16 v11, v37  }
0x19f: {  	v57 =	vmul.bf16 v54, v54;
	v34 =	vadd.bf16 v50, v49;
	v52 =	vmax.bf16 v29, v31  }
0x1a0: {  	v58 =	vmul.bf16 v55, v55;
	v29 =	vmin.bf16 v29, v31;
	v31 =	vmax.bf16 v23, v52  }
0x1a1: {  	v56 =	vmax.bf16 v22, v31;
	v22 =	vmin.bf16 v22, v31;
	v31 =	vadd.bf16 v53, v34  }
0x1a2: {  	v48 =	vsub.bf16 v2, v35;
	v61 =	vmul.bf16 v59, v59;
	v40 =	vmul.bf16 v37, v37  }
0x1a3: {  	v46 =	vbroadcast v15, $0x1;
	v34 =	vadd.bf16 v58, v57;
	v60 =	vmax.bf16 v30, v31  }
0x1a4: {  	v55 =	vsub.bf16 v5, v35;
	v30 =	vmin.bf16 v30, v31;
	v31 =	vmax.bf16 v32, v60  }
0x1a5: {  	v62 =	vmax.bf16 v27, v31;
	v27 =	vmin.bf16 v27, v31;
	v31 =	vadd.bf16 v61, v34  }
0x1a6: {  	v51 =	vmul.bf16 v48, v48;
	v63 =	vmul.bf16 v36, v36;
	v23 =	vmin.bf16 v23, v52  }
0x1a7: {  	v58 =	vmul.bf16 v55, v55;
	v0 =	vmin.bf16 v0, v56;
	v41 =	vmax.bf16 v28, v31  }
0x1a8: {  	v34 =	vadd.bf16 v40, v63;
	v28 =	vmin.bf16 v28, v31;
	v31 =	vmax.bf16 v21, v41  }
0x1a9: {  	v32 =	vmin.bf16 v32, v60;
	v40 =	vbroadcast v14, $0x7;
	v44 =	vmax.bf16 v20, v31  }
0x1aa: {  	v20 =	vmin.bf16 v20, v31;
	v31 =	vadd.bf16 v33, v34;
	v34 =	vpack.i.f32.bf16 v42, v42  }
0x1ab: {  	v24 =	vmin.bf16 v24, v62;
	v21 =	vmin.bf16 v21, v41;
	v47 =	vsub.bf16 v1, v34  }
0x1ac: {  	v19 =	vmin.bf16 v19, v44;
	v54 =	vsub.bf16 v4, v34;
	v44 =	vsub.bf16 v7, v34  }
0x1ad: {  	v34 =	vsub.bf16 v10, v34;
	v49 =	vmax.bf16 v26, v31;
	v26 =	vmin.bf16 v26, v31  }
0x1ae: {  	v31 =	vpack.i.f32.bf16 v46, v46;
	v46 =	vsub.bf16 v8, v35;
	v35 =	vsub.bf16 v11, v35  }
0x1af: {  	v50 =	vmul.bf16 v47, v47;
	v52 =	vsub.bf16 v3, v31;
	v53 =	vmax.bf16 v18, v49  }
0x1b0: {  	v18 =	vmin.bf16 v18, v49;
	v57 =	vmul.bf16 v54, v54;
	v59 =	vsub.bf16 v6, v31  }
0x1b1: {  	v48 =	vmul.bf16 v44, v44;
	v34 =	vmul.bf16 v34, v34;
	v60 =	vmax.bf16 v17, v53  }
0x1b2: {  	v17 =	vmin.bf16 v17, v53;
	v49 =	vmul.bf16 v46, v46;
	v35 =	vmul.bf16 v35, v35  }
0x1b3: {  	v33 =	vadd.bf16 v51, v50;
	v56 =	vmul.bf16 v52, v52;
	v16 =	vmin.bf16 v16, v60  }
0x1b4: {  	v61 =	vadd.bf16 v58, v57;
	v62 =	vmul.bf16 v59, v59;
	v50 =	vsub.bf16 v9, v31  }
0x1b5: {  	v31 =	vsub.bf16 v12, v31;
	v58 =	vbroadcast v13, $0x2;
	v37 =	vadd.bf16 v49, v48  }
0x1b6: {  	v59 =	vbroadcast v14, $0x2;
	v60 =	vadd.bf16 v35, v34;
	v33 =	vadd.bf16 v56, v33  }
0x1b7: {  	v36 =	vadd.bf16 v62, v61;
	v53 =	vmul.bf16 v50, v50;
	v31 =	vmul.bf16 v31, v31  }
0x1b8: {  	v61 =	vbroadcast v15, $0x2;
	v35 =	vpack.i.f32.bf16 v58, v58;
	v63 =	vmax.bf16 v29, v33  }
0x1b9: {  	v29 =	vmin.bf16 v29, v33;
	v52 =	vmax.bf16 v30, v36;
	v30 =	vmin.bf16 v30, v36  }
0x1ba: {  	v37 =	vadd.bf16 v53, v37;
	v31 =	vadd.bf16 v31, v60;
	v33 =	vpack.i.f32.bf16 v61, v61  }
0x1bb: {  	v47 =	vmax.bf16 v23, v63;
	v23 =	vmin.bf16 v23, v63;
	v54 =	vmax.bf16 v32, v52  }
0x1bc: {  	v32 =	vmin.bf16 v32, v52;
	v63 =	vsub.bf16 v1, v35;
	v48 =	vsub.bf16 v3, v33  }
0x1bd: {  	v42 =	vsub.bf16 v9, v33;
	v51 =	vmax.bf16 v22, v47;
	v22 =	vmin.bf16 v22, v47  }
0x1be: {  	v55 =	vmax.bf16 v27, v54;
	v27 =	vmin.bf16 v27, v54;
	v56 =	vmax.bf16 v28, v37  }
0x1bf: {  	v28 =	vmin.bf16 v28, v37;
	v37 =	vpack.i.f32.bf16 v59, v59;
	v49 =	vmax.bf16 v26, v31  }
0x1c0: {  	v26 =	vmin.bf16 v26, v31;
	v59 =	vsub.bf16 v7, v35;
	v0 =	vmin.bf16 v0, v51  }
0x1c1: {  	v24 =	vmin.bf16 v24, v55;
	v57 =	vmax.bf16 v21, v56;
	v21 =	vmin.bf16 v21, v56  }
0x1c2: {  	v44 =	vsub.bf16 v2, v37;
	v46 =	vmul.bf16 v63, v63;
	v51 =	vsub.bf16 v4, v35  }
0x1c3: {  	v31 =	vmax.bf16 v18, v49;
	v52 =	vsub.bf16 v5, v37;
	v56 =	vsub.bf16 v6, v33  }
0x1c4: {  	v50 =	vmul.bf16 v48, v48;
	v60 =	vsub.bf16 v8, v37;
	v35 =	vsub.bf16 v10, v35  }
0x1c5: {  	v18 =	vmin.bf16 v18, v49;
	v37 =	vsub.bf16 v11, v37;
	v33 =	vsub.bf16 v12, v33  }
0x1c6: {  	v49 =	vbroadcast v13, $0x3;
	v62 =	vmax.bf16 v20, v57;
	v47 =	vmul.bf16 v44, v44  }
0x1c7: {  	v20 =	vmin.bf16 v20, v57;
	v53 =	vmax.bf16 v17, v31;
	v17 =	vmin.bf16 v17, v31  }
0x1c8: {  	v54 =	vmul.bf16 v51, v51;
	v55 =	vmul.bf16 v52, v52;
	v34 =	vadd.bf16 v47, v46  }
0x1c9: {  	v19 =	vmin.bf16 v19, v62;
	v58 =	vmul.bf16 v56, v56;
	v62 =	vmul.bf16 v59, v59  }
0x1ca: {  	v63 =	vmul.bf16 v60, v60;
	v44 =	vmul.bf16 v42, v42;
	v31 =	vadd.bf16 v50, v34  }
0x1cb: {  	v16 =	vmin.bf16 v16, v53;
	v48 =	vmul.bf16 v37, v37;
	v33 =	vmul.bf16 v33, v33  }
0x1cc: {  	v52 =	vbroadcast v15, $0x3;
	v34 =	vadd.bf16 v55, v54;
	v57 =	vmax.bf16 v29, v31  }
0x1cd: {  	v50 =	vbroadcast v14, $0x3;
	v29 =	vmin.bf16 v29, v31;
	v31 =	vmax.bf16 v23, v57  }
0x1ce: {  	v61 =	vmax.bf16 v22, v31;
	v22 =	vmin.bf16 v22, v31;
	v31 =	vadd.bf16 v58, v34  }
0x1cf: {  	v42 =	vbroadcast v15, $0x7;
	v47 =	vmul.bf16 v35, v35;
	v35 =	vpack.i.f32.bf16 v50, v50  }
0x1d0: {  	v23 =	vmin.bf16 v23, v57;
	v34 =	vadd.bf16 v63, v62;
	v43 =	vmax.bf16 v30, v31  }
0x1d1: {  	v54 =	vsub.bf16 v2, v35;
	v30 =	vmin.bf16 v30, v31;
	v31 =	vmax.bf16 v32, v43  }
0x1d2: {  	v46 =	vmax.bf16 v27, v31;
	v27 =	vmin.bf16 v27, v31;
	v31 =	vadd.bf16 v44, v34  }
0x1d3: {  	v0 =	vmin.bf16 v0, v61;
	v57 =	vmul.bf16 v54, v54;
	v61 =	vsub.bf16 v5, v35  }
0x1d4: {  	v32 =	vmin.bf16 v32, v43;
	v43 =	vbroadcast v13, $0x4;
	v36 =	vmax.bf16 v28, v31  }
0x1d5: {  	v34 =	vadd.bf16 v48, v47;
	v28 =	vmin.bf16 v28, v31;
	v31 =	vmax.bf16 v21, v36  }
0x1d6: {  	v44 =	vmul.bf16 v61, v61;
	v24 =	vmin.bf16 v24, v46;
	v51 =	vmax.bf16 v20, v31  }
0x1d7: {  	v20 =	vmin.bf16 v20, v31;
	v31 =	vadd.bf16 v33, v34;
	v34 =	vpack.i.f32.bf16 v49, v49  }
0x1d8: {  	v21 =	vmin.bf16 v21, v36;
	v53 =	vsub.bf16 v1, v34;
	v60 =	vsub.bf16 v4, v34  }
0x1d9: {  	v19 =	vmin.bf16 v19, v51;
	v51 =	vsub.bf16 v7, v34;
	v34 =	vsub.bf16 v10, v34  }
0x1da: {  	v55 =	vmax.bf16 v26, v31;
	v26 =	vmin.bf16 v26, v31;
	v31 =	vpack.i.f32.bf16 v52, v52  }
0x1db: {  	v52 =	vsub.bf16 v8, v35;
	v35 =	vsub.bf16 v11, v35;
	v56 =	vmul.bf16 v53, v53  }
0x1dc: {  	v58 =	vsub.bf16 v3, v31;
	v59 =	vmax.bf16 v18, v55;
	v18 =	vmin.bf16 v18, v55  }
0x1dd: {  	v63 =	vmul.bf16 v60, v60;
	v46 =	vsub.bf16 v6, v31;
	v54 =	vmul.bf16 v51, v51  }
0x1de: {  	v34 =	vmul.bf16 v34, v34;
	v47 =	vmax.bf16 v17, v59;
	v17 =	vmin.bf16 v17, v59  }
0x1df: {  	v55 =	vmul.bf16 v52, v52;
	v35 =	vmul.bf16 v35, v35;
	v33 =	vadd.bf16 v57, v56  }
0x1e0: {  	v62 =	vmul.bf16 v58, v58;
	v16 =	vmin.bf16 v16, v47;
	v48 =	vadd.bf16 v44, v63  }
0x1e1: {  	v49 =	vmul.bf16 v46, v46;
	v56 =	vsub.bf16 v9, v31;
	v31 =	vsub.bf16 v12, v31  }
0x1e2: {  	v44 =	vbroadcast v14, $0x4;
	v47 =	vbroadcast v15, $0x4;
	v37 =	vadd.bf16 v55, v54  }
0x1e3: {  	v46 =	vadd.bf16 v35, v34;
	v35 =	vpack.i.f32.bf16 v43, v43;
	v33 =	vadd.bf16 v62, v33  }
0x1e4: {  	v36 =	vadd.bf16 v49, v48;
	v59 =	vmul.bf16 v56, v56;
	v31 =	vmul.bf16 v31, v31  }
0x1e5: {  	v49 =	vsub.bf16 v1, v35;
	v56 =	vsub.bf16 v4, v35;
	v50 =	vmax.bf16 v29, v33  }
0x1e6: {  	v29 =	vmin.bf16 v29, v33;
	v58 =	vmax.bf16 v30, v36;
	v30 =	vmin.bf16 v30, v36  }
0x1e7: {  	v37 =	vadd.bf16 v59, v37;
	v31 =	vadd.bf16 v31, v46;
	v51 =	vmul.bf16 v49, v49  }
0x1e8: {  	v33 =	vpack.i.f32.bf16 v47, v47;
	v59 =	vmul.bf16 v56, v56;
	v56 =	vbroadcast v13, $0x5  }
0x1e9: {  	v53 =	vmax.bf16 v23, v50;
	v23 =	vmin.bf16 v23, v50;
	v60 =	vmax.bf16 v32, v58  }
0x1ea: {  	v32 =	vmin.bf16 v32, v58;
	v57 =	vmax.bf16 v22, v53;
	v22 =	vmin.bf16 v22, v53  }
0x1eb: {  	v61 =	vmax.bf16 v27, v60;
	v27 =	vmin.bf16 v27, v60;
	v62 =	vmax.bf16 v28, v37  }
0x1ec: {  	v28 =	vmin.bf16 v28, v37;
	v37 =	vpack.i.f32.bf16 v44, v44;
	v53 =	vsub.bf16 v3, v33  }
0x1ed: {  	v54 =	vmax.bf16 v26, v31;
	v26 =	vmin.bf16 v26, v31;
	v44 =	vsub.bf16 v7, v35  }
0x1ee: {  	v35 =	vsub.bf16 v10, v35;
	v0 =	vmin.bf16 v0, v57;
	v24 =	vmin.bf16 v24, v61  }
0x1ef: {  	v63 =	vmax.bf16 v21, v62;
	v21 =	vmin.bf16 v21, v62;
	v50 =	vsub.bf16 v2, v37  }
0x1f0: {  	v31 =	vmax.bf16 v18, v54;
	v57 =	vsub.bf16 v5, v37;
	v61 =	vsub.bf16 v6, v33  }
0x1f1: {  	v18 =	vmin.bf16 v18, v54;
	v46 =	vsub.bf16 v8, v37;
	v37 =	vsub.bf16 v11, v37  }
0x1f2: {  	v48 =	vmax.bf16 v20, v63;
	v20 =	vmin.bf16 v20, v63;
	v52 =	vmul.bf16 v50, v50  }
0x1f3: {  	v55 =	vmul.bf16 v53, v53;
	v58 =	vmax.bf16 v17, v31;
	v17 =	vmin.bf16 v17, v31  }
0x1f4: {  	v54 =	vmul.bf16 v35, v35;
	v19 =	vmin.bf16 v19, v48;
	v34 =	vadd.bf16 v52, v51  }
0x1f5: {  	v60 =	vmul.bf16 v57, v57;
	v16 =	vmin.bf16 v16, v58;
	v63 =	vmul.bf16 v61, v61  }
0x1f6: {  	v48 =	vmul.bf16 v44, v44;
	v50 =	vsub.bf16 v9, v33;
	v31 =	vadd.bf16 v55, v34  }
0x1f7: {  	v49 =	vmul.bf16 v46, v46;
	v33 =	vsub.bf16 v12, v33;
	v57 =	vbroadcast v14, $0x5  }
0x1f8: {  	v52 =	vmul.bf16 v50, v50;
	v34 =	vadd.bf16 v60, v59;
	v62 =	vmax.bf16 v29, v31  }
0x1f9: {  	v35 =	vpack.i.f32.bf16 v57, v57;
	v29 =	vmin.bf16 v29, v31;
	v31 =	vmax.bf16 v23, v62  }
0x1fa: {  	v47 =	vmax.bf16 v22, v31;
	v22 =	vmin.bf16 v22, v31;
	v31 =	vadd.bf16 v63, v34  }
0x1fb: {  	v33 =	vmul.bf16 v33, v33;
	v61 =	vsub.bf16 v2, v35;
	v55 =	vmul.bf16 v37, v37  }
0x1fc: {  	v59 =	vbroadcast v15, $0x5;
	v34 =	vadd.bf16 v49, v48;
	v51 =	vmax.bf16 v30, v31  }
0x1fd: {  	v44 =	vmul.bf16 v61, v61;
	v30 =	vmin.bf16 v30, v31;
	v31 =	vmax.bf16 v32, v51  }
0x1fe: {  	v53 =	vmax.bf16 v27, v31;
	v27 =	vmin.bf16 v27, v31;
	v31 =	vadd.bf16 v52, v34  }
0x1ff: {  	v23 =	vmin.bf16 v23, v62;
	v49 =	vsub.bf16 v5, v35;
	v0 =	vmin.bf16 v0, v47  }
0x200: {  	v32 =	vmin.bf16 v32, v51;
	v34 =	vadd.bf16 v55, v54;
	v36 =	vmax.bf16 v28, v31  }
0x201: {  	v52 =	vmul.bf16 v49, v49;
	v28 =	vmin.bf16 v28, v31;
	v31 =	vmax.bf16 v21, v36  }
0x202: {  	v24 =	vmin.bf16 v24, v53;
	v21 =	vmin.bf16 v21, v36;
	v58 =	vmax.bf16 v20, v31  }
0x203: {  	v20 =	vmin.bf16 v20, v31;
	v31 =	vadd.bf16 v33, v34;
	v34 =	vpack.i.f32.bf16 v56, v56  }
0x204: {  	v19 =	vmin.bf16 v19, v58;
	v60 =	vsub.bf16 v1, v34;
	v48 =	vsub.bf16 v4, v34  }
0x205: {  	v58 =	vsub.bf16 v7, v34;
	v34 =	vsub.bf16 v10, v34;
	v62 =	vmax.bf16 v26, v31  }
0x206: {  	v26 =	vmin.bf16 v26, v31;
	v31 =	vpack.i.f32.bf16 v59, v59;
	v59 =	vsub.bf16 v8, v35  }
0x207: {  	v35 =	vsub.bf16 v11, v35;
	v63 =	vmul.bf16 v60, v60;
	v46 =	vsub.bf16 v3, v31  }
0x208: {  	v47 =	vmax.bf16 v18, v62;
	v18 =	vmin.bf16 v18, v62;
	v51 =	vmul.bf16 v48, v48  }
0x209: {  	v53 =	vsub.bf16 v6, v31;
	v61 =	vmul.bf16 v58, v58;
	v34 =	vmul.bf16 v34, v34  }
0x20a: {  	v54 =	vmax.bf16 v17, v47;
	v17 =	vmin.bf16 v17, v47;
	v62 =	vmul.bf16 v59, v59  }
0x20b: {  	v35 =	vmul.bf16 v35, v35;
	v33 =	vadd.bf16 v44, v63;
	v50 =	vmul.bf16 v46, v46  }
0x20c: {  	v16 =	vmin.bf16 v16, v54;
	v55 =	vadd.bf16 v52, v51;
	v56 =	vmul.bf16 v53, v53  }
0x20d: {  	v63 =	vsub.bf16 v9, v31;
	v31 =	vsub.bf16 v12, v31;
	v51 =	vbroadcast v13, $0x6  }
0x20e: {  	v52 =	vbroadcast v14, $0x6;
	v37 =	vadd.bf16 v62, v61;
	v53 =	vadd.bf16 v35, v34  }
0x20f: {  	v54 =	vbroadcast v15, $0x6;
	v33 =	vadd.bf16 v50, v33;
	v36 =	vadd.bf16 v56, v55  }
0x210: {  	v46 =	vmul.bf16 v63, v63;
	v31 =	vmul.bf16 v31, v31;
	v35 =	vpack.i.f32.bf16 v51, v51  }
0x211: {  	v56 =	vsub.bf16 v1, v35;
	v63 =	vsub.bf16 v4, v35;
	v57 =	vmax.bf16 v29, v33  }
0x212: {  	v29 =	vmin.bf16 v29, v33;
	v44 =	vmax.bf16 v30, v36;
	v30 =	vmin.bf16 v30, v36  }
0x213: {  	v37 =	vadd.bf16 v46, v37;
	v31 =	vadd.bf16 v31, v53;
	v33 =	vpack.i.f32.bf16 v54, v54  }
0x214: {  	v60 =	vmax.bf16 v23, v57;
	v23 =	vmin.bf16 v23, v57;
	v47 =	vmax.bf16 v32, v44  }
0x215: {  	v32 =	vmin.bf16 v32, v44;
	v58 =	vmul.bf16 v56, v56;
	v43 =	vmax.bf16 v22, v60  }
0x216: {  	v22 =	vmin.bf16 v22, v60;
	v48 =	vmax.bf16 v27, v47;
	v27 =	vmin.bf16 v27, v47  }
0x217: {  	v49 =	vmax.bf16 v28, v37;
	v28 =	vmin.bf16 v28, v37;
	v37 =	vpack.i.f32.bf16 v52, v52  }
0x218: {  	v60 =	vsub.bf16 v3, v33;
	v61 =	vmax.bf16 v26, v31;
	v26 =	vmin.bf16 v26, v31  }
0x219: {  	v47 =	vmul.bf16 v63, v63;
	v52 =	vsub.bf16 v7, v35;
	v35 =	vsub.bf16 v10, v35  }
0x21a: {  	v63 =	vbroadcast v13, $0x7;
	v0 =	vmin.bf16 v0, v43;
	v24 =	vmin.bf16 v24, v48  }
0x21b: {  	v50 =	vmax.bf16 v21, v49;
	v21 =	vmin.bf16 v21, v49;
	v57 =	vsub.bf16 v2, v37  }
0x21c: {  	v31 =	vmax.bf16 v18, v61;
	v44 =	vsub.bf16 v5, v37;
	v49 =	vsub.bf16 v6, v33  }
0x21d: {  	v18 =	vmin.bf16 v18, v61;
	v53 =	vsub.bf16 v8, v37;
	v37 =	vsub.bf16 v11, v37  }
0x21e: {  	v55 =	vmax.bf16 v20, v50;
	v20 =	vmin.bf16 v20, v50;
	v59 =	vmul.bf16 v57, v57  }
0x21f: {  	v62 =	vmul.bf16 v60, v60;
	v46 =	vmax.bf16 v17, v31;
	v17 =	vmin.bf16 v17, v31  }
0x220: {  	v61 =	vmul.bf16 v35, v35;
	v35 =	vpack.i.f32.bf16 v40, v40;
	v34 =	vadd.bf16 v59, v58  }
0x221: {  	v19 =	vmin.bf16 v19, v55;
	v48 =	vmul.bf16 v44, v44;
	v16 =	vmin.bf16 v16, v46  }
0x222: {  	v51 =	vmul.bf16 v49, v49;
	v55 =	vmul.bf16 v52, v52;
	v31 =	vadd.bf16 v62, v34  }
0x223: {  	v56 =	vmul.bf16 v53, v53;
	v57 =	vsub.bf16 v9, v33;
	v33 =	vsub.bf16 v12, v33  }
0x224: {  	v44 =	vsub.bf16 v2, v35;
	v34 =	vadd.bf16 v48, v47;
	v50 =	vmax.bf16 v29, v31  }
0x225: {  	v59 =	vmul.bf16 v57, v57;
	v29 =	vmin.bf16 v29, v31;
	v31 =	vmax.bf16 v23, v50  }
0x226: {  	v54 =	vmax.bf16 v22, v31;
	v22 =	vmin.bf16 v22, v31;
	v31 =	vadd.bf16 v51, v34  }
0x227: {  	v52 =	vsub.bf16 v5, v35;
	v33 =	vmul.bf16 v33, v33;
	v62 =	vmul.bf16 v37, v37  }
0x228: {  	v48 =	vmul.bf16 v44, v44;
	v34 =	vadd.bf16 v56, v55;
	v58 =	vmax.bf16 v30, v31  }
0x229: {  	v23 =	vmin.bf16 v23, v50;
	v30 =	vmin.bf16 v30, v31;
	v31 =	vmax.bf16 v32, v58  }
0x22a: {  	v60 =	vmax.bf16 v27, v31;
	v27 =	vmin.bf16 v27, v31;
	v31 =	vadd.bf16 v59, v34  }
0x22b: {  	v55 =	vmul.bf16 v52, v52;
	v0 =	vmin.bf16 v0, v54;
	v34 =	vadd.bf16 v62, v61  }
0x22c: {  	v62 =	vsub.bf16 v8, v35;
	v35 =	vsub.bf16 v11, v35;
	v36 =	vmax.bf16 v28, v31  }
0x22d: {  	v32 =	vmin.bf16 v32, v58;
	v28 =	vmin.bf16 v28, v31;
	v31 =	vmax.bf16 v21, v36  }
0x22e: {  	v24 =	vmin.bf16 v24, v60;
	v35 =	vmul.bf16 v35, v35;
	v41 =	vmax.bf16 v20, v31  }
0x22f: {  	v20 =	vmin.bf16 v20, v31;
	v31 =	vadd.bf16 v33, v34;
	v34 =	vpack.i.f32.bf16 v63, v63  }
0x230: {  	v21 =	vmin.bf16 v21, v36;
	v43 =	vsub.bf16 v1, v34;
	v51 =	vsub.bf16 v4, v34  }
0x231: {  	v19 =	vmin.bf16 v19, v41;
	v61 =	vsub.bf16 v7, v34;
	v34 =	vsub.bf16 v10, v34  }
0x232: {  	v46 =	vmax.bf16 v26, v31;
	v26 =	vmin.bf16 v26, v31;
	v31 =	vpack.i.f32.bf16 v42, v42  }
0x233: {  	v41 =	vbroadcast v13, $0x9;
	v47 =	vmul.bf16 v43, v43;
	v49 =	vsub.bf16 v3, v31  }
0x234: {  	v50 =	vmax.bf16 v18, v46;
	v18 =	vmin.bf16 v18, v46;
	v54 =	vmul.bf16 v51, v51  }
0x235: {  	v56 =	vsub.bf16 v6, v31;
	v44 =	vmul.bf16 v61, v61;
	v46 =	vmul.bf16 v62, v62  }
0x236: {  	v34 =	vmul.bf16 v34, v34;
	v57 =	vmax.bf16 v17, v50;
	v17 =	vmin.bf16 v17, v50  }
0x237: {  	v33 =	vadd.bf16 v48, v47;
	v53 =	vmul.bf16 v49, v49;
	v16 =	vmin.bf16 v16, v57  }
0x238: {  	v58 =	vadd.bf16 v55, v54;
	v59 =	vmul.bf16 v56, v56;
	v47 =	vsub.bf16 v9, v31  }
0x239: {  	v37 =	vadd.bf16 v46, v44;
	v31 =	vsub.bf16 v12, v31;
	v55 =	vbroadcast v13, $0x8  }
0x23a: {  	v56 =	vbroadcast v14, $0x8;
	v57 =	vadd.bf16 v35, v34;
	v33 =	vadd.bf16 v53, v33  }
0x23b: {  	v36 =	vadd.bf16 v59, v58;
	v50 =	vmul.bf16 v47, v47;
	v35 =	vpack.i.f32.bf16 v55, v55  }
0x23c: {  	v31 =	vmul.bf16 v31, v31;
	v58 =	vbroadcast v15, $0x8;
	v46 =	vsub.bf16 v4, v35  }
0x23d: {  	v60 =	vmax.bf16 v29, v33;
	v29 =	vmin.bf16 v29, v33;
	v49 =	vmax.bf16 v30, v36  }
0x23e: {  	v30 =	vmin.bf16 v30, v36;
	v37 =	vadd.bf16 v50, v37;
	v31 =	vadd.bf16 v31, v57  }
0x23f: {  	v33 =	vpack.i.f32.bf16 v58, v58;
	v63 =	vmax.bf16 v23, v60;
	v23 =	vmin.bf16 v23, v60  }
0x240: {  	v51 =	vmax.bf16 v32, v49;
	v32 =	vmin.bf16 v32, v49;
	v60 =	vsub.bf16 v1, v35  }
0x241: {  	v42 =	vsub.bf16 v3, v33;
	v49 =	vmul.bf16 v46, v46;
	v48 =	vmax.bf16 v22, v63  }
0x242: {  	v22 =	vmin.bf16 v22, v63;
	v52 =	vmax.bf16 v27, v51;
	v27 =	vmin.bf16 v27, v51  }
0x243: {  	v53 =	vmax.bf16 v28, v37;
	v28 =	vmin.bf16 v28, v37;
	v37 =	vpack.i.f32.bf16 v56, v56  }
0x244: {  	v43 =	vmax.bf16 v26, v31;
	v26 =	vmin.bf16 v26, v31;
	v51 =	vsub.bf16 v6, v33  }
0x245: {  	v0 =	vmin.bf16 v0, v48;
	v24 =	vmin.bf16 v24, v52;
	v54 =	vmax.bf16 v21, v53  }
0x246: {  	v21 =	vmin.bf16 v21, v53;
	v61 =	vsub.bf16 v2, v37;
	v62 =	vmul.bf16 v60, v60  }
0x247: {  	v31 =	vmax.bf16 v18, v43;
	v44 =	vmul.bf16 v42, v42;
	v47 =	vsub.bf16 v5, v37  }
0x248: {  	v18 =	vmin.bf16 v18, v43;
	v55 =	vsub.bf16 v8, v37;
	v37 =	vsub.bf16 v11, v37  }
0x249: {  	v42 =	vbroadcast v14, $0x9;
	v59 =	vmax.bf16 v20, v54;
	v63 =	vmul.bf16 v61, v61  }
0x24a: {  	v20 =	vmin.bf16 v20, v54;
	v48 =	vmax.bf16 v17, v31;
	v17 =	vmin.bf16 v17, v31  }
0x24b: {  	v53 =	vmul.bf16 v51, v51;
	v54 =	vsub.bf16 v7, v35;
	v34 =	vadd.bf16 v63, v62  }
0x24c: {  	v35 =	vsub.bf16 v10, v35;
	v19 =	vmin.bf16 v19, v59;
	v50 =	vmul.bf16 v47, v47  }
0x24d: {  	v16 =	vmin.bf16 v16, v48;
	v58 =	vmul.bf16 v55, v55;
	v31 =	vadd.bf16 v44, v34  }
0x24e: {  	v59 =	vsub.bf16 v9, v33;
	v40 =	vmul.bf16 v37, v37;
	v33 =	vsub.bf16 v12, v33  }
0x24f: {  	v57 =	vmul.bf16 v54, v54;
	v34 =	vadd.bf16 v50, v49;
	v52 =	vmax.bf16 v29, v31  }
0x250: {  	v61 =	vmul.bf16 v59, v59;
	v29 =	vmin.bf16 v29, v31;
	v31 =	vmax.bf16 v23, v52  }
0x251: {  	v56 =	vmax.bf16 v22, v31;
	v22 =	vmin.bf16 v22, v31;
	v31 =	vadd.bf16 v53, v34  }
0x252: {  	v63 =	vmul.bf16 v35, v35;
	v33 =	vmul.bf16 v33, v33;
	v35 =	vpack.i.f32.bf16 v42, v42  }
0x253: {  	v47 =	vsub.bf16 v2, v35;
	v34 =	vadd.bf16 v58, v57;
	v60 =	vmax.bf16 v30, v31  }
0x254: {  	v54 =	vsub.bf16 v5, v35;
	v30 =	vmin.bf16 v30, v31;
	v31 =	vmax.bf16 v32, v60  }
0x255: {  	v62 =	vmax.bf16 v27, v31;
	v27 =	vmin.bf16 v27, v31;
	v31 =	vadd.bf16 v61, v34  }
0x256: {  	v44 =	vbroadcast v15, $0x9;
	v50 =	vmul.bf16 v47, v47;
	v23 =	vmin.bf16 v23, v52  }
0x257: {  	v57 =	vmul.bf16 v54, v54;
	v0 =	vmin.bf16 v0, v56;
	v36 =	vmax.bf16 v28, v31  }
0x258: {  	v34 =	vadd.bf16 v40, v63;
	v28 =	vmin.bf16 v28, v31;
	v31 =	vmax.bf16 v21, v36  }
0x259: {  	v32 =	vmin.bf16 v32, v60;
	v24 =	vmin.bf16 v24, v62;
	v43 =	vmax.bf16 v20, v31  }
0x25a: {  	v20 =	vmin.bf16 v20, v31;
	v31 =	vadd.bf16 v33, v34;
	v34 =	vpack.i.f32.bf16 v41, v41  }
0x25b: {  	v21 =	vmin.bf16 v21, v36;
	v46 =	vsub.bf16 v1, v34;
	v53 =	vsub.bf16 v4, v34  }
0x25c: {  	v19 =	vmin.bf16 v19, v43;
	v63 =	vsub.bf16 v7, v34;
	v34 =	vsub.bf16 v10, v34  }
0x25d: {  	v48 =	vmax.bf16 v26, v31;
	v26 =	vmin.bf16 v26, v31;
	v31 =	vpack.i.f32.bf16 v44, v44  }
0x25e: {  	v44 =	vsub.bf16 v8, v35;
	v35 =	vsub.bf16 v11, v35;
	v49 =	vmul.bf16 v46, v46  }
0x25f: {  	v51 =	vsub.bf16 v3, v31;
	v52 =	vmax.bf16 v18, v48;
	v18 =	vmin.bf16 v18, v48  }
0x260: {  	v56 =	vmul.bf16 v53, v53;
	v58 =	vsub.bf16 v6, v31;
	v47 =	vmul.bf16 v63, v63  }
0x261: {  	v34 =	vmul.bf16 v34, v34;
	v59 =	vmax.bf16 v17, v52;
	v17 =	vmin.bf16 v17, v52  }
0x262: {  	v48 =	vmul.bf16 v44, v44;
	v35 =	vmul.bf16 v35, v35;
	v33 =	vadd.bf16 v50, v49  }
0x263: {  	v55 =	vmul.bf16 v51, v51;
	v16 =	vmin.bf16 v16, v59;
	v60 =	vadd.bf16 v57, v56  }
0x264: {  	v61 =	vmul.bf16 v58, v58;
	v49 =	vsub.bf16 v9, v31;
	v31 =	vsub.bf16 v12, v31  }
0x265: {  	v57 =	vbroadcast v13, $0xA;
	v37 =	vadd.bf16 v48, v47;
	v59 =	vadd.bf16 v35, v34  }
0x266: {  	v58 =	vbroadcast v14, $0xA;
	v33 =	vadd.bf16 v55, v33;
	v36 =	vadd.bf16 v61, v60  }
0x267: {  	v52 =	vmul.bf16 v49, v49;
	v31 =	vmul.bf16 v31, v31;
	v35 =	vpack.i.f32.bf16 v57, v57  }
0x268: {  	v60 =	vbroadcast v15, $0xA;
	v49 =	vsub.bf16 v4, v35;
	v57 =	vsub.bf16 v7, v35  }
0x269: {  	v62 =	vmax.bf16 v29, v33;
	v29 =	vmin.bf16 v29, v33;
	v51 =	vmax.bf16 v30, v36  }
0x26a: {  	v30 =	vmin.bf16 v30, v36;
	v37 =	vadd.bf16 v52, v37;
	v31 =	vadd.bf16 v31, v59  }
0x26b: {  	v33 =	vpack.i.f32.bf16 v60, v60;
	v46 =	vmax.bf16 v23, v62;
	v23 =	vmin.bf16 v23, v62  }
0x26c: {  	v53 =	vmax.bf16 v32, v51;
	v32 =	vmin.bf16 v32, v51;
	v62 =	vsub.bf16 v1, v35  }
0x26d: {  	v52 =	vmul.bf16 v49, v49;
	v60 =	vmul.bf16 v57, v57;
	v35 =	vsub.bf16 v10, v35  }
0x26e: {  	v50 =	vmax.bf16 v22, v46;
	v22 =	vmin.bf16 v22, v46;
	v54 =	vmax.bf16 v27, v53  }
0x26f: {  	v27 =	vmin.bf16 v27, v53;
	v55 =	vmax.bf16 v28, v37;
	v28 =	vmin.bf16 v28, v37  }
0x270: {  	v37 =	vpack.i.f32.bf16 v58, v58;
	v46 =	vsub.bf16 v3, v33;
	v47 =	vmax.bf16 v26, v31  }
0x271: {  	v26 =	vmin.bf16 v26, v31;
	v0 =	vmin.bf16 v0, v50;
	v24 =	vmin.bf16 v24, v54  }
0x272: {  	v56 =	vmax.bf16 v21, v55;
	v21 =	vmin.bf16 v21, v55;
	v63 =	vsub.bf16 v2, v37  }
0x273: {  	v43 =	vmul.bf16 v62, v62;
	v31 =	vmax.bf16 v18, v47;
	v50 =	vsub.bf16 v5, v37  }
0x274: {  	v18 =	vmin.bf16 v18, v47;
	v54 =	vsub.bf16 v6, v33;
	v58 =	vsub.bf16 v8, v37  }
0x275: {  	v62 =	vsub.bf16 v9, v33;
	v37 =	vsub.bf16 v11, v37;
	v44 =	vmul.bf16 v63, v63  }
0x276: {  	v42 =	vmul.bf16 v35, v35;
	v33 =	vsub.bf16 v12, v33;
	v61 =	vmax.bf16 v20, v56  }
0x277: {  	v20 =	vmin.bf16 v20, v56;
	v48 =	vmul.bf16 v46, v46;
	v34 =	vadd.bf16 v44, v43  }
0x278: {  	v51 =	vmax.bf16 v17, v31;
	v17 =	vmin.bf16 v17, v31;
	v46 =	vbroadcast v14, $0xB  }
0x279: {  	v19 =	vmin.bf16 v19, v61;
	v53 =	vmul.bf16 v50, v50;
	v31 =	vadd.bf16 v48, v34  }
0x27a: {  	v16 =	vmin.bf16 v16, v51;
	v56 =	vmul.bf16 v54, v54;
	v61 =	vmul.bf16 v58, v58  }
0x27b: {  	v40 =	vmul.bf16 v62, v62;
	v34 =	vadd.bf16 v53, v52;
	v55 =	vmax.bf16 v29, v31  }
0x27c: {  	v33 =	vmul.bf16 v33, v33;
	v29 =	vmin.bf16 v29, v31;
	v31 =	vmax.bf16 v23, v55  }
0x27d: {  	v59 =	vmax.bf16 v22, v31;
	v22 =	vmin.bf16 v22, v31;
	v31 =	vadd.bf16 v56, v34  }
0x27e: {  	v35 =	vpack.i.f32.bf16 v46, v46;
	v43 =	vmul.bf16 v37, v37;
	v44 =	vbroadcast v13, $0xB  }
0x27f: {  	v50 =	vsub.bf16 v2, v35;
	v34 =	vadd.bf16 v61, v60;
	v63 =	vmax.bf16 v30, v31  }
0x280: {  	v57 =	vsub.bf16 v5, v35;
	v30 =	vmin.bf16 v30, v31;
	v31 =	vmax.bf16 v32, v63  }
0x281: {  	v41 =	vmax.bf16 v27, v31;
	v27 =	vmin.bf16 v27, v31;
	v31 =	vadd.bf16 v40, v34  }
0x282: {  	v48 =	vbroadcast v15, $0xB;
	v53 =	vmul.bf16 v50, v50;
	v23 =	vmin.bf16 v23, v55  }
0x283: {  	v60 =	vmul.bf16 v57, v57;
	v0 =	vmin.bf16 v0, v59;
	v36 =	vmax.bf16 v28, v31  }
0x284: {  	v34 =	vadd.bf16 v43, v42;
	v28 =	vmin.bf16 v28, v31;
	v31 =	vmax.bf16 v21, v36  }
0x285: {  	v32 =	vmin.bf16 v32, v63;
	v24 =	vmin.bf16 v24, v41;
	v47 =	vmax.bf16 v20, v31  }
0x286: {  	v20 =	vmin.bf16 v20, v31;
	v31 =	vadd.bf16 v33, v34;
	v34 =	vpack.i.f32.bf16 v44, v44  }
0x287: {  	v21 =	vmin.bf16 v21, v36;
	v49 =	vsub.bf16 v1, v34;
	v56 =	vsub.bf16 v4, v34  }
0x288: {  	v19 =	vmin.bf16 v19, v47;
	v47 =	vsub.bf16 v7, v34;
	v34 =	vsub.bf16 v10, v34  }
0x289: {  	v51 =	vmax.bf16 v26, v31;
	v26 =	vmin.bf16 v26, v31;
	v31 =	vpack.i.f32.bf16 v48, v48  }
0x28a: {  	v48 =	vsub.bf16 v8, v35;
	v35 =	vsub.bf16 v11, v35;
	v52 =	vmul.bf16 v49, v49  }
0x28b: {  	v54 =	vsub.bf16 v3, v31;
	v55 =	vmax.bf16 v18, v51;
	v18 =	vmin.bf16 v18, v51  }
0x28c: {  	v59 =	vmul.bf16 v56, v56;
	v61 =	vsub.bf16 v6, v31;
	v50 =	vmul.bf16 v47, v47  }
0x28d: {  	v34 =	vmul.bf16 v34, v34;
	v62 =	vmax.bf16 v17, v55;
	v17 =	vmin.bf16 v17, v55  }
0x28e: {  	v51 =	vmul.bf16 v48, v48;
	v35 =	vmul.bf16 v35, v35;
	v33 =	vadd.bf16 v53, v52  }
0x28f: {  	v58 =	vmul.bf16 v54, v54;
	v16 =	vmin.bf16 v16, v62;
	v63 =	vadd.bf16 v60, v59  }
0x290: {  	v44 =	vmul.bf16 v61, v61;
	v52 =	vsub.bf16 v9, v31;
	v31 =	vsub.bf16 v12, v31  }
0x291: {  	v60 =	vbroadcast v13, $0xC;
	v61 =	vbroadcast v14, $0xC;
	v37 =	vadd.bf16 v51, v50  }
0x292: {  	v62 =	vadd.bf16 v35, v34;
	v33 =	vadd.bf16 v58, v33;
	v55 =	vmul.bf16 v52, v52  }
0x293: {  	v36 =	vadd.bf16 v44, v63;
	v31 =	vmul.bf16 v31, v31;
	v63 =	vbroadcast v15, $0xC  }
0x294: {  	v35 =	vpack.i.f32.bf16 v60, v60;
	v46 =	vmax.bf16 v29, v33;
	v29 =	vmin.bf16 v29, v33  }
0x295: {  	v54 =	vmax.bf16 v30, v36;
	v30 =	vmin.bf16 v30, v36;
	v37 =	vadd.bf16 v55, v37  }
0x296: {  	v31 =	vadd.bf16 v31, v62;
	v33 =	vpack.i.f32.bf16 v63, v63;
	v49 =	vmax.bf16 v23, v46  }
0x297: {  	v23 =	vmin.bf16 v23, v46;
	v56 =	vmax.bf16 v32, v54;
	v32 =	vmin.bf16 v32, v54  }
0x298: {  	v46 =	vsub.bf16 v1, v35;
	v50 =	vsub.bf16 v3, v33;
	v53 =	vmax.bf16 v22, v49  }
0x299: {  	v22 =	vmin.bf16 v22, v49;
	v57 =	vmax.bf16 v27, v56;
	v27 =	vmin.bf16 v27, v56  }
0x29a: {  	v58 =	vmax.bf16 v28, v37;
	v28 =	vmin.bf16 v28, v37;
	v37 =	vpack.i.f32.bf16 v61, v61  }
0x29b: {  	v51 =	vmax.bf16 v26, v31;
	v26 =	vmin.bf16 v26, v31;
	v61 =	vsub.bf16 v7, v35  }
0x29c: {  	v0 =	vmin.bf16 v0, v53;
	v24 =	vmin.bf16 v24, v57;
	v59 =	vmax.bf16 v21, v58  }
0x29d: {  	v21 =	vmin.bf16 v21, v58;
	v47 =	vsub.bf16 v2, v37;
	v48 =	vmul.bf16 v46, v46  }
0x29e: {  	v31 =	vmax.bf16 v18, v51;
	v53 =	vsub.bf16 v4, v35;
	v54 =	vsub.bf16 v5, v37  }
0x29f: {  	v52 =	vmul.bf16 v50, v50;
	v58 =	vsub.bf16 v6, v33;
	v62 =	vsub.bf16 v8, v37  }
0x2a0: {  	v18 =	vmin.bf16 v18, v51;
	v35 =	vsub.bf16 v10, v35;
	v37 =	vsub.bf16 v11, v37  }
0x2a1: {  	v44 =	vmax.bf16 v20, v59;
	v20 =	vmin.bf16 v20, v59;
	v55 =	vmax.bf16 v17, v31  }
0x2a2: {  	v17 =	vmin.bf16 v17, v31;
	v49 =	vmul.bf16 v47, v47;
	v56 =	vmul.bf16 v53, v53  }
0x2a3: {  	v19 =	vmin.bf16 v19, v44;
	v57 =	vmul.bf16 v54, v54;
	v60 =	vmul.bf16 v58, v58  }
0x2a4: {  	v44 =	vmul.bf16 v61, v61;
	v46 =	vmul.bf16 v62, v62;
	v34 =	vadd.bf16 v49, v48  }
0x2a5: {  	v47 =	vsub.bf16 v9, v33;
	v33 =	vsub.bf16 v12, v33;
	v54 =	vbroadcast v14, $0xD  }
0x2a6: {  	v51 =	vmul.bf16 v35, v35;
	v53 =	vbroadcast v13, $0xD;
	v31 =	vadd.bf16 v52, v34  }
0x2a7: {  	v49 =	vmul.bf16 v47, v47;
	v33 =	vmul.bf16 v33, v33;
	v35 =	vpack.i.f32.bf16 v54, v54  }
0x2a8: {  	v58 =	vsub.bf16 v2, v35;
	v34 =	vadd.bf16 v57, v56;
	v59 =	vmax.bf16 v29, v31  }
0x2a9: {  	v52 =	vmul.bf16 v37, v37;
	v29 =	vmin.bf16 v29, v31;
	v31 =	vmax.bf16 v23, v59  }
0x2aa: {  	v63 =	vmax.bf16 v22, v31;
	v22 =	vmin.bf16 v22, v31;
	v31 =	vadd.bf16 v60, v34  }
0x2ab: {  	v16 =	vmin.bf16 v16, v55;
	v56 =	vbroadcast v15, $0xD;
	v61 =	vmul.bf16 v58, v58  }
0x2ac: {  	v23 =	vmin.bf16 v23, v59;
	v34 =	vadd.bf16 v46, v44;
	v48 =	vmax.bf16 v30, v31  }
0x2ad: {  	v46 =	vsub.bf16 v5, v35;
	v30 =	vmin.bf16 v30, v31;
	v31 =	vmax.bf16 v32, v48  }
0x2ae: {  	v50 =	vmax.bf16 v27, v31;
	v27 =	vmin.bf16 v27, v31;
	v31 =	vadd.bf16 v49, v34  }
0x2af: {  	v0 =	vmin.bf16 v0, v63;
	v32 =	vmin.bf16 v32, v48;
	v49 =	vmul.bf16 v46, v46  }
0x2b0: {  	v46 =	vbroadcast v13, $0xE;
	v13 =	vbroadcast v13, $0xF;
	v36 =	vmax.bf16 v28, v31  }
0x2b1: {  	v34 =	vadd.bf16 v52, v51;
	v28 =	vmin.bf16 v28, v31;
	v31 =	vmax.bf16 v21, v36  }
0x2b2: {  	v24 =	vmin.bf16 v24, v50;
	v13 =	vpack.i.f32.bf16 v13, v13;
	v55 =	vmax.bf16 v20, v31  }
0x2b3: {  	v20 =	vmin.bf16 v20, v31;
	v31 =	vadd.bf16 v33, v34;
	v34 =	vpack.i.f32.bf16 v53, v53  }
0x2b4: {  	v21 =	vmin.bf16 v21, v36;
	v57 =	vsub.bf16 v1, v34;
	v44 =	vsub.bf16 v4, v34  }
0x2b5: {  	v19 =	vmin.bf16 v19, v55;
	v55 =	vsub.bf16 v7, v34;
	v34 =	vsub.bf16 v10, v34  }
0x2b6: {  	v59 =	vmax.bf16 v26, v31;
	v26 =	vmin.bf16 v26, v31;
	v31 =	vpack.i.f32.bf16 v56, v56  }
0x2b7: {  	v56 =	vsub.bf16 v8, v35;
	v35 =	vsub.bf16 v11, v35;
	v60 =	vmul.bf16 v57, v57  }
0x2b8: {  	v62 =	vsub.bf16 v3, v31;
	v63 =	vmax.bf16 v18, v59;
	v18 =	vmin.bf16 v18, v59  }
0x2b9: {  	v48 =	vmul.bf16 v44, v44;
	v50 =	vsub.bf16 v6, v31;
	v58 =	vmul.bf16 v55, v55  }
0x2ba: {  	v34 =	vmul.bf16 v34, v34;
	v51 =	vmax.bf16 v17, v63;
	v17 =	vmin.bf16 v17, v63  }
0x2bb: {  	v59 =	vmul.bf16 v56, v56;
	v35 =	vmul.bf16 v35, v35;
	v33 =	vadd.bf16 v61, v60  }
0x2bc: {  	v47 =	vmul.bf16 v62, v62;
	v16 =	vmin.bf16 v16, v51;
	v52 =	vadd.bf16 v49, v48  }
0x2bd: {  	v53 =	vmul.bf16 v50, v50;
	v60 =	vsub.bf16 v9, v31;
	v31 =	vsub.bf16 v12, v31  }
0x2be: {  	v49 =	vbroadcast v15, $0xE;
	v15 =	vbroadcast v15, $0xF;
	v37 =	vadd.bf16 v59, v58  }
0x2bf: {  	v48 =	vadd.bf16 v35, v34;
	v35 =	vpack.i.f32.bf16 v46, v46;
	v33 =	vadd.bf16 v47, v33  }
0x2c0: {  	v36 =	vadd.bf16 v53, v52;
	v63 =	vmul.bf16 v60, v60;
	v47 =	vbroadcast v14, $0xE  }
0x2c1: {  	v31 =	vmul.bf16 v31, v31;
	v51 =	vsub.bf16 v1, v35;
	v58 =	vsub.bf16 v4, v35  }
0x2c2: {  	v14 =	vbroadcast v14, $0xF;
	v15 =	vpack.i.f32.bf16 v15, v15;
	v54 =	vmax.bf16 v29, v33  }
0x2c3: {  	v29 =	vmin.bf16 v29, v33;
	v62 =	vmax.bf16 v30, v36;
	v30 =	vmin.bf16 v30, v36  }
0x2c4: {  	v37 =	vadd.bf16 v63, v37;
	v31 =	vadd.bf16 v31, v48;
	v33 =	vpack.i.f32.bf16 v49, v49  }
0x2c5: {  	v53 =	vmul.bf16 v51, v51;
	v14 =	vpack.i.f32.bf16 v14, v14;
	v57 =	vmax.bf16 v23, v54  }
0x2c6: {  	v23 =	vmin.bf16 v23, v54;
	v41 =	vmax.bf16 v32, v62;
	v55 =	vsub.bf16 v3, v33  }
0x2c7: {  	v32 =	vmin.bf16 v32, v62;
	v63 =	vsub.bf16 v6, v33;
	v51 =	vsub.bf16 v9, v33  }
0x2c8: {  	v33 =	vsub.bf16 v12, v33;
	v40 =	vsub.bf16 v2, v14;
	v61 =	vmax.bf16 v22, v57  }
0x2c9: {  	v22 =	vmin.bf16 v22, v57;
	v42 =	vmax.bf16 v27, v41;
	v27 =	vmin.bf16 v27, v41  }
0x2ca: {  	v43 =	vmax.bf16 v28, v37;
	v28 =	vmin.bf16 v28, v37;
	v37 =	vpack.i.f32.bf16 v47, v47  }
0x2cb: {  	v56 =	vmax.bf16 v26, v31;
	v26 =	vmin.bf16 v26, v31;
	v0 =	vmin.bf16 v0, v61  }
0x2cc: {  	v24 =	vmin.bf16 v24, v42;
	v44 =	vmax.bf16 v21, v43;
	v21 =	vmin.bf16 v21, v43  }
0x2cd: {  	v52 =	vsub.bf16 v2, v37;
	v31 =	vmax.bf16 v18, v56;
	v57 =	vmul.bf16 v55, v55  }
0x2ce: {  	v18 =	vmin.bf16 v18, v56;
	v59 =	vsub.bf16 v5, v37;
	v61 =	vmul.bf16 v58, v58  }
0x2cf: {  	v46 =	vsub.bf16 v8, v37;
	v48 =	vmul.bf16 v63, v63;
	v63 =	vsub.bf16 v1, v13  }
0x2d0: {  	v33 =	vmul.bf16 v33, v33;
	v41 =	vmul.bf16 v40, v40;
	v50 =	vmax.bf16 v20, v44  }
0x2d1: {  	v20 =	vmin.bf16 v20, v44;
	v44 =	vsub.bf16 v7, v35;
	v54 =	vmul.bf16 v52, v52  }
0x2d2: {  	v42 =	vsub.bf16 v3, v15;
	v60 =	vmax.bf16 v17, v31;
	v19 =	vmin.bf16 v19, v50  }
0x2d3: {  	v50 =	vmul.bf16 v46, v46;
	v49 =	vmul.bf16 v44, v44;
	v34 =	vadd.bf16 v54, v53  }
0x2d4: {  	v17 =	vmin.bf16 v17, v31;
	v62 =	vmul.bf16 v59, v59;
	v16 =	vmin.bf16 v16, v60  }
0x2d5: {  	v54 =	vmul.bf16 v51, v51;
	v53 =	vadd.bf16 v50, v49;
	v31 =	vadd.bf16 v57, v34  }
0x2d6: {  	v60 =	vsub.bf16 v10, v35;
	v44 =	vmul.bf16 v42, v42;
	v34 =	vadd.bf16 v62, v61  }
0x2d7: {  	v61 =	vsub.bf16 v11, v37;
	v36 =	vadd.bf16 v54, v53;
	v47 =	vmax.bf16 v29, v31  }
0x2d8: {  	v29 =	vmin.bf16 v29, v31;
	v31 =	vadd.bf16 v48, v34;
	v34 =	vmul.bf16 v60, v60  }
0x2d9: {  	v35 =	vmul.bf16 v61, v61;
	v48 =	vsub.bf16 v5, v14;
	v60 =	vsub.bf16 v8, v14  }
0x2da: {  	v14 =	vsub.bf16 v11, v14;
	v52 =	vmax.bf16 v23, v47;
	v23 =	vmin.bf16 v23, v47  }
0x2db: {  	v59 =	vmax.bf16 v28, v36;
	v28 =	vmin.bf16 v28, v36;
	v47 =	vsub.bf16 v4, v13  }
0x2dc: {  	v55 =	vmax.bf16 v22, v52;
	v22 =	vmin.bf16 v22, v52;
	v56 =	vmax.bf16 v30, v31  }
0x2dd: {  	v30 =	vmin.bf16 v30, v31;
	v62 =	vmax.bf16 v21, v59;
	v21 =	vmin.bf16 v21, v59  }
0x2de: {  	v34 =	vadd.bf16 v35, v34;
	v51 =	vmul.bf16 v48, v48;
	v52 =	vsub.bf16 v6, v15  }
0x2df: {  	v59 =	vsub.bf16 v7, v13;
	v13 =	vsub.bf16 v10, v13;
	v61 =	vmul.bf16 v60, v60  }
0x2e0: {  	v14 =	vmul.bf16 v14, v14;
	v0 =	vmin.bf16 v0, v55;
	v57 =	vmax.bf16 v32, v56  }
0x2e1: {  	v31 =	vmin.bf16 v32, v56;
	v32 =	vmul.bf16 v63, v63;
	v43 =	vmax.bf16 v20, v62  }
0x2e2: {  	v20 =	vmin.bf16 v20, v62;
	v50 =	vmul.bf16 v47, v47;
	v62 =	vsub.bf16 v9, v15  }
0x2e3: {  	v15 =	vsub.bf16 v12, v15;
	v58 =	vmax.bf16 v27, v57;
	v27 =	vmin.bf16 v27, v57  }
0x2e4: {  	v33 =	vadd.bf16 v33, v34;
	v19 =	vmin.bf16 v19, v43;
	v56 =	vmul.bf16 v52, v52  }
0x2e5: {  	v13 =	vmul.bf16 v13, v13;
	v24 =	vmin.bf16 v24, v58;
	v32 =	vadd.bf16 v41, v32  }
0x2e6: {  	v54 =	vadd.bf16 v51, v50;
	v35 =	vmul.bf16 v62, v62;
	v46 =	vmax.bf16 v26, v33  }
0x2e7: {  	v26 =	vmin.bf16 v26, v33;
	v13 =	vadd.bf16 v14, v13;
	v14 =	vmul.bf16 v15, v15  }
0x2e8: {  	v49 =	vmax.bf16 v18, v46;
	v32 =	vadd.bf16 v44, v32;
	v18 =	vmin.bf16 v18, v46  }
0x2e9: {  	v33 =	vadd.bf16 v56, v54;
	v53 =	vmax.bf16 v17, v49;
	v17 =	vmin.bf16 v17, v49  }
0x2ea: {  	v55 =	vmax.bf16 v29, v32;
	v29 =	vmin.bf16 v29, v32;
	v32 =	vmul.bf16 v59, v59  }
0x2eb: {  	v13 =	vadd.bf16 v14, v13;
	v16 =	vmin.bf16 v16, v53;
	v36 =	vmax.bf16 v30, v33  }
0x2ec: {  	v30 =	vmin.bf16 v30, v33;
	v57 =	vmax.bf16 v23, v55;
	v34 =	vadd.bf16 v61, v32  }
0x2ed: {  	v23 =	vmin.bf16 v23, v55;
	v15 =	vmax.bf16 v31, v36;
	v58 =	vmax.bf16 v22, v57  }
0x2ee: {  	s10 =	sadd.s32 $0x2, s10;
	v22 =	vmin.bf16 v22, v57;
	v32 =	vmin.bf16 v31, v36;
	v31 =	vadd.bf16 v35, v34  }
0x2ef: {  	p0 =	slt.u32 s10, $0xFE;
	v63 =	vmax.bf16 v27, v15;
	v27 =	vmin.bf16 v27, v15;
	v0 =	vmin.bf16 v0, v58  }
.Ltmp0:
0x2f0: {  	v24 =	vmin.bf16 v24, v63;
	v14 =	vmax.bf16 v28, v31;
	v28 =	vmin.bf16 v28, v31;
	(pc) =	sbr.rel @p0 .LBB2_2-.Ltmp0, $4  }
0x2f1: {  	v15 =	vmax.bf16 v21, v14;
	v21 =	vmin.bf16 v21, v14;
	v14 =	vmax.bf16 v26, v13  }
0x2f2: {  	v31 =	vmax.bf16 v20, v15;
	v20 =	vmin.bf16 v20, v15;
	v15 =	vmax.bf16 v18, v14  }
0x2f3: {  	v26 =	vmin.bf16 v26, v13;
	v18 =	vmin.bf16 v18, v14;
	v13 =	vmax.bf16 v17, v15  }
0x2f4: {  	s12 =	sadd.s32 $0x80, s12;
	s11 =	sadd.s32 $0x20, s11;
	v19 =	vmin.bf16 v19, v31;
	v17 =	vmin.bf16 v17, v15;
	v16 =	vmin.bf16 v16, v13  }
0x2f5: {  	v1 =	vunpack.i.l.bf16.f32 v23  }
0x2f6: {  	v2 =	vshra.s32 v1, $0x1  }
0x2f7: {  	v2 =	vadd.s32 $0x1FBD1DF5, v2  }
0x2f8: {  	(erf) = vrcp.f32 v2;
	_ =	sdelay $0x8  }
0x2f9: {  	v3 =	vpop (erf)  }
0x2fa: {  	v3 =	vmul.f32 v3, v1;
	_ =	sdelay $0x1  }
0x2fb: {  	v2 =	vadd.f32 v2, v3;
	_ =	sdelay $0x1  }
0x2fc: {  	v2 =	vmul.f32 $5.000000000e-01, v2;
	_ =	sdelay $0x1  }
0x2fd: {  	(erf) = vrcp.f32 v2;
	_ =	sdelay $0x8  }
0x2fe: {  	v42 =	vpop (erf)  }
0x2ff: {  	v3 =	vmul.f32 v42, v1;
	_ =	sdelay $0x1  }
0x300: {  	v3 =	vadd.f32 v3, v2;
	_ =	sdelay $0x1  }
0x301: {  	v2 =	vunpack.i.l.bf16.f32 v22;
	v4 =	vmul.f32 $5.000000000e-01, v3  }
0x302: {  	v43 =	vshra.s32 v2, $0x1  }
0x303: {  	v3 =	vadd.s32 $0x1FBD1DF5, v43;
	(erf) = vrcp.f32 v4  }
0x304: {  	(erf) = vrcp.f32 v3;
	_ =	sdelay $0x7  }
0x305: {  	v25 =	vpop (erf)  }
0x306: {  	v5 =	vpop (erf)  }
0x307: {  	v5 =	vmul.f32 v5, v2;
	_ =	sdelay $0x1  }
0x308: {  	v3 =	vadd.f32 v3, v5;
	_ =	sdelay $0x1  }
0x309: {  	v3 =	vmul.f32 $5.000000000e-01, v3;
	_ =	sdelay $0x1  }
0x30a: {  	(erf) = vrcp.f32 v3;
	_ =	sdelay $0x8  }
0x30b: {  	v44 =	vpop (erf)  }
0x30c: {  	v5 =	vmul.f32 v44, v2;
	_ =	sdelay $0x1  }
0x30d: {  	v5 =	vadd.f32 v5, v3;
	_ =	sdelay $0x1  }
0x30e: {  	v3 =	vunpack.i.l.bf16.f32 v0;
	v7 =	vmul.f32 $5.000000000e-01, v5  }
0x30f: {  	v46 =	vshra.s32 v3, $0x1  }
0x310: {  	v5 =	vadd.s32 $0x1FBD1DF5, v46;
	(erf) = vrcp.f32 v7  }
0x311: {  	(erf) = vrcp.f32 v5;
	_ =	sdelay $0x7  }
0x312: {  	v43 =	vpop (erf)  }
0x313: {  	v6 =	vpop (erf)  }
0x314: {  	v6 =	vmul.f32 v6, v3;
	_ =	sdelay $0x1  }
0x315: {  	v5 =	vadd.f32 v5, v6;
	_ =	sdelay $0x1  }
0x316: {  	v5 =	vmul.f32 $5.000000000e-01, v5;
	_ =	sdelay $0x1  }
0x317: {  	(erf) = vrcp.f32 v5;
	_ =	sdelay $0x8  }
0x318: {  	v47 =	vpop (erf)  }
0x319: {  	v6 =	vmul.f32 v47, v3;
	_ =	sdelay $0x1  }
0x31a: {  	v6 =	vadd.f32 v6, v5;
	_ =	sdelay $0x1  }
0x31b: {  	v5 =	vunpack.i.u.bf16.f32 v23;
	v11 =	vmul.f32 $5.000000000e-01, v6  }
0x31c: {  	v48 =	vshra.s32 v5, $0x1  }
0x31d: {  	v6 =	vadd.s32 $0x1FBD1DF5, v48;
	(erf) = vrcp.f32 v11  }
0x31e: {  	(erf) = vrcp.f32 v6;
	_ =	sdelay $0x7  }
0x31f: {  	v8 =	vpop (erf)  }
0x320: {  	v49 =	vpop (erf)  }
0x321: {  	[tilespmem:$0x1FFB0] =	vst v8;
	v8 =	vmul.f32 v49, v5;
	_ =	sdelay $0x1  }
0x322: {  	v6 =	vadd.f32 v6, v8;
	_ =	sdelay $0x1  }
0x323: {  	v6 =	vmul.f32 $5.000000000e-01, v6;
	_ =	sdelay $0x1  }
0x324: {  	(erf) = vrcp.f32 v6;
	_ =	sdelay $0x8  }
0x325: {  	v50 =	vpop (erf)  }
0x326: {  	v8 =	vmul.f32 v50, v5;
	_ =	sdelay $0x1  }
0x327: {  	v6 =	vadd.f32 v8, v6;
	_ =	sdelay $0x1  }
0x328: {  	v8 =	vunpack.i.u.bf16.f32 v22;
	v15 =	vmul.f32 $5.000000000e-01, v6  }
0x329: {  	v51 =	vshra.s32 v8, $0x1  }
0x32a: {  	v6 =	vadd.s32 $0x1FBD1DF5, v51;
	(erf) = vrcp.f32 v15  }
0x32b: {  	(erf) = vrcp.f32 v6;
	_ =	sdelay $0x7  }
0x32c: {  	v9 =	vpop (erf)  }
0x32d: {  	v52 =	vpop (erf)  }
0x32e: {  	[tilespmem:$0x1FFC0] =	vst v9;
	v9 =	vmul.f32 v52, v8;
	_ =	sdelay $0x1  }
0x32f: {  	v6 =	vadd.f32 v6, v9;
	_ =	sdelay $0x1  }
0x330: {  	v6 =	vmul.f32 $5.000000000e-01, v6;
	_ =	sdelay $0x1  }
0x331: {  	(erf) = vrcp.f32 v6;
	_ =	sdelay $0x8  }
0x332: {  	v53 =	vpop (erf)  }
0x333: {  	v9 =	vmul.f32 v53, v8;
	_ =	sdelay $0x1  }
0x334: {  	v6 =	vadd.f32 v9, v6;
	_ =	sdelay $0x1  }
0x335: {  	v9 =	vunpack.i.u.bf16.f32 v0;
	v22 =	vmul.f32 $5.000000000e-01, v6  }
0x336: {  	v0 =	vshra.s32 v9, $0x1  }
0x337: {  	v0 =	vadd.s32 $0x1FBD1DF5, v0;
	(erf) = vrcp.f32 v22  }
0x338: {  	(erf) = vrcp.f32 v0;
	_ =	sdelay $0x7  }
0x339: {  	v54 =	vpop (erf)  }
0x33a: {  	v55 =	vpop (erf)  }
0x33b: {  	v6 =	vmul.f32 v55, v9;
	_ =	sdelay $0x1  }
0x33c: {  	v0 =	vadd.f32 v0, v6;
	_ =	sdelay $0x1  }
0x33d: {  	v0 =	vmul.f32 $5.000000000e-01, v0;
	_ =	sdelay $0x1  }
0x33e: {  	(erf) = vrcp.f32 v0;
	_ =	sdelay $0x8  }
0x33f: {  	v56 =	vpop (erf)  }
0x340: {  	v6 =	vmul.f32 v56, v9;
	_ =	sdelay $0x1  }
0x341: {  	v0 =	vadd.f32 v6, v0;
	_ =	sdelay $0x1  }
0x342: {  	v12 =	vunpack.i.l.bf16.f32 v32;
	v26 =	vmul.f32 $5.000000000e-01, v0  }
0x343: {  	v57 =	vshra.s32 v12, $0x1  }
0x344: {  	v0 =	vadd.s32 $0x1FBD1DF5, v57;
	(erf) = vrcp.f32 v26  }
0x345: {  	(erf) = vrcp.f32 v0;
	_ =	sdelay $0x7  }
0x346: {  	v58 =	vpop (erf)  }
0x347: {  	v59 =	vpop (erf)  }
0x348: {  	v6 =	vmul.f32 v59, v12;
	_ =	sdelay $0x1  }
0x349: {  	v0 =	vadd.f32 v0, v6;
	_ =	sdelay $0x1  }
0x34a: {  	v0 =	vmul.f32 $5.000000000e-01, v0;
	_ =	sdelay $0x1  }
0x34b: {  	(erf) = vrcp.f32 v0;
	_ =	sdelay $0x8  }
0x34c: {  	v60 =	vpop (erf)  }
0x34d: {  	v6 =	vmul.f32 v60, v12;
	_ =	sdelay $0x1  }
0x34e: {  	v0 =	vadd.f32 v6, v0;
	_ =	sdelay $0x1  }
0x34f: {  	v23 =	vunpack.i.l.bf16.f32 v27;
	v30 =	vmul.f32 $5.000000000e-01, v0  }
0x350: {  	v61 =	vshra.s32 v23, $0x1  }
0x351: {  	v0 =	vadd.s32 $0x1FBD1DF5, v61;
	(erf) = vrcp.f32 v30  }
0x352: {  	(erf) = vrcp.f32 v0;
	_ =	sdelay $0x7  }
0x353: {  	v62 =	vpop (erf)  }
0x354: {  	v63 =	vpop (erf)  }
0x355: {  	v6 =	vmul.f32 v63, v23;
	_ =	sdelay $0x1  }
0x356: {  	v0 =	vadd.f32 v0, v6;
	_ =	sdelay $0x1  }
0x357: {  	v0 =	vmul.f32 $5.000000000e-01, v0;
	_ =	sdelay $0x1  }
0x358: {  	(erf) = vrcp.f32 v0;
	_ =	sdelay $0x8  }
0x359: {  	v10 =	vpop (erf)  }
0x35a: {  	v6 =	vmul.f32 v10, v23;
	_ =	sdelay $0x1  }
0x35b: {  	v0 =	vadd.f32 v6, v0;
	_ =	sdelay $0x1  }
0x35c: {  	v29 =	vunpack.i.l.bf16.f32 v24;
	v36 =	vmul.f32 $5.000000000e-01, v0  }
0x35d: {  	v13 =	vshra.s32 v29, $0x1  }
0x35e: {  	v0 =	vadd.s32 $0x1FBD1DF5, v13;
	(erf) = vrcp.f32 v36  }
0x35f: {  	(erf) = vrcp.f32 v0;
	_ =	sdelay $0x7  }
0x360: {  	v34 =	vpop (erf)  }
0x361: {  	v14 =	vpop (erf)  }
0x362: {  	v6 =	vmul.f32 v14, v29;
	_ =	sdelay $0x1  }
0x363: {  	v0 =	vadd.f32 v0, v6;
	_ =	sdelay $0x1  }
0x364: {  	v0 =	vmul.f32 $5.000000000e-01, v0;
	_ =	sdelay $0x1  }
0x365: {  	(erf) = vrcp.f32 v0;
	_ =	sdelay $0x8  }
0x366: {  	v28 =	vpop (erf)  }
0x367: {  	v6 =	vmul.f32 v28, v29;
	_ =	sdelay $0x1  }
0x368: {  	v0 =	vadd.f32 v6, v0;
	_ =	sdelay $0x1  }
0x369: {  	v33 =	vunpack.i.u.bf16.f32 v32;
	v47 =	vmul.f32 $5.000000000e-01, v0  }
0x36a: {  	v31 =	vshra.s32 v33, $0x1  }
0x36b: {  	v0 =	vadd.s32 $0x1FBD1DF5, v31;
	(erf) = vrcp.f32 v47  }
0x36c: {  	(erf) = vrcp.f32 v0;
	_ =	sdelay $0x7  }
0x36d: {  	v53 =	vpop (erf)  }
0x36e: {  	v32 =	vpop (erf)  }
0x36f: {  	v6 =	vmul.f32 v32, v33;
	_ =	sdelay $0x1  }
0x370: {  	v0 =	vadd.f32 v0, v6;
	_ =	sdelay $0x1  }
0x371: {  	v0 =	vmul.f32 $5.000000000e-01, v0;
	_ =	sdelay $0x1  }
0x372: {  	(erf) = vrcp.f32 v0;
	_ =	sdelay $0x8  }
0x373: {  	v35 =	vpop (erf)  }
0x374: {  	v6 =	vmul.f32 v35, v33;
	_ =	sdelay $0x1  }
0x375: {  	v0 =	vadd.f32 v6, v0;
	_ =	sdelay $0x1  }
0x376: {  	v41 =	vunpack.i.u.bf16.f32 v27;
	v42 =	vmul.f32 $5.000000000e-01, v0  }
0x377: {  	v37 =	vshra.s32 v41, $0x1  }
0x378: {  	v0 =	vadd.s32 $0x1FBD1DF5, v37;
	(erf) = vrcp.f32 v42  }
0x379: {  	(erf) = vrcp.f32 v0;
	_ =	sdelay $0x7  }
0x37a: {  	v49 =	vpop (erf)  }
0x37b: {  	v38 =	vpop (erf)  }
0x37c: {  	v6 =	vmul.f32 v38, v41;
	_ =	sdelay $0x1  }
0x37d: {  	v0 =	vadd.f32 v0, v6;
	_ =	sdelay $0x1  }
0x37e: {  	v0 =	vmul.f32 $5.000000000e-01, v0;
	_ =	sdelay $0x1  }
0x37f: {  	(erf) = vrcp.f32 v0;
	_ =	sdelay $0x8  }
0x380: {  	v39 =	vpop (erf)  }
0x381: {  	v6 =	vmul.f32 v39, v41;
	_ =	sdelay $0x1  }
0x382: {  	v0 =	vadd.f32 v6, v0;
	_ =	sdelay $0x1  }
0x383: {  	v37 =	vunpack.i.u.bf16.f32 v24;
	v52 =	vmul.f32 $5.000000000e-01, v0  }
0x384: {  	v40 =	vshra.s32 v37, $0x1  }
0x385: {  	v0 =	vadd.s32 $0x1FBD1DF5, v40;
	(erf) = vrcp.f32 v52  }
0x386: {  	(erf) = vrcp.f32 v0;
	_ =	sdelay $0x7  }
0x387: {  	v60 =	vpop (erf)  }
0x388: {  	v44 =	vpop (erf)  }
0x389: {  	v6 =	vmul.f32 v44, v37;
	_ =	sdelay $0x1  }
0x38a: {  	v0 =	vadd.f32 v0, v6;
	_ =	sdelay $0x1  }
0x38b: {  	v0 =	vmul.f32 $5.000000000e-01, v0;
	_ =	sdelay $0x1  }
0x38c: {  	(erf) = vrcp.f32 v0;
	_ =	sdelay $0x8  }
0x38d: {  	v46 =	vpop (erf)  }
0x38e: {  	v6 =	vmul.f32 v46, v37;
	_ =	sdelay $0x1  }
0x38f: {  	v0 =	vadd.f32 v6, v0;
	_ =	sdelay $0x1  }
0x390: {  	v14 =	vunpack.i.l.bf16.f32 v21;
	v56 =	vmul.f32 $5.000000000e-01, v0  }
0x391: {  	v48 =	vshra.s32 v14, $0x1  }
0x392: {  	v0 =	vadd.s32 $0x1FBD1DF5, v48;
	(erf) = vrcp.f32 v56  }
0x393: {  	(erf) = vrcp.f32 v0;
	_ =	sdelay $0x7  }
0x394: {  	v13 =	vpop (erf)  }
0x395: {  	v50 =	vpop (erf)  }
0x396: {  	v6 =	vmul.f32 v50, v14;
	_ =	sdelay $0x1  }
0x397: {  	v0 =	vadd.f32 v0, v6;
	_ =	sdelay $0x1  }
0x398: {  	v0 =	vmul.f32 $5.000000000e-01, v0;
	_ =	sdelay $0x1  }
0x399: {  	(erf) = vrcp.f32 v0;
	_ =	sdelay $0x8  }
0x39a: {  	v51 =	vpop (erf)  }
0x39b: {  	v6 =	vmul.f32 v51, v14;
	_ =	sdelay $0x1  }
0x39c: {  	v0 =	vadd.f32 v6, v0;
	_ =	sdelay $0x1  }
0x39d: {  	v24 =	vunpack.i.l.bf16.f32 v20;
	v32 =	vmul.f32 $5.000000000e-01, v0  }
0x39e: {  	[tilespmem:$0x1FFD0] =	vst v54;
	v54 =	vshra.s32 v24, $0x1  }
0x39f: {  	v0 =	vadd.s32 $0x1FBD1DF5, v54;
	(erf) = vrcp.f32 v32  }
0x3a0: {  	(erf) = vrcp.f32 v0;
	_ =	sdelay $0x7  }
0x3a1: {  	v35 =	vpop (erf)  }
0x3a2: {  	v55 =	vpop (erf)  }
0x3a3: {  	v6 =	vmul.f32 v55, v24;
	_ =	sdelay $0x1  }
0x3a4: {  	v0 =	vadd.f32 v0, v6;
	_ =	sdelay $0x1  }
0x3a5: {  	v0 =	vmul.f32 $5.000000000e-01, v0;
	_ =	sdelay $0x1  }
0x3a6: {  	(erf) = vrcp.f32 v0;
	_ =	sdelay $0x8  }
0x3a7: {  	v57 =	vpop (erf)  }
0x3a8: {  	v6 =	vmul.f32 v57, v24;
	_ =	sdelay $0x1  }
0x3a9: {  	v0 =	vadd.f32 v6, v0;
	_ =	sdelay $0x1  }
0x3aa: {  	v27 =	vunpack.i.l.bf16.f32 v19;
	v39 =	vmul.f32 $5.000000000e-01, v0  }
0x3ab: {  	[tilespmem:$0x1FFE0] =	vst v58;
	v58 =	vshra.s32 v27, $0x1  }
0x3ac: {  	v0 =	vadd.s32 $0x1FBD1DF5, v58;
	(erf) = vrcp.f32 v39  }
0x3ad: {  	(erf) = vrcp.f32 v0;
	_ =	sdelay $0x7  }
0x3ae: {  	v31 =	vpop (erf)  }
0x3af: {  	v59 =	vpop (erf)  }
0x3b0: {  	v6 =	vmul.f32 v59, v27;
	_ =	sdelay $0x1  }
0x3b1: {  	v0 =	vadd.f32 v0, v6;
	_ =	sdelay $0x1  }
0x3b2: {  	v0 =	vmul.f32 $5.000000000e-01, v0;
	_ =	sdelay $0x1  }
0x3b3: {  	(erf) = vrcp.f32 v0;
	_ =	sdelay $0x8  }
0x3b4: {  	v61 =	vpop (erf)  }
0x3b5: {  	v6 =	vmul.f32 v61, v27;
	_ =	sdelay $0x1  }
0x3b6: {  	v0 =	vadd.f32 v6, v0;
	_ =	sdelay $0x1  }
0x3b7: {  	v21 =	vunpack.i.u.bf16.f32 v21;
	v48 =	vmul.f32 $5.000000000e-01, v0  }
0x3b8: {  	[tilespmem:$0x1FFF0] =	vst v62;
	v62 =	vshra.s32 v21, $0x1  }
0x3b9: {  	v0 =	vadd.s32 $0x1FBD1DF5, v62;
	(erf) = vrcp.f32 v48  }
0x3ba: {  	(erf) = vrcp.f32 v0;
	_ =	sdelay $0x7  }
0x3bb: {  	v54 =	vpop (erf)  }
0x3bc: {  	v63 =	vpop (erf)  }
0x3bd: {  	v6 =	vmul.f32 v63, v21;
	_ =	sdelay $0x1  }
0x3be: {  	v0 =	vadd.f32 v0, v6;
	_ =	sdelay $0x1  }
0x3bf: {  	v0 =	vmul.f32 $5.000000000e-01, v0;
	_ =	sdelay $0x1  }
0x3c0: {  	(erf) = vrcp.f32 v0;
	_ =	sdelay $0x8  }
0x3c1: {  	v10 =	vpop (erf)  }
0x3c2: {  	v6 =	vmul.f32 v10, v21;
	_ =	sdelay $0x1  }
0x3c3: {  	v0 =	vadd.f32 v6, v0;
	_ =	sdelay $0x1  }
0x3c4: {  	v20 =	vunpack.i.u.bf16.f32 v20;
	v46 =	vmul.f32 $5.000000000e-01, v0  }
0x3c5: {  	v28 =	vshra.s32 v20, $0x1  }
0x3c6: {  	v0 =	vadd.s32 $0x1FBD1DF5, v28;
	(erf) = vrcp.f32 v46  }
0x3c7: {  	(erf) = vrcp.f32 v0;
	_ =	sdelay $0x7  }
0x3c8: {  	v51 =	vpop (erf)  }
0x3c9: {  	v38 =	vpop (erf)  }
0x3ca: {  	v6 =	vmul.f32 v38, v20;
	_ =	sdelay $0x1  }
0x3cb: {  	v0 =	vadd.f32 v0, v6;
	_ =	sdelay $0x1  }
0x3cc: {  	v0 =	vmul.f32 $5.000000000e-01, v0;
	_ =	sdelay $0x1  }
0x3cd: {  	(erf) = vrcp.f32 v0;
	_ =	sdelay $0x8  }
0x3ce: {  	v40 =	vpop (erf)  }
0x3cf: {  	v6 =	vmul.f32 v40, v20;
	_ =	sdelay $0x1  }
0x3d0: {  	v0 =	vadd.f32 v6, v0;
	_ =	sdelay $0x1  }
0x3d1: {  	v38 =	vunpack.i.u.bf16.f32 v19;
	v55 =	vmul.f32 $5.000000000e-01, v0  }
0x3d2: {  	v44 =	vshra.s32 v38, $0x1  }
0x3d3: {  	v0 =	vadd.s32 $0x1FBD1DF5, v44;
	(erf) = vrcp.f32 v55  }
0x3d4: {  	(erf) = vrcp.f32 v0;
	_ =	sdelay $0x7  }
0x3d5: {  	v62 =	vpop (erf)  }
0x3d6: {  	v50 =	vpop (erf)  }
0x3d7: {  	v6 =	vmul.f32 v50, v38;
	_ =	sdelay $0x1  }
0x3d8: {  	v0 =	vadd.f32 v0, v6;
	_ =	sdelay $0x1  }
0x3d9: {  	v0 =	vmul.f32 $5.000000000e-01, v0;
	_ =	sdelay $0x1  }
0x3da: {  	(erf) = vrcp.f32 v0;
	_ =	sdelay $0x8  }
0x3db: {  	v57 =	vpop (erf)  }
0x3dc: {  	v6 =	vmul.f32 v57, v38;
	_ =	sdelay $0x1  }
0x3dd: {  	v0 =	vadd.f32 v6, v0;
	_ =	sdelay $0x1  }
0x3de: {  	v19 =	vunpack.i.l.bf16.f32 v18;
	v59 =	vmul.f32 $5.000000000e-01, v0  }
0x3df: {  	v58 =	vshra.s32 v19, $0x1  }
0x3e0: {  	v0 =	vadd.s32 $0x1FBD1DF5, v58;
	(erf) = vrcp.f32 v59  }
0x3e1: {  	(erf) = vrcp.f32 v0;
	_ =	sdelay $0x7  }
0x3e2: {  	v10 =	vpop (erf)  }
0x3e3: {  	v61 =	vpop (erf)  }
0x3e4: {  	v6 =	vmul.f32 v61, v19;
	_ =	sdelay $0x1  }
0x3e5: {  	v0 =	vadd.f32 v0, v6;
	_ =	sdelay $0x1  }
0x3e6: {  	v0 =	vmul.f32 $5.000000000e-01, v0;
	_ =	sdelay $0x1  }
0x3e7: {  	(erf) = vrcp.f32 v0;
	_ =	sdelay $0x8  }
0x3e8: {  	v63 =	vpop (erf)  }
0x3e9: {  	v6 =	vmul.f32 v63, v19;
	_ =	sdelay $0x1  }
0x3ea: {  	v0 =	vadd.f32 v6, v0;
	_ =	sdelay $0x1  }
0x3eb: {  	v40 =	vunpack.i.l.bf16.f32 v17;
	v50 =	vmul.f32 $5.000000000e-01, v0  }
0x3ec: {  	v6 =	vshra.s32 v40, $0x1  }
0x3ed: {  	v0 =	vadd.s32 $0x1FBD1DF5, v6;
	(erf) = vrcp.f32 v50  }
0x3ee: {  	(erf) = vrcp.f32 v0;
	_ =	sdelay $0x7  }
0x3ef: {  	v57 =	vpop (erf)  }
0x3f0: {  	v28 =	vpop (erf)  }
0x3f1: {  	v6 =	vmul.f32 v28, v40;
	_ =	sdelay $0x1  }
0x3f2: {  	v0 =	vadd.f32 v0, v6;
	_ =	sdelay $0x1  }
0x3f3: {  	v0 =	vmul.f32 $5.000000000e-01, v0;
	_ =	sdelay $0x1  }
0x3f4: {  	(erf) = vrcp.f32 v0;
	_ =	sdelay $0x8  }
0x3f5: {  	v44 =	vpop (erf)  }
0x3f6: {  	v6 =	vmul.f32 v44, v40;
	_ =	sdelay $0x1  }
0x3f7: {  	v0 =	vadd.f32 v6, v0;
	_ =	sdelay $0x1  }
0x3f8: {  	v44 =	vunpack.i.l.bf16.f32 v16;
	v61 =	vmul.f32 $5.000000000e-01, v0  }
0x3f9: {  	v58 =	vshra.s32 v44, $0x1  }
0x3fa: {  	v0 =	vadd.s32 $0x1FBD1DF5, v58;
	(erf) = vrcp.f32 v61  }
0x3fb: {  	(erf) = vrcp.f32 v0;
	_ =	sdelay $0x7  }
0x3fc: {  	v6 =	vpop (erf)  }
0x3fd: {  	v58 =	vpop (erf)  }
0x3fe: {  	v58 =	vmul.f32 v58, v44;
	_ =	sdelay $0x1  }
0x3ff: {  	v0 =	vadd.f32 v0, v58;
	_ =	sdelay $0x1  }
0x400: {  	v0 =	vmul.f32 $5.000000000e-01, v0;
	_ =	sdelay $0x1  }
0x401: {  	(erf) = vrcp.f32 v0;
	_ =	sdelay $0x8  }
0x402: {  	v63 =	vpop (erf)  }
0x403: {  	v58 =	vmul.f32 v63, v44;
	_ =	sdelay $0x1  }
0x404: {  	v0 =	vadd.f32 v58, v0;
	_ =	sdelay $0x1  }
0x405: {  	v18 =	vunpack.i.u.bf16.f32 v18;
	v63 =	vmul.f32 $5.000000000e-01, v0  }
0x406: {  	v28 =	vshra.s32 v18, $0x1  }
0x407: {  	v58 =	vadd.s32 $0x1FBD1DF5, v28;
	(erf) = vrcp.f32 v63  }
0x408: {  	(erf) = vrcp.f32 v58;
	_ =	sdelay $0x7  }
0x409: {  	v0 =	vpop (erf)  }
0x40a: {  	v28 =	vpop (erf)  }
0x40b: {  	v28 =	vmul.f32 v28, v18;
	_ =	sdelay $0x1  }
0x40c: {  	v28 =	vadd.f32 v58, v28;
	_ =	sdelay $0x1  }
0x40d: {  	v28 =	vmul.f32 $5.000000000e-01, v28;
	_ =	sdelay $0x1  }
0x40e: {  	(erf) = vrcp.f32 v28  }
0x40f: {  	v43 =	vmul.f32 v43, v2;
	_ =	sdelay $0x1  }
0x410: {  	v7 =	vadd.f32 v43, v7;
	v43 =	vld [tilespmem:$0x1FFB0];
	_ =	sdelay $0x2  }
0x411: {  	v25 =	vmul.f32 v25, v1;
	_ =	sdelay $0x1  }
0x412: {  	v4 =	vadd.f32 v25, v4;
	v25 =	vmul.f32 v43, v3;
	v43 =	vld [tilespmem:$0x1FFC0]  }
0x413: {  	v58 =	vpop (erf)  }
0x414: {  	v58 =	vmul.f32 v58, v18;
	_ =	sdelay $0x1  }
0x415: {  	v28 =	vadd.f32 v58, v28  }
0x416: {  	v43 =	vmul.f32 v43, v5  }
0x417: {  	v17 =	vunpack.i.u.bf16.f32 v17;
	v58 =	vmul.f32 $5.000000000e-01, v28  }
0x418: {  	v43 =	vadd.f32 v43, v15;
	v15 =	vld [tilespmem:$0x1FFD0];
	v28 =	vshra.s32 v17, $0x1  }
0x419: {  	v28 =	vadd.s32 $0x1FBD1DF5, v28;
	(erf) = vrcp.f32 v58  }
0x41a: {  	(erf) = vrcp.f32 v28  }
0x41b: {  	v25 =	vadd.f32 v25, v11;
	_ =	sdelay $0x1  }
0x41c: {  	v11 =	vmul.f32 $5.000000000e-01, v25;
	v25 =	vmul.f32 v15, v8  }
0x41d: {  	vm1 =	vgt.f32 v2, $0.0e+00;
	v4 =	vmul.f32 $5.000000000e-01, v4  }
0x41e: {  	v7 =	vmul.f32 $5.000000000e-01, v7;
	v2 =	vmul.f32 $5.000000000e-01, v43;
	v43 =	vadd.f32 v25, v22;
	v22 =	vld [tilespmem:$0x1FFE0]  }
0x41f: {  	vm0 =	vgt.f32 v1, $0.0e+00  }
0x420: {  	v4 =	vnsel vm0, $0x0, v4;
	v7 =	vnsel vm1, $0x0, v7  }
0x421: {  	vm6 =	vgt.f32 v3, $0.0e+00;
	v4 =	vadd.f32 v7, v4;
	v1 =	vpop (erf)  }
0x422: {  	v3 =	vnsel vm6, $0x0, v11;
	v15 =	vpop (erf)  }
0x423: {  	v3 =	vadd.f32 v3, v4;
	v4 =	vmul.f32 v22, v9;
	v11 =	vmul.f32 v15, v17;
	_ =	sdelay $0x1  }
0x424: {  	v4 =	vadd.f32 v4, v26;
	v26 =	vadd.f32 v28, v11  }
0x425: {  	v28 =	vld [tilespmem:$0x1FFF0]  }
0x426: {  	v7 =	vmul.f32 $5.000000000e-01, v26  }
0x427: {  	vm10 =	vgt.f32 v12, $0.0e+00;
	vm12 =	vgt.f32 v29, $0.0e+00  }
0x428: {  	vm7 =	vgt.f32 v5, $0.0e+00;
	v25 =	vmul.f32 $5.000000000e-01, v43;
	(erf) = vrcp.f32 v7  }
0x429: {  	vm11 =	vgt.f32 v23, $0.0e+00;
	vm8 =	vgt.f32 v8, $0.0e+00;
	v2 =	vnsel vm7, $0x0, v2  }
0x42a: {  	v5 =	vnsel vm8, $0x0, v25;
	v34 =	vmul.f32 v34, v23;
	v8 =	vmul.f32 v28, v12  }
0x42b: {  	v2 =	vadd.f32 v5, v2;
	v4 =	vmul.f32 $5.000000000e-01, v4;
	v43 =	vmul.f32 v53, v29  }
0x42c: {  	vm9 =	vgt.f32 v9, $0.0e+00;
	v11 =	vadd.f32 v34, v36;
	v8 =	vadd.f32 v8, v30  }
0x42d: {  	v4 =	vnsel vm9, $0x0, v4;
	v5 =	vadd.f32 v43, v47;
	v22 =	vmul.f32 v49, v33  }
0x42e: {  	[tilespmem:$0x4080] =	vst v45;
	v2 =	vadd.f32 v4, v2;
	v53 =	vmul.f32 $5.000000000e-01, v11;
	v8 =	vmul.f32 $5.000000000e-01, v8  }
0x42f: {  	[tilespmem:$0x4100] =	vst v45;
	v5 =	vmul.f32 $5.000000000e-01, v5;
	v25 =	vadd.f32 v22, v42;
	v23 =	vmul.f32 v60, v41  }
0x430: {  	[tilespmem:$0x4180] =	vst v45;
	v15 =	vnsel vm11, $0x0, v53;
	v28 =	vmul.f32 v13, v37;
	v12 =	vnsel vm10, $0x0, v8  }
0x431: {  	[tilespmem:$0x4280] =	vst v45;
	vm13 =	vgt.f32 v33, $0.0e+00;
	v26 =	vadd.f32 v23, v52;
	v4 =	vadd.f32 v15, v12;
	v29 =	vpop (erf)  }
0x432: {  	[tilespmem:$0x4300] =	vst v45;
	v5 =	vnsel vm12, $0x0, v5;
	v9 =	vadd.f32 v28, v56;
	v11 =	vmul.f32 v29, v17  }
0x433: {  	[tilespmem:$0x4380] =	vst v45;
	v8 =	vmul.f32 $5.000000000e-01, v26;
	v4 =	vadd.f32 v5, v4;
	v5 =	vmul.f32 $5.000000000e-01, v25  }
0x434: {  	[tilespmem:$0x4090] =	vst v45;
	vm14 =	vgt.f32 v41, $0.0e+00;
	vm15 =	vgt.f32 v37, $0.0e+00;
	v7 =	vadd.f32 v11, v7  }
0x435: {  	[tilespmem:$0x4110] =	vst v45;
	v30 =	vmul.f32 $5.000000000e-01, v9;
	v8 =	vnsel vm14, $0x0, v8;
	v5 =	vnsel vm13, $0x0, v5  }
0x436: {  	[tilespmem:$0x4190] =	vst v45;
	v34 =	vunpack.i.u.bf16.f32 v16;
	v5 =	vadd.f32 v8, v5;
	v36 =	vmul.f32 $5.000000000e-01, v7  }
0x437: {  	[tilespmem:$0x4290] =	vst v45;
	v37 =	vshra.s32 v34, $0x1;
	v8 =	vnsel vm15, $0x0, v30  }
0x438: {  	[tilespmem:$0x4310] =	vst v45;
	v7 =	vadd.s32 $0x1FBD1DF5, v37;
	v5 =	vadd.f32 v8, v5;
	(erf) = vrcp.f32 v36  }
0x439: {  	[tilespmem:$0x4390] =	vst v45;
	(erf) = vrcp.f32 v7  }
0x43a: {  	[tilespmem:$0x40A0] =	vst v45;
	v5 =	vmul.f32 $3.333333430e-01, v5  }
0x43b: {  	[tilespmem:$0x4120] =	vst v45  }
0x43c: {  	[tilespmem:$0x41A0] =	vst v45;
	v5 =	vmax.f32 v5, $9.999999740e-06  }
0x43d: {  	[tilespmem:$0x42A0] =	vst v45;
	v5 =	vmul.f32 $1.000000050e-03, v5  }
0x43e: {  	[tilespmem:$0x4320] =	vst v45  }
0x43f: {  	[tilespmem:$0x43A0] =	vst v45;
	v5 =	vmul.f32 v5, v5  }
0x440: {  	[tilespmem:$0x40B0] =	vst v45  }
0x441: {  	[tilespmem:$0x4030] =	vst v5;
	v41 =	vpop (erf)  }
0x442: {  	[tilespmem:$0x4230] =	vst v5;
	v42 =	vpop (erf)  }
0x443: {  	[tilespmem:$0x4430] =	vst v5;
	v5 =	vmul.f32 v42, v34  }
0x444: {  	[tilespmem:$0x4130] =	vst v45  }
0x445: {  	[tilespmem:$0x41B0] =	vst v45;
	v5 =	vadd.f32 v7, v5  }
0x446: {  	[tilespmem:$0x42B0] =	vst v45  }
0x447: {  	[tilespmem:$0x4330] =	vst v45;
	v5 =	vmul.f32 $5.000000000e-01, v5  }
0x448: {  	[tilespmem:$0x43B0] =	vst v45;
	v43 =	vmul.f32 v35, v14  }
0x449: {  	[tilespmem:$0x40C0] =	vst v45;
	v47 =	vmul.f32 v31, v24;
	(erf) = vrcp.f32 v5  }
0x44a: {  	[tilespmem:$0x4140] =	vst v45;
	v3 =	vmul.f32 $3.333333430e-01, v3  }
0x44b: {  	[tilespmem:$0x41C0] =	vst v45;
	v49 =	vmul.f32 v54, v27;
	v8 =	vadd.f32 v47, v39;
	v7 =	vadd.f32 v43, v32  }
0x44c: {  	[tilespmem:$0x42C0] =	vst v45;
	vm6 =	vgt.f32 v27, $0.0e+00;
	v3 =	vmax.f32 v3, $9.999999740e-06;
	v2 =	vmul.f32 $3.333333430e-01, v2  }
0x44d: {  	[tilespmem:$0x4340] =	vst v45;
	v9 =	vadd.f32 v49, v48;
	v8 =	vmul.f32 $5.000000000e-01, v8;
	v7 =	vmul.f32 $5.000000000e-01, v7  }
0x44e: {  	[tilespmem:$0x43C0] =	vst v45;
	vm4 =	vgt.f32 v14, $0.0e+00;
	vm5 =	vgt.f32 v24, $0.0e+00;
	v52 =	vmul.f32 v62, v20  }
0x44f: {  	[tilespmem:$0x40D0] =	vst v45;
	v9 =	vmul.f32 $5.000000000e-01, v9;
	v8 =	vnsel vm5, $0x0, v8;
	v7 =	vnsel vm4, $0x0, v7  }
0x450: {  	[tilespmem:$0x4150] =	vst v45;
	v54 =	vadd.f32 v52, v55;
	v55 =	vmul.f32 v10, v38;
	v7 =	vadd.f32 v8, v7  }
0x451: {  	[tilespmem:$0x41D0] =	vst v45;
	v3 =	vmul.f32 $1.000000050e-03, v3;
	v9 =	vnsel vm6, $0x0, v9  }
0x452: {  	[tilespmem:$0x42D0] =	vst v45;
	v2 =	vmax.f32 v2, $9.999999740e-06;
	v7 =	vadd.f32 v9, v7;
	v9 =	vadd.f32 v55, v59;
	v59 =	vpop (erf)  }
0x453: {  	[tilespmem:$0x4350] =	vst v45;
	v2 =	vmul.f32 $1.000000050e-03, v2;
	v11 =	vmul.f32 v59, v34  }
0x454: {  	[tilespmem:$0x43D0] =	vst v45  }
0x455: {  	[tilespmem:$0x40E0] =	vst v45;
	v3 =	vmul.f32 v3, v3;
	v33 =	vmul.f32 v2, v2;
	v5 =	vadd.f32 v11, v5  }
0x456: {  	[tilespmem:$0x4160] =	vst v45;
	vm7 =	vgt.f32 v21, $0.0e+00;
	v51 =	vmul.f32 v51, v21;
	v0 =	vmul.f32 v0, v44  }
0x457: {  	[tilespmem:$0x41E0] =	vst v45;
	vm8 =	vgt.f32 v20, $0.0e+00;
	v4 =	vmul.f32 $3.333333430e-01, v4;
	v5 =	vmul.f32 $5.000000000e-01, v5  }
0x458: {  	[tilespmem:$0x42E0] =	vst v45;
	v60 =	vmul.f32 v57, v19;
	v6 =	vmul.f32 v6, v40;
	v0 =	vadd.f32 v0, v63  }
0x459: {  	[tilespmem:$0x4360] =	vst v45;
	v53 =	vadd.f32 v51, v46;
	v4 =	vmax.f32 v4, $9.999999740e-06;
	(erf) = vrcp.f32 v5  }
0x45a: {  	[tilespmem:$0x43E0] =	vst v45;
	vm9 =	vgt.f32 v38, $0.0e+00;
	v0 =	vmul.f32 $5.000000000e-01, v0;
	v4 =	vmul.f32 $1.000000050e-03, v4  }
0x45b: {  	[tilespmem:$0x40F0] =	vst v45;
	vm12 =	vgt.f32 v44, $0.0e+00;
	v56 =	vmul.f32 $5.000000000e-01, v54;
	v8 =	vmul.f32 $5.000000000e-01, v53  }
0x45c: {  	[tilespmem:$0x4170] =	vst v45;
	v6 =	vadd.f32 v6, v61;
	v1 =	vmul.f32 v1, v18;
	v4 =	vmul.f32 v4, v4  }
0x45d: {  	[tilespmem:$0x4000] =	vst v3;
	v10 =	vnsel vm8, $0x0, v56;
	v8 =	vnsel vm7, $0x0, v8;
	v9 =	vmul.f32 $5.000000000e-01, v9  }
0x45e: {  	v6 =	vmul.f32 $5.000000000e-01, v6;
	v0 =	vnsel vm12, $0x0, v0;
	[tilespmem:$0x4020] =	vst v4;
	v8 =	vadd.f32 v10, v8  }
0x45f: {  	v1 =	vadd.f32 v1, v58;
	vm11 =	vgt.f32 v40, $0.0e+00;
	[tilespmem:$0x4220] =	vst v4;
	v9 =	vnsel vm9, $0x0, v9  }
0x460: {  	[tilespmem:$0x4420] =	vst v4;
	v4 =	vmul.f32 v41, v17;
	v8 =	vadd.f32 v9, v8;
	v9 =	vadd.f32 v60, v50  }
0x461: {  	[tilespmem:$0x4200] =	vst v3;
	v1 =	vmul.f32 $5.000000000e-01, v1;
	v6 =	vnsel vm11, $0x0, v6;
	vm10 =	vgt.f32 v19, $0.0e+00  }
0x462: {  	[tilespmem:$0x4400] =	vst v3;
	vm14 =	vgt.f32 v17, $0.0e+00;
	v3 =	vadd.f32 v4, v36;
	v9 =	vmul.f32 $5.000000000e-01, v9;
	v62 =	vpop (erf)  }
0x463: {  	[tilespmem:$0x41F0] =	vst v45;
	vm13 =	vgt.f32 v18, $0.0e+00;
	v7 =	vmul.f32 $3.333333430e-01, v7;
	v63 =	vmul.f32 v62, v34  }
0x464: {  	[tilespmem:$0x42F0] =	vst v45;
	v1 =	vnsel vm13, $0x0, v1;
	v3 =	vmul.f32 $5.000000000e-01, v3;
	v9 =	vnsel vm10, $0x0, v9  }
0x465: {  	[tilespmem:$0x4370] =	vst v45;
	v7 =	vmax.f32 v7, $9.999999740e-06;
	v6 =	vadd.f32 v6, v9;
	v4 =	vadd.f32 v63, v5  }
0x466: {  	[tilespmem:$0x43F0] =	vst v45;
	vm15 =	vgt.f32 v34, $0.0e+00;
	v7 =	vmul.f32 $1.000000050e-03, v7;
	v8 =	vmul.f32 $3.333333430e-01, v8  }
0x467: {  	[tilespmem:$0x4010] =	vst v33;
	v3 =	vnsel vm14, $0x0, v3;
	v0 =	vadd.f32 v0, v6;
	v4 =	vmul.f32 $5.000000000e-01, v4  }
0x468: {  	[tilespmem:$0x4210] =	vst v33;
	v1 =	vadd.f32 v3, v1;
	v7 =	vmul.f32 v7, v7;
	v8 =	vmax.f32 v8, $9.999999740e-06  }
0x469: {  	[tilespmem:$0x4410] =	vst v33;
	v8 =	vmul.f32 $1.000000050e-03, v8;
	v0 =	vmul.f32 $3.333333430e-01, v0;
	v2 =	vnsel vm15, $0x0, v4  }
0x46a: {  	[tilespmem:$0x4040] =	vst v7;
	v1 =	vadd.f32 v2, v1  }
0x46b: {  	[tilespmem:$0x4240] =	vst v7;
	v8 =	vmul.f32 v8, v8;
	v0 =	vmax.f32 v0, $9.999999740e-06  }
0x46c: {  	[tilespmem:$0x4440] =	vst v7;
	v0 =	vmul.f32 $1.000000050e-03, v0;
	v1 =	vmul.f32 $3.333333430e-01, v1  }
0x46d: {  	[tilespmem:$0x4050] =	vst v8  }
0x46e: {  	[tilespmem:$0x4250] =	vst v8;
	v0 =	vmul.f32 v0, v0;
	v1 =	vmax.f32 v1, $9.999999740e-06  }
0x46f: {  	[tilespmem:$0x4450] =	vst v8;
	v1 =	vmul.f32 $1.000000050e-03, v1  }
0x470: {  	[tilespmem:$0x4060] =	vst v0  }
0x471: {  	[tilespmem:$0x4260] =	vst v0;
	v1 =	vmul.f32 v1, v1  }
0x472: {  	[tilespmem:$0x4460] =	vst v0  }
0x473: {  	s9 =	sadd.s32 $0x1, s9;
	[tilespmem:$0x4070] =	vst v1  }
0x474: {  	p0 =	sne.s32 s9, s6;
	[tilespmem:$0x4270] =	vst v1  }
.Ltmp1:
0x475: {  	[tilespmem:$0x4470] =	vst v1;
	(pc) =	sbr.rel @p0 .LBB2_1-.Ltmp1, $4  }
0x476: {  	[hbm4b:s5+s3] =	stream.linear.scatter [tilespmem:s8], [sflag:$0x1], $0x480, $0x38;
	[tilespmem:$0x4800] =	vst v63  }
0x477: {  	_ =	swait.ge [sflag:s7], $0x480  }
0x478: {  	[sflag:s7] =	ssyncset.done $0x0  }
0x479: {  	[sflag:s7] =	ssyncadd.s32 $0xFFFFFB80  }
0x47a: {  	_ =	sfence.sel $0x180000  }
0x47b: {  	[bflag:$0x0] =	sbarrier.arrive $0xFFFF  }
0x47c: {  	p0 =	sne.s32 s1, $0x0;
	_ =	strace $0x90000047  }
0x47d: {  	s0 =	sadd.s32 @!p0 $0x100000, s0;
	[bflag:$0x2] =	sbarrier.arrive $0xFFFF  }
0x47e: {  	[sflag:s0] =	ssyncadd.tile.s32 @!p0 $0x1;
	_ =	shalt  }
.Lfunc_end2:
_tile_overlayer_lowered:
.L_overlay_start_2:
0x47f: {  	(tag) =	ssettag $0x2  }
0x480: {  	s0 =	rddreg [dreg:$0x0];
	s2 =	stileid.u32  }
0x481: {  	s1 =	rddreg [dreg:$0x1];
	p0 =	sne.s32 s2, $0x0  }
0x482: {  	s3 =	rddreg [dreg:$0x2];
	[bflag:$0x3] =	sbarrier.arrive $0xFFFF;
	s2 =	simm.s32 @!p0 $0x1C01  }
0x483: {  	[timem:s3], [sflag:s2] =	dma.local @!p0 [hbm:s0], s1  }
0x484: {  	s0 =	simm.s32 @!p0 $0x1  }
0x485: {  	_ =	swait.ge @!p0 [sflag:s0], s1  }
0x486: {  	s1 =	ssub.s32 @!p0 $0x0, s1;
	[sflag:s0] =	ssyncset.done @!p0 $0x0  }
0x487: {  	[sflag:s0] =	ssyncadd.s32 @!p0 s1  }
0x488: {  	[bflag:$0x3] =	sbarrier.arrive $0xFFFF  }
0x489: {  	_ =	shalt  }

</sc_bundles>
